<compile_context>
chip_gen: v7x
topology: tpu7x:2x2x1
jax: 0.10.2.dev20260603
libtpu: 0.0.44.dev20260713+nightly
codegen_flags: <defaults>
</compile_context>

<pallas_src>
import functools

import jax
import jax.numpy as jnp
from jax import lax
from jax.experimental import pallas as pl
from jax.experimental.pallas import tpu as pltpu
from jax.experimental.pallas import tpu_sc as plsc

N = 10000
NPAD = 10240
E = 320000
D_IN = 128
H1 = 256
H2 = 64
C_OUT = 40

NC = 2
NS = 16
NW = NC * NS
EPT = E // NW
K = 128
NCH = EPT // K
TAIL = EPT - NCH * K
RPT = NPAD // NS

RB = 2048


DEG_W = 16
DEG_LAG = 8


def _deg_body(ei_hbm, out_hbm, acc, dbuf, ones_rows, zbuf, asem):
    c = lax.axis_index("c")
    s = lax.axis_index("s")
    w = c * NS + s
    r0 = s * RPT

    ones16 = jnp.ones((16,), jnp.float32)
    zeros16 = jnp.zeros((16,), jnp.float32)

    def fill_step(j, carry):
        ones_rows[j] = ones16
        return carry

    lax.fori_loop(0, K, fill_step, 0)

    def zfill_step(j, carry):
        zbuf[j] = zeros16
        return carry

    lax.fori_loop(0, 64, zfill_step, 0)

    def zcopy_step(j, carry):
        pltpu.sync_copy(zbuf, acc.at[pl.ds(r0 + j * 64, 64)])
        return carry

    lax.fori_loop(0, RPT // 64, zcopy_step, 0)

    pltpu.sync_copy(ei_hbm.at[1, pl.ds(w * EPT, EPT)], dbuf)
    plsc.subcore_barrier()

    def add_step(i, carry):
        pltpu.async_copy(ones_rows, acc.at[dbuf.at[pl.ds(i * K, K)]], asem,
                         add=True)

        @pl.when(i >= DEG_LAG)
        def _drain_one():
            pltpu.make_async_copy(ones_rows, acc.at[dbuf.at[pl.ds(0, K)]],
                                  asem).wait()

        return carry

    lax.fori_loop(0, NCH, add_step, 0)

    pltpu.async_copy(ones_rows.at[pl.ds(0, TAIL)],
                     acc.at[dbuf.at[pl.ds(NCH * K, TAIL)]], asem, add=True)
    pltpu.make_async_copy(ones_rows.at[pl.ds(0, TAIL)],
                          acc.at[dbuf.at[pl.ds(0, TAIL)]], asem).wait()

    def drain_step(i, carry):
        pltpu.make_async_copy(ones_rows, acc.at[dbuf.at[pl.ds(0, K)]],
                              asem).wait()
        return carry

    lax.fori_loop(0, DEG_LAG, drain_step, 0)

    plsc.subcore_barrier()
    pltpu.sync_copy(acc.at[pl.ds(r0, RPT)], out_hbm.at[c, pl.ds(r0, RPT)])


_deg_kernel = functools.partial(
    pl.kernel,
    out_type=jax.ShapeDtypeStruct((NC, NPAD, DEG_W), jnp.float32),
    mesh=plsc.VectorSubcoreMesh(core_axis_name="c", subcore_axis_name="s"),
    compiler_params=pltpu.CompilerParams(use_tc_tiling_on_sc=False),
    scratch_types=[
        pltpu.VMEM_SHARED((NPAD, DEG_W), jnp.float32),
        pltpu.VMEM((EPT,), jnp.int32),
        pltpu.VMEM((K, DEG_W), jnp.float32),
        pltpu.VMEM((64, DEG_W), jnp.float32),
        pltpu.SemaphoreType.DMA,
    ],
)(_deg_body)


def _make_propagate(D):
    def body(y_hbm, ei_hbm, out_hbm, acc,
             sidx, didx, tsidx, tdidx, rows0, rows1,
             isems, isemd, gsem0, gsem1):
        c = lax.axis_index("c")
        s = lax.axis_index("s")
        w = c * NS + s
        r0 = s * RPT
        e0 = w * EPT

        zeros16 = jnp.zeros((16,), jnp.float32)

        def zfill_step(q, carry):
            rows0[q // (D // 16), pl.ds((q % (D // 16)) * 16, 16)] = zeros16
            return carry

        lax.fori_loop(0, K * D // 16, zfill_step, 0)

        def zcopy_step(q, carry):
            pltpu.sync_copy(rows0, acc.at[pl.ds(r0 + q * K, K)])
            return carry

        lax.fori_loop(0, RPT // K, zcopy_step, 0)

        rows = (rows0, rows1)
        gsem = (gsem0, gsem1)

        def ld_s(i, q):
            pltpu.async_copy(ei_hbm.at[0, pl.ds(e0 + i * K, K)], sidx.at[q],
                             isems.at[q])

        def wt_s(i, q):
            pltpu.make_async_copy(ei_hbm.at[0, pl.ds(e0 + i * K, K)],
                                  sidx.at[q], isems.at[q]).wait()

        def ld_d(i, q):
            pltpu.async_copy(ei_hbm.at[1, pl.ds(e0 + i * K, K)], didx.at[q],
                             isemd.at[q])

        def wt_d(i, q):
            pltpu.make_async_copy(ei_hbm.at[1, pl.ds(e0 + i * K, K)],
                                  didx.at[q], isemd.at[q]).wait()

        for q in range(4):
            ld_s(q, q)
            ld_d(q, q)
        pltpu.sync_copy(ei_hbm.at[0, pl.ds(e0 + NCH * K, TAIL)], tsidx)
        pltpu.sync_copy(ei_hbm.at[1, pl.ds(e0 + NCH * K, TAIL)], tdidx)
        plsc.subcore_barrier()
        wt_s(0, 0)
        pltpu.async_copy(y_hbm.at[sidx.at[0]], rows0, gsem0)
        wt_s(1, 1)
        pltpu.async_copy(y_hbm.at[sidx.at[1]], rows1, gsem1)

        def slot(i, b, q):
            pltpu.make_async_copy(y_hbm.at[sidx.at[q]], rows[b],
                                  gsem[b]).wait()
            wt_d(i, q)
            pltpu.sync_copy(rows[b], acc.at[didx.at[q]], add=True)

            @pl.when(i + 4 < NCH)
            def _reload():
                ld_s(i + 4, q)
                ld_d(i + 4, q)

            @pl.when(i + 2 < NCH)
            def _next_gather():
                wt_s(i + 2, (q + 2) % 4)
                pltpu.async_copy(y_hbm.at[sidx.at[(q + 2) % 4]], rows[b],
                                 gsem[b])

        def quad_step(p, carry):
            for r in range(4):
                slot(4 * p + r, r % 2, r)
            return carry

        lax.fori_loop(0, NCH // 4, quad_step, 0)
        for i in range(NCH - NCH % 4, NCH):
            slot(i, i % 2, i % 4)

        pltpu.async_copy(y_hbm.at[tsidx], rows0.at[pl.ds(0, TAIL)],
                         gsem0).wait()
        pltpu.sync_copy(rows0.at[pl.ds(0, TAIL)], acc.at[tdidx], add=True)

        plsc.subcore_barrier()
        pltpu.sync_copy(acc.at[pl.ds(r0, RPT)], out_hbm.at[c, pl.ds(r0, RPT)])

    return functools.partial(
        pl.kernel,
        out_type=jax.ShapeDtypeStruct((NC, NPAD, D), jnp.float32),
        mesh=plsc.VectorSubcoreMesh(core_axis_name="c", subcore_axis_name="s"),
        compiler_params=pltpu.CompilerParams(use_tc_tiling_on_sc=False),
        scratch_types=[
            pltpu.VMEM_SHARED((NPAD, D), jnp.float32),
            pltpu.VMEM((4, K), jnp.int32),
            pltpu.VMEM((4, K), jnp.int32),
            pltpu.VMEM((TAIL,), jnp.int32),
            pltpu.VMEM((TAIL,), jnp.int32),
            pltpu.VMEM((K, D), jnp.float32),
            pltpu.VMEM((K, D), jnp.float32),
            pltpu.SemaphoreType.DMA((4,)),
            pltpu.SemaphoreType.DMA((4,)),
            pltpu.SemaphoreType.DMA,
            pltpu.SemaphoreType.DMA,
        ],
    )(body)


_prop128 = _make_propagate(D_IN)
_prop64 = _make_propagate(H2)


def _prescale_body(cnt_ref, x_ref, dinv_ref, y_ref):
    deg = 1.0 + cnt_ref[0, :, 0:1] + cnt_ref[1, :, 0:1]
    dv = lax.rsqrt(deg)
    dinv_ref[...] = dv
    y_ref[...] = x_ref[...] * dv


_prescale = pl.pallas_call(
    _prescale_body,
    grid=(NPAD // RB,),
    in_specs=[
        pl.BlockSpec((NC, RB, DEG_W), lambda i: (0, i, 0)),
        pl.BlockSpec((RB, D_IN), lambda i: (i, 0)),
    ],
    out_specs=[
        pl.BlockSpec((RB, 1), lambda i: (i, 0)),
        pl.BlockSpec((RB, D_IN), lambda i: (i, 0)),
    ],
    out_shape=[
        jax.ShapeDtypeStruct((NPAD, 1), jnp.float32),
        jax.ShapeDtypeStruct((NPAD, D_IN), jnp.float32),
    ],
)


def _dense1_body(a_ref, y_ref, dvp_ref, w1_ref, b1_ref, w2_ref, out_ref):
    outs = []
    for h in (0, 1):
        dv = dvp_ref[:, h:h + 1]
        sl = slice(h * D_IN, (h + 1) * D_IN)
        pp = dv * (a_ref[0][:, sl] + a_ref[1][:, sl] + y_ref[:, sl])
        z = jnp.dot(pp, w1_ref[...], preferred_element_type=jnp.float32)
        hh = jnp.maximum(z + b1_ref[...], 0.0)
        g = jnp.dot(hh, w2_ref[...], preferred_element_type=jnp.float32)
        outs.append(dv * g)
    out_ref[...] = jnp.concatenate(outs, axis=1)


RBP = RB // 2

_dense1 = pl.pallas_call(
    _dense1_body,
    grid=(NPAD // RB,),
    in_specs=[
        pl.BlockSpec((NC, RBP, 2 * D_IN), lambda i: (0, i, 0)),
        pl.BlockSpec((RBP, 2 * D_IN), lambda i: (i, 0)),
        pl.BlockSpec((RBP, 2), lambda i: (i, 0)),
        pl.BlockSpec((D_IN, H1), lambda i: (0, 0)),
        pl.BlockSpec((1, H1), lambda i: (0, 0)),
        pl.BlockSpec((H1, H2), lambda i: (0, 0)),
    ],
    out_specs=pl.BlockSpec((RBP, 2 * H2), lambda i: (i, 0)),
    out_shape=jax.ShapeDtypeStruct((NPAD // 2, 2 * H2), jnp.float32),
)


def _dense2_body(a_ref, y_ref, dvp_ref, b2_ref, wfc_ref, bfc_ref, out_ref):
    outs = []
    for h in (0, 1):
        dv = dvp_ref[:, h:h + 1]
        sl = slice(h * H2, (h + 1) * H2)
        z = dv * (a_ref[0][:, sl] + a_ref[1][:, sl] + y_ref[:, sl]) + b2_ref[...]
        outs.append(
            jnp.dot(z, wfc_ref[...], preferred_element_type=jnp.float32)
            + bfc_ref[...])
    out_ref[...] = jnp.concatenate(outs, axis=1)


RB2 = 1024
RB2P = RB2 // 2

_dense2 = pl.pallas_call(
    _dense2_body,
    grid=(NPAD // RB2,),
    in_specs=[
        pl.BlockSpec((NC, RB2P, 2 * H2), lambda i: (0, i, 0)),
        pl.BlockSpec((RB2P, 2 * H2), lambda i: (i, 0)),
        pl.BlockSpec((RB2P, 2), lambda i: (i, 0)),
        pl.BlockSpec((1, H2), lambda i: (0, 0)),
        pl.BlockSpec((H2, C_OUT), lambda i: (0, 0)),
        pl.BlockSpec((1, C_OUT), lambda i: (0, 0)),
    ],
    out_specs=pl.BlockSpec((RB2P, 2 * C_OUT), lambda i: (i, 0)),
    out_shape=jax.ShapeDtypeStruct((NPAD // 2, 2 * C_OUT), jnp.float32),
)


def kernel(x, edge_index, W1, b1, W2, b2, Wfc, bfc):
    ei = edge_index.astype(jnp.int32)
    xp = jnp.pad(x, ((0, NPAD - N), (0, 0)))

    counts = _deg_kernel(ei)
    dinv, y1 = _prescale(counts, xp)
    dvp = dinv.reshape(NPAD // 2, 2)

    prop1 = _prop128(y1, ei)
    y2p = _dense1(prop1.reshape(NC, NPAD // 2, 2 * D_IN),
                  y1.reshape(NPAD // 2, 2 * D_IN), dvp,
                  W1, b1.reshape(1, H1), W2)

    prop2 = _prop64(y2p.reshape(NPAD, H2), ei)
    outp = _dense2(prop2.reshape(NC, NPAD // 2, 2 * H2), y2p, dvp,
                   b2.reshape(1, H2), Wfc, bfc.reshape(1, C_OUT))
    return outp.reshape(NPAD, C_OUT)[:N]

# --- scband reference (transcript-rebuilt; emitter-appended) ---
"""Pipeline reference for scband-graph-net-49984829391383 (READ-ONLY COPY).

The authoritative reference and input builder live on the scoring server;
editing this copy changes nothing except your own understanding.
"""

import jax, jax.numpy as jnp
import numpy as np

N_NODES = 10000
N_EDGES = 320000
D_FEAT = 128
H1 = 256
H2 = 64
N_CLASSES = 40


def gcn_conv(x, edge_index, W, b):
    # Faithful GCNConv (Kipf & Welling): add self-loops, symmetric normalization,
    # x' = D^{-1/2} (A + I) D^{-1/2} X W + b
    N = x.shape[0]
    loops = jnp.arange(N, dtype=edge_index.dtype)
    src = jnp.concatenate([edge_index[0], loops])
    dst = jnp.concatenate([edge_index[1], loops])
    deg = jax.ops.segment_sum(jnp.ones(src.shape[0], dtype=x.dtype), dst, num_segments=N)
    dinv = jnp.where(deg > 0, jax.lax.rsqrt(deg), 0.0)
    norm = dinv[src] * dinv[dst]
    h = x @ W
    msg = h[src] * norm[:, None]
    out = jax.ops.segment_sum(msg, dst, num_segments=N)
    return out + b


def setup_inputs(seed: int = 0) -> dict:
    key = jax.random.key(seed)
    k_x, k_e, k1, k2, k3 = jax.random.split(key, 5)
    x = jax.random.normal(k_x, (N_NODES, D_FEAT), dtype=jnp.float32)
    edge_index = jax.random.randint(k_e, (2, N_EDGES), 0, N_NODES, dtype=jnp.int64)
    W1 = jax.random.normal(k1, (D_FEAT, H1), dtype=jnp.float32) * (1.0 / np.sqrt(D_FEAT))
    b1 = jnp.zeros((H1,), dtype=jnp.float32)
    W2 = jax.random.normal(k2, (H1, H2), dtype=jnp.float32) * (1.0 / np.sqrt(H1))
    b2 = jnp.zeros((H2,), dtype=jnp.float32)
    Wfc = jax.random.normal(k3, (H2, N_CLASSES), dtype=jnp.float32) * (1.0 / np.sqrt(H2))
    bfc = jnp.zeros((N_CLASSES,), dtype=jnp.float32)
    return {"x": x, "edge_index": edge_index, "W1": W1, "b1": b1, "W2": W2, "b2": b2, "Wfc": Wfc, "bfc": bfc}


def reference(x, edge_index, W1, b1, W2, b2, Wfc, bfc):
    h = gcn_conv(x, edge_index, W1, b1)
    h = jax.nn.relu(h)
    h = gcn_conv(h, edge_index, W2, b2)
    out = h @ Wfc + bfc
    return out

if __name__ == "__main__":
    import jax
    _d = setup_inputs()
    print(jax.jit(kernel)(*tuple(_d.values())))

</pallas_src>

<mosaic_0001>
#map = affine_map<(d0, d1) -> (0, 0)>
#map1 = affine_map<(d0, d1) -> (0, 0, 0)>
module attributes {stable_mosaic.version = 14 : i64} {
  func.func @_deg_body(%arg0: i32, %arg1: i32, %arg2: memref<2x320000xi32, #tpu.memory_space<hbm>>, %arg3: memref<2x10240x16xf32, #tpu.memory_space<hbm>>, %arg4: memref<10240x16xf32, #tpu.memory_space<vmem_shared>>, %arg5: memref<10000xi32, #tpu.memory_space<vmem>>, %arg6: memref<128x16xf32, #tpu.memory_space<vmem>>, %arg7: memref<64x16xf32, #tpu.memory_space<vmem>>, %arg8: memref<!tpu.dma_semaphore, #tpu.memory_space<semaphore_mem>>) attributes {dimension_semantics = [#tpu.dimension_semantics<core_parallel>, #tpu.dimension_semantics<subcore_parallel>], iteration_bounds = array<i64: 2, 16>, scalar_prefetch = 0 : i64, scratch_operands = 5 : i64, tpu.core_type = #tpu.core_type<sc_vector_subcore>, window_params = [{transform_indices = #map}, {transform_indices = #map1}]} {
    %mul3A = arith.constant 16 : i32
    %mul3A_0 = arith.muli %arg0, %mul3A : i32
    %add3A = arith.addi %mul3A_0, %arg1 : i32
    %mul3A_1 = arith.constant 640 : i32
    %mul3A_2 = arith.muli %arg1, %mul3A_1 : i32
    %broadcast_in_dim3A = arith.constant 1.000000e+00 : f32
    %broadcast_in_dim3A_3 = vector.broadcast %broadcast_in_dim3A : f32 to vector<16xf32>
    %broadcast_in_dim3A_4 = arith.constant 0.000000e+00 : f32
    %broadcast_in_dim3A_5 = vector.broadcast %broadcast_in_dim3A_4 : f32 to vector<16xf32>
    %scan3A = arith.constant 0 : i32
    %scan3A_6 = arith.constant 0 : i32
    %scan3A_7 = arith.constant 128 : i32
    %scan3A_8 = arith.addi %scan3A_6, %scan3A_7 : i32
    %scan3A_9 = arith.constant 1 : i32
    scf.for %scan3A_52 = %scan3A_6 to %scan3A_8 step %scan3A_9  : i32 {
      %swap3A = arith.index_cast %scan3A_52 : i32 to index
      %swap3A_53 = arith.constant 0 : index
      %swap3A_54 = tpu.vector_load %arg6[%swap3A, %swap3A_53] {strides = array<i32>} : memref<128x16xf32, #tpu.memory_space<vmem>>, vector<1x16xf32>,
      %swap3A_55 = vector.shape_cast %swap3A_54 : vector<1x16xf32> to vector<16xf32>
      %swap3A_56 = vector.shape_cast %broadcast_in_dim3A_3 : vector<16xf32> to vector<1x16xf32>
      tpu.vector_store %arg6[%swap3A, %swap3A_53], %swap3A_56 {strides = array<i32>} : memref<128x16xf32, #tpu.memory_space<vmem>>, vector<1x16xf32>,
    }
    %scan3A_10 = arith.constant 128 : i32
    %scan3A_11 = arith.constant 0 : i32
    %scan3A_12 = arith.constant 0 : i32
    %scan3A_13 = arith.constant 64 : i32
    %scan3A_14 = arith.addi %scan3A_12, %scan3A_13 : i32
    %scan3A_15 = arith.constant 1 : i32
    scf.for %scan3A_52 = %scan3A_12 to %scan3A_14 step %scan3A_15  : i32 {
      %swap3A = arith.index_cast %scan3A_52 : i32 to index
      %swap3A_53 = arith.constant 0 : index
      %swap3A_54 = tpu.vector_load %arg7[%swap3A, %swap3A_53] {strides = array<i32>} : memref<64x16xf32, #tpu.memory_space<vmem>>, vector<1x16xf32>,
      %swap3A_55 = vector.shape_cast %swap3A_54 : vector<1x16xf32> to vector<16xf32>
      %swap3A_56 = vector.shape_cast %broadcast_in_dim3A_5 : vector<16xf32> to vector<1x16xf32>
      tpu.vector_store %arg7[%swap3A, %swap3A_53], %swap3A_56 {strides = array<i32>} : memref<64x16xf32, #tpu.memory_space<vmem>>, vector<1x16xf32>,
    }
    %scan3A_16 = arith.constant 64 : i32
    %scan3A_17 = arith.constant 0 : i32
    %scan3A_18 = arith.constant 0 : i32
    %scan3A_19 = arith.constant 10 : i32
    %scan3A_20 = arith.addi %scan3A_18, %scan3A_19 : i32
    %scan3A_21 = arith.constant 1 : i32
    scf.for %scan3A_52 = %scan3A_18 to %scan3A_20 step %scan3A_21  : i32 {
      %mul3A_53 = arith.constant 64 : i32
      %mul3A_54 = arith.muli %scan3A_52, %mul3A_53 : i32
      %add3A_55 = arith.addi %mul3A_2, %mul3A_54 : i32
      "tpu.region"() ({
        %run_scoped3A_56 = tpu.sem_alloc : memref<!tpu.dma_semaphore, #tpu.memory_space<semaphore_mem>>
        %dma_start3A_57 = arith.constant 0 : i32
        %dma_start3A_58 = tpu.memref_slice %arg4[%add3A_55, %dma_start3A_57] : memref<10240x16xf32, #tpu.memory_space<vmem_shared>> -> memref<64x16xf32, #tpu.memory_space<vmem_shared>>
        %dma_start3A_59 = arith.constant 0 : i32
        %dma_start3A_60 = tpu.memref_slice %arg4[%add3A_55, %dma_start3A_59] : memref<10240x16xf32, #tpu.memory_space<vmem_shared>> -> memref<64x16xf32, #tpu.memory_space<vmem_shared>>
        tpu.enqueue_dma source(%arg7 : memref<64x16xf32, #tpu.memory_space<vmem>>) target(%dma_start3A_60 : memref<64x16xf32, #tpu.memory_space<vmem_shared>>) target_semaphore(%run_scoped3A_56 : memref<!tpu.dma_semaphore, #tpu.memory_space<semaphore_mem>>)
        %dma_wait3A_61 = arith.constant 0 : i32
        %dma_wait3A_62 = tpu.memref_slice %arg4[%add3A_55, %dma_wait3A_61] : memref<10240x16xf32, #tpu.memory_space<vmem_shared>> -> memref<64x16xf32, #tpu.memory_space<vmem_shared>>
        %dma_wait3A_63 = arith.constant 0 : i32
        %dma_wait3A_64 = tpu.memref_slice %arg4[%add3A_55, %dma_wait3A_63] : memref<10240x16xf32, #tpu.memory_space<vmem_shared>> -> memref<64x16xf32, #tpu.memory_space<vmem_shared>>
        tpu.wait_dma2 semaphore(%run_scoped3A_56 : memref<!tpu.dma_semaphore, #tpu.memory_space<semaphore_mem>>) src(%arg7 : memref<64x16xf32, #tpu.memory_space<vmem>>) dst(%dma_wait3A_64 : memref<64x16xf32, #tpu.memory_space<vmem_shared>>)
        tpu.yield
      }) : () -> ()
    }
    %scan3A_22 = arith.constant 10 : i32
    %mul3A_23 = arith.constant 10000 : i32
    %mul3A_24 = arith.muli %add3A, %mul3A_23 : i32
    %run_scoped3A = arith.constant 1 : i32
    "tpu.region"() ({
      %run_scoped3A_52 = tpu.sem_alloc : memref<!tpu.dma_semaphore, #tpu.memory_space<semaphore_mem>>
      %dma_start3A_53 = tpu.memref_slice %arg2[%run_scoped3A, %mul3A_24] : memref<2x320000xi32, #tpu.memory_space<hbm>> -> memref<1x10000xi32, #tpu.memory_space<hbm>>
      %dma_start3A_54 = tpu.memref_squeeze %dma_start3A_53 : memref<1x10000xi32, #tpu.memory_space<hbm>> -> memref<10000xi32, #tpu.memory_space<hbm>>
      %dma_start3A_55 = tpu.memref_slice %arg2[%run_scoped3A, %mul3A_24] : memref<2x320000xi32, #tpu.memory_space<hbm>> -> memref<1x10000xi32, #tpu.memory_space<hbm>>
      %dma_start3A_56 = tpu.memref_squeeze %dma_start3A_55 : memref<1x10000xi32, #tpu.memory_space<hbm>> -> memref<10000xi32, #tpu.memory_space<hbm>>
      tpu.enqueue_dma source(%dma_start3A_56 : memref<10000xi32, #tpu.memory_space<hbm>>) target(%arg5 : memref<10000xi32, #tpu.memory_space<vmem>>) target_semaphore(%run_scoped3A_52 : memref<!tpu.dma_semaphore, #tpu.memory_space<semaphore_mem>>)
      %dma_wait3A_57 = tpu.memref_slice %arg2[%run_scoped3A, %mul3A_24] : memref<2x320000xi32, #tpu.memory_space<hbm>> -> memref<1x10000xi32, #tpu.memory_space<hbm>>
      %dma_wait3A_58 = tpu.memref_squeeze %dma_wait3A_57 : memref<1x10000xi32, #tpu.memory_space<hbm>> -> memref<10000xi32, #tpu.memory_space<hbm>>
      %dma_wait3A_59 = tpu.memref_slice %arg2[%run_scoped3A, %mul3A_24] : memref<2x320000xi32, #tpu.memory_space<hbm>> -> memref<1x10000xi32, #tpu.memory_space<hbm>>
      %dma_wait3A_60 = tpu.memref_squeeze %dma_wait3A_59 : memref<1x10000xi32, #tpu.memory_space<hbm>> -> memref<10000xi32, #tpu.memory_space<hbm>>
      tpu.wait_dma2 semaphore(%run_scoped3A_52 : memref<!tpu.dma_semaphore, #tpu.memory_space<semaphore_mem>>) src(%dma_wait3A_60 : memref<10000xi32, #tpu.memory_space<hbm>>) dst(%arg5 : memref<10000xi32, #tpu.memory_space<vmem>>)
      tpu.yield
    }) : () -> ()
    %barrier3A = arith.constant 0 : index
    tpu.barrier barrier_id(%barrier3A)
    %scan3A_25 = arith.constant 0 : i32
    %scan3A_26 = arith.constant 0 : i32
    %scan3A_27 = arith.constant 78 : i32
    %scan3A_28 = arith.addi %scan3A_26, %scan3A_27 : i32
    %scan3A_29 = arith.constant 1 : i32
    scf.for %scan3A_52 = %scan3A_26 to %scan3A_28 step %scan3A_29  : i32 {
      %mul3A_53 = arith.constant 128 : i32
      %mul3A_54 = arith.muli %scan3A_52, %mul3A_53 : i32
      %dma_start3A_55 = tpu.memref_slice %arg5[%mul3A_54] : memref<10000xi32, #tpu.memory_space<vmem>> -> memref<128xi32, #tpu.memory_space<vmem>>
      %dma_start3A_56 = arith.constant 0 : i32
      %dma_start3A_57 = arith.constant 0 : i32
      %dma_start3A_58 = tpu.memref_slice %arg4[%dma_start3A_56, %dma_start3A_57] : memref<10240x16xf32, #tpu.memory_space<vmem_shared>> -> memref<10240x16xf32, #tpu.memory_space<vmem_shared>>
      tpu.enqueue_indirect_dma source(%arg6 : memref<128x16xf32, #tpu.memory_space<vmem>>) target(%dma_start3A_58 : memref<10240x16xf32, #tpu.memory_space<vmem_shared>>) offsets(%dma_start3A_55 : memref<128xi32, #tpu.memory_space<vmem>>) semaphore(%arg8 : memref<!tpu.dma_semaphore, #tpu.memory_space<semaphore_mem>>) {add = true}
      %ge3A = arith.constant 8 : i32
      %ge3A_59 = arith.cmpi sge, %scan3A_52, %ge3A : i32
      %convert_element_type3A = arith.extui %ge3A_59 : i1 to i32
      %cond3A = arith.constant 0 : i32
      %cond3A_60 = arith.cmpi ne, %convert_element_type3A, %cond3A : i32
      scf.if %cond3A_60 {
        %dma_wait3A_61 = arith.constant 0 : i32
        %dma_wait3A_62 = tpu.memref_slice %arg5[%dma_wait3A_61] : memref<10000xi32, #tpu.memory_space<vmem>> -> memref<128xi32, #tpu.memory_space<vmem>>
        %dma_wait3A_63 = arith.constant 0 : i32
        %dma_wait3A_64 = arith.constant 0 : i32
        %dma_wait3A_65 = tpu.memref_slice %arg4[%dma_wait3A_63, %dma_wait3A_64] : memref<10240x16xf32, #tpu.memory_space<vmem_shared>> -> memref<10240x16xf32, #tpu.memory_space<vmem_shared>>
        tpu.wait_indirect_dma semaphore(%arg8 : memref<!tpu.dma_semaphore, #tpu.memory_space<semaphore_mem>>) src(%arg6 : memref<128x16xf32, #tpu.memory_space<vmem>>) dst(%dma_wait3A_65 : memref<10240x16xf32, #tpu.memory_space<vmem_shared>>)
      } else {
      }
    }
    %scan3A_30 = arith.constant 78 : i32
    %dma_start3A = arith.constant 0 : i32
    %dma_start3A_31 = arith.constant 0 : i32
    %dma_start3A_32 = tpu.memref_slice %arg6[%dma_start3A, %dma_start3A_31] : memref<128x16xf32, #tpu.memory_space<vmem>> -> memref<16x16xf32, #tpu.memory_space<vmem>>
    %dma_start3A_33 = arith.constant 9984 : i32
    %dma_start3A_34 = tpu.memref_slice %arg5[%dma_start3A_33] : memref<10000xi32, #tpu.memory_space<vmem>> -> memref<16xi32, #tpu.memory_space<vmem>>
    %dma_start3A_35 = arith.constant 0 : i32
    %dma_start3A_36 = arith.constant 0 : i32
    %dma_start3A_37 = tpu.memref_slice %arg4[%dma_start3A_35, %dma_start3A_36] : memref<10240x16xf32, #tpu.memory_space<vmem_shared>> -> memref<10240x16xf32, #tpu.memory_space<vmem_shared>>
    tpu.enqueue_indirect_dma source(%dma_start3A_32 : memref<16x16xf32, #tpu.memory_space<vmem>>) target(%dma_start3A_37 : memref<10240x16xf32, #tpu.memory_space<vmem_shared>>) offsets(%dma_start3A_34 : memref<16xi32, #tpu.memory_space<vmem>>) semaphore(%arg8 : memref<!tpu.dma_semaphore, #tpu.memory_space<semaphore_mem>>) {add = true}
    %dma_wait3A = arith.constant 0 : i32
    %dma_wait3A_38 = arith.constant 0 : i32
    %dma_wait3A_39 = tpu.memref_slice %arg6[%dma_wait3A, %dma_wait3A_38] : memref<128x16xf32, #tpu.memory_space<vmem>> -> memref<16x16xf32, #tpu.memory_space<vmem>>
    %dma_wait3A_40 = arith.constant 0 : i32
    %dma_wait3A_41 = tpu.memref_slice %arg5[%dma_wait3A_40] : memref<10000xi32, #tpu.memory_space<vmem>> -> memref<16xi32, #tpu.memory_space<vmem>>
    %dma_wait3A_42 = arith.constant 0 : i32
    %dma_wait3A_43 = arith.constant 0 : i32
    %dma_wait3A_44 = tpu.memref_slice %arg4[%dma_wait3A_42, %dma_wait3A_43] : memref<10240x16xf32, #tpu.memory_space<vmem_shared>> -> memref<10240x16xf32, #tpu.memory_space<vmem_shared>>
    tpu.wait_indirect_dma semaphore(%arg8 : memref<!tpu.dma_semaphore, #tpu.memory_space<semaphore_mem>>) src(%dma_wait3A_39 : memref<16x16xf32, #tpu.memory_space<vmem>>) dst(%dma_wait3A_44 : memref<10240x16xf32, #tpu.memory_space<vmem_shared>>)
    %scan3A_45 = arith.constant 0 : i32
    %scan3A_46 = arith.constant 0 : i32
    %scan3A_47 = arith.constant 8 : i32
    %scan3A_48 = arith.addi %scan3A_46, %scan3A_47 : i32
    %scan3A_49 = arith.constant 1 : i32
    scf.for %scan3A_52 = %scan3A_46 to %scan3A_48 step %scan3A_49  : i32 {
      %dma_wait3A_53 = arith.constant 0 : i32
      %dma_wait3A_54 = tpu.memref_slice %arg5[%dma_wait3A_53] : memref<10000xi32, #tpu.memory_space<vmem>> -> memref<128xi32, #tpu.memory_space<vmem>>
      %dma_wait3A_55 = arith.constant 0 : i32
      %dma_wait3A_56 = arith.constant 0 : i32
      %dma_wait3A_57 = tpu.memref_slice %arg4[%dma_wait3A_55, %dma_wait3A_56] : memref<10240x16xf32, #tpu.memory_space<vmem_shared>> -> memref<10240x16xf32, #tpu.memory_space<vmem_shared>>
      tpu.wait_indirect_dma semaphore(%arg8 : memref<!tpu.dma_semaphore, #tpu.memory_space<semaphore_mem>>) src(%arg6 : memref<128x16xf32, #tpu.memory_space<vmem>>) dst(%dma_wait3A_57 : memref<10240x16xf32, #tpu.memory_space<vmem_shared>>)
    }
    %scan3A_50 = arith.constant 8 : i32
    %barrier3A_51 = arith.constant 0 : index
    tpu.barrier barrier_id(%barrier3A_51)
    "tpu.region"() ({
      %run_scoped3A_52 = tpu.sem_alloc : memref<!tpu.dma_semaphore, #tpu.memory_space<semaphore_mem>>
      %dma_start3A_53 = arith.constant 0 : i32
      %dma_start3A_54 = tpu.memref_slice %arg3[%arg0, %mul3A_2, %dma_start3A_53] : memref<2x10240x16xf32, #tpu.memory_space<hbm>> -> memref<1x640x16xf32, #tpu.memory_space<hbm>>
      %dma_start3A_55 = tpu.memref_squeeze %dma_start3A_54 : memref<1x640x16xf32, #tpu.memory_space<hbm>> -> memref<640x16xf32, #tpu.memory_space<hbm>>
      %dma_start3A_56 = arith.constant 0 : i32
      %dma_start3A_57 = tpu.memref_slice %arg4[%mul3A_2, %dma_start3A_56] : memref<10240x16xf32, #tpu.memory_space<vmem_shared>> -> memref<640x16xf32, #tpu.memory_space<vmem_shared>>
      tpu.enqueue_dma source(%dma_start3A_57 : memref<640x16xf32, #tpu.memory_space<vmem_shared>>) target(%dma_start3A_55 : memref<640x16xf32, #tpu.memory_space<hbm>>) target_semaphore(%run_scoped3A_52 : memref<!tpu.dma_semaphore, #tpu.memory_space<semaphore_mem>>)
      %dma_wait3A_58 = arith.constant 0 : i32
      %dma_wait3A_59 = tpu.memref_slice %arg3[%arg0, %mul3A_2, %dma_wait3A_58] : memref<2x10240x16xf32, #tpu.memory_space<hbm>> -> memref<1x640x16xf32, #tpu.memory_space<hbm>>
      %dma_wait3A_60 = tpu.memref_squeeze %dma_wait3A_59 : memref<1x640x16xf32, #tpu.memory_space<hbm>> -> memref<640x16xf32, #tpu.memory_space<hbm>>
      %dma_wait3A_61 = arith.constant 0 : i32
      %dma_wait3A_62 = tpu.memref_slice %arg4[%mul3A_2, %dma_wait3A_61] : memref<10240x16xf32, #tpu.memory_space<vmem_shared>> -> memref<640x16xf32, #tpu.memory_space<vmem_shared>>
      tpu.wait_dma2 semaphore(%run_scoped3A_52 : memref<!tpu.dma_semaphore, #tpu.memory_space<semaphore_mem>>) src(%dma_wait3A_62 : memref<640x16xf32, #tpu.memory_space<vmem_shared>>) dst(%dma_wait3A_60 : memref<640x16xf32, #tpu.memory_space<hbm>>)
      tpu.yield
    }) : () -> ()
    return
  }
}

#map = affine_map<(d0, d1) -> (0, 0)>
#map1 = affine_map<(d0, d1) -> (0, 0, 0)>
module attributes {stable_mosaic.version = 14 : i64} {
  func.func @body(%arg0: i32, %arg1: i32, %arg2: memref<10240x64xf32, #tpu.memory_space<hbm>>, %arg3: memref<2x320000xi32, #tpu.memory_space<hbm>>, %arg4: memref<2x10240x64xf32, #tpu.memory_space<hbm>>, %arg5: memref<10240x64xf32, #tpu.memory_space<vmem_shared>>, %arg6: memref<4x128xi32, #tpu.memory_space<vmem>>, %arg7: memref<4x128xi32, #tpu.memory_space<vmem>>, %arg8: memref<16xi32, #tpu.memory_space<vmem>>, %arg9: memref<16xi32, #tpu.memory_space<vmem>>, %arg10: memref<128x64xf32, #tpu.memory_space<vmem>>, %arg11: memref<128x64xf32, #tpu.memory_space<vmem>>, %arg12: memref<4x!tpu.dma_semaphore, #tpu.memory_space<semaphore_mem>>, %arg13: memref<4x!tpu.dma_semaphore, #tpu.memory_space<semaphore_mem>>, %arg14: memref<!tpu.dma_semaphore, #tpu.memory_space<semaphore_mem>>, %arg15: memref<!tpu.dma_semaphore, #tpu.memory_space<semaphore_mem>>) attributes {dimension_semantics = [#tpu.dimension_semantics<core_parallel>, #tpu.dimension_semantics<subcore_parallel>], iteration_bounds = array<i64: 2, 16>, scalar_prefetch = 0 : i64, scratch_operands = 11 : i64, tpu.core_type = #tpu.core_type<sc_vector_subcore>, window_params = [{transform_indices = #map}, {transform_indices = #map}, {transform_indices = #map1}]} {
    %mul3A = arith.constant 16 : i32
    %mul3A_0 = arith.muli %arg0, %mul3A : i32
    %add3A = arith.addi %mul3A_0, %arg1 : i32
    %mul3A_1 = arith.constant 640 : i32
    %mul3A_2 = arith.muli %arg1, %mul3A_1 : i32
    %mul3A_3 = arith.constant 10000 : i32
    %mul3A_4 = arith.muli %add3A, %mul3A_3 : i32
    %broadcast_in_dim3A = arith.constant 0.000000e+00 : f32
    %broadcast_in_dim3A_5 = vector.broadcast %broadcast_in_dim3A : f32 to vector<16xf32>
    %scan3A = arith.constant 0 : i32
    %scan3A_6 = arith.constant 0 : i32
    %scan3A_7 = arith.constant 512 : i32
    %scan3A_8 = arith.addi %scan3A_6, %scan3A_7 : i32
    %scan3A_9 = arith.constant 1 : i32
    scf.for %scan3A_273 = %scan3A_6 to %scan3A_8 step %scan3A_9  : i32 {
      %jit3A = arith.constant 4 : i32
      %div3A = arith.divsi %scan3A_273, %jit3A : i32
      %sign3A = arith.constant 0 : i32
      %sign3A_274 = arith.cmpi sgt, %scan3A_273, %sign3A : i32
      %sign3A_275 = arith.extui %sign3A_274 : i1 to i32
      %sign3A_276 = arith.constant 0 : i32
      %sign3A_277 = arith.cmpi slt, %scan3A_273, %sign3A_276 : i32
      %sign3A_278 = arith.extui %sign3A_277 : i1 to i32
      %sign3A_279 = arith.subi %sign3A_275, %sign3A_278 : i32
      %sign3A_280 = arith.constant 0 : i32
      %sign3A_281 = arith.cmpi sgt, %jit3A, %sign3A_280 : i32
      %sign3A_282 = arith.extui %sign3A_281 : i1 to i32
      %sign3A_283 = arith.constant 0 : i32
      %sign3A_284 = arith.cmpi slt, %jit3A, %sign3A_283 : i32
      %sign3A_285 = arith.extui %sign3A_284 : i1 to i32
      %sign3A_286 = arith.subi %sign3A_282, %sign3A_285 : i32
      %ne3A = arith.cmpi ne, %sign3A_279, %sign3A_286 : i32
      %rem3A = arith.remsi %scan3A_273, %jit3A : i32
      %ne3A_287 = arith.constant 0 : i32
      %ne3A_288 = arith.cmpi ne, %rem3A, %ne3A_287 : i32
      %and3A = arith.andi %ne3A, %ne3A_288 : i1
      %sub3A = arith.constant 1 : i32
      %sub3A_289 = arith.subi %div3A, %sub3A : i32
      %select_n3A = arith.select %and3A, %sub3A_289, %div3A : i32
      %jit3A_290 = arith.constant 4 : i32
      %eq3A = arith.constant 0 : i32
      %eq3A_291 = arith.cmpi eq, %jit3A_290, %eq3A : i32
      %jit3A_292 = arith.constant 1 : i32
      %select_n3A_293 = arith.select %eq3A_291, %jit3A_292, %jit3A_290 : i32
      %rem3A_294 = arith.remsi %scan3A_273, %select_n3A_293 : i32
      %ne3A_295 = arith.constant 0 : i32
      %ne3A_296 = arith.cmpi ne, %rem3A_294, %ne3A_295 : i32
      %lt3A = arith.constant 0 : i32
      %lt3A_297 = arith.cmpi slt, %rem3A_294, %lt3A : i32
      %lt3A_298 = arith.constant 0 : i32
      %lt3A_299 = arith.cmpi slt, %select_n3A_293, %lt3A_298 : i32
      %ne3A_300 = arith.xori %lt3A_297, %lt3A_299 : i1
      %and3A_301 = arith.andi %ne3A_300, %ne3A_296 : i1
      %add3A_302 = arith.addi %rem3A_294, %select_n3A_293 : i32
      %select_n3A_303 = arith.select %and3A_301, %add3A_302, %rem3A_294 : i32
      %mul3A_304 = arith.constant 16 : i32
      %mul3A_305 = arith.muli %select_n3A_303, %mul3A_304 : i32
      %swap3A = arith.index_cast %select_n3A : i32 to index
      %swap3A_306 = arith.index_cast %mul3A_305 : i32 to index
      %swap3A_307 = tpu.vector_load %arg10[%swap3A, %swap3A_306] {strides = array<i32>} : memref<128x64xf32, #tpu.memory_space<vmem>>, vector<1x16xf32>,
      %swap3A_308 = vector.shape_cast %swap3A_307 : vector<1x16xf32> to vector<16xf32>
      %swap3A_309 = vector.shape_cast %broadcast_in_dim3A_5 : vector<16xf32> to vector<1x16xf32>
      tpu.vector_store %arg10[%swap3A, %swap3A_306], %swap3A_309 {strides = array<i32>} : memref<128x64xf32, #tpu.memory_space<vmem>>, vector<1x16xf32>,
    }
    %scan3A_10 = arith.constant 512 : i32
    %scan3A_11 = arith.constant 0 : i32
    %scan3A_12 = arith.constant 0 : i32
    %scan3A_13 = arith.constant 5 : i32
    %scan3A_14 = arith.addi %scan3A_12, %scan3A_13 : i32
    %scan3A_15 = arith.constant 1 : i32
    scf.for %scan3A_273 = %scan3A_12 to %scan3A_14 step %scan3A_15  : i32 {
      %mul3A_274 = arith.constant 128 : i32
      %mul3A_275 = arith.muli %scan3A_273, %mul3A_274 : i32
      %add3A_276 = arith.addi %mul3A_2, %mul3A_275 : i32
      "tpu.region"() ({
        %run_scoped3A_277 = tpu.sem_alloc : memref<!tpu.dma_semaphore, #tpu.memory_space<semaphore_mem>>
        %dma_start3A_278 = arith.constant 0 : i32
        %dma_start3A_279 = tpu.memref_slice %arg5[%add3A_276, %dma_start3A_278] : memref<10240x64xf32, #tpu.memory_space<vmem_shared>> -> memref<128x64xf32, #tpu.memory_space<vmem_shared>>
        %dma_start3A_280 = arith.constant 0 : i32
        %dma_start3A_281 = tpu.memref_slice %arg5[%add3A_276, %dma_start3A_280] : memref<10240x64xf32, #tpu.memory_space<vmem_shared>> -> memref<128x64xf32, #tpu.memory_space<vmem_shared>>
        tpu.enqueue_dma source(%arg10 : memref<128x64xf32, #tpu.memory_space<vmem>>) target(%dma_start3A_281 : memref<128x64xf32, #tpu.memory_space<vmem_shared>>) target_semaphore(%run_scoped3A_277 : memref<!tpu.dma_semaphore, #tpu.memory_space<semaphore_mem>>)
        %dma_wait3A_282 = arith.constant 0 : i32
        %dma_wait3A_283 = tpu.memref_slice %arg5[%add3A_276, %dma_wait3A_282] : memref<10240x64xf32, #tpu.memory_space<vmem_shared>> -> memref<128x64xf32, #tpu.memory_space<vmem_shared>>
        %dma_wait3A_284 = arith.constant 0 : i32
        %dma_wait3A_285 = tpu.memref_slice %arg5[%add3A_276, %dma_wait3A_284] : memref<10240x64xf32, #tpu.memory_space<vmem_shared>> -> memref<128x64xf32, #tpu.memory_space<vmem_shared>>
        tpu.wait_dma2 semaphore(%run_scoped3A_277 : memref<!tpu.dma_semaphore, #tpu.memory_space<semaphore_mem>>) src(%arg10 : memref<128x64xf32, #tpu.memory_space<vmem>>) dst(%dma_wait3A_285 : memref<128x64xf32, #tpu.memory_space<vmem_shared>>)
        tpu.yield
      }) : () -> ()
    }
    %scan3A_16 = arith.constant 5 : i32
    %add3A_17 = arith.constant 0 : i32
    %add3A_18 = arith.addi %mul3A_4, %add3A_17 : i32
    %dma_start3A = arith.constant 0 : i32
    %dma_start3A_19 = arith.constant 0 : i32
    %dma_start3A_20 = arith.constant 0 : i32
    %dma_start3A_21 = arith.constant 0 : i32
    %dma_start3A_22 = tpu.memref_slice %arg6[%dma_start3A_19, %dma_start3A_21] : memref<4x128xi32, #tpu.memory_space<vmem>> -> memref<1x128xi32, #tpu.memory_space<vmem>>
    %dma_start3A_23 = tpu.memref_squeeze %dma_start3A_22 : memref<1x128xi32, #tpu.memory_space<vmem>> -> memref<128xi32, #tpu.memory_space<vmem>>
    %dma_start3A_24 = tpu.memref_slice %arg3[%dma_start3A, %add3A_18] : memref<2x320000xi32, #tpu.memory_space<hbm>> -> memref<1x128xi32, #tpu.memory_space<hbm>>
    %dma_start3A_25 = tpu.memref_squeeze %dma_start3A_24 : memref<1x128xi32, #tpu.memory_space<hbm>> -> memref<128xi32, #tpu.memory_space<hbm>>
    %dma_start3A_26 = tpu.memref_slice %arg12[%dma_start3A_20] : memref<4x!tpu.dma_semaphore, #tpu.memory_space<semaphore_mem>> -> memref<1x!tpu.dma_semaphore, #tpu.memory_space<semaphore_mem>>
    %dma_start3A_27 = tpu.memref_squeeze %dma_start3A_26 : memref<1x!tpu.dma_semaphore, #tpu.memory_space<semaphore_mem>> -> memref<!tpu.dma_semaphore, #tpu.memory_space<semaphore_mem>>
    %dma_start3A_28 = arith.constant 0 : i32
    %dma_start3A_29 = tpu.memref_slice %arg6[%dma_start3A_19, %dma_start3A_28] : memref<4x128xi32, #tpu.memory_space<vmem>> -> memref<1x128xi32, #tpu.memory_space<vmem>>
    %dma_start3A_30 = tpu.memref_squeeze %dma_start3A_29 : memref<1x128xi32, #tpu.memory_space<vmem>> -> memref<128xi32, #tpu.memory_space<vmem>>
    %dma_start3A_31 = tpu.memref_slice %arg3[%dma_start3A, %add3A_18] : memref<2x320000xi32, #tpu.memory_space<hbm>> -> memref<1x128xi32, #tpu.memory_space<hbm>>
    %dma_start3A_32 = tpu.memref_squeeze %dma_start3A_31 : memref<1x128xi32, #tpu.memory_space<hbm>> -> memref<128xi32, #tpu.memory_space<hbm>>
    tpu.enqueue_dma source(%dma_start3A_32 : memref<128xi32, #tpu.memory_space<hbm>>) target(%dma_start3A_30 : memref<128xi32, #tpu.memory_space<vmem>>) target_semaphore(%dma_start3A_27 : memref<!tpu.dma_semaphore, #tpu.memory_space<semaphore_mem>>)
    %add3A_33 = arith.constant 0 : i32
    %add3A_34 = arith.addi %mul3A_4, %add3A_33 : i32
    %dma_start3A_35 = arith.constant 1 : i32
    %dma_start3A_36 = arith.constant 0 : i32
    %dma_start3A_37 = arith.constant 0 : i32
    %dma_start3A_38 = arith.constant 0 : i32
    %dma_start3A_39 = tpu.memref_slice %arg7[%dma_start3A_36, %dma_start3A_38] : memref<4x128xi32, #tpu.memory_space<vmem>> -> memref<1x128xi32, #tpu.memory_space<vmem>>
    %dma_start3A_40 = tpu.memref_squeeze %dma_start3A_39 : memref<1x128xi32, #tpu.memory_space<vmem>> -> memref<128xi32, #tpu.memory_space<vmem>>
    %dma_start3A_41 = tpu.memref_slice %arg3[%dma_start3A_35, %add3A_34] : memref<2x320000xi32, #tpu.memory_space<hbm>> -> memref<1x128xi32, #tpu.memory_space<hbm>>
    %dma_start3A_42 = tpu.memref_squeeze %dma_start3A_41 : memref<1x128xi32, #tpu.memory_space<hbm>> -> memref<128xi32, #tpu.memory_space<hbm>>
    %dma_start3A_43 = tpu.memref_slice %arg13[%dma_start3A_37] : memref<4x!tpu.dma_semaphore, #tpu.memory_space<semaphore_mem>> -> memref<1x!tpu.dma_semaphore, #tpu.memory_space<semaphore_mem>>
    %dma_start3A_44 = tpu.memref_squeeze %dma_start3A_43 : memref<1x!tpu.dma_semaphore, #tpu.memory_space<semaphore_mem>> -> memref<!tpu.dma_semaphore, #tpu.memory_space<semaphore_mem>>
    %dma_start3A_45 = arith.constant 0 : i32
    %dma_start3A_46 = tpu.memref_slice %arg7[%dma_start3A_36, %dma_start3A_45] : memref<4x128xi32, #tpu.memory_space<vmem>> -> memref<1x128xi32, #tpu.memory_space<vmem>>
    %dma_start3A_47 = tpu.memref_squeeze %dma_start3A_46 : memref<1x128xi32, #tpu.memory_space<vmem>> -> memref<128xi32, #tpu.memory_space<vmem>>
    %dma_start3A_48 = tpu.memref_slice %arg3[%dma_start3A_35, %add3A_34] : memref<2x320000xi32, #tpu.memory_space<hbm>> -> memref<1x128xi32, #tpu.memory_space<hbm>>
    %dma_start3A_49 = tpu.memref_squeeze %dma_start3A_48 : memref<1x128xi32, #tpu.memory_space<hbm>> -> memref<128xi32, #tpu.memory_space<hbm>>
    tpu.enqueue_dma source(%dma_start3A_49 : memref<128xi32, #tpu.memory_space<hbm>>) target(%dma_start3A_47 : memref<128xi32, #tpu.memory_space<vmem>>) target_semaphore(%dma_start3A_44 : memref<!tpu.dma_semaphore, #tpu.memory_space<semaphore_mem>>)
    %add3A_50 = arith.constant 128 : i32
    %add3A_51 = arith.addi %mul3A_4, %add3A_50 : i32
    %dma_start3A_52 = arith.constant 0 : i32
    %dma_start3A_53 = arith.constant 1 : i32
    %dma_start3A_54 = arith.constant 1 : i32
    %dma_start3A_55 = arith.constant 0 : i32
    %dma_start3A_56 = tpu.memref_slice %arg6[%dma_start3A_53, %dma_start3A_55] : memref<4x128xi32, #tpu.memory_space<vmem>> -> memref<1x128xi32, #tpu.memory_space<vmem>>
    %dma_start3A_57 = tpu.memref_squeeze %dma_start3A_56 : memref<1x128xi32, #tpu.memory_space<vmem>> -> memref<128xi32, #tpu.memory_space<vmem>>
    %dma_start3A_58 = tpu.memref_slice %arg3[%dma_start3A_52, %add3A_51] : memref<2x320000xi32, #tpu.memory_space<hbm>> -> memref<1x128xi32, #tpu.memory_space<hbm>>
    %dma_start3A_59 = tpu.memref_squeeze %dma_start3A_58 : memref<1x128xi32, #tpu.memory_space<hbm>> -> memref<128xi32, #tpu.memory_space<hbm>>
    %dma_start3A_60 = tpu.memref_slice %arg12[%dma_start3A_54] : memref<4x!tpu.dma_semaphore, #tpu.memory_space<semaphore_mem>> -> memref<1x!tpu.dma_semaphore, #tpu.memory_space<semaphore_mem>>
    %dma_start3A_61 = tpu.memref_squeeze %dma_start3A_60 : memref<1x!tpu.dma_semaphore, #tpu.memory_space<semaphore_mem>> -> memref<!tpu.dma_semaphore, #tpu.memory_space<semaphore_mem>>
    %dma_start3A_62 = arith.constant 0 : i32
    %dma_start3A_63 = tpu.memref_slice %arg6[%dma_start3A_53, %dma_start3A_62] : memref<4x128xi32, #tpu.memory_space<vmem>> -> memref<1x128xi32, #tpu.memory_space<vmem>>
    %dma_start3A_64 = tpu.memref_squeeze %dma_start3A_63 : memref<1x128xi32, #tpu.memory_space<vmem>> -> memref<128xi32, #tpu.memory_space<vmem>>
    %dma_start3A_65 = tpu.memref_slice %arg3[%dma_start3A_52, %add3A_51] : memref<2x320000xi32, #tpu.memory_space<hbm>> -> memref<1x128xi32, #tpu.memory_space<hbm>>
    %dma_start3A_66 = tpu.memref_squeeze %dma_start3A_65 : memref<1x128xi32, #tpu.memory_space<hbm>> -> memref<128xi32, #tpu.memory_space<hbm>>
    tpu.enqueue_dma source(%dma_start3A_66 : memref<128xi32, #tpu.memory_space<hbm>>) target(%dma_start3A_64 : memref<128xi32, #tpu.memory_space<vmem>>) target_semaphore(%dma_start3A_61 : memref<!tpu.dma_semaphore, #tpu.memory_space<semaphore_mem>>)
    %add3A_67 = arith.constant 128 : i32
    %add3A_68 = arith.addi %mul3A_4, %add3A_67 : i32
    %dma_start3A_69 = arith.constant 1 : i32
    %dma_start3A_70 = arith.constant 1 : i32
    %dma_start3A_71 = arith.constant 1 : i32
    %dma_start3A_72 = arith.constant 0 : i32
    %dma_start3A_73 = tpu.memref_slice %arg7[%dma_start3A_70, %dma_start3A_72] : memref<4x128xi32, #tpu.memory_space<vmem>> -> memref<1x128xi32, #tpu.memory_space<vmem>>
    %dma_start3A_74 = tpu.memref_squeeze %dma_start3A_73 : memref<1x128xi32, #tpu.memory_space<vmem>> -> memref<128xi32, #tpu.memory_space<vmem>>
    %dma_start3A_75 = tpu.memref_slice %arg3[%dma_start3A_69, %add3A_68] : memref<2x320000xi32, #tpu.memory_space<hbm>> -> memref<1x128xi32, #tpu.memory_space<hbm>>
    %dma_start3A_76 = tpu.memref_squeeze %dma_start3A_75 : memref<1x128xi32, #tpu.memory_space<hbm>> -> memref<128xi32, #tpu.memory_space<hbm>>
    %dma_start3A_77 = tpu.memref_slice %arg13[%dma_start3A_71] : memref<4x!tpu.dma_semaphore, #tpu.memory_space<semaphore_mem>> -> memref<1x!tpu.dma_semaphore, #tpu.memory_space<semaphore_mem>>
    %dma_start3A_78 = tpu.memref_squeeze %dma_start3A_77 : memref<1x!tpu.dma_semaphore, #tpu.memory_space<semaphore_mem>> -> memref<!tpu.dma_semaphore, #tpu.memory_space<semaphore_mem>>
    %dma_start3A_79 = arith.constant 0 : i32
    %dma_start3A_80 = tpu.memref_slice %arg7[%dma_start3A_70, %dma_start3A_79] : memref<4x128xi32, #tpu.memory_space<vmem>> -> memref<1x128xi32, #tpu.memory_space<vmem>>
    %dma_start3A_81 = tpu.memref_squeeze %dma_start3A_80 : memref<1x128xi32, #tpu.memory_space<vmem>> -> memref<128xi32, #tpu.memory_space<vmem>>
    %dma_start3A_82 = tpu.memref_slice %arg3[%dma_start3A_69, %add3A_68] : memref<2x320000xi32, #tpu.memory_space<hbm>> -> memref<1x128xi32, #tpu.memory_space<hbm>>
    %dma_start3A_83 = tpu.memref_squeeze %dma_start3A_82 : memref<1x128xi32, #tpu.memory_space<hbm>> -> memref<128xi32, #tpu.memory_space<hbm>>
    tpu.enqueue_dma source(%dma_start3A_83 : memref<128xi32, #tpu.memory_space<hbm>>) target(%dma_start3A_81 : memref<128xi32, #tpu.memory_space<vmem>>) target_semaphore(%dma_start3A_78 : memref<!tpu.dma_semaphore, #tpu.memory_space<semaphore_mem>>)
    %add3A_84 = arith.constant 256 : i32
    %add3A_85 = arith.addi %mul3A_4, %add3A_84 : i32
    %dma_start3A_86 = arith.constant 0 : i32
    %dma_start3A_87 = arith.constant 2 : i32
    %dma_start3A_88 = arith.constant 2 : i32
    %dma_start3A_89 = arith.constant 0 : i32
    %dma_start3A_90 = tpu.memref_slice %arg6[%dma_start3A_87, %dma_start3A_89] : memref<4x128xi32, #tpu.memory_space<vmem>> -> memref<1x128xi32, #tpu.memory_space<vmem>>
    %dma_start3A_91 = tpu.memref_squeeze %dma_start3A_90 : memref<1x128xi32, #tpu.memory_space<vmem>> -> memref<128xi32, #tpu.memory_space<vmem>>
    %dma_start3A_92 = tpu.memref_slice %arg3[%dma_start3A_86, %add3A_85] : memref<2x320000xi32, #tpu.memory_space<hbm>> -> memref<1x128xi32, #tpu.memory_space<hbm>>
    %dma_start3A_93 = tpu.memref_squeeze %dma_start3A_92 : memref<1x128xi32, #tpu.memory_space<hbm>> -> memref<128xi32, #tpu.memory_space<hbm>>
    %dma_start3A_94 = tpu.memref_slice %arg12[%dma_start3A_88] : memref<4x!tpu.dma_semaphore, #tpu.memory_space<semaphore_mem>> -> memref<1x!tpu.dma_semaphore, #tpu.memory_space<semaphore_mem>>
    %dma_start3A_95 = tpu.memref_squeeze %dma_start3A_94 : memref<1x!tpu.dma_semaphore, #tpu.memory_space<semaphore_mem>> -> memref<!tpu.dma_semaphore, #tpu.memory_space<semaphore_mem>>
    %dma_start3A_96 = arith.constant 0 : i32
    %dma_start3A_97 = tpu.memref_slice %arg6[%dma_start3A_87, %dma_start3A_96] : memref<4x128xi32, #tpu.memory_space<vmem>> -> memref<1x128xi32, #tpu.memory_space<vmem>>
    %dma_start3A_98 = tpu.memref_squeeze %dma_start3A_97 : memref<1x128xi32, #tpu.memory_space<vmem>> -> memref<128xi32, #tpu.memory_space<vmem>>
    %dma_start3A_99 = tpu.memref_slice %arg3[%dma_start3A_86, %add3A_85] : memref<2x320000xi32, #tpu.memory_space<hbm>> -> memref<1x128xi32, #tpu.memory_space<hbm>>
    %dma_start3A_100 = tpu.memref_squeeze %dma_start3A_99 : memref<1x128xi32, #tpu.memory_space<hbm>> -> memref<128xi32, #tpu.memory_space<hbm>>
    tpu.enqueue_dma source(%dma_start3A_100 : memref<128xi32, #tpu.memory_space<hbm>>) target(%dma_start3A_98 : memref<128xi32, #tpu.memory_space<vmem>>) target_semaphore(%dma_start3A_95 : memref<!tpu.dma_semaphore, #tpu.memory_space<semaphore_mem>>)
    %add3A_101 = arith.constant 256 : i32
    %add3A_102 = arith.addi %mul3A_4, %add3A_101 : i32
    %dma_start3A_103 = arith.constant 1 : i32
    %dma_start3A_104 = arith.constant 2 : i32
    %dma_start3A_105 = arith.constant 2 : i32
    %dma_start3A_106 = arith.constant 0 : i32
    %dma_start3A_107 = tpu.memref_slice %arg7[%dma_start3A_104, %dma_start3A_106] : memref<4x128xi32, #tpu.memory_space<vmem>> -> memref<1x128xi32, #tpu.memory_space<vmem>>
    %dma_start3A_108 = tpu.memref_squeeze %dma_start3A_107 : memref<1x128xi32, #tpu.memory_space<vmem>> -> memref<128xi32, #tpu.memory_space<vmem>>
    %dma_start3A_109 = tpu.memref_slice %arg3[%dma_start3A_103, %add3A_102] : memref<2x320000xi32, #tpu.memory_space<hbm>> -> memref<1x128xi32, #tpu.memory_space<hbm>>
    %dma_start3A_110 = tpu.memref_squeeze %dma_start3A_109 : memref<1x128xi32, #tpu.memory_space<hbm>> -> memref<128xi32, #tpu.memory_space<hbm>>
    %dma_start3A_111 = tpu.memref_slice %arg13[%dma_start3A_105] : memref<4x!tpu.dma_semaphore, #tpu.memory_space<semaphore_mem>> -> memref<1x!tpu.dma_semaphore, #tpu.memory_space<semaphore_mem>>
    %dma_start3A_112 = tpu.memref_squeeze %dma_start3A_111 : memref<1x!tpu.dma_semaphore, #tpu.memory_space<semaphore_mem>> -> memref<!tpu.dma_semaphore, #tpu.memory_space<semaphore_mem>>
    %dma_start3A_113 = arith.constant 0 : i32
    %dma_start3A_114 = tpu.memref_slice %arg7[%dma_start3A_104, %dma_start3A_113] : memref<4x128xi32, #tpu.memory_space<vmem>> -> memref<1x128xi32, #tpu.memory_space<vmem>>
    %dma_start3A_115 = tpu.memref_squeeze %dma_start3A_114 : memref<1x128xi32, #tpu.memory_space<vmem>> -> memref<128xi32, #tpu.memory_space<vmem>>
    %dma_start3A_116 = tpu.memref_slice %arg3[%dma_start3A_103, %add3A_102] : memref<2x320000xi32, #tpu.memory_space<hbm>> -> memref<1x128xi32, #tpu.memory_space<hbm>>
    %dma_start3A_117 = tpu.memref_squeeze %dma_start3A_116 : memref<1x128xi32, #tpu.memory_space<hbm>> -> memref<128xi32, #tpu.memory_space<hbm>>
    tpu.enqueue_dma source(%dma_start3A_117 : memref<128xi32, #tpu.memory_space<hbm>>) target(%dma_start3A_115 : memref<128xi32, #tpu.memory_space<vmem>>) target_semaphore(%dma_start3A_112 : memref<!tpu.dma_semaphore, #tpu.memory_space<semaphore_mem>>)
    %add3A_118 = arith.constant 384 : i32
    %add3A_119 = arith.addi %mul3A_4, %add3A_118 : i32
    %dma_start3A_120 = arith.constant 0 : i32
    %dma_start3A_121 = arith.constant 3 : i32
    %dma_start3A_122 = arith.constant 3 : i32
    %dma_start3A_123 = arith.constant 0 : i32
    %dma_start3A_124 = tpu.memref_slice %arg6[%dma_start3A_121, %dma_start3A_123] : memref<4x128xi32, #tpu.memory_space<vmem>> -> memref<1x128xi32, #tpu.memory_space<vmem>>
    %dma_start3A_125 = tpu.memref_squeeze %dma_start3A_124 : memref<1x128xi32, #tpu.memory_space<vmem>> -> memref<128xi32, #tpu.memory_space<vmem>>
    %dma_start3A_126 = tpu.memref_slice %arg3[%dma_start3A_120, %add3A_119] : memref<2x320000xi32, #tpu.memory_space<hbm>> -> memref<1x128xi32, #tpu.memory_space<hbm>>
    %dma_start3A_127 = tpu.memref_squeeze %dma_start3A_126 : memref<1x128xi32, #tpu.memory_space<hbm>> -> memref<128xi32, #tpu.memory_space<hbm>>
    %dma_start3A_128 = tpu.memref_slice %arg12[%dma_start3A_122] : memref<4x!tpu.dma_semaphore, #tpu.memory_space<semaphore_mem>> -> memref<1x!tpu.dma_semaphore, #tpu.memory_space<semaphore_mem>>
    %dma_start3A_129 = tpu.memref_squeeze %dma_start3A_128 : memref<1x!tpu.dma_semaphore, #tpu.memory_space<semaphore_mem>> -> memref<!tpu.dma_semaphore, #tpu.memory_space<semaphore_mem>>
    %dma_start3A_130 = arith.constant 0 : i32
    %dma_start3A_131 = tpu.memref_slice %arg6[%dma_start3A_121, %dma_start3A_130] : memref<4x128xi32, #tpu.memory_space<vmem>> -> memref<1x128xi32, #tpu.memory_space<vmem>>
    %dma_start3A_132 = tpu.memref_squeeze %dma_start3A_131 : memref<1x128xi32, #tpu.memory_space<vmem>> -> memref<128xi32, #tpu.memory_space<vmem>>
    %dma_start3A_133 = tpu.memref_slice %arg3[%dma_start3A_120, %add3A_119] : memref<2x320000xi32, #tpu.memory_space<hbm>> -> memref<1x128xi32, #tpu.memory_space<hbm>>
    %dma_start3A_134 = tpu.memref_squeeze %dma_start3A_133 : memref<1x128xi32, #tpu.memory_space<hbm>> -> memref<128xi32, #tpu.memory_space<hbm>>
    tpu.enqueue_dma source(%dma_start3A_134 : memref<128xi32, #tpu.memory_space<hbm>>) target(%dma_start3A_132 : memref<128xi32, #tpu.memory_space<vmem>>) target_semaphore(%dma_start3A_129 : memref<!tpu.dma_semaphore, #tpu.memory_space<semaphore_mem>>)
    %add3A_135 = arith.constant 384 : i32
    %add3A_136 = arith.addi %mul3A_4, %add3A_135 : i32
    %dma_start3A_137 = arith.constant 1 : i32
    %dma_start3A_138 = arith.constant 3 : i32
    %dma_start3A_139 = arith.constant 3 : i32
    %dma_start3A_140 = arith.constant 0 : i32
    %dma_start3A_141 = tpu.memref_slice %arg7[%dma_start3A_138, %dma_start3A_140] : memref<4x128xi32, #tpu.memory_space<vmem>> -> memref<1x128xi32, #tpu.memory_space<vmem>>
    %dma_start3A_142 = tpu.memref_squeeze %dma_start3A_141 : memref<1x128xi32, #tpu.memory_space<vmem>> -> memref<128xi32, #tpu.memory_space<vmem>>
    %dma_start3A_143 = tpu.memref_slice %arg3[%dma_start3A_137, %add3A_136] : memref<2x320000xi32, #tpu.memory_space<hbm>> -> memref<1x128xi32, #tpu.memory_space<hbm>>
    %dma_start3A_144 = tpu.memref_squeeze %dma_start3A_143 : memref<1x128xi32, #tpu.memory_space<hbm>> -> memref<128xi32, #tpu.memory_space<hbm>>
    %dma_start3A_145 = tpu.memref_slice %arg13[%dma_start3A_139] : memref<4x!tpu.dma_semaphore, #tpu.memory_space<semaphore_mem>> -> memref<1x!tpu.dma_semaphore, #tpu.memory_space<semaphore_mem>>
    %dma_start3A_146 = tpu.memref_squeeze %dma_start3A_145 : memref<1x!tpu.dma_semaphore, #tpu.memory_space<semaphore_mem>> -> memref<!tpu.dma_semaphore, #tpu.memory_space<semaphore_mem>>
    %dma_start3A_147 = arith.constant 0 : i32
    %dma_start3A_148 = tpu.memref_slice %arg7[%dma_start3A_138, %dma_start3A_147] : memref<4x128xi32, #tpu.memory_space<vmem>> -> memref<1x128xi32, #tpu.memory_space<vmem>>
    %dma_start3A_149 = tpu.memref_squeeze %dma_start3A_148 : memref<1x128xi32, #tpu.memory_space<vmem>> -> memref<128xi32, #tpu.memory_space<vmem>>
    %dma_start3A_150 = tpu.memref_slice %arg3[%dma_start3A_137, %add3A_136] : memref<2x320000xi32, #tpu.memory_space<hbm>> -> memref<1x128xi32, #tpu.memory_space<hbm>>
    %dma_start3A_151 = tpu.memref_squeeze %dma_start3A_150 : memref<1x128xi32, #tpu.memory_space<hbm>> -> memref<128xi32, #tpu.memory_space<hbm>>
    tpu.enqueue_dma source(%dma_start3A_151 : memref<128xi32, #tpu.memory_space<hbm>>) target(%dma_start3A_149 : memref<128xi32, #tpu.memory_space<vmem>>) target_semaphore(%dma_start3A_146 : memref<!tpu.dma_semaphore, #tpu.memory_space<semaphore_mem>>)
    %add3A_152 = arith.constant 9984 : i32
    %add3A_153 = arith.addi %mul3A_4, %add3A_152 : i32
    %run_scoped3A = arith.constant 0 : i32
    "tpu.region"() ({
      %run_scoped3A_273 = tpu.sem_alloc : memref<!tpu.dma_semaphore, #tpu.memory_space<semaphore_mem>>
      %dma_start3A_274 = tpu.memref_slice %arg3[%run_scoped3A, %add3A_153] : memref<2x320000xi32, #tpu.memory_space<hbm>> -> memref<1x16xi32, #tpu.memory_space<hbm>>
      %dma_start3A_275 = tpu.memref_squeeze %dma_start3A_274 : memref<1x16xi32, #tpu.memory_space<hbm>> -> memref<16xi32, #tpu.memory_space<hbm>>
      %dma_start3A_276 = tpu.memref_slice %arg3[%run_scoped3A, %add3A_153] : memref<2x320000xi32, #tpu.memory_space<hbm>> -> memref<1x16xi32, #tpu.memory_space<hbm>>
      %dma_start3A_277 = tpu.memref_squeeze %dma_start3A_276 : memref<1x16xi32, #tpu.memory_space<hbm>> -> memref<16xi32, #tpu.memory_space<hbm>>
      tpu.enqueue_dma source(%dma_start3A_277 : memref<16xi32, #tpu.memory_space<hbm>>) target(%arg8 : memref<16xi32, #tpu.memory_space<vmem>>) target_semaphore(%run_scoped3A_273 : memref<!tpu.dma_semaphore, #tpu.memory_space<semaphore_mem>>)
      %dma_wait3A_278 = tpu.memref_slice %arg3[%run_scoped3A, %add3A_153] : memref<2x320000xi32, #tpu.memory_space<hbm>> -> memref<1x16xi32, #tpu.memory_space<hbm>>
      %dma_wait3A_279 = tpu.memref_squeeze %dma_wait3A_278 : memref<1x16xi32, #tpu.memory_space<hbm>> -> memref<16xi32, #tpu.memory_space<hbm>>
      %dma_wait3A_280 = tpu.memref_slice %arg3[%run_scoped3A, %add3A_153] : memref<2x320000xi32, #tpu.memory_space<hbm>> -> memref<1x16xi32, #tpu.memory_space<hbm>>
      %dma_wait3A_281 = tpu.memref_squeeze %dma_wait3A_280 : memref<1x16xi32, #tpu.memory_space<hbm>> -> memref<16xi32, #tpu.memory_space<hbm>>
      tpu.wait_dma2 semaphore(%run_scoped3A_273 : memref<!tpu.dma_semaphore, #tpu.memory_space<semaphore_mem>>) src(%dma_wait3A_281 : memref<16xi32, #tpu.memory_space<hbm>>) dst(%arg8 : memref<16xi32, #tpu.memory_space<vmem>>)
      tpu.yield
    }) : () -> ()
    %add3A_154 = arith.constant 9984 : i32
    %add3A_155 = arith.addi %mul3A_4, %add3A_154 : i32
    %run_scoped3A_156 = arith.constant 1 : i32
    "tpu.region"() ({
      %run_scoped3A_273 = tpu.sem_alloc : memref<!tpu.dma_semaphore, #tpu.memory_space<semaphore_mem>>
      %dma_start3A_274 = tpu.memref_slice %arg3[%run_scoped3A_156, %add3A_155] : memref<2x320000xi32, #tpu.memory_space<hbm>> -> memref<1x16xi32, #tpu.memory_space<hbm>>
      %dma_start3A_275 = tpu.memref_squeeze %dma_start3A_274 : memref<1x16xi32, #tpu.memory_space<hbm>> -> memref<16xi32, #tpu.memory_space<hbm>>
      %dma_start3A_276 = tpu.memref_slice %arg3[%run_scoped3A_156, %add3A_155] : memref<2x320000xi32, #tpu.memory_space<hbm>> -> memref<1x16xi32, #tpu.memory_space<hbm>>
      %dma_start3A_277 = tpu.memref_squeeze %dma_start3A_276 : memref<1x16xi32, #tpu.memory_space<hbm>> -> memref<16xi32, #tpu.memory_space<hbm>>
      tpu.enqueue_dma source(%dma_start3A_277 : memref<16xi32, #tpu.memory_space<hbm>>) target(%arg9 : memref<16xi32, #tpu.memory_space<vmem>>) target_semaphore(%run_scoped3A_273 : memref<!tpu.dma_semaphore, #tpu.memory_space<semaphore_mem>>)
      %dma_wait3A_278 = tpu.memref_slice %arg3[%run_scoped3A_156, %add3A_155] : memref<2x320000xi32, #tpu.memory_space<hbm>> -> memref<1x16xi32, #tpu.memory_space<hbm>>
      %dma_wait3A_279 = tpu.memref_squeeze %dma_wait3A_278 : memref<1x16xi32, #tpu.memory_space<hbm>> -> memref<16xi32, #tpu.memory_space<hbm>>
      %dma_wait3A_280 = tpu.memref_slice %arg3[%run_scoped3A_156, %add3A_155] : memref<2x320000xi32, #tpu.memory_space<hbm>> -> memref<1x16xi32, #tpu.memory_space<hbm>>
      %dma_wait3A_281 = tpu.memref_squeeze %dma_wait3A_280 : memref<1x16xi32, #tpu.memory_space<hbm>> -> memref<16xi32, #tpu.memory_space<hbm>>
      tpu.wait_dma2 semaphore(%run_scoped3A_273 : memref<!tpu.dma_semaphore, #tpu.memory_space<semaphore_mem>>) src(%dma_wait3A_281 : memref<16xi32, #tpu.memory_space<hbm>>) dst(%arg9 : memref<16xi32, #tpu.memory_space<vmem>>)
      tpu.yield
    }) : () -> ()
    %barrier3A = arith.constant 0 : index
    tpu.barrier barrier_id(%barrier3A)
    %add3A_157 = arith.constant 0 : i32
    %add3A_158 = arith.addi %mul3A_4, %add3A_157 : i32
    %dma_wait3A = arith.constant 0 : i32
    %dma_wait3A_159 = arith.constant 0 : i32
    %dma_wait3A_160 = arith.constant 0 : i32
    %dma_wait3A_161 = arith.constant 0 : i32
    %dma_wait3A_162 = tpu.memref_slice %arg6[%dma_wait3A_159, %dma_wait3A_161] : memref<4x128xi32, #tpu.memory_space<vmem>> -> memref<1x128xi32, #tpu.memory_space<vmem>>
    %dma_wait3A_163 = tpu.memref_squeeze %dma_wait3A_162 : memref<1x128xi32, #tpu.memory_space<vmem>> -> memref<128xi32, #tpu.memory_space<vmem>>
    %dma_wait3A_164 = tpu.memref_slice %arg3[%dma_wait3A, %add3A_158] : memref<2x320000xi32, #tpu.memory_space<hbm>> -> memref<1x128xi32, #tpu.memory_space<hbm>>
    %dma_wait3A_165 = tpu.memref_squeeze %dma_wait3A_164 : memref<1x128xi32, #tpu.memory_space<hbm>> -> memref<128xi32, #tpu.memory_space<hbm>>
    %dma_wait3A_166 = tpu.memref_slice %arg12[%dma_wait3A_160] : memref<4x!tpu.dma_semaphore, #tpu.memory_space<semaphore_mem>> -> memref<1x!tpu.dma_semaphore, #tpu.memory_space<semaphore_mem>>
    %dma_wait3A_167 = tpu.memref_squeeze %dma_wait3A_166 : memref<1x!tpu.dma_semaphore, #tpu.memory_space<semaphore_mem>> -> memref<!tpu.dma_semaphore, #tpu.memory_space<semaphore_mem>>
    %dma_wait3A_168 = arith.constant 0 : i32
    %dma_wait3A_169 = tpu.memref_slice %arg6[%dma_wait3A_159, %dma_wait3A_168] : memref<4x128xi32, #tpu.memory_space<vmem>> -> memref<1x128xi32, #tpu.memory_space<vmem>>
    %dma_wait3A_170 = tpu.memref_squeeze %dma_wait3A_169 : memref<1x128xi32, #tpu.memory_space<vmem>> -> memref<128xi32, #tpu.memory_space<vmem>>
    %dma_wait3A_171 = tpu.memref_slice %arg3[%dma_wait3A, %add3A_158] : memref<2x320000xi32, #tpu.memory_space<hbm>> -> memref<1x128xi32, #tpu.memory_space<hbm>>
    %dma_wait3A_172 = tpu.memref_squeeze %dma_wait3A_171 : memref<1x128xi32, #tpu.memory_space<hbm>> -> memref<128xi32, #tpu.memory_space<hbm>>
    tpu.wait_dma2 semaphore(%dma_wait3A_167 : memref<!tpu.dma_semaphore, #tpu.memory_space<semaphore_mem>>) src(%dma_wait3A_172 : memref<128xi32, #tpu.memory_space<hbm>>) dst(%dma_wait3A_170 : memref<128xi32, #tpu.memory_space<vmem>>)
    %dma_start3A_173 = arith.constant 0 : i32
    %dma_start3A_174 = arith.constant 0 : i32
    %dma_start3A_175 = tpu.memref_slice %arg6[%dma_start3A_173, %dma_start3A_174] : memref<4x128xi32, #tpu.memory_space<vmem>> -> memref<1x128xi32, #tpu.memory_space<vmem>>
    %dma_start3A_176 = tpu.memref_squeeze %dma_start3A_175 : memref<1x128xi32, #tpu.memory_space<vmem>> -> memref<128xi32, #tpu.memory_space<vmem>>
    %dma_start3A_177 = arith.constant 0 : i32
    %dma_start3A_178 = arith.constant 0 : i32
    %dma_start3A_179 = tpu.memref_slice %arg2[%dma_start3A_177, %dma_start3A_178] : memref<10240x64xf32, #tpu.memory_space<hbm>> -> memref<10240x64xf32, #tpu.memory_space<hbm>>
    tpu.enqueue_indirect_dma source(%dma_start3A_179 : memref<10240x64xf32, #tpu.memory_space<hbm>>) target(%arg10 : memref<128x64xf32, #tpu.memory_space<vmem>>) offsets(%dma_start3A_176 : memref<128xi32, #tpu.memory_space<vmem>>) semaphore(%arg14 : memref<!tpu.dma_semaphore, #tpu.memory_space<semaphore_mem>>)
    %add3A_180 = arith.constant 128 : i32
    %add3A_181 = arith.addi %mul3A_4, %add3A_180 : i32
    %dma_wait3A_182 = arith.constant 0 : i32
    %dma_wait3A_183 = arith.constant 1 : i32
    %dma_wait3A_184 = arith.constant 1 : i32
    %dma_wait3A_185 = arith.constant 0 : i32
    %dma_wait3A_186 = tpu.memref_slice %arg6[%dma_wait3A_183, %dma_wait3A_185] : memref<4x128xi32, #tpu.memory_space<vmem>> -> memref<1x128xi32, #tpu.memory_space<vmem>>
    %dma_wait3A_187 = tpu.memref_squeeze %dma_wait3A_186 : memref<1x128xi32, #tpu.memory_space<vmem>> -> memref<128xi32, #tpu.memory_space<vmem>>
    %dma_wait3A_188 = tpu.memref_slice %arg3[%dma_wait3A_182, %add3A_181] : memref<2x320000xi32, #tpu.memory_space<hbm>> -> memref<1x128xi32, #tpu.memory_space<hbm>>
    %dma_wait3A_189 = tpu.memref_squeeze %dma_wait3A_188 : memref<1x128xi32, #tpu.memory_space<hbm>> -> memref<128xi32, #tpu.memory_space<hbm>>
    %dma_wait3A_190 = tpu.memref_slice %arg12[%dma_wait3A_184] : memref<4x!tpu.dma_semaphore, #tpu.memory_space<semaphore_mem>> -> memref<1x!tpu.dma_semaphore, #tpu.memory_space<semaphore_mem>>
    %dma_wait3A_191 = tpu.memref_squeeze %dma_wait3A_190 : memref<1x!tpu.dma_semaphore, #tpu.memory_space<semaphore_mem>> -> memref<!tpu.dma_semaphore, #tpu.memory_space<semaphore_mem>>
    %dma_wait3A_192 = arith.constant 0 : i32
    %dma_wait3A_193 = tpu.memref_slice %arg6[%dma_wait3A_183, %dma_wait3A_192] : memref<4x128xi32, #tpu.memory_space<vmem>> -> memref<1x128xi32, #tpu.memory_space<vmem>>
    %dma_wait3A_194 = tpu.memref_squeeze %dma_wait3A_193 : memref<1x128xi32, #tpu.memory_space<vmem>> -> memref<128xi32, #tpu.memory_space<vmem>>
    %dma_wait3A_195 = tpu.memref_slice %arg3[%dma_wait3A_182, %add3A_181] : memref<2x320000xi32, #tpu.memory_space<hbm>> -> memref<1x128xi32, #tpu.memory_space<hbm>>
    %dma_wait3A_196 = tpu.memref_squeeze %dma_wait3A_195 : memref<1x128xi32, #tpu.memory_space<hbm>> -> memref<128xi32, #tpu.memory_space<hbm>>
    tpu.wait_dma2 semaphore(%dma_wait3A_191 : memref<!tpu.dma_semaphore, #tpu.memory_space<semaphore_mem>>) src(%dma_wait3A_196 : memref<128xi32, #tpu.memory_space<hbm>>) dst(%dma_wait3A_194 : memref<128xi32, #tpu.memory_space<vmem>>)
    %dma_start3A_197 = arith.constant 1 : i32
    %dma_start3A_198 = arith.constant 0 : i32
    %dma_start3A_199 = tpu.memref_slice %arg6[%dma_start3A_197, %dma_start3A_198] : memref<4x128xi32, #tpu.memory_space<vmem>> -> memref<1x128xi32, #tpu.memory_space<vmem>>
    %dma_start3A_200 = tpu.memref_squeeze %dma_start3A_199 : memref<1x128xi32, #tpu.memory_space<vmem>> -> memref<128xi32, #tpu.memory_space<vmem>>
    %dma_start3A_201 = arith.constant 0 : i32
    %dma_start3A_202 = arith.constant 0 : i32
    %dma_start3A_203 = tpu.memref_slice %arg2[%dma_start3A_201, %dma_start3A_202] : memref<10240x64xf32, #tpu.memory_space<hbm>> -> memref<10240x64xf32, #tpu.memory_space<hbm>>
    tpu.enqueue_indirect_dma source(%dma_start3A_203 : memref<10240x64xf32, #tpu.memory_space<hbm>>) target(%arg11 : memref<128x64xf32, #tpu.memory_space<vmem>>) offsets(%dma_start3A_200 : memref<128xi32, #tpu.memory_space<vmem>>) semaphore(%arg15 : memref<!tpu.dma_semaphore, #tpu.memory_space<semaphore_mem>>)
    %scan3A_204 = arith.constant 0 : i32
    %scan3A_205 = arith.constant 0 : i32
    %scan3A_206 = arith.constant 19 : i32
    %scan3A_207 = arith.addi %scan3A_205, %scan3A_206 : i32
    %scan3A_208 = arith.constant 1 : i32
    scf.for %scan3A_273 = %scan3A_205 to %scan3A_207 step %scan3A_208  : i32 {
      %mul3A_274 = arith.constant 4 : i32
      %mul3A_275 = arith.muli %mul3A_274, %scan3A_273 : i32
      %add3A_276 = arith.constant 0 : i32
      %add3A_277 = arith.addi %mul3A_275, %add3A_276 : i32
      %dma_wait3A_278 = arith.constant 0 : i32
      %dma_wait3A_279 = arith.constant 0 : i32
      %dma_wait3A_280 = tpu.memref_slice %arg6[%dma_wait3A_278, %dma_wait3A_279] : memref<4x128xi32, #tpu.memory_space<vmem>> -> memref<1x128xi32, #tpu.memory_space<vmem>>
      %dma_wait3A_281 = tpu.memref_squeeze %dma_wait3A_280 : memref<1x128xi32, #tpu.memory_space<vmem>> -> memref<128xi32, #tpu.memory_space<vmem>>
      %dma_wait3A_282 = arith.constant 0 : i32
      %dma_wait3A_283 = arith.constant 0 : i32
      %dma_wait3A_284 = tpu.memref_slice %arg2[%dma_wait3A_282, %dma_wait3A_283] : memref<10240x64xf32, #tpu.memory_space<hbm>> -> memref<10240x64xf32, #tpu.memory_space<hbm>>
      tpu.wait_indirect_dma semaphore(%arg14 : memref<!tpu.dma_semaphore, #tpu.memory_space<semaphore_mem>>) src(%dma_wait3A_284 : memref<10240x64xf32, #tpu.memory_space<hbm>>) dst(%arg10 : memref<128x64xf32, #tpu.memory_space<vmem>>)
      %mul3A_285 = arith.constant 128 : i32
      %mul3A_286 = arith.muli %add3A_277, %mul3A_285 : i32
      %add3A_287 = arith.addi %mul3A_4, %mul3A_286 : i32
      %dma_wait3A_288 = arith.constant 1 : i32
      %dma_wait3A_289 = arith.constant 0 : i32
      %dma_wait3A_290 = arith.constant 0 : i32
      %dma_wait3A_291 = arith.constant 0 : i32
      %dma_wait3A_292 = tpu.memref_slice %arg7[%dma_wait3A_289, %dma_wait3A_291] : memref<4x128xi32, #tpu.memory_space<vmem>> -> memref<1x128xi32, #tpu.memory_space<vmem>>
      %dma_wait3A_293 = tpu.memref_squeeze %dma_wait3A_292 : memref<1x128xi32, #tpu.memory_space<vmem>> -> memref<128xi32, #tpu.memory_space<vmem>>
      %dma_wait3A_294 = tpu.memref_slice %arg3[%dma_wait3A_288, %add3A_287] : memref<2x320000xi32, #tpu.memory_space<hbm>> -> memref<1x128xi32, #tpu.memory_space<hbm>>
      %dma_wait3A_295 = tpu.memref_squeeze %dma_wait3A_294 : memref<1x128xi32, #tpu.memory_space<hbm>> -> memref<128xi32, #tpu.memory_space<hbm>>
      %dma_wait3A_296 = tpu.memref_slice %arg13[%dma_wait3A_290] : memref<4x!tpu.dma_semaphore, #tpu.memory_space<semaphore_mem>> -> memref<1x!tpu.dma_semaphore, #tpu.memory_space<semaphore_mem>>
      %dma_wait3A_297 = tpu.memref_squeeze %dma_wait3A_296 : memref<1x!tpu.dma_semaphore, #tpu.memory_space<semaphore_mem>> -> memref<!tpu.dma_semaphore, #tpu.memory_space<semaphore_mem>>
      %dma_wait3A_298 = arith.constant 0 : i32
      %dma_wait3A_299 = tpu.memref_slice %arg7[%dma_wait3A_289, %dma_wait3A_298] : memref<4x128xi32, #tpu.memory_space<vmem>> -> memref<1x128xi32, #tpu.memory_space<vmem>>
      %dma_wait3A_300 = tpu.memref_squeeze %dma_wait3A_299 : memref<1x128xi32, #tpu.memory_space<vmem>> -> memref<128xi32, #tpu.memory_space<vmem>>
      %dma_wait3A_301 = tpu.memref_slice %arg3[%dma_wait3A_288, %add3A_287] : memref<2x320000xi32, #tpu.memory_space<hbm>> -> memref<1x128xi32, #tpu.memory_space<hbm>>
      %dma_wait3A_302 = tpu.memref_squeeze %dma_wait3A_301 : memref<1x128xi32, #tpu.memory_space<hbm>> -> memref<128xi32, #tpu.memory_space<hbm>>
      tpu.wait_dma2 semaphore(%dma_wait3A_297 : memref<!tpu.dma_semaphore, #tpu.memory_space<semaphore_mem>>) src(%dma_wait3A_302 : memref<128xi32, #tpu.memory_space<hbm>>) dst(%dma_wait3A_300 : memref<128xi32, #tpu.memory_space<vmem>>)
      %run_scoped3A_303 = arith.constant 0 : i32
      "tpu.region"() ({
        %run_scoped3A_447 = tpu.sem_alloc : memref<!tpu.dma_semaphore, #tpu.memory_space<semaphore_mem>>
        %dma_start3A_448 = arith.constant 0 : i32
        %dma_start3A_449 = tpu.memref_slice %arg7[%run_scoped3A_303, %dma_start3A_448] : memref<4x128xi32, #tpu.memory_space<vmem>> -> memref<1x128xi32, #tpu.memory_space<vmem>>
        %dma_start3A_450 = tpu.memref_squeeze %dma_start3A_449 : memref<1x128xi32, #tpu.memory_space<vmem>> -> memref<128xi32, #tpu.memory_space<vmem>>
        %dma_start3A_451 = arith.constant 0 : i32
        %dma_start3A_452 = arith.constant 0 : i32
        %dma_start3A_453 = tpu.memref_slice %arg5[%dma_start3A_451, %dma_start3A_452] : memref<10240x64xf32, #tpu.memory_space<vmem_shared>> -> memref<10240x64xf32, #tpu.memory_space<vmem_shared>>
        tpu.enqueue_indirect_dma source(%arg10 : memref<128x64xf32, #tpu.memory_space<vmem>>) target(%dma_start3A_453 : memref<10240x64xf32, #tpu.memory_space<vmem_shared>>) offsets(%dma_start3A_450 : memref<128xi32, #tpu.memory_space<vmem>>) semaphore(%run_scoped3A_447 : memref<!tpu.dma_semaphore, #tpu.memory_space<semaphore_mem>>) {add = true}
        %dma_wait3A_454 = arith.constant 0 : i32
        %dma_wait3A_455 = tpu.memref_slice %arg7[%run_scoped3A_303, %dma_wait3A_454] : memref<4x128xi32, #tpu.memory_space<vmem>> -> memref<1x128xi32, #tpu.memory_space<vmem>>
        %dma_wait3A_456 = tpu.memref_squeeze %dma_wait3A_455 : memref<1x128xi32, #tpu.memory_space<vmem>> -> memref<128xi32, #tpu.memory_space<vmem>>
        %dma_wait3A_457 = arith.constant 0 : i32
        %dma_wait3A_458 = arith.constant 0 : i32
        %dma_wait3A_459 = tpu.memref_slice %arg5[%dma_wait3A_457, %dma_wait3A_458] : memref<10240x64xf32, #tpu.memory_space<vmem_shared>> -> memref<10240x64xf32, #tpu.memory_space<vmem_shared>>
        tpu.wait_indirect_dma semaphore(%run_scoped3A_447 : memref<!tpu.dma_semaphore, #tpu.memory_space<semaphore_mem>>) src(%arg10 : memref<128x64xf32, #tpu.memory_space<vmem>>) dst(%dma_wait3A_459 : memref<10240x64xf32, #tpu.memory_space<vmem_shared>>)
        tpu.yield
      }) : () -> ()
      %add3A_304 = arith.constant 4 : i32
      %add3A_305 = arith.addi %add3A_277, %add3A_304 : i32
      %lt3A = arith.constant 78 : i32
      %lt3A_306 = arith.cmpi slt, %add3A_305, %lt3A : i32
      %convert_element_type3A = arith.extui %lt3A_306 : i1 to i32
      %cond3A = arith.constant 0 : i32
      %cond3A_307 = arith.cmpi ne, %convert_element_type3A, %cond3A : i32
      scf.if %cond3A_307 {
        %add3A_447 = arith.constant 4 : i32
        %add3A_448 = arith.addi %add3A_277, %add3A_447 : i32
        %mul3A_449 = arith.constant 128 : i32
        %mul3A_450 = arith.muli %add3A_448, %mul3A_449 : i32
        %add3A_451 = arith.addi %mul3A_4, %mul3A_450 : i32
        %dma_start3A_452 = arith.constant 0 : i32
        %dma_start3A_453 = arith.constant 0 : i32
        %dma_start3A_454 = arith.constant 0 : i32
        %dma_start3A_455 = arith.constant 0 : i32
        %dma_start3A_456 = tpu.memref_slice %arg6[%dma_start3A_453, %dma_start3A_455] : memref<4x128xi32, #tpu.memory_space<vmem>> -> memref<1x128xi32, #tpu.memory_space<vmem>>
        %dma_start3A_457 = tpu.memref_squeeze %dma_start3A_456 : memref<1x128xi32, #tpu.memory_space<vmem>> -> memref<128xi32, #tpu.memory_space<vmem>>
        %dma_start3A_458 = tpu.memref_slice %arg3[%dma_start3A_452, %add3A_451] : memref<2x320000xi32, #tpu.memory_space<hbm>> -> memref<1x128xi32, #tpu.memory_space<hbm>>
        %dma_start3A_459 = tpu.memref_squeeze %dma_start3A_458 : memref<1x128xi32, #tpu.memory_space<hbm>> -> memref<128xi32, #tpu.memory_space<hbm>>
        %dma_start3A_460 = tpu.memref_slice %arg12[%dma_start3A_454] : memref<4x!tpu.dma_semaphore, #tpu.memory_space<semaphore_mem>> -> memref<1x!tpu.dma_semaphore, #tpu.memory_space<semaphore_mem>>
        %dma_start3A_461 = tpu.memref_squeeze %dma_start3A_460 : memref<1x!tpu.dma_semaphore, #tpu.memory_space<semaphore_mem>> -> memref<!tpu.dma_semaphore, #tpu.memory_space<semaphore_mem>>
        %dma_start3A_462 = arith.constant 0 : i32
        %dma_start3A_463 = tpu.memref_slice %arg6[%dma_start3A_453, %dma_start3A_462] : memref<4x128xi32, #tpu.memory_space<vmem>> -> memref<1x128xi32, #tpu.memory_space<vmem>>
        %dma_start3A_464 = tpu.memref_squeeze %dma_start3A_463 : memref<1x128xi32, #tpu.memory_space<vmem>> -> memref<128xi32, #tpu.memory_space<vmem>>
        %dma_start3A_465 = tpu.memref_slice %arg3[%dma_start3A_452, %add3A_451] : memref<2x320000xi32, #tpu.memory_space<hbm>> -> memref<1x128xi32, #tpu.memory_space<hbm>>
        %dma_start3A_466 = tpu.memref_squeeze %dma_start3A_465 : memref<1x128xi32, #tpu.memory_space<hbm>> -> memref<128xi32, #tpu.memory_space<hbm>>
        tpu.enqueue_dma source(%dma_start3A_466 : memref<128xi32, #tpu.memory_space<hbm>>) target(%dma_start3A_464 : memref<128xi32, #tpu.memory_space<vmem>>) target_semaphore(%dma_start3A_461 : memref<!tpu.dma_semaphore, #tpu.memory_space<semaphore_mem>>)
        %add3A_467 = arith.constant 4 : i32
        %add3A_468 = arith.addi %add3A_277, %add3A_467 : i32
        %mul3A_469 = arith.constant 128 : i32
        %mul3A_470 = arith.muli %add3A_468, %mul3A_469 : i32
        %add3A_471 = arith.addi %mul3A_4, %mul3A_470 : i32
        %dma_start3A_472 = arith.constant 1 : i32
        %dma_start3A_473 = arith.constant 0 : i32
        %dma_start3A_474 = arith.constant 0 : i32
        %dma_start3A_475 = arith.constant 0 : i32
        %dma_start3A_476 = tpu.memref_slice %arg7[%dma_start3A_473, %dma_start3A_475] : memref<4x128xi32, #tpu.memory_space<vmem>> -> memref<1x128xi32, #tpu.memory_space<vmem>>
        %dma_start3A_477 = tpu.memref_squeeze %dma_start3A_476 : memref<1x128xi32, #tpu.memory_space<vmem>> -> memref<128xi32, #tpu.memory_space<vmem>>
        %dma_start3A_478 = tpu.memref_slice %arg3[%dma_start3A_472, %add3A_471] : memref<2x320000xi32, #tpu.memory_space<hbm>> -> memref<1x128xi32, #tpu.memory_space<hbm>>
        %dma_start3A_479 = tpu.memref_squeeze %dma_start3A_478 : memref<1x128xi32, #tpu.memory_space<hbm>> -> memref<128xi32, #tpu.memory_space<hbm>>
        %dma_start3A_480 = tpu.memref_slice %arg13[%dma_start3A_474] : memref<4x!tpu.dma_semaphore, #tpu.memory_space<semaphore_mem>> -> memref<1x!tpu.dma_semaphore, #tpu.memory_space<semaphore_mem>>
        %dma_start3A_481 = tpu.memref_squeeze %dma_start3A_480 : memref<1x!tpu.dma_semaphore, #tpu.memory_space<semaphore_mem>> -> memref<!tpu.dma_semaphore, #tpu.memory_space<semaphore_mem>>
        %dma_start3A_482 = arith.constant 0 : i32
        %dma_start3A_483 = tpu.memref_slice %arg7[%dma_start3A_473, %dma_start3A_482] : memref<4x128xi32, #tpu.memory_space<vmem>> -> memref<1x128xi32, #tpu.memory_space<vmem>>
        %dma_start3A_484 = tpu.memref_squeeze %dma_start3A_483 : memref<1x128xi32, #tpu.memory_space<vmem>> -> memref<128xi32, #tpu.memory_space<vmem>>
        %dma_start3A_485 = tpu.memref_slice %arg3[%dma_start3A_472, %add3A_471] : memref<2x320000xi32, #tpu.memory_space<hbm>> -> memref<1x128xi32, #tpu.memory_space<hbm>>
        %dma_start3A_486 = tpu.memref_squeeze %dma_start3A_485 : memref<1x128xi32, #tpu.memory_space<hbm>> -> memref<128xi32, #tpu.memory_space<hbm>>
        tpu.enqueue_dma source(%dma_start3A_486 : memref<128xi32, #tpu.memory_space<hbm>>) target(%dma_start3A_484 : memref<128xi32, #tpu.memory_space<vmem>>) target_semaphore(%dma_start3A_481 : memref<!tpu.dma_semaphore, #tpu.memory_space<semaphore_mem>>)
      } else {
      }
      %add3A_308 = arith.constant 2 : i32
      %add3A_309 = arith.addi %add3A_277, %add3A_308 : i32
      %lt3A_310 = arith.constant 78 : i32
      %lt3A_311 = arith.cmpi slt, %add3A_309, %lt3A_310 : i32
      %convert_element_type3A_312 = arith.extui %lt3A_311 : i1 to i32
      %cond3A_313 = arith.constant 0 : i32
      %cond3A_314 = arith.cmpi ne, %convert_element_type3A_312, %cond3A_313 : i32
      scf.if %cond3A_314 {
        %add3A_447 = arith.constant 2 : i32
        %add3A_448 = arith.addi %add3A_277, %add3A_447 : i32
        %mul3A_449 = arith.constant 128 : i32
        %mul3A_450 = arith.muli %add3A_448, %mul3A_449 : i32
        %add3A_451 = arith.addi %mul3A_4, %mul3A_450 : i32
        %dma_wait3A_452 = arith.constant 0 : i32
        %dma_wait3A_453 = arith.constant 2 : i32
        %dma_wait3A_454 = arith.constant 2 : i32
        %dma_wait3A_455 = arith.constant 0 : i32
        %dma_wait3A_456 = tpu.memref_slice %arg6[%dma_wait3A_453, %dma_wait3A_455] : memref<4x128xi32, #tpu.memory_space<vmem>> -> memref<1x128xi32, #tpu.memory_space<vmem>>
        %dma_wait3A_457 = tpu.memref_squeeze %dma_wait3A_456 : memref<1x128xi32, #tpu.memory_space<vmem>> -> memref<128xi32, #tpu.memory_space<vmem>>
        %dma_wait3A_458 = tpu.memref_slice %arg3[%dma_wait3A_452, %add3A_451] : memref<2x320000xi32, #tpu.memory_space<hbm>> -> memref<1x128xi32, #tpu.memory_space<hbm>>
        %dma_wait3A_459 = tpu.memref_squeeze %dma_wait3A_458 : memref<1x128xi32, #tpu.memory_space<hbm>> -> memref<128xi32, #tpu.memory_space<hbm>>
        %dma_wait3A_460 = tpu.memref_slice %arg12[%dma_wait3A_454] : memref<4x!tpu.dma_semaphore, #tpu.memory_space<semaphore_mem>> -> memref<1x!tpu.dma_semaphore, #tpu.memory_space<semaphore_mem>>
        %dma_wait3A_461 = tpu.memref_squeeze %dma_wait3A_460 : memref<1x!tpu.dma_semaphore, #tpu.memory_space<semaphore_mem>> -> memref<!tpu.dma_semaphore, #tpu.memory_space<semaphore_mem>>
        %dma_wait3A_462 = arith.constant 0 : i32
        %dma_wait3A_463 = tpu.memref_slice %arg6[%dma_wait3A_453, %dma_wait3A_462] : memref<4x128xi32, #tpu.memory_space<vmem>> -> memref<1x128xi32, #tpu.memory_space<vmem>>
        %dma_wait3A_464 = tpu.memref_squeeze %dma_wait3A_463 : memref<1x128xi32, #tpu.memory_space<vmem>> -> memref<128xi32, #tpu.memory_space<vmem>>
        %dma_wait3A_465 = tpu.memref_slice %arg3[%dma_wait3A_452, %add3A_451] : memref<2x320000xi32, #tpu.memory_space<hbm>> -> memref<1x128xi32, #tpu.memory_space<hbm>>
        %dma_wait3A_466 = tpu.memref_squeeze %dma_wait3A_465 : memref<1x128xi32, #tpu.memory_space<hbm>> -> memref<128xi32, #tpu.memory_space<hbm>>
        tpu.wait_dma2 semaphore(%dma_wait3A_461 : memref<!tpu.dma_semaphore, #tpu.memory_space<semaphore_mem>>) src(%dma_wait3A_466 : memref<128xi32, #tpu.memory_space<hbm>>) dst(%dma_wait3A_464 : memref<128xi32, #tpu.memory_space<vmem>>)
        %dma_start3A_467 = arith.constant 2 : i32
        %dma_start3A_468 = arith.constant 0 : i32
        %dma_start3A_469 = tpu.memref_slice %arg6[%dma_start3A_467, %dma_start3A_468] : memref<4x128xi32, #tpu.memory_space<vmem>> -> memref<1x128xi32, #tpu.memory_space<vmem>>
        %dma_start3A_470 = tpu.memref_squeeze %dma_start3A_469 : memref<1x128xi32, #tpu.memory_space<vmem>> -> memref<128xi32, #tpu.memory_space<vmem>>
        %dma_start3A_471 = arith.constant 0 : i32
        %dma_start3A_472 = arith.constant 0 : i32
        %dma_start3A_473 = tpu.memref_slice %arg2[%dma_start3A_471, %dma_start3A_472] : memref<10240x64xf32, #tpu.memory_space<hbm>> -> memref<10240x64xf32, #tpu.memory_space<hbm>>
        tpu.enqueue_indirect_dma source(%dma_start3A_473 : memref<10240x64xf32, #tpu.memory_space<hbm>>) target(%arg10 : memref<128x64xf32, #tpu.memory_space<vmem>>) offsets(%dma_start3A_470 : memref<128xi32, #tpu.memory_space<vmem>>) semaphore(%arg14 : memref<!tpu.dma_semaphore, #tpu.memory_space<semaphore_mem>>)
      } else {
      }
      %mul3A_315 = arith.constant 4 : i32
      %mul3A_316 = arith.muli %mul3A_315, %scan3A_273 : i32
      %add3A_317 = arith.constant 1 : i32
      %add3A_318 = arith.addi %mul3A_316, %add3A_317 : i32
      %dma_wait3A_319 = arith.constant 1 : i32
      %dma_wait3A_320 = arith.constant 0 : i32
      %dma_wait3A_321 = tpu.memref_slice %arg6[%dma_wait3A_319, %dma_wait3A_320] : memref<4x128xi32, #tpu.memory_space<vmem>> -> memref<1x128xi32, #tpu.memory_space<vmem>>
      %dma_wait3A_322 = tpu.memref_squeeze %dma_wait3A_321 : memref<1x128xi32, #tpu.memory_space<vmem>> -> memref<128xi32, #tpu.memory_space<vmem>>
      %dma_wait3A_323 = arith.constant 0 : i32
      %dma_wait3A_324 = arith.constant 0 : i32
      %dma_wait3A_325 = tpu.memref_slice %arg2[%dma_wait3A_323, %dma_wait3A_324] : memref<10240x64xf32, #tpu.memory_space<hbm>> -> memref<10240x64xf32, #tpu.memory_space<hbm>>
      tpu.wait_indirect_dma semaphore(%arg15 : memref<!tpu.dma_semaphore, #tpu.memory_space<semaphore_mem>>) src(%dma_wait3A_325 : memref<10240x64xf32, #tpu.memory_space<hbm>>) dst(%arg11 : memref<128x64xf32, #tpu.memory_space<vmem>>)
      %mul3A_326 = arith.constant 128 : i32
      %mul3A_327 = arith.muli %add3A_318, %mul3A_326 : i32
      %add3A_328 = arith.addi %mul3A_4, %mul3A_327 : i32
      %dma_wait3A_329 = arith.constant 1 : i32
      %dma_wait3A_330 = arith.constant 1 : i32
      %dma_wait3A_331 = arith.constant 1 : i32
      %dma_wait3A_332 = arith.constant 0 : i32
      %dma_wait3A_333 = tpu.memref_slice %arg7[%dma_wait3A_330, %dma_wait3A_332] : memref<4x128xi32, #tpu.memory_space<vmem>> -> memref<1x128xi32, #tpu.memory_space<vmem>>
      %dma_wait3A_334 = tpu.memref_squeeze %dma_wait3A_333 : memref<1x128xi32, #tpu.memory_space<vmem>> -> memref<128xi32, #tpu.memory_space<vmem>>
      %dma_wait3A_335 = tpu.memref_slice %arg3[%dma_wait3A_329, %add3A_328] : memref<2x320000xi32, #tpu.memory_space<hbm>> -> memref<1x128xi32, #tpu.memory_space<hbm>>
      %dma_wait3A_336 = tpu.memref_squeeze %dma_wait3A_335 : memref<1x128xi32, #tpu.memory_space<hbm>> -> memref<128xi32, #tpu.memory_space<hbm>>
      %dma_wait3A_337 = tpu.memref_slice %arg13[%dma_wait3A_331] : memref<4x!tpu.dma_semaphore, #tpu.memory_space<semaphore_mem>> -> memref<1x!tpu.dma_semaphore, #tpu.memory_space<semaphore_mem>>
      %dma_wait3A_338 = tpu.memref_squeeze %dma_wait3A_337 : memref<1x!tpu.dma_semaphore, #tpu.memory_space<semaphore_mem>> -> memref<!tpu.dma_semaphore, #tpu.memory_space<semaphore_mem>>
      %dma_wait3A_339 = arith.constant 0 : i32
      %dma_wait3A_340 = tpu.memref_slice %arg7[%dma_wait3A_330, %dma_wait3A_339] : memref<4x128xi32, #tpu.memory_space<vmem>> -> memref<1x128xi32, #tpu.memory_space<vmem>>
      %dma_wait3A_341 = tpu.memref_squeeze %dma_wait3A_340 : memref<1x128xi32, #tpu.memory_space<vmem>> -> memref<128xi32, #tpu.memory_space<vmem>>
      %dma_wait3A_342 = tpu.memref_slice %arg3[%dma_wait3A_329, %add3A_328] : memref<2x320000xi32, #tpu.memory_space<hbm>> -> memref<1x128xi32, #tpu.memory_space<hbm>>
      %dma_wait3A_343 = tpu.memref_squeeze %dma_wait3A_342 : memref<1x128xi32, #tpu.memory_space<hbm>> -> memref<128xi32, #tpu.memory_space<hbm>>
      tpu.wait_dma2 semaphore(%dma_wait3A_338 : memref<!tpu.dma_semaphore, #tpu.memory_space<semaphore_mem>>) src(%dma_wait3A_343 : memref<128xi32, #tpu.memory_space<hbm>>) dst(%dma_wait3A_341 : memref<128xi32, #tpu.memory_space<vmem>>)
      %run_scoped3A_344 = arith.constant 1 : i32
      "tpu.region"() ({
        %run_scoped3A_447 = tpu.sem_alloc : memref<!tpu.dma_semaphore, #tpu.memory_space<semaphore_mem>>
        %dma_start3A_448 = arith.constant 0 : i32
        %dma_start3A_449 = tpu.memref_slice %arg7[%run_scoped3A_344, %dma_start3A_448] : memref<4x128xi32, #tpu.memory_space<vmem>> -> memref<1x128xi32, #tpu.memory_space<vmem>>
        %dma_start3A_450 = tpu.memref_squeeze %dma_start3A_449 : memref<1x128xi32, #tpu.memory_space<vmem>> -> memref<128xi32, #tpu.memory_space<vmem>>
        %dma_start3A_451 = arith.constant 0 : i32
        %dma_start3A_452 = arith.constant 0 : i32
        %dma_start3A_453 = tpu.memref_slice %arg5[%dma_start3A_451, %dma_start3A_452] : memref<10240x64xf32, #tpu.memory_space<vmem_shared>> -> memref<10240x64xf32, #tpu.memory_space<vmem_shared>>
        tpu.enqueue_indirect_dma source(%arg11 : memref<128x64xf32, #tpu.memory_space<vmem>>) target(%dma_start3A_453 : memref<10240x64xf32, #tpu.memory_space<vmem_shared>>) offsets(%dma_start3A_450 : memref<128xi32, #tpu.memory_space<vmem>>) semaphore(%run_scoped3A_447 : memref<!tpu.dma_semaphore, #tpu.memory_space<semaphore_mem>>) {add = true}
        %dma_wait3A_454 = arith.constant 0 : i32
        %dma_wait3A_455 = tpu.memref_slice %arg7[%run_scoped3A_344, %dma_wait3A_454] : memref<4x128xi32, #tpu.memory_space<vmem>> -> memref<1x128xi32, #tpu.memory_space<vmem>>
        %dma_wait3A_456 = tpu.memref_squeeze %dma_wait3A_455 : memref<1x128xi32, #tpu.memory_space<vmem>> -> memref<128xi32, #tpu.memory_space<vmem>>
        %dma_wait3A_457 = arith.constant 0 : i32
        %dma_wait3A_458 = arith.constant 0 : i32
        %dma_wait3A_459 = tpu.memref_slice %arg5[%dma_wait3A_457, %dma_wait3A_458] : memref<10240x64xf32, #tpu.memory_space<vmem_shared>> -> memref<10240x64xf32, #tpu.memory_space<vmem_shared>>
        tpu.wait_indirect_dma semaphore(%run_scoped3A_447 : memref<!tpu.dma_semaphore, #tpu.memory_space<semaphore_mem>>) src(%arg11 : memref<128x64xf32, #tpu.memory_space<vmem>>) dst(%dma_wait3A_459 : memref<10240x64xf32, #tpu.memory_space<vmem_shared>>)
        tpu.yield
      }) : () -> ()
      %add3A_345 = arith.constant 4 : i32
      %add3A_346 = arith.addi %add3A_318, %add3A_345 : i32
      %lt3A_347 = arith.constant 78 : i32
      %lt3A_348 = arith.cmpi slt, %add3A_346, %lt3A_347 : i32
      %convert_element_type3A_349 = arith.extui %lt3A_348 : i1 to i32
      %cond3A_350 = arith.constant 0 : i32
      %cond3A_351 = arith.cmpi ne, %convert_element_type3A_349, %cond3A_350 : i32
      scf.if %cond3A_351 {
        %add3A_447 = arith.constant 4 : i32
        %add3A_448 = arith.addi %add3A_318, %add3A_447 : i32
        %mul3A_449 = arith.constant 128 : i32
        %mul3A_450 = arith.muli %add3A_448, %mul3A_449 : i32
        %add3A_451 = arith.addi %mul3A_4, %mul3A_450 : i32
        %dma_start3A_452 = arith.constant 0 : i32
        %dma_start3A_453 = arith.constant 1 : i32
        %dma_start3A_454 = arith.constant 1 : i32
        %dma_start3A_455 = arith.constant 0 : i32
        %dma_start3A_456 = tpu.memref_slice %arg6[%dma_start3A_453, %dma_start3A_455] : memref<4x128xi32, #tpu.memory_space<vmem>> -> memref<1x128xi32, #tpu.memory_space<vmem>>
        %dma_start3A_457 = tpu.memref_squeeze %dma_start3A_456 : memref<1x128xi32, #tpu.memory_space<vmem>> -> memref<128xi32, #tpu.memory_space<vmem>>
        %dma_start3A_458 = tpu.memref_slice %arg3[%dma_start3A_452, %add3A_451] : memref<2x320000xi32, #tpu.memory_space<hbm>> -> memref<1x128xi32, #tpu.memory_space<hbm>>
        %dma_start3A_459 = tpu.memref_squeeze %dma_start3A_458 : memref<1x128xi32, #tpu.memory_space<hbm>> -> memref<128xi32, #tpu.memory_space<hbm>>
        %dma_start3A_460 = tpu.memref_slice %arg12[%dma_start3A_454] : memref<4x!tpu.dma_semaphore, #tpu.memory_space<semaphore_mem>> -> memref<1x!tpu.dma_semaphore, #tpu.memory_space<semaphore_mem>>
        %dma_start3A_461 = tpu.memref_squeeze %dma_start3A_460 : memref<1x!tpu.dma_semaphore, #tpu.memory_space<semaphore_mem>> -> memref<!tpu.dma_semaphore, #tpu.memory_space<semaphore_mem>>
        %dma_start3A_462 = arith.constant 0 : i32
        %dma_start3A_463 = tpu.memref_slice %arg6[%dma_start3A_453, %dma_start3A_462] : memref<4x128xi32, #tpu.memory_space<vmem>> -> memref<1x128xi32, #tpu.memory_space<vmem>>
        %dma_start3A_464 = tpu.memref_squeeze %dma_start3A_463 : memref<1x128xi32, #tpu.memory_space<vmem>> -> memref<128xi32, #tpu.memory_space<vmem>>
        %dma_start3A_465 = tpu.memref_slice %arg3[%dma_start3A_452, %add3A_451] : memref<2x320000xi32, #tpu.memory_space<hbm>> -> memref<1x128xi32, #tpu.memory_space<hbm>>
        %dma_start3A_466 = tpu.memref_squeeze %dma_start3A_465 : memref<1x128xi32, #tpu.memory_space<hbm>> -> memref<128xi32, #tpu.memory_space<hbm>>
        tpu.enqueue_dma source(%dma_start3A_466 : memref<128xi32, #tpu.memory_space<hbm>>) target(%dma_start3A_464 : memref<128xi32, #tpu.memory_space<vmem>>) target_semaphore(%dma_start3A_461 : memref<!tpu.dma_semaphore, #tpu.memory_space<semaphore_mem>>)
        %add3A_467 = arith.constant 4 : i32
        %add3A_468 = arith.addi %add3A_318, %add3A_467 : i32
        %mul3A_469 = arith.constant 128 : i32
        %mul3A_470 = arith.muli %add3A_468, %mul3A_469 : i32
        %add3A_471 = arith.addi %mul3A_4, %mul3A_470 : i32
        %dma_start3A_472 = arith.constant 1 : i32
        %dma_start3A_473 = arith.constant 1 : i32
        %dma_start3A_474 = arith.constant 1 : i32
        %dma_start3A_475 = arith.constant 0 : i32
        %dma_start3A_476 = tpu.memref_slice %arg7[%dma_start3A_473, %dma_start3A_475] : memref<4x128xi32, #tpu.memory_space<vmem>> -> memref<1x128xi32, #tpu.memory_space<vmem>>
        %dma_start3A_477 = tpu.memref_squeeze %dma_start3A_476 : memref<1x128xi32, #tpu.memory_space<vmem>> -> memref<128xi32, #tpu.memory_space<vmem>>
        %dma_start3A_478 = tpu.memref_slice %arg3[%dma_start3A_472, %add3A_471] : memref<2x320000xi32, #tpu.memory_space<hbm>> -> memref<1x128xi32, #tpu.memory_space<hbm>>
        %dma_start3A_479 = tpu.memref_squeeze %dma_start3A_478 : memref<1x128xi32, #tpu.memory_space<hbm>> -> memref<128xi32, #tpu.memory_space<hbm>>
        %dma_start3A_480 = tpu.memref_slice %arg13[%dma_start3A_474] : memref<4x!tpu.dma_semaphore, #tpu.memory_space<semaphore_mem>> -> memref<1x!tpu.dma_semaphore, #tpu.memory_space<semaphore_mem>>
        %dma_start3A_481 = tpu.memref_squeeze %dma_start3A_480 : memref<1x!tpu.dma_semaphore, #tpu.memory_space<semaphore_mem>> -> memref<!tpu.dma_semaphore, #tpu.memory_space<semaphore_mem>>
        %dma_start3A_482 = arith.constant 0 : i32
        %dma_start3A_483 = tpu.memref_slice %arg7[%dma_start3A_473, %dma_start3A_482] : memref<4x128xi32, #tpu.memory_space<vmem>> -> memref<1x128xi32, #tpu.memory_space<vmem>>
        %dma_start3A_484 = tpu.memref_squeeze %dma_start3A_483 : memref<1x128xi32, #tpu.memory_space<vmem>> -> memref<128xi32, #tpu.memory_space<vmem>>
        %dma_start3A_485 = tpu.memref_slice %arg3[%dma_start3A_472, %add3A_471] : memref<2x320000xi32, #tpu.memory_space<hbm>> -> memref<1x128xi32, #tpu.memory_space<hbm>>
        %dma_start3A_486 = tpu.memref_squeeze %dma_start3A_485 : memref<1x128xi32, #tpu.memory_space<hbm>> -> memref<128xi32, #tpu.memory_space<hbm>>
        tpu.enqueue_dma source(%dma_start3A_486 : memref<128xi32, #tpu.memory_space<hbm>>) target(%dma_start3A_484 : memref<128xi32, #tpu.memory_space<vmem>>) target_semaphore(%dma_start3A_481 : memref<!tpu.dma_semaphore, #tpu.memory_space<semaphore_mem>>)
      } else {
      }
      %add3A_352 = arith.constant 2 : i32
      %add3A_353 = arith.addi %add3A_318, %add3A_352 : i32
      %lt3A_354 = arith.constant 78 : i32
      %lt3A_355 = arith.cmpi slt, %add3A_353, %lt3A_354 : i32
      %convert_element_type3A_356 = arith.extui %lt3A_355 : i1 to i32
      %cond3A_357 = arith.constant 0 : i32
      %cond3A_358 = arith.cmpi ne, %convert_element_type3A_356, %cond3A_357 : i32
      scf.if %cond3A_358 {
        %add3A_447 = arith.constant 2 : i32
        %add3A_448 = arith.addi %add3A_318, %add3A_447 : i32
        %mul3A_449 = arith.constant 128 : i32
        %mul3A_450 = arith.muli %add3A_448, %mul3A_449 : i32
        %add3A_451 = arith.addi %mul3A_4, %mul3A_450 : i32
        %dma_wait3A_452 = arith.constant 0 : i32
        %dma_wait3A_453 = arith.constant 3 : i32
        %dma_wait3A_454 = arith.constant 3 : i32
        %dma_wait3A_455 = arith.constant 0 : i32
        %dma_wait3A_456 = tpu.memref_slice %arg6[%dma_wait3A_453, %dma_wait3A_455] : memref<4x128xi32, #tpu.memory_space<vmem>> -> memref<1x128xi32, #tpu.memory_space<vmem>>
        %dma_wait3A_457 = tpu.memref_squeeze %dma_wait3A_456 : memref<1x128xi32, #tpu.memory_space<vmem>> -> memref<128xi32, #tpu.memory_space<vmem>>
        %dma_wait3A_458 = tpu.memref_slice %arg3[%dma_wait3A_452, %add3A_451] : memref<2x320000xi32, #tpu.memory_space<hbm>> -> memref<1x128xi32, #tpu.memory_space<hbm>>
        %dma_wait3A_459 = tpu.memref_squeeze %dma_wait3A_458 : memref<1x128xi32, #tpu.memory_space<hbm>> -> memref<128xi32, #tpu.memory_space<hbm>>
        %dma_wait3A_460 = tpu.memref_slice %arg12[%dma_wait3A_454] : memref<4x!tpu.dma_semaphore, #tpu.memory_space<semaphore_mem>> -> memref<1x!tpu.dma_semaphore, #tpu.memory_space<semaphore_mem>>
        %dma_wait3A_461 = tpu.memref_squeeze %dma_wait3A_460 : memref<1x!tpu.dma_semaphore, #tpu.memory_space<semaphore_mem>> -> memref<!tpu.dma_semaphore, #tpu.memory_space<semaphore_mem>>
        %dma_wait3A_462 = arith.constant 0 : i32
        %dma_wait3A_463 = tpu.memref_slice %arg6[%dma_wait3A_453, %dma_wait3A_462] : memref<4x128xi32, #tpu.memory_space<vmem>> -> memref<1x128xi32, #tpu.memory_space<vmem>>
        %dma_wait3A_464 = tpu.memref_squeeze %dma_wait3A_463 : memref<1x128xi32, #tpu.memory_space<vmem>> -> memref<128xi32, #tpu.memory_space<vmem>>
        %dma_wait3A_465 = tpu.memref_slice %arg3[%dma_wait3A_452, %add3A_451] : memref<2x320000xi32, #tpu.memory_space<hbm>> -> memref<1x128xi32, #tpu.memory_space<hbm>>
        %dma_wait3A_466 = tpu.memref_squeeze %dma_wait3A_465 : memref<1x128xi32, #tpu.memory_space<hbm>> -> memref<128xi32, #tpu.memory_space<hbm>>
        tpu.wait_dma2 semaphore(%dma_wait3A_461 : memref<!tpu.dma_semaphore, #tpu.memory_space<semaphore_mem>>) src(%dma_wait3A_466 : memref<128xi32, #tpu.memory_space<hbm>>) dst(%dma_wait3A_464 : memref<128xi32, #tpu.memory_space<vmem>>)
        %dma_start3A_467 = arith.constant 3 : i32
        %dma_start3A_468 = arith.constant 0 : i32
        %dma_start3A_469 = tpu.memref_slice %arg6[%dma_start3A_467, %dma_start3A_468] : memref<4x128xi32, #tpu.memory_space<vmem>> -> memref<1x128xi32, #tpu.memory_space<vmem>>
        %dma_start3A_470 = tpu.memref_squeeze %dma_start3A_469 : memref<1x128xi32, #tpu.memory_space<vmem>> -> memref<128xi32, #tpu.memory_space<vmem>>
        %dma_start3A_471 = arith.constant 0 : i32
        %dma_start3A_472 = arith.constant 0 : i32
        %dma_start3A_473 = tpu.memref_slice %arg2[%dma_start3A_471, %dma_start3A_472] : memref<10240x64xf32, #tpu.memory_space<hbm>> -> memref<10240x64xf32, #tpu.memory_space<hbm>>
        tpu.enqueue_indirect_dma source(%dma_start3A_473 : memref<10240x64xf32, #tpu.memory_space<hbm>>) target(%arg11 : memref<128x64xf32, #tpu.memory_space<vmem>>) offsets(%dma_start3A_470 : memref<128xi32, #tpu.memory_space<vmem>>) semaphore(%arg15 : memref<!tpu.dma_semaphore, #tpu.memory_space<semaphore_mem>>)
      } else {
      }
      %mul3A_359 = arith.constant 4 : i32
      %mul3A_360 = arith.muli %mul3A_359, %scan3A_273 : i32
      %add3A_361 = arith.constant 2 : i32
      %add3A_362 = arith.addi %mul3A_360, %add3A_361 : i32
      %dma_wait3A_363 = arith.constant 2 : i32
      %dma_wait3A_364 = arith.constant 0 : i32
      %dma_wait3A_365 = tpu.memref_slice %arg6[%dma_wait3A_363, %dma_wait3A_364] : memref<4x128xi32, #tpu.memory_space<vmem>> -> memref<1x128xi32, #tpu.memory_space<vmem>>
      %dma_wait3A_366 = tpu.memref_squeeze %dma_wait3A_365 : memref<1x128xi32, #tpu.memory_space<vmem>> -> memref<128xi32, #tpu.memory_space<vmem>>
      %dma_wait3A_367 = arith.constant 0 : i32
      %dma_wait3A_368 = arith.constant 0 : i32
      %dma_wait3A_369 = tpu.memref_slice %arg2[%dma_wait3A_367, %dma_wait3A_368] : memref<10240x64xf32, #tpu.memory_space<hbm>> -> memref<10240x64xf32, #tpu.memory_space<hbm>>
      tpu.wait_indirect_dma semaphore(%arg14 : memref<!tpu.dma_semaphore, #tpu.memory_space<semaphore_mem>>) src(%dma_wait3A_369 : memref<10240x64xf32, #tpu.memory_space<hbm>>) dst(%arg10 : memref<128x64xf32, #tpu.memory_space<vmem>>)
      %mul3A_370 = arith.constant 128 : i32
      %mul3A_371 = arith.muli %add3A_362, %mul3A_370 : i32
      %add3A_372 = arith.addi %mul3A_4, %mul3A_371 : i32
      %dma_wait3A_373 = arith.constant 1 : i32
      %dma_wait3A_374 = arith.constant 2 : i32
      %dma_wait3A_375 = arith.constant 2 : i32
      %dma_wait3A_376 = arith.constant 0 : i32
      %dma_wait3A_377 = tpu.memref_slice %arg7[%dma_wait3A_374, %dma_wait3A_376] : memref<4x128xi32, #tpu.memory_space<vmem>> -> memref<1x128xi32, #tpu.memory_space<vmem>>
      %dma_wait3A_378 = tpu.memref_squeeze %dma_wait3A_377 : memref<1x128xi32, #tpu.memory_space<vmem>> -> memref<128xi32, #tpu.memory_space<vmem>>
      %dma_wait3A_379 = tpu.memref_slice %arg3[%dma_wait3A_373, %add3A_372] : memref<2x320000xi32, #tpu.memory_space<hbm>> -> memref<1x128xi32, #tpu.memory_space<hbm>>
      %dma_wait3A_380 = tpu.memref_squeeze %dma_wait3A_379 : memref<1x128xi32, #tpu.memory_space<hbm>> -> memref<128xi32, #tpu.memory_space<hbm>>
      %dma_wait3A_381 = tpu.memref_slice %arg13[%dma_wait3A_375] : memref<4x!tpu.dma_semaphore, #tpu.memory_space<semaphore_mem>> -> memref<1x!tpu.dma_semaphore, #tpu.memory_space<semaphore_mem>>
      %dma_wait3A_382 = tpu.memref_squeeze %dma_wait3A_381 : memref<1x!tpu.dma_semaphore, #tpu.memory_space<semaphore_mem>> -> memref<!tpu.dma_semaphore, #tpu.memory_space<semaphore_mem>>
      %dma_wait3A_383 = arith.constant 0 : i32
      %dma_wait3A_384 = tpu.memref_slice %arg7[%dma_wait3A_374, %dma_wait3A_383] : memref<4x128xi32, #tpu.memory_space<vmem>> -> memref<1x128xi32, #tpu.memory_space<vmem>>
      %dma_wait3A_385 = tpu.memref_squeeze %dma_wait3A_384 : memref<1x128xi32, #tpu.memory_space<vmem>> -> memref<128xi32, #tpu.memory_space<vmem>>
      %dma_wait3A_386 = tpu.memref_slice %arg3[%dma_wait3A_373, %add3A_372] : memref<2x320000xi32, #tpu.memory_space<hbm>> -> memref<1x128xi32, #tpu.memory_space<hbm>>
      %dma_wait3A_387 = tpu.memref_squeeze %dma_wait3A_386 : memref<1x128xi32, #tpu.memory_space<hbm>> -> memref<128xi32, #tpu.memory_space<hbm>>
      tpu.wait_dma2 semaphore(%dma_wait3A_382 : memref<!tpu.dma_semaphore, #tpu.memory_space<semaphore_mem>>) src(%dma_wait3A_387 : memref<128xi32, #tpu.memory_space<hbm>>) dst(%dma_wait3A_385 : memref<128xi32, #tpu.memory_space<vmem>>)
      %run_scoped3A_388 = arith.constant 2 : i32
      "tpu.region"() ({
        %run_scoped3A_447 = tpu.sem_alloc : memref<!tpu.dma_semaphore, #tpu.memory_space<semaphore_mem>>
        %dma_start3A_448 = arith.constant 0 : i32
        %dma_start3A_449 = tpu.memref_slice %arg7[%run_scoped3A_388, %dma_start3A_448] : memref<4x128xi32, #tpu.memory_space<vmem>> -> memref<1x128xi32, #tpu.memory_space<vmem>>
        %dma_start3A_450 = tpu.memref_squeeze %dma_start3A_449 : memref<1x128xi32, #tpu.memory_space<vmem>> -> memref<128xi32, #tpu.memory_space<vmem>>
        %dma_start3A_451 = arith.constant 0 : i32
        %dma_start3A_452 = arith.constant 0 : i32
        %dma_start3A_453 = tpu.memref_slice %arg5[%dma_start3A_451, %dma_start3A_452] : memref<10240x64xf32, #tpu.memory_space<vmem_shared>> -> memref<10240x64xf32, #tpu.memory_space<vmem_shared>>
        tpu.enqueue_indirect_dma source(%arg10 : memref<128x64xf32, #tpu.memory_space<vmem>>) target(%dma_start3A_453 : memref<10240x64xf32, #tpu.memory_space<vmem_shared>>) offsets(%dma_start3A_450 : memref<128xi32, #tpu.memory_space<vmem>>) semaphore(%run_scoped3A_447 : memref<!tpu.dma_semaphore, #tpu.memory_space<semaphore_mem>>) {add = true}
        %dma_wait3A_454 = arith.constant 0 : i32
        %dma_wait3A_455 = tpu.memref_slice %arg7[%run_scoped3A_388, %dma_wait3A_454] : memref<4x128xi32, #tpu.memory_space<vmem>> -> memref<1x128xi32, #tpu.memory_space<vmem>>
        %dma_wait3A_456 = tpu.memref_squeeze %dma_wait3A_455 : memref<1x128xi32, #tpu.memory_space<vmem>> -> memref<128xi32, #tpu.memory_space<vmem>>
        %dma_wait3A_457 = arith.constant 0 : i32
        %dma_wait3A_458 = arith.constant 0 : i32
        %dma_wait3A_459 = tpu.memref_slice %arg5[%dma_wait3A_457, %dma_wait3A_458] : memref<10240x64xf32, #tpu.memory_space<vmem_shared>> -> memref<10240x64xf32, #tpu.memory_space<vmem_shared>>
        tpu.wait_indirect_dma semaphore(%run_scoped3A_447 : memref<!tpu.dma_semaphore, #tpu.memory_space<semaphore_mem>>) src(%arg10 : memref<128x64xf32, #tpu.memory_space<vmem>>) dst(%dma_wait3A_459 : memref<10240x64xf32, #tpu.memory_space<vmem_shared>>)
        tpu.yield
      }) : () -> ()
      %add3A_389 = arith.constant 4 : i32
      %add3A_390 = arith.addi %add3A_362, %add3A_389 : i32
      %lt3A_391 = arith.constant 78 : i32
      %lt3A_392 = arith.cmpi slt, %add3A_390, %lt3A_391 : i32
      %convert_element_type3A_393 = arith.extui %lt3A_392 : i1 to i32
      %cond3A_394 = arith.constant 0 : i32
      %cond3A_395 = arith.cmpi ne, %convert_element_type3A_393, %cond3A_394 : i32
      scf.if %cond3A_395 {
        %add3A_447 = arith.constant 4 : i32
        %add3A_448 = arith.addi %add3A_362, %add3A_447 : i32
        %mul3A_449 = arith.constant 128 : i32
        %mul3A_450 = arith.muli %add3A_448, %mul3A_449 : i32
        %add3A_451 = arith.addi %mul3A_4, %mul3A_450 : i32
        %dma_start3A_452 = arith.constant 0 : i32
        %dma_start3A_453 = arith.constant 2 : i32
        %dma_start3A_454 = arith.constant 2 : i32
        %dma_start3A_455 = arith.constant 0 : i32
        %dma_start3A_456 = tpu.memref_slice %arg6[%dma_start3A_453, %dma_start3A_455] : memref<4x128xi32, #tpu.memory_space<vmem>> -> memref<1x128xi32, #tpu.memory_space<vmem>>
        %dma_start3A_457 = tpu.memref_squeeze %dma_start3A_456 : memref<1x128xi32, #tpu.memory_space<vmem>> -> memref<128xi32, #tpu.memory_space<vmem>>
        %dma_start3A_458 = tpu.memref_slice %arg3[%dma_start3A_452, %add3A_451] : memref<2x320000xi32, #tpu.memory_space<hbm>> -> memref<1x128xi32, #tpu.memory_space<hbm>>
        %dma_start3A_459 = tpu.memref_squeeze %dma_start3A_458 : memref<1x128xi32, #tpu.memory_space<hbm>> -> memref<128xi32, #tpu.memory_space<hbm>>
        %dma_start3A_460 = tpu.memref_slice %arg12[%dma_start3A_454] : memref<4x!tpu.dma_semaphore, #tpu.memory_space<semaphore_mem>> -> memref<1x!tpu.dma_semaphore, #tpu.memory_space<semaphore_mem>>
        %dma_start3A_461 = tpu.memref_squeeze %dma_start3A_460 : memref<1x!tpu.dma_semaphore, #tpu.memory_space<semaphore_mem>> -> memref<!tpu.dma_semaphore, #tpu.memory_space<semaphore_mem>>
        %dma_start3A_462 = arith.constant 0 : i32
        %dma_start3A_463 = tpu.memref_slice %arg6[%dma_start3A_453, %dma_start3A_462] : memref<4x128xi32, #tpu.memory_space<vmem>> -> memref<1x128xi32, #tpu.memory_space<vmem>>
        %dma_start3A_464 = tpu.memref_squeeze %dma_start3A_463 : memref<1x128xi32, #tpu.memory_space<vmem>> -> memref<128xi32, #tpu.memory_space<vmem>>
        %dma_start3A_465 = tpu.memref_slice %arg3[%dma_start3A_452, %add3A_451] : memref<2x320000xi32, #tpu.memory_space<hbm>> -> memref<1x128xi32, #tpu.memory_space<hbm>>
        %dma_start3A_466 = tpu.memref_squeeze %dma_start3A_465 : memref<1x128xi32, #tpu.memory_space<hbm>> -> memref<128xi32, #tpu.memory_space<hbm>>
        tpu.enqueue_dma source(%dma_start3A_466 : memref<128xi32, #tpu.memory_space<hbm>>) target(%dma_start3A_464 : memref<128xi32, #tpu.memory_space<vmem>>) target_semaphore(%dma_start3A_461 : memref<!tpu.dma_semaphore, #tpu.memory_space<semaphore_mem>>)
        %add3A_467 = arith.constant 4 : i32
        %add3A_468 = arith.addi %add3A_362, %add3A_467 : i32
        %mul3A_469 = arith.constant 128 : i32
        %mul3A_470 = arith.muli %add3A_468, %mul3A_469 : i32
        %add3A_471 = arith.addi %mul3A_4, %mul3A_470 : i32
        %dma_start3A_472 = arith.constant 1 : i32
        %dma_start3A_473 = arith.constant 2 : i32
        %dma_start3A_474 = arith.constant 2 : i32
        %dma_start3A_475 = arith.constant 0 : i32
        %dma_start3A_476 = tpu.memref_slice %arg7[%dma_start3A_473, %dma_start3A_475] : memref<4x128xi32, #tpu.memory_space<vmem>> -> memref<1x128xi32, #tpu.memory_space<vmem>>
        %dma_start3A_477 = tpu.memref_squeeze %dma_start3A_476 : memref<1x128xi32, #tpu.memory_space<vmem>> -> memref<128xi32, #tpu.memory_space<vmem>>
        %dma_start3A_478 = tpu.memref_slice %arg3[%dma_start3A_472, %add3A_471] : memref<2x320000xi32, #tpu.memory_space<hbm>> -> memref<1x128xi32, #tpu.memory_space<hbm>>
        %dma_start3A_479 = tpu.memref_squeeze %dma_start3A_478 : memref<1x128xi32, #tpu.memory_space<hbm>> -> memref<128xi32, #tpu.memory_space<hbm>>
        %dma_start3A_480 = tpu.memref_slice %arg13[%dma_start3A_474] : memref<4x!tpu.dma_semaphore, #tpu.memory_space<semaphore_mem>> -> memref<1x!tpu.dma_semaphore, #tpu.memory_space<semaphore_mem>>
        %dma_start3A_481 = tpu.memref_squeeze %dma_start3A_480 : memref<1x!tpu.dma_semaphore, #tpu.memory_space<semaphore_mem>> -> memref<!tpu.dma_semaphore, #tpu.memory_space<semaphore_mem>>
        %dma_start3A_482 = arith.constant 0 : i32
        %dma_start3A_483 = tpu.memref_slice %arg7[%dma_start3A_473, %dma_start3A_482] : memref<4x128xi32, #tpu.memory_space<vmem>> -> memref<1x128xi32, #tpu.memory_space<vmem>>
        %dma_start3A_484 = tpu.memref_squeeze %dma_start3A_483 : memref<1x128xi32, #tpu.memory_space<vmem>> -> memref<128xi32, #tpu.memory_space<vmem>>
        %dma_start3A_485 = tpu.memref_slice %arg3[%dma_start3A_472, %add3A_471] : memref<2x320000xi32, #tpu.memory_space<hbm>> -> memref<1x128xi32, #tpu.memory_space<hbm>>
        %dma_start3A_486 = tpu.memref_squeeze %dma_start3A_485 : memref<1x128xi32, #tpu.memory_space<hbm>> -> memref<128xi32, #tpu.memory_space<hbm>>
        tpu.enqueue_dma source(%dma_start3A_486 : memref<128xi32, #tpu.memory_space<hbm>>) target(%dma_start3A_484 : memref<128xi32, #tpu.memory_space<vmem>>) target_semaphore(%dma_start3A_481 : memref<!tpu.dma_semaphore, #tpu.memory_space<semaphore_mem>>)
      } else {
      }
      %add3A_396 = arith.constant 2 : i32
      %add3A_397 = arith.addi %add3A_362, %add3A_396 : i32
      %lt3A_398 = arith.constant 78 : i32
      %lt3A_399 = arith.cmpi slt, %add3A_397, %lt3A_398 : i32
      %convert_element_type3A_400 = arith.extui %lt3A_399 : i1 to i32
      %cond3A_401 = arith.constant 0 : i32
      %cond3A_402 = arith.cmpi ne, %convert_element_type3A_400, %cond3A_401 : i32
      scf.if %cond3A_402 {
        %add3A_447 = arith.constant 2 : i32
        %add3A_448 = arith.addi %add3A_362, %add3A_447 : i32
        %mul3A_449 = arith.constant 128 : i32
        %mul3A_450 = arith.muli %add3A_448, %mul3A_449 : i32
        %add3A_451 = arith.addi %mul3A_4, %mul3A_450 : i32
        %dma_wait3A_452 = arith.constant 0 : i32
        %dma_wait3A_453 = arith.constant 0 : i32
        %dma_wait3A_454 = arith.constant 0 : i32
        %dma_wait3A_455 = arith.constant 0 : i32
        %dma_wait3A_456 = tpu.memref_slice %arg6[%dma_wait3A_453, %dma_wait3A_455] : memref<4x128xi32, #tpu.memory_space<vmem>> -> memref<1x128xi32, #tpu.memory_space<vmem>>
        %dma_wait3A_457 = tpu.memref_squeeze %dma_wait3A_456 : memref<1x128xi32, #tpu.memory_space<vmem>> -> memref<128xi32, #tpu.memory_space<vmem>>
        %dma_wait3A_458 = tpu.memref_slice %arg3[%dma_wait3A_452, %add3A_451] : memref<2x320000xi32, #tpu.memory_space<hbm>> -> memref<1x128xi32, #tpu.memory_space<hbm>>
        %dma_wait3A_459 = tpu.memref_squeeze %dma_wait3A_458 : memref<1x128xi32, #tpu.memory_space<hbm>> -> memref<128xi32, #tpu.memory_space<hbm>>
        %dma_wait3A_460 = tpu.memref_slice %arg12[%dma_wait3A_454] : memref<4x!tpu.dma_semaphore, #tpu.memory_space<semaphore_mem>> -> memref<1x!tpu.dma_semaphore, #tpu.memory_space<semaphore_mem>>
        %dma_wait3A_461 = tpu.memref_squeeze %dma_wait3A_460 : memref<1x!tpu.dma_semaphore, #tpu.memory_space<semaphore_mem>> -> memref<!tpu.dma_semaphore, #tpu.memory_space<semaphore_mem>>
        %dma_wait3A_462 = arith.constant 0 : i32
        %dma_wait3A_463 = tpu.memref_slice %arg6[%dma_wait3A_453, %dma_wait3A_462] : memref<4x128xi32, #tpu.memory_space<vmem>> -> memref<1x128xi32, #tpu.memory_space<vmem>>
        %dma_wait3A_464 = tpu.memref_squeeze %dma_wait3A_463 : memref<1x128xi32, #tpu.memory_space<vmem>> -> memref<128xi32, #tpu.memory_space<vmem>>
        %dma_wait3A_465 = tpu.memref_slice %arg3[%dma_wait3A_452, %add3A_451] : memref<2x320000xi32, #tpu.memory_space<hbm>> -> memref<1x128xi32, #tpu.memory_space<hbm>>
        %dma_wait3A_466 = tpu.memref_squeeze %dma_wait3A_465 : memref<1x128xi32, #tpu.memory_space<hbm>> -> memref<128xi32, #tpu.memory_space<hbm>>
        tpu.wait_dma2 semaphore(%dma_wait3A_461 : memref<!tpu.dma_semaphore, #tpu.memory_space<semaphore_mem>>) src(%dma_wait3A_466 : memref<128xi32, #tpu.memory_space<hbm>>) dst(%dma_wait3A_464 : memref<128xi32, #tpu.memory_space<vmem>>)
        %dma_start3A_467 = arith.constant 0 : i32
        %dma_start3A_468 = arith.constant 0 : i32
        %dma_start3A_469 = tpu.memref_slice %arg6[%dma_start3A_467, %dma_start3A_468] : memref<4x128xi32, #tpu.memory_space<vmem>> -> memref<1x128xi32, #tpu.memory_space<vmem>>
        %dma_start3A_470 = tpu.memref_squeeze %dma_start3A_469 : memref<1x128xi32, #tpu.memory_space<vmem>> -> memref<128xi32, #tpu.memory_space<vmem>>
        %dma_start3A_471 = arith.constant 0 : i32
        %dma_start3A_472 = arith.constant 0 : i32
        %dma_start3A_473 = tpu.memref_slice %arg2[%dma_start3A_471, %dma_start3A_472] : memref<10240x64xf32, #tpu.memory_space<hbm>> -> memref<10240x64xf32, #tpu.memory_space<hbm>>
        tpu.enqueue_indirect_dma source(%dma_start3A_473 : memref<10240x64xf32, #tpu.memory_space<hbm>>) target(%arg10 : memref<128x64xf32, #tpu.memory_space<vmem>>) offsets(%dma_start3A_470 : memref<128xi32, #tpu.memory_space<vmem>>) semaphore(%arg14 : memref<!tpu.dma_semaphore, #tpu.memory_space<semaphore_mem>>)
      } else {
      }
      %mul3A_403 = arith.constant 4 : i32
      %mul3A_404 = arith.muli %mul3A_403, %scan3A_273 : i32
      %add3A_405 = arith.constant 3 : i32
      %add3A_406 = arith.addi %mul3A_404, %add3A_405 : i32
      %dma_wait3A_407 = arith.constant 3 : i32
      %dma_wait3A_408 = arith.constant 0 : i32
      %dma_wait3A_409 = tpu.memref_slice %arg6[%dma_wait3A_407, %dma_wait3A_408] : memref<4x128xi32, #tpu.memory_space<vmem>> -> memref<1x128xi32, #tpu.memory_space<vmem>>
      %dma_wait3A_410 = tpu.memref_squeeze %dma_wait3A_409 : memref<1x128xi32, #tpu.memory_space<vmem>> -> memref<128xi32, #tpu.memory_space<vmem>>
      %dma_wait3A_411 = arith.constant 0 : i32
      %dma_wait3A_412 = arith.constant 0 : i32
      %dma_wait3A_413 = tpu.memref_slice %arg2[%dma_wait3A_411, %dma_wait3A_412] : memref<10240x64xf32, #tpu.memory_space<hbm>> -> memref<10240x64xf32, #tpu.memory_space<hbm>>
      tpu.wait_indirect_dma semaphore(%arg15 : memref<!tpu.dma_semaphore, #tpu.memory_space<semaphore_mem>>) src(%dma_wait3A_413 : memref<10240x64xf32, #tpu.memory_space<hbm>>) dst(%arg11 : memref<128x64xf32, #tpu.memory_space<vmem>>)
      %mul3A_414 = arith.constant 128 : i32
      %mul3A_415 = arith.muli %add3A_406, %mul3A_414 : i32
      %add3A_416 = arith.addi %mul3A_4, %mul3A_415 : i32
      %dma_wait3A_417 = arith.constant 1 : i32
      %dma_wait3A_418 = arith.constant 3 : i32
      %dma_wait3A_419 = arith.constant 3 : i32
      %dma_wait3A_420 = arith.constant 0 : i32
      %dma_wait3A_421 = tpu.memref_slice %arg7[%dma_wait3A_418, %dma_wait3A_420] : memref<4x128xi32, #tpu.memory_space<vmem>> -> memref<1x128xi32, #tpu.memory_space<vmem>>
      %dma_wait3A_422 = tpu.memref_squeeze %dma_wait3A_421 : memref<1x128xi32, #tpu.memory_space<vmem>> -> memref<128xi32, #tpu.memory_space<vmem>>
      %dma_wait3A_423 = tpu.memref_slice %arg3[%dma_wait3A_417, %add3A_416] : memref<2x320000xi32, #tpu.memory_space<hbm>> -> memref<1x128xi32, #tpu.memory_space<hbm>>
      %dma_wait3A_424 = tpu.memref_squeeze %dma_wait3A_423 : memref<1x128xi32, #tpu.memory_space<hbm>> -> memref<128xi32, #tpu.memory_space<hbm>>
      %dma_wait3A_425 = tpu.memref_slice %arg13[%dma_wait3A_419] : memref<4x!tpu.dma_semaphore, #tpu.memory_space<semaphore_mem>> -> memref<1x!tpu.dma_semaphore, #tpu.memory_space<semaphore_mem>>
      %dma_wait3A_426 = tpu.memref_squeeze %dma_wait3A_425 : memref<1x!tpu.dma_semaphore, #tpu.memory_space<semaphore_mem>> -> memref<!tpu.dma_semaphore, #tpu.memory_space<semaphore_mem>>
      %dma_wait3A_427 = arith.constant 0 : i32
      %dma_wait3A_428 = tpu.memref_slice %arg7[%dma_wait3A_418, %dma_wait3A_427] : memref<4x128xi32, #tpu.memory_space<vmem>> -> memref<1x128xi32, #tpu.memory_space<vmem>>
      %dma_wait3A_429 = tpu.memref_squeeze %dma_wait3A_428 : memref<1x128xi32, #tpu.memory_space<vmem>> -> memref<128xi32, #tpu.memory_space<vmem>>
      %dma_wait3A_430 = tpu.memref_slice %arg3[%dma_wait3A_417, %add3A_416] : memref<2x320000xi32, #tpu.memory_space<hbm>> -> memref<1x128xi32, #tpu.memory_space<hbm>>
      %dma_wait3A_431 = tpu.memref_squeeze %dma_wait3A_430 : memref<1x128xi32, #tpu.memory_space<hbm>> -> memref<128xi32, #tpu.memory_space<hbm>>
      tpu.wait_dma2 semaphore(%dma_wait3A_426 : memref<!tpu.dma_semaphore, #tpu.memory_space<semaphore_mem>>) src(%dma_wait3A_431 : memref<128xi32, #tpu.memory_space<hbm>>) dst(%dma_wait3A_429 : memref<128xi32, #tpu.memory_space<vmem>>)
      %run_scoped3A_432 = arith.constant 3 : i32
      "tpu.region"() ({
        %run_scoped3A_447 = tpu.sem_alloc : memref<!tpu.dma_semaphore, #tpu.memory_space<semaphore_mem>>
        %dma_start3A_448 = arith.constant 0 : i32
        %dma_start3A_449 = tpu.memref_slice %arg7[%run_scoped3A_432, %dma_start3A_448] : memref<4x128xi32, #tpu.memory_space<vmem>> -> memref<1x128xi32, #tpu.memory_space<vmem>>
        %dma_start3A_450 = tpu.memref_squeeze %dma_start3A_449 : memref<1x128xi32, #tpu.memory_space<vmem>> -> memref<128xi32, #tpu.memory_space<vmem>>
        %dma_start3A_451 = arith.constant 0 : i32
        %dma_start3A_452 = arith.constant 0 : i32
        %dma_start3A_453 = tpu.memref_slice %arg5[%dma_start3A_451, %dma_start3A_452] : memref<10240x64xf32, #tpu.memory_space<vmem_shared>> -> memref<10240x64xf32, #tpu.memory_space<vmem_shared>>
        tpu.enqueue_indirect_dma source(%arg11 : memref<128x64xf32, #tpu.memory_space<vmem>>) target(%dma_start3A_453 : memref<10240x64xf32, #tpu.memory_space<vmem_shared>>) offsets(%dma_start3A_450 : memref<128xi32, #tpu.memory_space<vmem>>) semaphore(%run_scoped3A_447 : memref<!tpu.dma_semaphore, #tpu.memory_space<semaphore_mem>>) {add = true}
        %dma_wait3A_454 = arith.constant 0 : i32
        %dma_wait3A_455 = tpu.memref_slice %arg7[%run_scoped3A_432, %dma_wait3A_454] : memref<4x128xi32, #tpu.memory_space<vmem>> -> memref<1x128xi32, #tpu.memory_space<vmem>>
        %dma_wait3A_456 = tpu.memref_squeeze %dma_wait3A_455 : memref<1x128xi32, #tpu.memory_space<vmem>> -> memref<128xi32, #tpu.memory_space<vmem>>
        %dma_wait3A_457 = arith.constant 0 : i32
        %dma_wait3A_458 = arith.constant 0 : i32
        %dma_wait3A_459 = tpu.memref_slice %arg5[%dma_wait3A_457, %dma_wait3A_458] : memref<10240x64xf32, #tpu.memory_space<vmem_shared>> -> memref<10240x64xf32, #tpu.memory_space<vmem_shared>>
        tpu.wait_indirect_dma semaphore(%run_scoped3A_447 : memref<!tpu.dma_semaphore, #tpu.memory_space<semaphore_mem>>) src(%arg11 : memref<128x64xf32, #tpu.memory_space<vmem>>) dst(%dma_wait3A_459 : memref<10240x64xf32, #tpu.memory_space<vmem_shared>>)
        tpu.yield
      }) : () -> ()
      %add3A_433 = arith.constant 4 : i32
      %add3A_434 = arith.addi %add3A_406, %add3A_433 : i32
      %lt3A_435 = arith.constant 78 : i32
      %lt3A_436 = arith.cmpi slt, %add3A_434, %lt3A_435 : i32
      %convert_element_type3A_437 = arith.extui %lt3A_436 : i1 to i32
      %cond3A_438 = arith.constant 0 : i32
      %cond3A_439 = arith.cmpi ne, %convert_element_type3A_437, %cond3A_438 : i32
      scf.if %cond3A_439 {
        %add3A_447 = arith.constant 4 : i32
        %add3A_448 = arith.addi %add3A_406, %add3A_447 : i32
        %mul3A_449 = arith.constant 128 : i32
        %mul3A_450 = arith.muli %add3A_448, %mul3A_449 : i32
        %add3A_451 = arith.addi %mul3A_4, %mul3A_450 : i32
        %dma_start3A_452 = arith.constant 0 : i32
        %dma_start3A_453 = arith.constant 3 : i32
        %dma_start3A_454 = arith.constant 3 : i32
        %dma_start3A_455 = arith.constant 0 : i32
        %dma_start3A_456 = tpu.memref_slice %arg6[%dma_start3A_453, %dma_start3A_455] : memref<4x128xi32, #tpu.memory_space<vmem>> -> memref<1x128xi32, #tpu.memory_space<vmem>>
        %dma_start3A_457 = tpu.memref_squeeze %dma_start3A_456 : memref<1x128xi32, #tpu.memory_space<vmem>> -> memref<128xi32, #tpu.memory_space<vmem>>
        %dma_start3A_458 = tpu.memref_slice %arg3[%dma_start3A_452, %add3A_451] : memref<2x320000xi32, #tpu.memory_space<hbm>> -> memref<1x128xi32, #tpu.memory_space<hbm>>
        %dma_start3A_459 = tpu.memref_squeeze %dma_start3A_458 : memref<1x128xi32, #tpu.memory_space<hbm>> -> memref<128xi32, #tpu.memory_space<hbm>>
        %dma_start3A_460 = tpu.memref_slice %arg12[%dma_start3A_454] : memref<4x!tpu.dma_semaphore, #tpu.memory_space<semaphore_mem>> -> memref<1x!tpu.dma_semaphore, #tpu.memory_space<semaphore_mem>>
        %dma_start3A_461 = tpu.memref_squeeze %dma_start3A_460 : memref<1x!tpu.dma_semaphore, #tpu.memory_space<semaphore_mem>> -> memref<!tpu.dma_semaphore, #tpu.memory_space<semaphore_mem>>
        %dma_start3A_462 = arith.constant 0 : i32
        %dma_start3A_463 = tpu.memref_slice %arg6[%dma_start3A_453, %dma_start3A_462] : memref<4x128xi32, #tpu.memory_space<vmem>> -> memref<1x128xi32, #tpu.memory_space<vmem>>
        %dma_start3A_464 = tpu.memref_squeeze %dma_start3A_463 : memref<1x128xi32, #tpu.memory_space<vmem>> -> memref<128xi32, #tpu.memory_space<vmem>>
        %dma_start3A_465 = tpu.memref_slice %arg3[%dma_start3A_452, %add3A_451] : memref<2x320000xi32, #tpu.memory_space<hbm>> -> memref<1x128xi32, #tpu.memory_space<hbm>>
        %dma_start3A_466 = tpu.memref_squeeze %dma_start3A_465 : memref<1x128xi32, #tpu.memory_space<hbm>> -> memref<128xi32, #tpu.memory_space<hbm>>
        tpu.enqueue_dma source(%dma_start3A_466 : memref<128xi32, #tpu.memory_space<hbm>>) target(%dma_start3A_464 : memref<128xi32, #tpu.memory_space<vmem>>) target_semaphore(%dma_start3A_461 : memref<!tpu.dma_semaphore, #tpu.memory_space<semaphore_mem>>)
        %add3A_467 = arith.constant 4 : i32
        %add3A_468 = arith.addi %add3A_406, %add3A_467 : i32
        %mul3A_469 = arith.constant 128 : i32
        %mul3A_470 = arith.muli %add3A_468, %mul3A_469 : i32
        %add3A_471 = arith.addi %mul3A_4, %mul3A_470 : i32
        %dma_start3A_472 = arith.constant 1 : i32
        %dma_start3A_473 = arith.constant 3 : i32
        %dma_start3A_474 = arith.constant 3 : i32
        %dma_start3A_475 = arith.constant 0 : i32
        %dma_start3A_476 = tpu.memref_slice %arg7[%dma_start3A_473, %dma_start3A_475] : memref<4x128xi32, #tpu.memory_space<vmem>> -> memref<1x128xi32, #tpu.memory_space<vmem>>
        %dma_start3A_477 = tpu.memref_squeeze %dma_start3A_476 : memref<1x128xi32, #tpu.memory_space<vmem>> -> memref<128xi32, #tpu.memory_space<vmem>>
        %dma_start3A_478 = tpu.memref_slice %arg3[%dma_start3A_472, %add3A_471] : memref<2x320000xi32, #tpu.memory_space<hbm>> -> memref<1x128xi32, #tpu.memory_space<hbm>>
        %dma_start3A_479 = tpu.memref_squeeze %dma_start3A_478 : memref<1x128xi32, #tpu.memory_space<hbm>> -> memref<128xi32, #tpu.memory_space<hbm>>
        %dma_start3A_480 = tpu.memref_slice %arg13[%dma_start3A_474] : memref<4x!tpu.dma_semaphore, #tpu.memory_space<semaphore_mem>> -> memref<1x!tpu.dma_semaphore, #tpu.memory_space<semaphore_mem>>
        %dma_start3A_481 = tpu.memref_squeeze %dma_start3A_480 : memref<1x!tpu.dma_semaphore, #tpu.memory_space<semaphore_mem>> -> memref<!tpu.dma_semaphore, #tpu.memory_space<semaphore_mem>>
        %dma_start3A_482 = arith.constant 0 : i32
        %dma_start3A_483 = tpu.memref_slice %arg7[%dma_start3A_473, %dma_start3A_482] : memref<4x128xi32, #tpu.memory_space<vmem>> -> memref<1x128xi32, #tpu.memory_space<vmem>>
        %dma_start3A_484 = tpu.memref_squeeze %dma_start3A_483 : memref<1x128xi32, #tpu.memory_space<vmem>> -> memref<128xi32, #tpu.memory_space<vmem>>
        %dma_start3A_485 = tpu.memref_slice %arg3[%dma_start3A_472, %add3A_471] : memref<2x320000xi32, #tpu.memory_space<hbm>> -> memref<1x128xi32, #tpu.memory_space<hbm>>
        %dma_start3A_486 = tpu.memref_squeeze %dma_start3A_485 : memref<1x128xi32, #tpu.memory_space<hbm>> -> memref<128xi32, #tpu.memory_space<hbm>>
        tpu.enqueue_dma source(%dma_start3A_486 : memref<128xi32, #tpu.memory_space<hbm>>) target(%dma_start3A_484 : memref<128xi32, #tpu.memory_space<vmem>>) target_semaphore(%dma_start3A_481 : memref<!tpu.dma_semaphore, #tpu.memory_space<semaphore_mem>>)
      } else {
      }
      %add3A_440 = arith.constant 2 : i32
      %add3A_441 = arith.addi %add3A_406, %add3A_440 : i32
      %lt3A_442 = arith.constant 78 : i32
      %lt3A_443 = arith.cmpi slt, %add3A_441, %lt3A_442 : i32
      %convert_element_type3A_444 = arith.extui %lt3A_443 : i1 to i32
      %cond3A_445 = arith.constant 0 : i32
      %cond3A_446 = arith.cmpi ne, %convert_element_type3A_444, %cond3A_445 : i32
      scf.if %cond3A_446 {
        %add3A_447 = arith.constant 2 : i32
        %add3A_448 = arith.addi %add3A_406, %add3A_447 : i32
        %mul3A_449 = arith.constant 128 : i32
        %mul3A_450 = arith.muli %add3A_448, %mul3A_449 : i32
        %add3A_451 = arith.addi %mul3A_4, %mul3A_450 : i32
        %dma_wait3A_452 = arith.constant 0 : i32
        %dma_wait3A_453 = arith.constant 1 : i32
        %dma_wait3A_454 = arith.constant 1 : i32
        %dma_wait3A_455 = arith.constant 0 : i32
        %dma_wait3A_456 = tpu.memref_slice %arg6[%dma_wait3A_453, %dma_wait3A_455] : memref<4x128xi32, #tpu.memory_space<vmem>> -> memref<1x128xi32, #tpu.memory_space<vmem>>
        %dma_wait3A_457 = tpu.memref_squeeze %dma_wait3A_456 : memref<1x128xi32, #tpu.memory_space<vmem>> -> memref<128xi32, #tpu.memory_space<vmem>>
        %dma_wait3A_458 = tpu.memref_slice %arg3[%dma_wait3A_452, %add3A_451] : memref<2x320000xi32, #tpu.memory_space<hbm>> -> memref<1x128xi32, #tpu.memory_space<hbm>>
        %dma_wait3A_459 = tpu.memref_squeeze %dma_wait3A_458 : memref<1x128xi32, #tpu.memory_space<hbm>> -> memref<128xi32, #tpu.memory_space<hbm>>
        %dma_wait3A_460 = tpu.memref_slice %arg12[%dma_wait3A_454] : memref<4x!tpu.dma_semaphore, #tpu.memory_space<semaphore_mem>> -> memref<1x!tpu.dma_semaphore, #tpu.memory_space<semaphore_mem>>
        %dma_wait3A_461 = tpu.memref_squeeze %dma_wait3A_460 : memref<1x!tpu.dma_semaphore, #tpu.memory_space<semaphore_mem>> -> memref<!tpu.dma_semaphore, #tpu.memory_space<semaphore_mem>>
        %dma_wait3A_462 = arith.constant 0 : i32
        %dma_wait3A_463 = tpu.memref_slice %arg6[%dma_wait3A_453, %dma_wait3A_462] : memref<4x128xi32, #tpu.memory_space<vmem>> -> memref<1x128xi32, #tpu.memory_space<vmem>>
        %dma_wait3A_464 = tpu.memref_squeeze %dma_wait3A_463 : memref<1x128xi32, #tpu.memory_space<vmem>> -> memref<128xi32, #tpu.memory_space<vmem>>
        %dma_wait3A_465 = tpu.memref_slice %arg3[%dma_wait3A_452, %add3A_451] : memref<2x320000xi32, #tpu.memory_space<hbm>> -> memref<1x128xi32, #tpu.memory_space<hbm>>
        %dma_wait3A_466 = tpu.memref_squeeze %dma_wait3A_465 : memref<1x128xi32, #tpu.memory_space<hbm>> -> memref<128xi32, #tpu.memory_space<hbm>>
        tpu.wait_dma2 semaphore(%dma_wait3A_461 : memref<!tpu.dma_semaphore, #tpu.memory_space<semaphore_mem>>) src(%dma_wait3A_466 : memref<128xi32, #tpu.memory_space<hbm>>) dst(%dma_wait3A_464 : memref<128xi32, #tpu.memory_space<vmem>>)
        %dma_start3A_467 = arith.constant 1 : i32
        %dma_start3A_468 = arith.constant 0 : i32
        %dma_start3A_469 = tpu.memref_slice %arg6[%dma_start3A_467, %dma_start3A_468] : memref<4x128xi32, #tpu.memory_space<vmem>> -> memref<1x128xi32, #tpu.memory_space<vmem>>
        %dma_start3A_470 = tpu.memref_squeeze %dma_start3A_469 : memref<1x128xi32, #tpu.memory_space<vmem>> -> memref<128xi32, #tpu.memory_space<vmem>>
        %dma_start3A_471 = arith.constant 0 : i32
        %dma_start3A_472 = arith.constant 0 : i32
        %dma_start3A_473 = tpu.memref_slice %arg2[%dma_start3A_471, %dma_start3A_472] : memref<10240x64xf32, #tpu.memory_space<hbm>> -> memref<10240x64xf32, #tpu.memory_space<hbm>>
        tpu.enqueue_indirect_dma source(%dma_start3A_473 : memref<10240x64xf32, #tpu.memory_space<hbm>>) target(%arg11 : memref<128x64xf32, #tpu.memory_space<vmem>>) offsets(%dma_start3A_470 : memref<128xi32, #tpu.memory_space<vmem>>) semaphore(%arg15 : memref<!tpu.dma_semaphore, #tpu.memory_space<semaphore_mem>>)
      } else {
      }
    }
    %scan3A_209 = arith.constant 19 : i32
    %dma_wait3A_210 = arith.constant 0 : i32
    %dma_wait3A_211 = arith.constant 0 : i32
    %dma_wait3A_212 = tpu.memref_slice %arg6[%dma_wait3A_210, %dma_wait3A_211] : memref<4x128xi32, #tpu.memory_space<vmem>> -> memref<1x128xi32, #tpu.memory_space<vmem>>
    %dma_wait3A_213 = tpu.memref_squeeze %dma_wait3A_212 : memref<1x128xi32, #tpu.memory_space<vmem>> -> memref<128xi32, #tpu.memory_space<vmem>>
    %dma_wait3A_214 = arith.constant 0 : i32
    %dma_wait3A_215 = arith.constant 0 : i32
    %dma_wait3A_216 = tpu.memref_slice %arg2[%dma_wait3A_214, %dma_wait3A_215] : memref<10240x64xf32, #tpu.memory_space<hbm>> -> memref<10240x64xf32, #tpu.memory_space<hbm>>
    tpu.wait_indirect_dma semaphore(%arg14 : memref<!tpu.dma_semaphore, #tpu.memory_space<semaphore_mem>>) src(%dma_wait3A_216 : memref<10240x64xf32, #tpu.memory_space<hbm>>) dst(%arg10 : memref<128x64xf32, #tpu.memory_space<vmem>>)
    %add3A_217 = arith.constant 9728 : i32
    %add3A_218 = arith.addi %mul3A_4, %add3A_217 : i32
    %dma_wait3A_219 = arith.constant 1 : i32
    %dma_wait3A_220 = arith.constant 0 : i32
    %dma_wait3A_221 = arith.constant 0 : i32
    %dma_wait3A_222 = arith.constant 0 : i32
    %dma_wait3A_223 = tpu.memref_slice %arg7[%dma_wait3A_220, %dma_wait3A_222] : memref<4x128xi32, #tpu.memory_space<vmem>> -> memref<1x128xi32, #tpu.memory_space<vmem>>
    %dma_wait3A_224 = tpu.memref_squeeze %dma_wait3A_223 : memref<1x128xi32, #tpu.memory_space<vmem>> -> memref<128xi32, #tpu.memory_space<vmem>>
    %dma_wait3A_225 = tpu.memref_slice %arg3[%dma_wait3A_219, %add3A_218] : memref<2x320000xi32, #tpu.memory_space<hbm>> -> memref<1x128xi32, #tpu.memory_space<hbm>>
    %dma_wait3A_226 = tpu.memref_squeeze %dma_wait3A_225 : memref<1x128xi32, #tpu.memory_space<hbm>> -> memref<128xi32, #tpu.memory_space<hbm>>
    %dma_wait3A_227 = tpu.memref_slice %arg13[%dma_wait3A_221] : memref<4x!tpu.dma_semaphore, #tpu.memory_space<semaphore_mem>> -> memref<1x!tpu.dma_semaphore, #tpu.memory_space<semaphore_mem>>
    %dma_wait3A_228 = tpu.memref_squeeze %dma_wait3A_227 : memref<1x!tpu.dma_semaphore, #tpu.memory_space<semaphore_mem>> -> memref<!tpu.dma_semaphore, #tpu.memory_space<semaphore_mem>>
    %dma_wait3A_229 = arith.constant 0 : i32
    %dma_wait3A_230 = tpu.memref_slice %arg7[%dma_wait3A_220, %dma_wait3A_229] : memref<4x128xi32, #tpu.memory_space<vmem>> -> memref<1x128xi32, #tpu.memory_space<vmem>>
    %dma_wait3A_231 = tpu.memref_squeeze %dma_wait3A_230 : memref<1x128xi32, #tpu.memory_space<vmem>> -> memref<128xi32, #tpu.memory_space<vmem>>
    %dma_wait3A_232 = tpu.memref_slice %arg3[%dma_wait3A_219, %add3A_218] : memref<2x320000xi32, #tpu.memory_space<hbm>> -> memref<1x128xi32, #tpu.memory_space<hbm>>
    %dma_wait3A_233 = tpu.memref_squeeze %dma_wait3A_232 : memref<1x128xi32, #tpu.memory_space<hbm>> -> memref<128xi32, #tpu.memory_space<hbm>>
    tpu.wait_dma2 semaphore(%dma_wait3A_228 : memref<!tpu.dma_semaphore, #tpu.memory_space<semaphore_mem>>) src(%dma_wait3A_233 : memref<128xi32, #tpu.memory_space<hbm>>) dst(%dma_wait3A_231 : memref<128xi32, #tpu.memory_space<vmem>>)
    %run_scoped3A_234 = arith.constant 0 : i32
    "tpu.region"() ({
      %run_scoped3A_273 = tpu.sem_alloc : memref<!tpu.dma_semaphore, #tpu.memory_space<semaphore_mem>>
      %dma_start3A_274 = arith.constant 0 : i32
      %dma_start3A_275 = tpu.memref_slice %arg7[%run_scoped3A_234, %dma_start3A_274] : memref<4x128xi32, #tpu.memory_space<vmem>> -> memref<1x128xi32, #tpu.memory_space<vmem>>
      %dma_start3A_276 = tpu.memref_squeeze %dma_start3A_275 : memref<1x128xi32, #tpu.memory_space<vmem>> -> memref<128xi32, #tpu.memory_space<vmem>>
      %dma_start3A_277 = arith.constant 0 : i32
      %dma_start3A_278 = arith.constant 0 : i32
      %dma_start3A_279 = tpu.memref_slice %arg5[%dma_start3A_277, %dma_start3A_278] : memref<10240x64xf32, #tpu.memory_space<vmem_shared>> -> memref<10240x64xf32, #tpu.memory_space<vmem_shared>>
      tpu.enqueue_indirect_dma source(%arg10 : memref<128x64xf32, #tpu.memory_space<vmem>>) target(%dma_start3A_279 : memref<10240x64xf32, #tpu.memory_space<vmem_shared>>) offsets(%dma_start3A_276 : memref<128xi32, #tpu.memory_space<vmem>>) semaphore(%run_scoped3A_273 : memref<!tpu.dma_semaphore, #tpu.memory_space<semaphore_mem>>) {add = true}
      %dma_wait3A_280 = arith.constant 0 : i32
      %dma_wait3A_281 = tpu.memref_slice %arg7[%run_scoped3A_234, %dma_wait3A_280] : memref<4x128xi32, #tpu.memory_space<vmem>> -> memref<1x128xi32, #tpu.memory_space<vmem>>
      %dma_wait3A_282 = tpu.memref_squeeze %dma_wait3A_281 : memref<1x128xi32, #tpu.memory_space<vmem>> -> memref<128xi32, #tpu.memory_space<vmem>>
      %dma_wait3A_283 = arith.constant 0 : i32
      %dma_wait3A_284 = arith.constant 0 : i32
      %dma_wait3A_285 = tpu.memref_slice %arg5[%dma_wait3A_283, %dma_wait3A_284] : memref<10240x64xf32, #tpu.memory_space<vmem_shared>> -> memref<10240x64xf32, #tpu.memory_space<vmem_shared>>
      tpu.wait_indirect_dma semaphore(%run_scoped3A_273 : memref<!tpu.dma_semaphore, #tpu.memory_space<semaphore_mem>>) src(%arg10 : memref<128x64xf32, #tpu.memory_space<vmem>>) dst(%dma_wait3A_285 : memref<10240x64xf32, #tpu.memory_space<vmem_shared>>)
      tpu.yield
    }) : () -> ()
    %dma_wait3A_235 = arith.constant 1 : i32
    %dma_wait3A_236 = arith.constant 0 : i32
    %dma_wait3A_237 = tpu.memref_slice %arg6[%dma_wait3A_235, %dma_wait3A_236] : memref<4x128xi32, #tpu.memory_space<vmem>> -> memref<1x128xi32, #tpu.memory_space<vmem>>
    %dma_wait3A_238 = tpu.memref_squeeze %dma_wait3A_237 : memref<1x128xi32, #tpu.memory_space<vmem>> -> memref<128xi32, #tpu.memory_space<vmem>>
    %dma_wait3A_239 = arith.constant 0 : i32
    %dma_wait3A_240 = arith.constant 0 : i32
    %dma_wait3A_241 = tpu.memref_slice %arg2[%dma_wait3A_239, %dma_wait3A_240] : memref<10240x64xf32, #tpu.memory_space<hbm>> -> memref<10240x64xf32, #tpu.memory_space<hbm>>
    tpu.wait_indirect_dma semaphore(%arg15 : memref<!tpu.dma_semaphore, #tpu.memory_space<semaphore_mem>>) src(%dma_wait3A_241 : memref<10240x64xf32, #tpu.memory_space<hbm>>) dst(%arg11 : memref<128x64xf32, #tpu.memory_space<vmem>>)
    %add3A_242 = arith.constant 9856 : i32
    %add3A_243 = arith.addi %mul3A_4, %add3A_242 : i32
    %dma_wait3A_244 = arith.constant 1 : i32
    %dma_wait3A_245 = arith.constant 1 : i32
    %dma_wait3A_246 = arith.constant 1 : i32
    %dma_wait3A_247 = arith.constant 0 : i32
    %dma_wait3A_248 = tpu.memref_slice %arg7[%dma_wait3A_245, %dma_wait3A_247] : memref<4x128xi32, #tpu.memory_space<vmem>> -> memref<1x128xi32, #tpu.memory_space<vmem>>
    %dma_wait3A_249 = tpu.memref_squeeze %dma_wait3A_248 : memref<1x128xi32, #tpu.memory_space<vmem>> -> memref<128xi32, #tpu.memory_space<vmem>>
    %dma_wait3A_250 = tpu.memref_slice %arg3[%dma_wait3A_244, %add3A_243] : memref<2x320000xi32, #tpu.memory_space<hbm>> -> memref<1x128xi32, #tpu.memory_space<hbm>>
    %dma_wait3A_251 = tpu.memref_squeeze %dma_wait3A_250 : memref<1x128xi32, #tpu.memory_space<hbm>> -> memref<128xi32, #tpu.memory_space<hbm>>
    %dma_wait3A_252 = tpu.memref_slice %arg13[%dma_wait3A_246] : memref<4x!tpu.dma_semaphore, #tpu.memory_space<semaphore_mem>> -> memref<1x!tpu.dma_semaphore, #tpu.memory_space<semaphore_mem>>
    %dma_wait3A_253 = tpu.memref_squeeze %dma_wait3A_252 : memref<1x!tpu.dma_semaphore, #tpu.memory_space<semaphore_mem>> -> memref<!tpu.dma_semaphore, #tpu.memory_space<semaphore_mem>>
    %dma_wait3A_254 = arith.constant 0 : i32
    %dma_wait3A_255 = tpu.memref_slice %arg7[%dma_wait3A_245, %dma_wait3A_254] : memref<4x128xi32, #tpu.memory_space<vmem>> -> memref<1x128xi32, #tpu.memory_space<vmem>>
    %dma_wait3A_256 = tpu.memref_squeeze %dma_wait3A_255 : memref<1x128xi32, #tpu.memory_space<vmem>> -> memref<128xi32, #tpu.memory_space<vmem>>
    %dma_wait3A_257 = tpu.memref_slice %arg3[%dma_wait3A_244, %add3A_243] : memref<2x320000xi32, #tpu.memory_space<hbm>> -> memref<1x128xi32, #tpu.memory_space<hbm>>
    %dma_wait3A_258 = tpu.memref_squeeze %dma_wait3A_257 : memref<1x128xi32, #tpu.memory_space<hbm>> -> memref<128xi32, #tpu.memory_space<hbm>>
    tpu.wait_dma2 semaphore(%dma_wait3A_253 : memref<!tpu.dma_semaphore, #tpu.memory_space<semaphore_mem>>) src(%dma_wait3A_258 : memref<128xi32, #tpu.memory_space<hbm>>) dst(%dma_wait3A_256 : memref<128xi32, #tpu.memory_space<vmem>>)
    %run_scoped3A_259 = arith.constant 1 : i32
    "tpu.region"() ({
      %run_scoped3A_273 = tpu.sem_alloc : memref<!tpu.dma_semaphore, #tpu.memory_space<semaphore_mem>>
      %dma_start3A_274 = arith.constant 0 : i32
      %dma_start3A_275 = tpu.memref_slice %arg7[%run_scoped3A_259, %dma_start3A_274] : memref<4x128xi32, #tpu.memory_space<vmem>> -> memref<1x128xi32, #tpu.memory_space<vmem>>
      %dma_start3A_276 = tpu.memref_squeeze %dma_start3A_275 : memref<1x128xi32, #tpu.memory_space<vmem>> -> memref<128xi32, #tpu.memory_space<vmem>>
      %dma_start3A_277 = arith.constant 0 : i32
      %dma_start3A_278 = arith.constant 0 : i32
      %dma_start3A_279 = tpu.memref_slice %arg5[%dma_start3A_277, %dma_start3A_278] : memref<10240x64xf32, #tpu.memory_space<vmem_shared>> -> memref<10240x64xf32, #tpu.memory_space<vmem_shared>>
      tpu.enqueue_indirect_dma source(%arg11 : memref<128x64xf32, #tpu.memory_space<vmem>>) target(%dma_start3A_279 : memref<10240x64xf32, #tpu.memory_space<vmem_shared>>) offsets(%dma_start3A_276 : memref<128xi32, #tpu.memory_space<vmem>>) semaphore(%run_scoped3A_273 : memref<!tpu.dma_semaphore, #tpu.memory_space<semaphore_mem>>) {add = true}
      %dma_wait3A_280 = arith.constant 0 : i32
      %dma_wait3A_281 = tpu.memref_slice %arg7[%run_scoped3A_259, %dma_wait3A_280] : memref<4x128xi32, #tpu.memory_space<vmem>> -> memref<1x128xi32, #tpu.memory_space<vmem>>
      %dma_wait3A_282 = tpu.memref_squeeze %dma_wait3A_281 : memref<1x128xi32, #tpu.memory_space<vmem>> -> memref<128xi32, #tpu.memory_space<vmem>>
      %dma_wait3A_283 = arith.constant 0 : i32
      %dma_wait3A_284 = arith.constant 0 : i32
      %dma_wait3A_285 = tpu.memref_slice %arg5[%dma_wait3A_283, %dma_wait3A_284] : memref<10240x64xf32, #tpu.memory_space<vmem_shared>> -> memref<10240x64xf32, #tpu.memory_space<vmem_shared>>
      tpu.wait_indirect_dma semaphore(%run_scoped3A_273 : memref<!tpu.dma_semaphore, #tpu.memory_space<semaphore_mem>>) src(%arg11 : memref<128x64xf32, #tpu.memory_space<vmem>>) dst(%dma_wait3A_285 : memref<10240x64xf32, #tpu.memory_space<vmem_shared>>)
      tpu.yield
    }) : () -> ()
    %dma_start3A_260 = arith.constant 0 : i32
    %dma_start3A_261 = arith.constant 0 : i32
    %dma_start3A_262 = tpu.memref_slice %arg10[%dma_start3A_260, %dma_start3A_261] : memref<128x64xf32, #tpu.memory_space<vmem>> -> memref<16x64xf32, #tpu.memory_space<vmem>>
    %dma_start3A_263 = arith.constant 0 : i32
    %dma_start3A_264 = arith.constant 0 : i32
    %dma_start3A_265 = tpu.memref_slice %arg2[%dma_start3A_263, %dma_start3A_264] : memref<10240x64xf32, #tpu.memory_space<hbm>> -> memref<10240x64xf32, #tpu.memory_space<hbm>>
    tpu.enqueue_indirect_dma source(%dma_start3A_265 : memref<10240x64xf32, #tpu.memory_space<hbm>>) target(%dma_start3A_262 : memref<16x64xf32, #tpu.memory_space<vmem>>) offsets(%arg8 : memref<16xi32, #tpu.memory_space<vmem>>) semaphore(%arg14 : memref<!tpu.dma_semaphore, #tpu.memory_space<semaphore_mem>>)
    %dma_wait3A_266 = arith.constant 0 : i32
    %dma_wait3A_267 = arith.constant 0 : i32
    %dma_wait3A_268 = tpu.memref_slice %arg10[%dma_wait3A_266, %dma_wait3A_267] : memref<128x64xf32, #tpu.memory_space<vmem>> -> memref<16x64xf32, #tpu.memory_space<vmem>>
    %dma_wait3A_269 = arith.constant 0 : i32
    %dma_wait3A_270 = arith.constant 0 : i32
    %dma_wait3A_271 = tpu.memref_slice %arg2[%dma_wait3A_269, %dma_wait3A_270] : memref<10240x64xf32, #tpu.memory_space<hbm>> -> memref<10240x64xf32, #tpu.memory_space<hbm>>
    tpu.wait_indirect_dma semaphore(%arg14 : memref<!tpu.dma_semaphore, #tpu.memory_space<semaphore_mem>>) src(%dma_wait3A_271 : memref<10240x64xf32, #tpu.memory_space<hbm>>) dst(%dma_wait3A_268 : memref<16x64xf32, #tpu.memory_space<vmem>>)
    "tpu.region"() ({
      %run_scoped3A_273 = tpu.sem_alloc : memref<!tpu.dma_semaphore, #tpu.memory_space<semaphore_mem>>
      %dma_start3A_274 = arith.constant 0 : i32
      %dma_start3A_275 = arith.constant 0 : i32
      %dma_start3A_276 = tpu.memref_slice %arg10[%dma_start3A_274, %dma_start3A_275] : memref<128x64xf32, #tpu.memory_space<vmem>> -> memref<16x64xf32, #tpu.memory_space<vmem>>
      %dma_start3A_277 = arith.constant 0 : i32
      %dma_start3A_278 = arith.constant 0 : i32
      %dma_start3A_279 = tpu.memref_slice %arg5[%dma_start3A_277, %dma_start3A_278] : memref<10240x64xf32, #tpu.memory_space<vmem_shared>> -> memref<10240x64xf32, #tpu.memory_space<vmem_shared>>
      tpu.enqueue_indirect_dma source(%dma_start3A_276 : memref<16x64xf32, #tpu.memory_space<vmem>>) target(%dma_start3A_279 : memref<10240x64xf32, #tpu.memory_space<vmem_shared>>) offsets(%arg9 : memref<16xi32, #tpu.memory_space<vmem>>) semaphore(%run_scoped3A_273 : memref<!tpu.dma_semaphore, #tpu.memory_space<semaphore_mem>>) {add = true}
      %dma_wait3A_280 = arith.constant 0 : i32
      %dma_wait3A_281 = arith.constant 0 : i32
      %dma_wait3A_282 = tpu.memref_slice %arg10[%dma_wait3A_280, %dma_wait3A_281] : memref<128x64xf32, #tpu.memory_space<vmem>> -> memref<16x64xf32, #tpu.memory_space<vmem>>
      %dma_wait3A_283 = arith.constant 0 : i32
      %dma_wait3A_284 = arith.constant 0 : i32
      %dma_wait3A_285 = tpu.memref_slice %arg5[%dma_wait3A_283, %dma_wait3A_284] : memref<10240x64xf32, #tpu.memory_space<vmem_shared>> -> memref<10240x64xf32, #tpu.memory_space<vmem_shared>>
      tpu.wait_indirect_dma semaphore(%run_scoped3A_273 : memref<!tpu.dma_semaphore, #tpu.memory_space<semaphore_mem>>) src(%dma_wait3A_282 : memref<16x64xf32, #tpu.memory_space<vmem>>) dst(%dma_wait3A_285 : memref<10240x64xf32, #tpu.memory_space<vmem_shared>>)
      tpu.yield
    }) : () -> ()
    %barrier3A_272 = arith.constant 0 : index
    tpu.barrier barrier_id(%barrier3A_272)
    "tpu.region"() ({
      %run_scoped3A_273 = tpu.sem_alloc : memref<!tpu.dma_semaphore, #tpu.memory_space<semaphore_mem>>
      %dma_start3A_274 = arith.constant 0 : i32
      %dma_start3A_275 = tpu.memref_slice %arg4[%arg0, %mul3A_2, %dma_start3A_274] : memref<2x10240x64xf32, #tpu.memory_space<hbm>> -> memref<1x640x64xf32, #tpu.memory_space<hbm>>
      %dma_start3A_276 = tpu.memref_squeeze %dma_start3A_275 : memref<1x640x64xf32, #tpu.memory_space<hbm>> -> memref<640x64xf32, #tpu.memory_space<hbm>>
      %dma_start3A_277 = arith.constant 0 : i32
      %dma_start3A_278 = tpu.memref_slice %arg5[%mul3A_2, %dma_start3A_277] : memref<10240x64xf32, #tpu.memory_space<vmem_shared>> -> memref<640x64xf32, #tpu.memory_space<vmem_shared>>
      tpu.enqueue_dma source(%dma_start3A_278 : memref<640x64xf32, #tpu.memory_space<vmem_shared>>) target(%dma_start3A_276 : memref<640x64xf32, #tpu.memory_space<hbm>>) target_semaphore(%run_scoped3A_273 : memref<!tpu.dma_semaphore, #tpu.memory_space<semaphore_mem>>)
      %dma_wait3A_279 = arith.constant 0 : i32
      %dma_wait3A_280 = tpu.memref_slice %arg4[%arg0, %mul3A_2, %dma_wait3A_279] : memref<2x10240x64xf32, #tpu.memory_space<hbm>> -> memref<1x640x64xf32, #tpu.memory_space<hbm>>
      %dma_wait3A_281 = tpu.memref_squeeze %dma_wait3A_280 : memref<1x640x64xf32, #tpu.memory_space<hbm>> -> memref<640x64xf32, #tpu.memory_space<hbm>>
      %dma_wait3A_282 = arith.constant 0 : i32
      %dma_wait3A_283 = tpu.memref_slice %arg5[%mul3A_2, %dma_wait3A_282] : memref<10240x64xf32, #tpu.memory_space<vmem_shared>> -> memref<640x64xf32, #tpu.memory_space<vmem_shared>>
      tpu.wait_dma2 semaphore(%run_scoped3A_273 : memref<!tpu.dma_semaphore, #tpu.memory_space<semaphore_mem>>) src(%dma_wait3A_283 : memref<640x64xf32, #tpu.memory_space<vmem_shared>>) dst(%dma_wait3A_281 : memref<640x64xf32, #tpu.memory_space<hbm>>)
      tpu.yield
    }) : () -> ()
    return
  }
}

#map = affine_map<(d0, d1) -> (0, 0)>
#map1 = affine_map<(d0, d1) -> (0, 0, 0)>
module attributes {stable_mosaic.version = 14 : i64} {
  func.func @body(%arg0: i32, %arg1: i32, %arg2: memref<10240x128xf32, #tpu.memory_space<hbm>>, %arg3: memref<2x320000xi32, #tpu.memory_space<hbm>>, %arg4: memref<2x10240x128xf32, #tpu.memory_space<hbm>>, %arg5: memref<10240x128xf32, #tpu.memory_space<vmem_shared>>, %arg6: memref<4x128xi32, #tpu.memory_space<vmem>>, %arg7: memref<4x128xi32, #tpu.memory_space<vmem>>, %arg8: memref<16xi32, #tpu.memory_space<vmem>>, %arg9: memref<16xi32, #tpu.memory_space<vmem>>, %arg10: memref<128x128xf32, #tpu.memory_space<vmem>>, %arg11: memref<128x128xf32, #tpu.memory_space<vmem>>, %arg12: memref<4x!tpu.dma_semaphore, #tpu.memory_space<semaphore_mem>>, %arg13: memref<4x!tpu.dma_semaphore, #tpu.memory_space<semaphore_mem>>, %arg14: memref<!tpu.dma_semaphore, #tpu.memory_space<semaphore_mem>>, %arg15: memref<!tpu.dma_semaphore, #tpu.memory_space<semaphore_mem>>) attributes {dimension_semantics = [#tpu.dimension_semantics<core_parallel>, #tpu.dimension_semantics<subcore_parallel>], iteration_bounds = array<i64: 2, 16>, scalar_prefetch = 0 : i64, scratch_operands = 11 : i64, tpu.core_type = #tpu.core_type<sc_vector_subcore>, window_params = [{transform_indices = #map}, {transform_indices = #map}, {transform_indices = #map1}]} {
    %mul3A = arith.constant 16 : i32
    %mul3A_0 = arith.muli %arg0, %mul3A : i32
    %add3A = arith.addi %mul3A_0, %arg1 : i32
    %mul3A_1 = arith.constant 640 : i32
    %mul3A_2 = arith.muli %arg1, %mul3A_1 : i32
    %mul3A_3 = arith.constant 10000 : i32
    %mul3A_4 = arith.muli %add3A, %mul3A_3 : i32
    %broadcast_in_dim3A = arith.constant 0.000000e+00 : f32
    %broadcast_in_dim3A_5 = vector.broadcast %broadcast_in_dim3A : f32 to vector<16xf32>
    %scan3A = arith.constant 0 : i32
    %scan3A_6 = arith.constant 0 : i32
    %scan3A_7 = arith.constant 1024 : i32
    %scan3A_8 = arith.addi %scan3A_6, %scan3A_7 : i32
    %scan3A_9 = arith.constant 1 : i32
    scf.for %scan3A_273 = %scan3A_6 to %scan3A_8 step %scan3A_9  : i32 {
      %jit3A = arith.constant 8 : i32
      %div3A = arith.divsi %scan3A_273, %jit3A : i32
      %sign3A = arith.constant 0 : i32
      %sign3A_274 = arith.cmpi sgt, %scan3A_273, %sign3A : i32
      %sign3A_275 = arith.extui %sign3A_274 : i1 to i32
      %sign3A_276 = arith.constant 0 : i32
      %sign3A_277 = arith.cmpi slt, %scan3A_273, %sign3A_276 : i32
      %sign3A_278 = arith.extui %sign3A_277 : i1 to i32
      %sign3A_279 = arith.subi %sign3A_275, %sign3A_278 : i32
      %sign3A_280 = arith.constant 0 : i32
      %sign3A_281 = arith.cmpi sgt, %jit3A, %sign3A_280 : i32
      %sign3A_282 = arith.extui %sign3A_281 : i1 to i32
      %sign3A_283 = arith.constant 0 : i32
      %sign3A_284 = arith.cmpi slt, %jit3A, %sign3A_283 : i32
      %sign3A_285 = arith.extui %sign3A_284 : i1 to i32
      %sign3A_286 = arith.subi %sign3A_282, %sign3A_285 : i32
      %ne3A = arith.cmpi ne, %sign3A_279, %sign3A_286 : i32
      %rem3A = arith.remsi %scan3A_273, %jit3A : i32
      %ne3A_287 = arith.constant 0 : i32
      %ne3A_288 = arith.cmpi ne, %rem3A, %ne3A_287 : i32
      %and3A = arith.andi %ne3A, %ne3A_288 : i1
      %sub3A = arith.constant 1 : i32
      %sub3A_289 = arith.subi %div3A, %sub3A : i32
      %select_n3A = arith.select %and3A, %sub3A_289, %div3A : i32
      %jit3A_290 = arith.constant 8 : i32
      %eq3A = arith.constant 0 : i32
      %eq3A_291 = arith.cmpi eq, %jit3A_290, %eq3A : i32
      %jit3A_292 = arith.constant 1 : i32
      %select_n3A_293 = arith.select %eq3A_291, %jit3A_292, %jit3A_290 : i32
      %rem3A_294 = arith.remsi %scan3A_273, %select_n3A_293 : i32
      %ne3A_295 = arith.constant 0 : i32
      %ne3A_296 = arith.cmpi ne, %rem3A_294, %ne3A_295 : i32
      %lt3A = arith.constant 0 : i32
      %lt3A_297 = arith.cmpi slt, %rem3A_294, %lt3A : i32
      %lt3A_298 = arith.constant 0 : i32
      %lt3A_299 = arith.cmpi slt, %select_n3A_293, %lt3A_298 : i32
      %ne3A_300 = arith.xori %lt3A_297, %lt3A_299 : i1
      %and3A_301 = arith.andi %ne3A_300, %ne3A_296 : i1
      %add3A_302 = arith.addi %rem3A_294, %select_n3A_293 : i32
      %select_n3A_303 = arith.select %and3A_301, %add3A_302, %rem3A_294 : i32
      %mul3A_304 = arith.constant 16 : i32
      %mul3A_305 = arith.muli %select_n3A_303, %mul3A_304 : i32
      %swap3A = arith.index_cast %select_n3A : i32 to index
      %swap3A_306 = arith.index_cast %mul3A_305 : i32 to index
      %swap3A_307 = tpu.vector_load %arg10[%swap3A, %swap3A_306] {strides = array<i32>} : memref<128x128xf32, #tpu.memory_space<vmem>>, vector<1x16xf32>,
      %swap3A_308 = vector.shape_cast %swap3A_307 : vector<1x16xf32> to vector<16xf32>
      %swap3A_309 = vector.shape_cast %broadcast_in_dim3A_5 : vector<16xf32> to vector<1x16xf32>
      tpu.vector_store %arg10[%swap3A, %swap3A_306], %swap3A_309 {strides = array<i32>} : memref<128x128xf32, #tpu.memory_space<vmem>>, vector<1x16xf32>,
    }
    %scan3A_10 = arith.constant 1024 : i32
    %scan3A_11 = arith.constant 0 : i32
    %scan3A_12 = arith.constant 0 : i32
    %scan3A_13 = arith.constant 5 : i32
    %scan3A_14 = arith.addi %scan3A_12, %scan3A_13 : i32
    %scan3A_15 = arith.constant 1 : i32
    scf.for %scan3A_273 = %scan3A_12 to %scan3A_14 step %scan3A_15  : i32 {
      %mul3A_274 = arith.constant 128 : i32
      %mul3A_275 = arith.muli %scan3A_273, %mul3A_274 : i32
      %add3A_276 = arith.addi %mul3A_2, %mul3A_275 : i32
      "tpu.region"() ({
        %run_scoped3A_277 = tpu.sem_alloc : memref<!tpu.dma_semaphore, #tpu.memory_space<semaphore_mem>>
        %dma_start3A_278 = arith.constant 0 : i32
        %dma_start3A_279 = tpu.memref_slice %arg5[%add3A_276, %dma_start3A_278] : memref<10240x128xf32, #tpu.memory_space<vmem_shared>> -> memref<128x128xf32, #tpu.memory_space<vmem_shared>>
        %dma_start3A_280 = arith.constant 0 : i32
        %dma_start3A_281 = tpu.memref_slice %arg5[%add3A_276, %dma_start3A_280] : memref<10240x128xf32, #tpu.memory_space<vmem_shared>> -> memref<128x128xf32, #tpu.memory_space<vmem_shared>>
        tpu.enqueue_dma source(%arg10 : memref<128x128xf32, #tpu.memory_space<vmem>>) target(%dma_start3A_281 : memref<128x128xf32, #tpu.memory_space<vmem_shared>>) target_semaphore(%run_scoped3A_277 : memref<!tpu.dma_semaphore, #tpu.memory_space<semaphore_mem>>)
        %dma_wait3A_282 = arith.constant 0 : i32
        %dma_wait3A_283 = tpu.memref_slice %arg5[%add3A_276, %dma_wait3A_282] : memref<10240x128xf32, #tpu.memory_space<vmem_shared>> -> memref<128x128xf32, #tpu.memory_space<vmem_shared>>
        %dma_wait3A_284 = arith.constant 0 : i32
        %dma_wait3A_285 = tpu.memref_slice %arg5[%add3A_276, %dma_wait3A_284] : memref<10240x128xf32, #tpu.memory_space<vmem_shared>> -> memref<128x128xf32, #tpu.memory_space<vmem_shared>>
        tpu.wait_dma2 semaphore(%run_scoped3A_277 : memref<!tpu.dma_semaphore, #tpu.memory_space<semaphore_mem>>) src(%arg10 : memref<128x128xf32, #tpu.memory_space<vmem>>) dst(%dma_wait3A_285 : memref<128x128xf32, #tpu.memory_space<vmem_shared>>)
        tpu.yield
      }) : () -> ()
    }
    %scan3A_16 = arith.constant 5 : i32
    %add3A_17 = arith.constant 0 : i32
    %add3A_18 = arith.addi %mul3A_4, %add3A_17 : i32
    %dma_start3A = arith.constant 0 : i32
    %dma_start3A_19 = arith.constant 0 : i32
    %dma_start3A_20 = arith.constant 0 : i32
    %dma_start3A_21 = arith.constant 0 : i32
    %dma_start3A_22 = tpu.memref_slice %arg6[%dma_start3A_19, %dma_start3A_21] : memref<4x128xi32, #tpu.memory_space<vmem>> -> memref<1x128xi32, #tpu.memory_space<vmem>>
    %dma_start3A_23 = tpu.memref_squeeze %dma_start3A_22 : memref<1x128xi32, #tpu.memory_space<vmem>> -> memref<128xi32, #tpu.memory_space<vmem>>
    %dma_start3A_24 = tpu.memref_slice %arg3[%dma_start3A, %add3A_18] : memref<2x320000xi32, #tpu.memory_space<hbm>> -> memref<1x128xi32, #tpu.memory_space<hbm>>
    %dma_start3A_25 = tpu.memref_squeeze %dma_start3A_24 : memref<1x128xi32, #tpu.memory_space<hbm>> -> memref<128xi32, #tpu.memory_space<hbm>>
    %dma_start3A_26 = tpu.memref_slice %arg12[%dma_start3A_20] : memref<4x!tpu.dma_semaphore, #tpu.memory_space<semaphore_mem>> -> memref<1x!tpu.dma_semaphore, #tpu.memory_space<semaphore_mem>>
    %dma_start3A_27 = tpu.memref_squeeze %dma_start3A_26 : memref<1x!tpu.dma_semaphore, #tpu.memory_space<semaphore_mem>> -> memref<!tpu.dma_semaphore, #tpu.memory_space<semaphore_mem>>
    %dma_start3A_28 = arith.constant 0 : i32
    %dma_start3A_29 = tpu.memref_slice %arg6[%dma_start3A_19, %dma_start3A_28] : memref<4x128xi32, #tpu.memory_space<vmem>> -> memref<1x128xi32, #tpu.memory_space<vmem>>
    %dma_start3A_30 = tpu.memref_squeeze %dma_start3A_29 : memref<1x128xi32, #tpu.memory_space<vmem>> -> memref<128xi32, #tpu.memory_space<vmem>>
    %dma_start3A_31 = tpu.memref_slice %arg3[%dma_start3A, %add3A_18] : memref<2x320000xi32, #tpu.memory_space<hbm>> -> memref<1x128xi32, #tpu.memory_space<hbm>>
    %dma_start3A_32 = tpu.memref_squeeze %dma_start3A_31 : memref<1x128xi32, #tpu.memory_space<hbm>> -> memref<128xi32, #tpu.memory_space<hbm>>
    tpu.enqueue_dma source(%dma_start3A_32 : memref<128xi32, #tpu.memory_space<hbm>>) target(%dma_start3A_30 : memref<128xi32, #tpu.memory_space<vmem>>) target_semaphore(%dma_start3A_27 : memref<!tpu.dma_semaphore, #tpu.memory_space<semaphore_mem>>)
    %add3A_33 = arith.constant 0 : i32
    %add3A_34 = arith.addi %mul3A_4, %add3A_33 : i32
    %dma_start3A_35 = arith.constant 1 : i32
    %dma_start3A_36 = arith.constant 0 : i32
    %dma_start3A_37 = arith.constant 0 : i32
    %dma_start3A_38 = arith.constant 0 : i32
    %dma_start3A_39 = tpu.memref_slice %arg7[%dma_start3A_36, %dma_start3A_38] : memref<4x128xi32, #tpu.memory_space<vmem>> -> memref<1x128xi32, #tpu.memory_space<vmem>>
    %dma_start3A_40 = tpu.memref_squeeze %dma_start3A_39 : memref<1x128xi32, #tpu.memory_space<vmem>> -> memref<128xi32, #tpu.memory_space<vmem>>
    %dma_start3A_41 = tpu.memref_slice %arg3[%dma_start3A_35, %add3A_34] : memref<2x320000xi32, #tpu.memory_space<hbm>> -> memref<1x128xi32, #tpu.memory_space<hbm>>
    %dma_start3A_42 = tpu.memref_squeeze %dma_start3A_41 : memref<1x128xi32, #tpu.memory_space<hbm>> -> memref<128xi32, #tpu.memory_space<hbm>>
    %dma_start3A_43 = tpu.memref_slice %arg13[%dma_start3A_37] : memref<4x!tpu.dma_semaphore, #tpu.memory_space<semaphore_mem>> -> memref<1x!tpu.dma_semaphore, #tpu.memory_space<semaphore_mem>>
    %dma_start3A_44 = tpu.memref_squeeze %dma_start3A_43 : memref<1x!tpu.dma_semaphore, #tpu.memory_space<semaphore_mem>> -> memref<!tpu.dma_semaphore, #tpu.memory_space<semaphore_mem>>
    %dma_start3A_45 = arith.constant 0 : i32
    %dma_start3A_46 = tpu.memref_slice %arg7[%dma_start3A_36, %dma_start3A_45] : memref<4x128xi32, #tpu.memory_space<vmem>> -> memref<1x128xi32, #tpu.memory_space<vmem>>
    %dma_start3A_47 = tpu.memref_squeeze %dma_start3A_46 : memref<1x128xi32, #tpu.memory_space<vmem>> -> memref<128xi32, #tpu.memory_space<vmem>>
    %dma_start3A_48 = tpu.memref_slice %arg3[%dma_start3A_35, %add3A_34] : memref<2x320000xi32, #tpu.memory_space<hbm>> -> memref<1x128xi32, #tpu.memory_space<hbm>>
    %dma_start3A_49 = tpu.memref_squeeze %dma_start3A_48 : memref<1x128xi32, #tpu.memory_space<hbm>> -> memref<128xi32, #tpu.memory_space<hbm>>
    tpu.enqueue_dma source(%dma_start3A_49 : memref<128xi32, #tpu.memory_space<hbm>>) target(%dma_start3A_47 : memref<128xi32, #tpu.memory_space<vmem>>) target_semaphore(%dma_start3A_44 : memref<!tpu.dma_semaphore, #tpu.memory_space<semaphore_mem>>)
    %add3A_50 = arith.constant 128 : i32
    %add3A_51 = arith.addi %mul3A_4, %add3A_50 : i32
    %dma_start3A_52 = arith.constant 0 : i32
    %dma_start3A_53 = arith.constant 1 : i32
    %dma_start3A_54 = arith.constant 1 : i32
    %dma_start3A_55 = arith.constant 0 : i32
    %dma_start3A_56 = tpu.memref_slice %arg6[%dma_start3A_53, %dma_start3A_55] : memref<4x128xi32, #tpu.memory_space<vmem>> -> memref<1x128xi32, #tpu.memory_space<vmem>>
    %dma_start3A_57 = tpu.memref_squeeze %dma_start3A_56 : memref<1x128xi32, #tpu.memory_space<vmem>> -> memref<128xi32, #tpu.memory_space<vmem>>
    %dma_start3A_58 = tpu.memref_slice %arg3[%dma_start3A_52, %add3A_51] : memref<2x320000xi32, #tpu.memory_space<hbm>> -> memref<1x128xi32, #tpu.memory_space<hbm>>
    %dma_start3A_59 = tpu.memref_squeeze %dma_start3A_58 : memref<1x128xi32, #tpu.memory_space<hbm>> -> memref<128xi32, #tpu.memory_space<hbm>>
    %dma_start3A_60 = tpu.memref_slice %arg12[%dma_start3A_54] : memref<4x!tpu.dma_semaphore, #tpu.memory_space<semaphore_mem>> -> memref<1x!tpu.dma_semaphore, #tpu.memory_space<semaphore_mem>>
    %dma_start3A_61 = tpu.memref_squeeze %dma_start3A_60 : memref<1x!tpu.dma_semaphore, #tpu.memory_space<semaphore_mem>> -> memref<!tpu.dma_semaphore, #tpu.memory_space<semaphore_mem>>
    %dma_start3A_62 = arith.constant 0 : i32
    %dma_start3A_63 = tpu.memref_slice %arg6[%dma_start3A_53, %dma_start3A_62] : memref<4x128xi32, #tpu.memory_space<vmem>> -> memref<1x128xi32, #tpu.memory_space<vmem>>
    %dma_start3A_64 = tpu.memref_squeeze %dma_start3A_63 : memref<1x128xi32, #tpu.memory_space<vmem>> -> memref<128xi32, #tpu.memory_space<vmem>>
    %dma_start3A_65 = tpu.memref_slice %arg3[%dma_start3A_52, %add3A_51] : memref<2x320000xi32, #tpu.memory_space<hbm>> -> memref<1x128xi32, #tpu.memory_space<hbm>>
    %dma_start3A_66 = tpu.memref_squeeze %dma_start3A_65 : memref<1x128xi32, #tpu.memory_space<hbm>> -> memref<128xi32, #tpu.memory_space<hbm>>
    tpu.enqueue_dma source(%dma_start3A_66 : memref<128xi32, #tpu.memory_space<hbm>>) target(%dma_start3A_64 : memref<128xi32, #tpu.memory_space<vmem>>) target_semaphore(%dma_start3A_61 : memref<!tpu.dma_semaphore, #tpu.memory_space<semaphore_mem>>)
    %add3A_67 = arith.constant 128 : i32
    %add3A_68 = arith.addi %mul3A_4, %add3A_67 : i32
    %dma_start3A_69 = arith.constant 1 : i32
    %dma_start3A_70 = arith.constant 1 : i32
    %dma_start3A_71 = arith.constant 1 : i32
    %dma_start3A_72 = arith.constant 0 : i32
    %dma_start3A_73 = tpu.memref_slice %arg7[%dma_start3A_70, %dma_start3A_72] : memref<4x128xi32, #tpu.memory_space<vmem>> -> memref<1x128xi32, #tpu.memory_space<vmem>>
    %dma_start3A_74 = tpu.memref_squeeze %dma_start3A_73 : memref<1x128xi32, #tpu.memory_space<vmem>> -> memref<128xi32, #tpu.memory_space<vmem>>
    %dma_start3A_75 = tpu.memref_slice %arg3[%dma_start3A_69, %add3A_68] : memref<2x320000xi32, #tpu.memory_space<hbm>> -> memref<1x128xi32, #tpu.memory_space<hbm>>
    %dma_start3A_76 = tpu.memref_squeeze %dma_start3A_75 : memref<1x128xi32, #tpu.memory_space<hbm>> -> memref<128xi32, #tpu.memory_space<hbm>>
    %dma_start3A_77 = tpu.memref_slice %arg13[%dma_start3A_71] : memref<4x!tpu.dma_semaphore, #tpu.memory_space<semaphore_mem>> -> memref<1x!tpu.dma_semaphore, #tpu.memory_space<semaphore_mem>>
    %dma_start3A_78 = tpu.memref_squeeze %dma_start3A_77 : memref<1x!tpu.dma_semaphore, #tpu.memory_space<semaphore_mem>> -> memref<!tpu.dma_semaphore, #tpu.memory_space<semaphore_mem>>
    %dma_start3A_79 = arith.constant 0 : i32
    %dma_start3A_80 = tpu.memref_slice %arg7[%dma_start3A_70, %dma_start3A_79] : memref<4x128xi32, #tpu.memory_space<vmem>> -> memref<1x128xi32, #tpu.memory_space<vmem>>
    %dma_start3A_81 = tpu.memref_squeeze %dma_start3A_80 : memref<1x128xi32, #tpu.memory_space<vmem>> -> memref<128xi32, #tpu.memory_space<vmem>>
    %dma_start3A_82 = tpu.memref_slice %arg3[%dma_start3A_69, %add3A_68] : memref<2x320000xi32, #tpu.memory_space<hbm>> -> memref<1x128xi32, #tpu.memory_space<hbm>>
    %dma_start3A_83 = tpu.memref_squeeze %dma_start3A_82 : memref<1x128xi32, #tpu.memory_space<hbm>> -> memref<128xi32, #tpu.memory_space<hbm>>
    tpu.enqueue_dma source(%dma_start3A_83 : memref<128xi32, #tpu.memory_space<hbm>>) target(%dma_start3A_81 : memref<128xi32, #tpu.memory_space<vmem>>) target_semaphore(%dma_start3A_78 : memref<!tpu.dma_semaphore, #tpu.memory_space<semaphore_mem>>)
    %add3A_84 = arith.constant 256 : i32
    %add3A_85 = arith.addi %mul3A_4, %add3A_84 : i32
    %dma_start3A_86 = arith.constant 0 : i32
    %dma_start3A_87 = arith.constant 2 : i32
    %dma_start3A_88 = arith.constant 2 : i32
    %dma_start3A_89 = arith.constant 0 : i32
    %dma_start3A_90 = tpu.memref_slice %arg6[%dma_start3A_87, %dma_start3A_89] : memref<4x128xi32, #tpu.memory_space<vmem>> -> memref<1x128xi32, #tpu.memory_space<vmem>>
    %dma_start3A_91 = tpu.memref_squeeze %dma_start3A_90 : memref<1x128xi32, #tpu.memory_space<vmem>> -> memref<128xi32, #tpu.memory_space<vmem>>
    %dma_start3A_92 = tpu.memref_slice %arg3[%dma_start3A_86, %add3A_85] : memref<2x320000xi32, #tpu.memory_space<hbm>> -> memref<1x128xi32, #tpu.memory_space<hbm>>
    %dma_start3A_93 = tpu.memref_squeeze %dma_start3A_92 : memref<1x128xi32, #tpu.memory_space<hbm>> -> memref<128xi32, #tpu.memory_space<hbm>>
    %dma_start3A_94 = tpu.memref_slice %arg12[%dma_start3A_88] : memref<4x!tpu.dma_semaphore, #tpu.memory_space<semaphore_mem>> -> memref<1x!tpu.dma_semaphore, #tpu.memory_space<semaphore_mem>>
    %dma_start3A_95 = tpu.memref_squeeze %dma_start3A_94 : memref<1x!tpu.dma_semaphore, #tpu.memory_space<semaphore_mem>> -> memref<!tpu.dma_semaphore, #tpu.memory_space<semaphore_mem>>
    %dma_start3A_96 = arith.constant 0 : i32
    %dma_start3A_97 = tpu.memref_slice %arg6[%dma_start3A_87, %dma_start3A_96] : memref<4x128xi32, #tpu.memory_space<vmem>> -> memref<1x128xi32, #tpu.memory_space<vmem>>
    %dma_start3A_98 = tpu.memref_squeeze %dma_start3A_97 : memref<1x128xi32, #tpu.memory_space<vmem>> -> memref<128xi32, #tpu.memory_space<vmem>>
    %dma_start3A_99 = tpu.memref_slice %arg3[%dma_start3A_86, %add3A_85] : memref<2x320000xi32, #tpu.memory_space<hbm>> -> memref<1x128xi32, #tpu.memory_space<hbm>>
    %dma_start3A_100 = tpu.memref_squeeze %dma_start3A_99 : memref<1x128xi32, #tpu.memory_space<hbm>> -> memref<128xi32, #tpu.memory_space<hbm>>
    tpu.enqueue_dma source(%dma_start3A_100 : memref<128xi32, #tpu.memory_space<hbm>>) target(%dma_start3A_98 : memref<128xi32, #tpu.memory_space<vmem>>) target_semaphore(%dma_start3A_95 : memref<!tpu.dma_semaphore, #tpu.memory_space<semaphore_mem>>)
    %add3A_101 = arith.constant 256 : i32
    %add3A_102 = arith.addi %mul3A_4, %add3A_101 : i32
    %dma_start3A_103 = arith.constant 1 : i32
    %dma_start3A_104 = arith.constant 2 : i32
    %dma_start3A_105 = arith.constant 2 : i32
    %dma_start3A_106 = arith.constant 0 : i32
    %dma_start3A_107 = tpu.memref_slice %arg7[%dma_start3A_104, %dma_start3A_106] : memref<4x128xi32, #tpu.memory_space<vmem>> -> memref<1x128xi32, #tpu.memory_space<vmem>>
    %dma_start3A_108 = tpu.memref_squeeze %dma_start3A_107 : memref<1x128xi32, #tpu.memory_space<vmem>> -> memref<128xi32, #tpu.memory_space<vmem>>
    %dma_start3A_109 = tpu.memref_slice %arg3[%dma_start3A_103, %add3A_102] : memref<2x320000xi32, #tpu.memory_space<hbm>> -> memref<1x128xi32, #tpu.memory_space<hbm>>
    %dma_start3A_110 = tpu.memref_squeeze %dma_start3A_109 : memref<1x128xi32, #tpu.memory_space<hbm>> -> memref<128xi32, #tpu.memory_space<hbm>>
    %dma_start3A_111 = tpu.memref_slice %arg13[%dma_start3A_105] : memref<4x!tpu.dma_semaphore, #tpu.memory_space<semaphore_mem>> -> memref<1x!tpu.dma_semaphore, #tpu.memory_space<semaphore_mem>>
    %dma_start3A_112 = tpu.memref_squeeze %dma_start3A_111 : memref<1x!tpu.dma_semaphore, #tpu.memory_space<semaphore_mem>> -> memref<!tpu.dma_semaphore, #tpu.memory_space<semaphore_mem>>
    %dma_start3A_113 = arith.constant 0 : i32
    %dma_start3A_114 = tpu.memref_slice %arg7[%dma_start3A_104, %dma_start3A_113] : memref<4x128xi32, #tpu.memory_space<vmem>> -> memref<1x128xi32, #tpu.memory_space<vmem>>
    %dma_start3A_115 = tpu.memref_squeeze %dma_start3A_114 : memref<1x128xi32, #tpu.memory_space<vmem>> -> memref<128xi32, #tpu.memory_space<vmem>>
    %dma_start3A_116 = tpu.memref_slice %arg3[%dma_start3A_103, %add3A_102] : memref<2x320000xi32, #tpu.memory_space<hbm>> -> memref<1x128xi32, #tpu.memory_space<hbm>>
    %dma_start3A_117 = tpu.memref_squeeze %dma_start3A_116 : memref<1x128xi32, #tpu.memory_space<hbm>> -> memref<128xi32, #tpu.memory_space<hbm>>
    tpu.enqueue_dma source(%dma_start3A_117 : memref<128xi32, #tpu.memory_space<hbm>>) target(%dma_start3A_115 : memref<128xi32, #tpu.memory_space<vmem>>) target_semaphore(%dma_start3A_112 : memref<!tpu.dma_semaphore, #tpu.memory_space<semaphore_mem>>)
    %add3A_118 = arith.constant 384 : i32
    %add3A_119 = arith.addi %mul3A_4, %add3A_118 : i32
    %dma_start3A_120 = arith.constant 0 : i32
    %dma_start3A_121 = arith.constant 3 : i32
    %dma_start3A_122 = arith.constant 3 : i32
    %dma_start3A_123 = arith.constant 0 : i32
    %dma_start3A_124 = tpu.memref_slice %arg6[%dma_start3A_121, %dma_start3A_123] : memref<4x128xi32, #tpu.memory_space<vmem>> -> memref<1x128xi32, #tpu.memory_space<vmem>>
    %dma_start3A_125 = tpu.memref_squeeze %dma_start3A_124 : memref<1x128xi32, #tpu.memory_space<vmem>> -> memref<128xi32, #tpu.memory_space<vmem>>
    %dma_start3A_126 = tpu.memref_slice %arg3[%dma_start3A_120, %add3A_119] : memref<2x320000xi32, #tpu.memory_space<hbm>> -> memref<1x128xi32, #tpu.memory_space<hbm>>
    %dma_start3A_127 = tpu.memref_squeeze %dma_start3A_126 : memref<1x128xi32, #tpu.memory_space<hbm>> -> memref<128xi32, #tpu.memory_space<hbm>>
    %dma_start3A_128 = tpu.memref_slice %arg12[%dma_start3A_122] : memref<4x!tpu.dma_semaphore, #tpu.memory_space<semaphore_mem>> -> memref<1x!tpu.dma_semaphore, #tpu.memory_space<semaphore_mem>>
    %dma_start3A_129 = tpu.memref_squeeze %dma_start3A_128 : memref<1x!tpu.dma_semaphore, #tpu.memory_space<semaphore_mem>> -> memref<!tpu.dma_semaphore, #tpu.memory_space<semaphore_mem>>
    %dma_start3A_130 = arith.constant 0 : i32
    %dma_start3A_131 = tpu.memref_slice %arg6[%dma_start3A_121, %dma_start3A_130] : memref<4x128xi32, #tpu.memory_space<vmem>> -> memref<1x128xi32, #tpu.memory_space<vmem>>
    %dma_start3A_132 = tpu.memref_squeeze %dma_start3A_131 : memref<1x128xi32, #tpu.memory_space<vmem>> -> memref<128xi32, #tpu.memory_space<vmem>>
    %dma_start3A_133 = tpu.memref_slice %arg3[%dma_start3A_120, %add3A_119] : memref<2x320000xi32, #tpu.memory_space<hbm>> -> memref<1x128xi32, #tpu.memory_space<hbm>>
    %dma_start3A_134 = tpu.memref_squeeze %dma_start3A_133 : memref<1x128xi32, #tpu.memory_space<hbm>> -> memref<128xi32, #tpu.memory_space<hbm>>
    tpu.enqueue_dma source(%dma_start3A_134 : memref<128xi32, #tpu.memory_space<hbm>>) target(%dma_start3A_132 : memref<128xi32, #tpu.memory_space<vmem>>) target_semaphore(%dma_start3A_129 : memref<!tpu.dma_semaphore, #tpu.memory_space<semaphore_mem>>)
    %add3A_135 = arith.constant 384 : i32
    %add3A_136 = arith.addi %mul3A_4, %add3A_135 : i32
    %dma_start3A_137 = arith.constant 1 : i32
    %dma_start3A_138 = arith.constant 3 : i32
    %dma_start3A_139 = arith.constant 3 : i32
    %dma_start3A_140 = arith.constant 0 : i32
    %dma_start3A_141 = tpu.memref_slice %arg7[%dma_start3A_138, %dma_start3A_140] : memref<4x128xi32, #tpu.memory_space<vmem>> -> memref<1x128xi32, #tpu.memory_space<vmem>>
    %dma_start3A_142 = tpu.memref_squeeze %dma_start3A_141 : memref<1x128xi32, #tpu.memory_space<vmem>> -> memref<128xi32, #tpu.memory_space<vmem>>
    %dma_start3A_143 = tpu.memref_slice %arg3[%dma_start3A_137, %add3A_136] : memref<2x320000xi32, #tpu.memory_space<hbm>> -> memref<1x128xi32, #tpu.memory_space<hbm>>
    %dma_start3A_144 = tpu.memref_squeeze %dma_start3A_143 : memref<1x128xi32, #tpu.memory_space<hbm>> -> memref<128xi32, #tpu.memory_space<hbm>>
    %dma_start3A_145 = tpu.memref_slice %arg13[%dma_start3A_139] : memref<4x!tpu.dma_semaphore, #tpu.memory_space<semaphore_mem>> -> memref<1x!tpu.dma_semaphore, #tpu.memory_space<semaphore_mem>>
    %dma_start3A_146 = tpu.memref_squeeze %dma_start3A_145 : memref<1x!tpu.dma_semaphore, #tpu.memory_space<semaphore_mem>> -> memref<!tpu.dma_semaphore, #tpu.memory_space<semaphore_mem>>
    %dma_start3A_147 = arith.constant 0 : i32
    %dma_start3A_148 = tpu.memref_slice %arg7[%dma_start3A_138, %dma_start3A_147] : memref<4x128xi32, #tpu.memory_space<vmem>> -> memref<1x128xi32, #tpu.memory_space<vmem>>
    %dma_start3A_149 = tpu.memref_squeeze %dma_start3A_148 : memref<1x128xi32, #tpu.memory_space<vmem>> -> memref<128xi32, #tpu.memory_space<vmem>>
    %dma_start3A_150 = tpu.memref_slice %arg3[%dma_start3A_137, %add3A_136] : memref<2x320000xi32, #tpu.memory_space<hbm>> -> memref<1x128xi32, #tpu.memory_space<hbm>>
    %dma_start3A_151 = tpu.memref_squeeze %dma_start3A_150 : memref<1x128xi32, #tpu.memory_space<hbm>> -> memref<128xi32, #tpu.memory_space<hbm>>
    tpu.enqueue_dma source(%dma_start3A_151 : memref<128xi32, #tpu.memory_space<hbm>>) target(%dma_start3A_149 : memref<128xi32, #tpu.memory_space<vmem>>) target_semaphore(%dma_start3A_146 : memref<!tpu.dma_semaphore, #tpu.memory_space<semaphore_mem>>)
    %add3A_152 = arith.constant 9984 : i32
    %add3A_153 = arith.addi %mul3A_4, %add3A_152 : i32
    %run_scoped3A = arith.constant 0 : i32
    "tpu.region"() ({
      %run_scoped3A_273 = tpu.sem_alloc : memref<!tpu.dma_semaphore, #tpu.memory_space<semaphore_mem>>
      %dma_start3A_274 = tpu.memref_slice %arg3[%run_scoped3A, %add3A_153] : memref<2x320000xi32, #tpu.memory_space<hbm>> -> memref<1x16xi32, #tpu.memory_space<hbm>>
      %dma_start3A_275 = tpu.memref_squeeze %dma_start3A_274 : memref<1x16xi32, #tpu.memory_space<hbm>> -> memref<16xi32, #tpu.memory_space<hbm>>
      %dma_start3A_276 = tpu.memref_slice %arg3[%run_scoped3A, %add3A_153] : memref<2x320000xi32, #tpu.memory_space<hbm>> -> memref<1x16xi32, #tpu.memory_space<hbm>>
      %dma_start3A_277 = tpu.memref_squeeze %dma_start3A_276 : memref<1x16xi32, #tpu.memory_space<hbm>> -> memref<16xi32, #tpu.memory_space<hbm>>
      tpu.enqueue_dma source(%dma_start3A_277 : memref<16xi32, #tpu.memory_space<hbm>>) target(%arg8 : memref<16xi32, #tpu.memory_space<vmem>>) target_semaphore(%run_scoped3A_273 : memref<!tpu.dma_semaphore, #tpu.memory_space<semaphore_mem>>)
      %dma_wait3A_278 = tpu.memref_slice %arg3[%run_scoped3A, %add3A_153] : memref<2x320000xi32, #tpu.memory_space<hbm>> -> memref<1x16xi32, #tpu.memory_space<hbm>>
      %dma_wait3A_279 = tpu.memref_squeeze %dma_wait3A_278 : memref<1x16xi32, #tpu.memory_space<hbm>> -> memref<16xi32, #tpu.memory_space<hbm>>
      %dma_wait3A_280 = tpu.memref_slice %arg3[%run_scoped3A, %add3A_153] : memref<2x320000xi32, #tpu.memory_space<hbm>> -> memref<1x16xi32, #tpu.memory_space<hbm>>
      %dma_wait3A_281 = tpu.memref_squeeze %dma_wait3A_280 : memref<1x16xi32, #tpu.memory_space<hbm>> -> memref<16xi32, #tpu.memory_space<hbm>>
      tpu.wait_dma2 semaphore(%run_scoped3A_273 : memref<!tpu.dma_semaphore, #tpu.memory_space<semaphore_mem>>) src(%dma_wait3A_281 : memref<16xi32, #tpu.memory_space<hbm>>) dst(%arg8 : memref<16xi32, #tpu.memory_space<vmem>>)
      tpu.yield
    }) : () -> ()
    %add3A_154 = arith.constant 9984 : i32
    %add3A_155 = arith.addi %mul3A_4, %add3A_154 : i32
    %run_scoped3A_156 = arith.constant 1 : i32
    "tpu.region"() ({
      %run_scoped3A_273 = tpu.sem_alloc : memref<!tpu.dma_semaphore, #tpu.memory_space<semaphore_mem>>
      %dma_start3A_274 = tpu.memref_slice %arg3[%run_scoped3A_156, %add3A_155] : memref<2x320000xi32, #tpu.memory_space<hbm>> -> memref<1x16xi32, #tpu.memory_space<hbm>>
      %dma_start3A_275 = tpu.memref_squeeze %dma_start3A_274 : memref<1x16xi32, #tpu.memory_space<hbm>> -> memref<16xi32, #tpu.memory_space<hbm>>
      %dma_start3A_276 = tpu.memref_slice %arg3[%run_scoped3A_156, %add3A_155] : memref<2x320000xi32, #tpu.memory_space<hbm>> -> memref<1x16xi32, #tpu.memory_space<hbm>>
      %dma_start3A_277 = tpu.memref_squeeze %dma_start3A_276 : memref<1x16xi32, #tpu.memory_space<hbm>> -> memref<16xi32, #tpu.memory_space<hbm>>
      tpu.enqueue_dma source(%dma_start3A_277 : memref<16xi32, #tpu.memory_space<hbm>>) target(%arg9 : memref<16xi32, #tpu.memory_space<vmem>>) target_semaphore(%run_scoped3A_273 : memref<!tpu.dma_semaphore, #tpu.memory_space<semaphore_mem>>)
      %dma_wait3A_278 = tpu.memref_slice %arg3[%run_scoped3A_156, %add3A_155] : memref<2x320000xi32, #tpu.memory_space<hbm>> -> memref<1x16xi32, #tpu.memory_space<hbm>>
      %dma_wait3A_279 = tpu.memref_squeeze %dma_wait3A_278 : memref<1x16xi32, #tpu.memory_space<hbm>> -> memref<16xi32, #tpu.memory_space<hbm>>
      %dma_wait3A_280 = tpu.memref_slice %arg3[%run_scoped3A_156, %add3A_155] : memref<2x320000xi32, #tpu.memory_space<hbm>> -> memref<1x16xi32, #tpu.memory_space<hbm>>
      %dma_wait3A_281 = tpu.memref_squeeze %dma_wait3A_280 : memref<1x16xi32, #tpu.memory_space<hbm>> -> memref<16xi32, #tpu.memory_space<hbm>>
      tpu.wait_dma2 semaphore(%run_scoped3A_273 : memref<!tpu.dma_semaphore, #tpu.memory_space<semaphore_mem>>) src(%dma_wait3A_281 : memref<16xi32, #tpu.memory_space<hbm>>) dst(%arg9 : memref<16xi32, #tpu.memory_space<vmem>>)
      tpu.yield
    }) : () -> ()
    %barrier3A = arith.constant 0 : index
    tpu.barrier barrier_id(%barrier3A)
    %add3A_157 = arith.constant 0 : i32
    %add3A_158 = arith.addi %mul3A_4, %add3A_157 : i32
    %dma_wait3A = arith.constant 0 : i32
    %dma_wait3A_159 = arith.constant 0 : i32
    %dma_wait3A_160 = arith.constant 0 : i32
    %dma_wait3A_161 = arith.constant 0 : i32
    %dma_wait3A_162 = tpu.memref_slice %arg6[%dma_wait3A_159, %dma_wait3A_161] : memref<4x128xi32, #tpu.memory_space<vmem>> -> memref<1x128xi32, #tpu.memory_space<vmem>>
    %dma_wait3A_163 = tpu.memref_squeeze %dma_wait3A_162 : memref<1x128xi32, #tpu.memory_space<vmem>> -> memref<128xi32, #tpu.memory_space<vmem>>
    %dma_wait3A_164 = tpu.memref_slice %arg3[%dma_wait3A, %add3A_158] : memref<2x320000xi32, #tpu.memory_space<hbm>> -> memref<1x128xi32, #tpu.memory_space<hbm>>
    %dma_wait3A_165 = tpu.memref_squeeze %dma_wait3A_164 : memref<1x128xi32, #tpu.memory_space<hbm>> -> memref<128xi32, #tpu.memory_space<hbm>>
    %dma_wait3A_166 = tpu.memref_slice %arg12[%dma_wait3A_160] : memref<4x!tpu.dma_semaphore, #tpu.memory_space<semaphore_mem>> -> memref<1x!tpu.dma_semaphore, #tpu.memory_space<semaphore_mem>>
    %dma_wait3A_167 = tpu.memref_squeeze %dma_wait3A_166 : memref<1x!tpu.dma_semaphore, #tpu.memory_space<semaphore_mem>> -> memref<!tpu.dma_semaphore, #tpu.memory_space<semaphore_mem>>
    %dma_wait3A_168 = arith.constant 0 : i32
    %dma_wait3A_169 = tpu.memref_slice %arg6[%dma_wait3A_159, %dma_wait3A_168] : memref<4x128xi32, #tpu.memory_space<vmem>> -> memref<1x128xi32, #tpu.memory_space<vmem>>
    %dma_wait3A_170 = tpu.memref_squeeze %dma_wait3A_169 : memref<1x128xi32, #tpu.memory_space<vmem>> -> memref<128xi32, #tpu.memory_space<vmem>>
    %dma_wait3A_171 = tpu.memref_slice %arg3[%dma_wait3A, %add3A_158] : memref<2x320000xi32, #tpu.memory_space<hbm>> -> memref<1x128xi32, #tpu.memory_space<hbm>>
    %dma_wait3A_172 = tpu.memref_squeeze %dma_wait3A_171 : memref<1x128xi32, #tpu.memory_space<hbm>> -> memref<128xi32, #tpu.memory_space<hbm>>
    tpu.wait_dma2 semaphore(%dma_wait3A_167 : memref<!tpu.dma_semaphore, #tpu.memory_space<semaphore_mem>>) src(%dma_wait3A_172 : memref<128xi32, #tpu.memory_space<hbm>>) dst(%dma_wait3A_170 : memref<128xi32, #tpu.memory_space<vmem>>)
    %dma_start3A_173 = arith.constant 0 : i32
    %dma_start3A_174 = arith.constant 0 : i32
    %dma_start3A_175 = tpu.memref_slice %arg6[%dma_start3A_173, %dma_start3A_174] : memref<4x128xi32, #tpu.memory_space<vmem>> -> memref<1x128xi32, #tpu.memory_space<vmem>>
    %dma_start3A_176 = tpu.memref_squeeze %dma_start3A_175 : memref<1x128xi32, #tpu.memory_space<vmem>> -> memref<128xi32, #tpu.memory_space<vmem>>
    %dma_start3A_177 = arith.constant 0 : i32
    %dma_start3A_178 = arith.constant 0 : i32
    %dma_start3A_179 = tpu.memref_slice %arg2[%dma_start3A_177, %dma_start3A_178] : memref<10240x128xf32, #tpu.memory_space<hbm>> -> memref<10240x128xf32, #tpu.memory_space<hbm>>
    tpu.enqueue_indirect_dma source(%dma_start3A_179 : memref<10240x128xf32, #tpu.memory_space<hbm>>) target(%arg10 : memref<128x128xf32, #tpu.memory_space<vmem>>) offsets(%dma_start3A_176 : memref<128xi32, #tpu.memory_space<vmem>>) semaphore(%arg14 : memref<!tpu.dma_semaphore, #tpu.memory_space<semaphore_mem>>)
    %add3A_180 = arith.constant 128 : i32
    %add3A_181 = arith.addi %mul3A_4, %add3A_180 : i32
    %dma_wait3A_182 = arith.constant 0 : i32
    %dma_wait3A_183 = arith.constant 1 : i32
    %dma_wait3A_184 = arith.constant 1 : i32
    %dma_wait3A_185 = arith.constant 0 : i32
    %dma_wait3A_186 = tpu.memref_slice %arg6[%dma_wait3A_183, %dma_wait3A_185] : memref<4x128xi32, #tpu.memory_space<vmem>> -> memref<1x128xi32, #tpu.memory_space<vmem>>
    %dma_wait3A_187 = tpu.memref_squeeze %dma_wait3A_186 : memref<1x128xi32, #tpu.memory_space<vmem>> -> memref<128xi32, #tpu.memory_space<vmem>>
    %dma_wait3A_188 = tpu.memref_slice %arg3[%dma_wait3A_182, %add3A_181] : memref<2x320000xi32, #tpu.memory_space<hbm>> -> memref<1x128xi32, #tpu.memory_space<hbm>>
    %dma_wait3A_189 = tpu.memref_squeeze %dma_wait3A_188 : memref<1x128xi32, #tpu.memory_space<hbm>> -> memref<128xi32, #tpu.memory_space<hbm>>
    %dma_wait3A_190 = tpu.memref_slice %arg12[%dma_wait3A_184] : memref<4x!tpu.dma_semaphore, #tpu.memory_space<semaphore_mem>> -> memref<1x!tpu.dma_semaphore, #tpu.memory_space<semaphore_mem>>
    %dma_wait3A_191 = tpu.memref_squeeze %dma_wait3A_190 : memref<1x!tpu.dma_semaphore, #tpu.memory_space<semaphore_mem>> -> memref<!tpu.dma_semaphore, #tpu.memory_space<semaphore_mem>>
    %dma_wait3A_192 = arith.constant 0 : i32
    %dma_wait3A_193 = tpu.memref_slice %arg6[%dma_wait3A_183, %dma_wait3A_192] : memref<4x128xi32, #tpu.memory_space<vmem>> -> memref<1x128xi32, #tpu.memory_space<vmem>>
    %dma_wait3A_194 = tpu.memref_squeeze %dma_wait3A_193 : memref<1x128xi32, #tpu.memory_space<vmem>> -> memref<128xi32, #tpu.memory_space<vmem>>
    %dma_wait3A_195 = tpu.memref_slice %arg3[%dma_wait3A_182, %add3A_181] : memref<2x320000xi32, #tpu.memory_space<hbm>> -> memref<1x128xi32, #tpu.memory_space<hbm>>
    %dma_wait3A_196 = tpu.memref_squeeze %dma_wait3A_195 : memref<1x128xi32, #tpu.memory_space<hbm>> -> memref<128xi32, #tpu.memory_space<hbm>>
    tpu.wait_dma2 semaphore(%dma_wait3A_191 : memref<!tpu.dma_semaphore, #tpu.memory_space<semaphore_mem>>) src(%dma_wait3A_196 : memref<128xi32, #tpu.memory_space<hbm>>) dst(%dma_wait3A_194 : memref<128xi32, #tpu.memory_space<vmem>>)
    %dma_start3A_197 = arith.constant 1 : i32
    %dma_start3A_198 = arith.constant 0 : i32
    %dma_start3A_199 = tpu.memref_slice %arg6[%dma_start3A_197, %dma_start3A_198] : memref<4x128xi32, #tpu.memory_space<vmem>> -> memref<1x128xi32, #tpu.memory_space<vmem>>
    %dma_start3A_200 = tpu.memref_squeeze %dma_start3A_199 : memref<1x128xi32, #tpu.memory_space<vmem>> -> memref<128xi32, #tpu.memory_space<vmem>>
    %dma_start3A_201 = arith.constant 0 : i32
    %dma_start3A_202 = arith.constant 0 : i32
    %dma_start3A_203 = tpu.memref_slice %arg2[%dma_start3A_201, %dma_start3A_202] : memref<10240x128xf32, #tpu.memory_space<hbm>> -> memref<10240x128xf32, #tpu.memory_space<hbm>>
    tpu.enqueue_indirect_dma source(%dma_start3A_203 : memref<10240x128xf32, #tpu.memory_space<hbm>>) target(%arg11 : memref<128x128xf32, #tpu.memory_space<vmem>>) offsets(%dma_start3A_200 : memref<128xi32, #tpu.memory_space<vmem>>) semaphore(%arg15 : memref<!tpu.dma_semaphore, #tpu.memory_space<semaphore_mem>>)
    %scan3A_204 = arith.constant 0 : i32
    %scan3A_205 = arith.constant 0 : i32
    %scan3A_206 = arith.constant 19 : i32
    %scan3A_207 = arith.addi %scan3A_205, %scan3A_206 : i32
    %scan3A_208 = arith.constant 1 : i32
    scf.for %scan3A_273 = %scan3A_205 to %scan3A_207 step %scan3A_208  : i32 {
      %mul3A_274 = arith.constant 4 : i32
      %mul3A_275 = arith.muli %mul3A_274, %scan3A_273 : i32
      %add3A_276 = arith.constant 0 : i32
      %add3A_277 = arith.addi %mul3A_275, %add3A_276 : i32
      %dma_wait3A_278 = arith.constant 0 : i32
      %dma_wait3A_279 = arith.constant 0 : i32
      %dma_wait3A_280 = tpu.memref_slice %arg6[%dma_wait3A_278, %dma_wait3A_279] : memref<4x128xi32, #tpu.memory_space<vmem>> -> memref<1x128xi32, #tpu.memory_space<vmem>>
      %dma_wait3A_281 = tpu.memref_squeeze %dma_wait3A_280 : memref<1x128xi32, #tpu.memory_space<vmem>> -> memref<128xi32, #tpu.memory_space<vmem>>
      %dma_wait3A_282 = arith.constant 0 : i32
      %dma_wait3A_283 = arith.constant 0 : i32
      %dma_wait3A_284 = tpu.memref_slice %arg2[%dma_wait3A_282, %dma_wait3A_283] : memref<10240x128xf32, #tpu.memory_space<hbm>> -> memref<10240x128xf32, #tpu.memory_space<hbm>>
      tpu.wait_indirect_dma semaphore(%arg14 : memref<!tpu.dma_semaphore, #tpu.memory_space<semaphore_mem>>) src(%dma_wait3A_284 : memref<10240x128xf32, #tpu.memory_space<hbm>>) dst(%arg10 : memref<128x128xf32, #tpu.memory_space<vmem>>)
      %mul3A_285 = arith.constant 128 : i32
      %mul3A_286 = arith.muli %add3A_277, %mul3A_285 : i32
      %add3A_287 = arith.addi %mul3A_4, %mul3A_286 : i32
      %dma_wait3A_288 = arith.constant 1 : i32
      %dma_wait3A_289 = arith.constant 0 : i32
      %dma_wait3A_290 = arith.constant 0 : i32
      %dma_wait3A_291 = arith.constant 0 : i32
      %dma_wait3A_292 = tpu.memref_slice %arg7[%dma_wait3A_289, %dma_wait3A_291] : memref<4x128xi32, #tpu.memory_space<vmem>> -> memref<1x128xi32, #tpu.memory_space<vmem>>
      %dma_wait3A_293 = tpu.memref_squeeze %dma_wait3A_292 : memref<1x128xi32, #tpu.memory_space<vmem>> -> memref<128xi32, #tpu.memory_space<vmem>>
      %dma_wait3A_294 = tpu.memref_slice %arg3[%dma_wait3A_288, %add3A_287] : memref<2x320000xi32, #tpu.memory_space<hbm>> -> memref<1x128xi32, #tpu.memory_space<hbm>>
      %dma_wait3A_295 = tpu.memref_squeeze %dma_wait3A_294 : memref<1x128xi32, #tpu.memory_space<hbm>> -> memref<128xi32, #tpu.memory_space<hbm>>
      %dma_wait3A_296 = tpu.memref_slice %arg13[%dma_wait3A_290] : memref<4x!tpu.dma_semaphore, #tpu.memory_space<semaphore_mem>> -> memref<1x!tpu.dma_semaphore, #tpu.memory_space<semaphore_mem>>
      %dma_wait3A_297 = tpu.memref_squeeze %dma_wait3A_296 : memref<1x!tpu.dma_semaphore, #tpu.memory_space<semaphore_mem>> -> memref<!tpu.dma_semaphore, #tpu.memory_space<semaphore_mem>>
      %dma_wait3A_298 = arith.constant 0 : i32
      %dma_wait3A_299 = tpu.memref_slice %arg7[%dma_wait3A_289, %dma_wait3A_298] : memref<4x128xi32, #tpu.memory_space<vmem>> -> memref<1x128xi32, #tpu.memory_space<vmem>>
      %dma_wait3A_300 = tpu.memref_squeeze %dma_wait3A_299 : memref<1x128xi32, #tpu.memory_space<vmem>> -> memref<128xi32, #tpu.memory_space<vmem>>
      %dma_wait3A_301 = tpu.memref_slice %arg3[%dma_wait3A_288, %add3A_287] : memref<2x320000xi32, #tpu.memory_space<hbm>> -> memref<1x128xi32, #tpu.memory_space<hbm>>
      %dma_wait3A_302 = tpu.memref_squeeze %dma_wait3A_301 : memref<1x128xi32, #tpu.memory_space<hbm>> -> memref<128xi32, #tpu.memory_space<hbm>>
      tpu.wait_dma2 semaphore(%dma_wait3A_297 : memref<!tpu.dma_semaphore, #tpu.memory_space<semaphore_mem>>) src(%dma_wait3A_302 : memref<128xi32, #tpu.memory_space<hbm>>) dst(%dma_wait3A_300 : memref<128xi32, #tpu.memory_space<vmem>>)
      %run_scoped3A_303 = arith.constant 0 : i32
      "tpu.region"() ({
        %run_scoped3A_447 = tpu.sem_alloc : memref<!tpu.dma_semaphore, #tpu.memory_space<semaphore_mem>>
        %dma_start3A_448 = arith.constant 0 : i32
        %dma_start3A_449 = tpu.memref_slice %arg7[%run_scoped3A_303, %dma_start3A_448] : memref<4x128xi32, #tpu.memory_space<vmem>> -> memref<1x128xi32, #tpu.memory_space<vmem>>
        %dma_start3A_450 = tpu.memref_squeeze %dma_start3A_449 : memref<1x128xi32, #tpu.memory_space<vmem>> -> memref<128xi32, #tpu.memory_space<vmem>>
        %dma_start3A_451 = arith.constant 0 : i32
        %dma_start3A_452 = arith.constant 0 : i32
        %dma_start3A_453 = tpu.memref_slice %arg5[%dma_start3A_451, %dma_start3A_452] : memref<10240x128xf32, #tpu.memory_space<vmem_shared>> -> memref<10240x128xf32, #tpu.memory_space<vmem_shared>>
        tpu.enqueue_indirect_dma source(%arg10 : memref<128x128xf32, #tpu.memory_space<vmem>>) target(%dma_start3A_453 : memref<10240x128xf32, #tpu.memory_space<vmem_shared>>) offsets(%dma_start3A_450 : memref<128xi32, #tpu.memory_space<vmem>>) semaphore(%run_scoped3A_447 : memref<!tpu.dma_semaphore, #tpu.memory_space<semaphore_mem>>) {add = true}
        %dma_wait3A_454 = arith.constant 0 : i32
        %dma_wait3A_455 = tpu.memref_slice %arg7[%run_scoped3A_303, %dma_wait3A_454] : memref<4x128xi32, #tpu.memory_space<vmem>> -> memref<1x128xi32, #tpu.memory_space<vmem>>
        %dma_wait3A_456 = tpu.memref_squeeze %dma_wait3A_455 : memref<1x128xi32, #tpu.memory_space<vmem>> -> memref<128xi32, #tpu.memory_space<vmem>>
        %dma_wait3A_457 = arith.constant 0 : i32
        %dma_wait3A_458 = arith.constant 0 : i32
        %dma_wait3A_459 = tpu.memref_slice %arg5[%dma_wait3A_457, %dma_wait3A_458] : memref<10240x128xf32, #tpu.memory_space<vmem_shared>> -> memref<10240x128xf32, #tpu.memory_space<vmem_shared>>
        tpu.wait_indirect_dma semaphore(%run_scoped3A_447 : memref<!tpu.dma_semaphore, #tpu.memory_space<semaphore_mem>>) src(%arg10 : memref<128x128xf32, #tpu.memory_space<vmem>>) dst(%dma_wait3A_459 : memref<10240x128xf32, #tpu.memory_space<vmem_shared>>)
        tpu.yield
      }) : () -> ()
      %add3A_304 = arith.constant 4 : i32
      %add3A_305 = arith.addi %add3A_277, %add3A_304 : i32
      %lt3A = arith.constant 78 : i32
      %lt3A_306 = arith.cmpi slt, %add3A_305, %lt3A : i32
      %convert_element_type3A = arith.extui %lt3A_306 : i1 to i32
      %cond3A = arith.constant 0 : i32
      %cond3A_307 = arith.cmpi ne, %convert_element_type3A, %cond3A : i32
      scf.if %cond3A_307 {
        %add3A_447 = arith.constant 4 : i32
        %add3A_448 = arith.addi %add3A_277, %add3A_447 : i32
        %mul3A_449 = arith.constant 128 : i32
        %mul3A_450 = arith.muli %add3A_448, %mul3A_449 : i32
        %add3A_451 = arith.addi %mul3A_4, %mul3A_450 : i32
        %dma_start3A_452 = arith.constant 0 : i32
        %dma_start3A_453 = arith.constant 0 : i32
        %dma_start3A_454 = arith.constant 0 : i32
        %dma_start3A_455 = arith.constant 0 : i32
        %dma_start3A_456 = tpu.memref_slice %arg6[%dma_start3A_453, %dma_start3A_455] : memref<4x128xi32, #tpu.memory_space<vmem>> -> memref<1x128xi32, #tpu.memory_space<vmem>>
        %dma_start3A_457 = tpu.memref_squeeze %dma_start3A_456 : memref<1x128xi32, #tpu.memory_space<vmem>> -> memref<128xi32, #tpu.memory_space<vmem>>
        %dma_start3A_458 = tpu.memref_slice %arg3[%dma_start3A_452, %add3A_451] : memref<2x320000xi32, #tpu.memory_space<hbm>> -> memref<1x128xi32, #tpu.memory_space<hbm>>
        %dma_start3A_459 = tpu.memref_squeeze %dma_start3A_458 : memref<1x128xi32, #tpu.memory_space<hbm>> -> memref<128xi32, #tpu.memory_space<hbm>>
        %dma_start3A_460 = tpu.memref_slice %arg12[%dma_start3A_454] : memref<4x!tpu.dma_semaphore, #tpu.memory_space<semaphore_mem>> -> memref<1x!tpu.dma_semaphore, #tpu.memory_space<semaphore_mem>>
        %dma_start3A_461 = tpu.memref_squeeze %dma_start3A_460 : memref<1x!tpu.dma_semaphore, #tpu.memory_space<semaphore_mem>> -> memref<!tpu.dma_semaphore, #tpu.memory_space<semaphore_mem>>
        %dma_start3A_462 = arith.constant 0 : i32
        %dma_start3A_463 = tpu.memref_slice %arg6[%dma_start3A_453, %dma_start3A_462] : memref<4x128xi32, #tpu.memory_space<vmem>> -> memref<1x128xi32, #tpu.memory_space<vmem>>
        %dma_start3A_464 = tpu.memref_squeeze %dma_start3A_463 : memref<1x128xi32, #tpu.memory_space<vmem>> -> memref<128xi32, #tpu.memory_space<vmem>>
        %dma_start3A_465 = tpu.memref_slice %arg3[%dma_start3A_452, %add3A_451] : memref<2x320000xi32, #tpu.memory_space<hbm>> -> memref<1x128xi32, #tpu.memory_space<hbm>>
        %dma_start3A_466 = tpu.memref_squeeze %dma_start3A_465 : memref<1x128xi32, #tpu.memory_space<hbm>> -> memref<128xi32, #tpu.memory_space<hbm>>
        tpu.enqueue_dma source(%dma_start3A_466 : memref<128xi32, #tpu.memory_space<hbm>>) target(%dma_start3A_464 : memref<128xi32, #tpu.memory_space<vmem>>) target_semaphore(%dma_start3A_461 : memref<!tpu.dma_semaphore, #tpu.memory_space<semaphore_mem>>)
        %add3A_467 = arith.constant 4 : i32
        %add3A_468 = arith.addi %add3A_277, %add3A_467 : i32
        %mul3A_469 = arith.constant 128 : i32
        %mul3A_470 = arith.muli %add3A_468, %mul3A_469 : i32
        %add3A_471 = arith.addi %mul3A_4, %mul3A_470 : i32
        %dma_start3A_472 = arith.constant 1 : i32
        %dma_start3A_473 = arith.constant 0 : i32
        %dma_start3A_474 = arith.constant 0 : i32
        %dma_start3A_475 = arith.constant 0 : i32
        %dma_start3A_476 = tpu.memref_slice %arg7[%dma_start3A_473, %dma_start3A_475] : memref<4x128xi32, #tpu.memory_space<vmem>> -> memref<1x128xi32, #tpu.memory_space<vmem>>
        %dma_start3A_477 = tpu.memref_squeeze %dma_start3A_476 : memref<1x128xi32, #tpu.memory_space<vmem>> -> memref<128xi32, #tpu.memory_space<vmem>>
        %dma_start3A_478 = tpu.memref_slice %arg3[%dma_start3A_472, %add3A_471] : memref<2x320000xi32, #tpu.memory_space<hbm>> -> memref<1x128xi32, #tpu.memory_space<hbm>>
        %dma_start3A_479 = tpu.memref_squeeze %dma_start3A_478 : memref<1x128xi32, #tpu.memory_space<hbm>> -> memref<128xi32, #tpu.memory_space<hbm>>
        %dma_start3A_480 = tpu.memref_slice %arg13[%dma_start3A_474] : memref<4x!tpu.dma_semaphore, #tpu.memory_space<semaphore_mem>> -> memref<1x!tpu.dma_semaphore, #tpu.memory_space<semaphore_mem>>
        %dma_start3A_481 = tpu.memref_squeeze %dma_start3A_480 : memref<1x!tpu.dma_semaphore, #tpu.memory_space<semaphore_mem>> -> memref<!tpu.dma_semaphore, #tpu.memory_space<semaphore_mem>>
        %dma_start3A_482 = arith.constant 0 : i32
        %dma_start3A_483 = tpu.memref_slice %arg7[%dma_start3A_473, %dma_start3A_482] : memref<4x128xi32, #tpu.memory_space<vmem>> -> memref<1x128xi32, #tpu.memory_space<vmem>>
        %dma_start3A_484 = tpu.memref_squeeze %dma_start3A_483 : memref<1x128xi32, #tpu.memory_space<vmem>> -> memref<128xi32, #tpu.memory_space<vmem>>
        %dma_start3A_485 = tpu.memref_slice %arg3[%dma_start3A_472, %add3A_471] : memref<2x320000xi32, #tpu.memory_space<hbm>> -> memref<1x128xi32, #tpu.memory_space<hbm>>
        %dma_start3A_486 = tpu.memref_squeeze %dma_start3A_485 : memref<1x128xi32, #tpu.memory_space<hbm>> -> memref<128xi32, #tpu.memory_space<hbm>>
        tpu.enqueue_dma source(%dma_start3A_486 : memref<128xi32, #tpu.memory_space<hbm>>) target(%dma_start3A_484 : memref<128xi32, #tpu.memory_space<vmem>>) target_semaphore(%dma_start3A_481 : memref<!tpu.dma_semaphore, #tpu.memory_space<semaphore_mem>>)
      } else {
      }
      %add3A_308 = arith.constant 2 : i32
      %add3A_309 = arith.addi %add3A_277, %add3A_308 : i32
      %lt3A_310 = arith.constant 78 : i32
      %lt3A_311 = arith.cmpi slt, %add3A_309, %lt3A_310 : i32
      %convert_element_type3A_312 = arith.extui %lt3A_311 : i1 to i32
      %cond3A_313 = arith.constant 0 : i32
      %cond3A_314 = arith.cmpi ne, %convert_element_type3A_312, %cond3A_313 : i32
      scf.if %cond3A_314 {
        %add3A_447 = arith.constant 2 : i32
        %add3A_448 = arith.addi %add3A_277, %add3A_447 : i32
        %mul3A_449 = arith.constant 128 : i32
        %mul3A_450 = arith.muli %add3A_448, %mul3A_449 : i32
        %add3A_451 = arith.addi %mul3A_4, %mul3A_450 : i32
        %dma_wait3A_452 = arith.constant 0 : i32
        %dma_wait3A_453 = arith.constant 2 : i32
        %dma_wait3A_454 = arith.constant 2 : i32
        %dma_wait3A_455 = arith.constant 0 : i32
        %dma_wait3A_456 = tpu.memref_slice %arg6[%dma_wait3A_453, %dma_wait3A_455] : memref<4x128xi32, #tpu.memory_space<vmem>> -> memref<1x128xi32, #tpu.memory_space<vmem>>
        %dma_wait3A_457 = tpu.memref_squeeze %dma_wait3A_456 : memref<1x128xi32, #tpu.memory_space<vmem>> -> memref<128xi32, #tpu.memory_space<vmem>>
        %dma_wait3A_458 = tpu.memref_slice %arg3[%dma_wait3A_452, %add3A_451] : memref<2x320000xi32, #tpu.memory_space<hbm>> -> memref<1x128xi32, #tpu.memory_space<hbm>>
        %dma_wait3A_459 = tpu.memref_squeeze %dma_wait3A_458 : memref<1x128xi32, #tpu.memory_space<hbm>> -> memref<128xi32, #tpu.memory_space<hbm>>
        %dma_wait3A_460 = tpu.memref_slice %arg12[%dma_wait3A_454] : memref<4x!tpu.dma_semaphore, #tpu.memory_space<semaphore_mem>> -> memref<1x!tpu.dma_semaphore, #tpu.memory_space<semaphore_mem>>
        %dma_wait3A_461 = tpu.memref_squeeze %dma_wait3A_460 : memref<1x!tpu.dma_semaphore, #tpu.memory_space<semaphore_mem>> -> memref<!tpu.dma_semaphore, #tpu.memory_space<semaphore_mem>>
        %dma_wait3A_462 = arith.constant 0 : i32
        %dma_wait3A_463 = tpu.memref_slice %arg6[%dma_wait3A_453, %dma_wait3A_462] : memref<4x128xi32, #tpu.memory_space<vmem>> -> memref<1x128xi32, #tpu.memory_space<vmem>>
        %dma_wait3A_464 = tpu.memref_squeeze %dma_wait3A_463 : memref<1x128xi32, #tpu.memory_space<vmem>> -> memref<128xi32, #tpu.memory_space<vmem>>
        %dma_wait3A_465 = tpu.memref_slice %arg3[%dma_wait3A_452, %add3A_451] : memref<2x320000xi32, #tpu.memory_space<hbm>> -> memref<1x128xi32, #tpu.memory_space<hbm>>
        %dma_wait3A_466 = tpu.memref_squeeze %dma_wait3A_465 : memref<1x128xi32, #tpu.memory_space<hbm>> -> memref<128xi32, #tpu.memory_space<hbm>>
        tpu.wait_dma2 semaphore(%dma_wait3A_461 : memref<!tpu.dma_semaphore, #tpu.memory_space<semaphore_mem>>) src(%dma_wait3A_466 : memref<128xi32, #tpu.memory_space<hbm>>) dst(%dma_wait3A_464 : memref<128xi32, #tpu.memory_space<vmem>>)
        %dma_start3A_467 = arith.constant 2 : i32
        %dma_start3A_468 = arith.constant 0 : i32
        %dma_start3A_469 = tpu.memref_slice %arg6[%dma_start3A_467, %dma_start3A_468] : memref<4x128xi32, #tpu.memory_space<vmem>> -> memref<1x128xi32, #tpu.memory_space<vmem>>
        %dma_start3A_470 = tpu.memref_squeeze %dma_start3A_469 : memref<1x128xi32, #tpu.memory_space<vmem>> -> memref<128xi32, #tpu.memory_space<vmem>>
        %dma_start3A_471 = arith.constant 0 : i32
        %dma_start3A_472 = arith.constant 0 : i32
        %dma_start3A_473 = tpu.memref_slice %arg2[%dma_start3A_471, %dma_start3A_472] : memref<10240x128xf32, #tpu.memory_space<hbm>> -> memref<10240x128xf32, #tpu.memory_space<hbm>>
        tpu.enqueue_indirect_dma source(%dma_start3A_473 : memref<10240x128xf32, #tpu.memory_space<hbm>>) target(%arg10 : memref<128x128xf32, #tpu.memory_space<vmem>>) offsets(%dma_start3A_470 : memref<128xi32, #tpu.memory_space<vmem>>) semaphore(%arg14 : memref<!tpu.dma_semaphore, #tpu.memory_space<semaphore_mem>>)
      } else {
      }
      %mul3A_315 = arith.constant 4 : i32
      %mul3A_316 = arith.muli %mul3A_315, %scan3A_273 : i32
      %add3A_317 = arith.constant 1 : i32
      %add3A_318 = arith.addi %mul3A_316, %add3A_317 : i32
      %dma_wait3A_319 = arith.constant 1 : i32
      %dma_wait3A_320 = arith.constant 0 : i32
      %dma_wait3A_321 = tpu.memref_slice %arg6[%dma_wait3A_319, %dma_wait3A_320] : memref<4x128xi32, #tpu.memory_space<vmem>> -> memref<1x128xi32, #tpu.memory_space<vmem>>
      %dma_wait3A_322 = tpu.memref_squeeze %dma_wait3A_321 : memref<1x128xi32, #tpu.memory_space<vmem>> -> memref<128xi32, #tpu.memory_space<vmem>>
      %dma_wait3A_323 = arith.constant 0 : i32
      %dma_wait3A_324 = arith.constant 0 : i32
      %dma_wait3A_325 = tpu.memref_slice %arg2[%dma_wait3A_323, %dma_wait3A_324] : memref<10240x128xf32, #tpu.memory_space<hbm>> -> memref<10240x128xf32, #tpu.memory_space<hbm>>
      tpu.wait_indirect_dma semaphore(%arg15 : memref<!tpu.dma_semaphore, #tpu.memory_space<semaphore_mem>>) src(%dma_wait3A_325 : memref<10240x128xf32, #tpu.memory_space<hbm>>) dst(%arg11 : memref<128x128xf32, #tpu.memory_space<vmem>>)
      %mul3A_326 = arith.constant 128 : i32
      %mul3A_327 = arith.muli %add3A_318, %mul3A_326 : i32
      %add3A_328 = arith.addi %mul3A_4, %mul3A_327 : i32
      %dma_wait3A_329 = arith.constant 1 : i32
      %dma_wait3A_330 = arith.constant 1 : i32
      %dma_wait3A_331 = arith.constant 1 : i32
      %dma_wait3A_332 = arith.constant 0 : i32
      %dma_wait3A_333 = tpu.memref_slice %arg7[%dma_wait3A_330, %dma_wait3A_332] : memref<4x128xi32, #tpu.memory_space<vmem>> -> memref<1x128xi32, #tpu.memory_space<vmem>>
      %dma_wait3A_334 = tpu.memref_squeeze %dma_wait3A_333 : memref<1x128xi32, #tpu.memory_space<vmem>> -> memref<128xi32, #tpu.memory_space<vmem>>
      %dma_wait3A_335 = tpu.memref_slice %arg3[%dma_wait3A_329, %add3A_328] : memref<2x320000xi32, #tpu.memory_space<hbm>> -> memref<1x128xi32, #tpu.memory_space<hbm>>
      %dma_wait3A_336 = tpu.memref_squeeze %dma_wait3A_335 : memref<1x128xi32, #tpu.memory_space<hbm>> -> memref<128xi32, #tpu.memory_space<hbm>>
      %dma_wait3A_337 = tpu.memref_slice %arg13[%dma_wait3A_331] : memref<4x!tpu.dma_semaphore, #tpu.memory_space<semaphore_mem>> -> memref<1x!tpu.dma_semaphore, #tpu.memory_space<semaphore_mem>>
      %dma_wait3A_338 = tpu.memref_squeeze %dma_wait3A_337 : memref<1x!tpu.dma_semaphore, #tpu.memory_space<semaphore_mem>> -> memref<!tpu.dma_semaphore, #tpu.memory_space<semaphore_mem>>
      %dma_wait3A_339 = arith.constant 0 : i32
      %dma_wait3A_340 = tpu.memref_slice %arg7[%dma_wait3A_330, %dma_wait3A_339] : memref<4x128xi32, #tpu.memory_space<vmem>> -> memref<1x128xi32, #tpu.memory_space<vmem>>
      %dma_wait3A_341 = tpu.memref_squeeze %dma_wait3A_340 : memref<1x128xi32, #tpu.memory_space<vmem>> -> memref<128xi32, #tpu.memory_space<vmem>>
      %dma_wait3A_342 = tpu.memref_slice %arg3[%dma_wait3A_329, %add3A_328] : memref<2x320000xi32, #tpu.memory_space<hbm>> -> memref<1x128xi32, #tpu.memory_space<hbm>>
      %dma_wait3A_343 = tpu.memref_squeeze %dma_wait3A_342 : memref<1x128xi32, #tpu.memory_space<hbm>> -> memref<128xi32, #tpu.memory_space<hbm>>
      tpu.wait_dma2 semaphore(%dma_wait3A_338 : memref<!tpu.dma_semaphore, #tpu.memory_space<semaphore_mem>>) src(%dma_wait3A_343 : memref<128xi32, #tpu.memory_space<hbm>>) dst(%dma_wait3A_341 : memref<128xi32, #tpu.memory_space<vmem>>)
      %run_scoped3A_344 = arith.constant 1 : i32
      "tpu.region"() ({
        %run_scoped3A_447 = tpu.sem_alloc : memref<!tpu.dma_semaphore, #tpu.memory_space<semaphore_mem>>
        %dma_start3A_448 = arith.constant 0 : i32
        %dma_start3A_449 = tpu.memref_slice %arg7[%run_scoped3A_344, %dma_start3A_448] : memref<4x128xi32, #tpu.memory_space<vmem>> -> memref<1x128xi32, #tpu.memory_space<vmem>>
        %dma_start3A_450 = tpu.memref_squeeze %dma_start3A_449 : memref<1x128xi32, #tpu.memory_space<vmem>> -> memref<128xi32, #tpu.memory_space<vmem>>
        %dma_start3A_451 = arith.constant 0 : i32
        %dma_start3A_452 = arith.constant 0 : i32
        %dma_start3A_453 = tpu.memref_slice %arg5[%dma_start3A_451, %dma_start3A_452] : memref<10240x128xf32, #tpu.memory_space<vmem_shared>> -> memref<10240x128xf32, #tpu.memory_space<vmem_shared>>
        tpu.enqueue_indirect_dma source(%arg11 : memref<128x128xf32, #tpu.memory_space<vmem>>) target(%dma_start3A_453 : memref<10240x128xf32, #tpu.memory_space<vmem_shared>>) offsets(%dma_start3A_450 : memref<128xi32, #tpu.memory_space<vmem>>) semaphore(%run_scoped3A_447 : memref<!tpu.dma_semaphore, #tpu.memory_space<semaphore_mem>>) {add = true}
        %dma_wait3A_454 = arith.constant 0 : i32
        %dma_wait3A_455 = tpu.memref_slice %arg7[%run_scoped3A_344, %dma_wait3A_454] : memref<4x128xi32, #tpu.memory_space<vmem>> -> memref<1x128xi32, #tpu.memory_space<vmem>>
        %dma_wait3A_456 = tpu.memref_squeeze %dma_wait3A_455 : memref<1x128xi32, #tpu.memory_space<vmem>> -> memref<128xi32, #tpu.memory_space<vmem>>
        %dma_wait3A_457 = arith.constant 0 : i32
        %dma_wait3A_458 = arith.constant 0 : i32
        %dma_wait3A_459 = tpu.memref_slice %arg5[%dma_wait3A_457, %dma_wait3A_458] : memref<10240x128xf32, #tpu.memory_space<vmem_shared>> -> memref<10240x128xf32, #tpu.memory_space<vmem_shared>>
        tpu.wait_indirect_dma semaphore(%run_scoped3A_447 : memref<!tpu.dma_semaphore, #tpu.memory_space<semaphore_mem>>) src(%arg11 : memref<128x128xf32, #tpu.memory_space<vmem>>) dst(%dma_wait3A_459 : memref<10240x128xf32, #tpu.memory_space<vmem_shared>>)
        tpu.yield
      }) : () -> ()
      %add3A_345 = arith.constant 4 : i32
      %add3A_346 = arith.addi %add3A_318, %add3A_345 : i32
      %lt3A_347 = arith.constant 78 : i32
      %lt3A_348 = arith.cmpi slt, %add3A_346, %lt3A_347 : i32
      %convert_element_type3A_349 = arith.extui %lt3A_348 : i1 to i32
      %cond3A_350 = arith.constant 0 : i32
      %cond3A_351 = arith.cmpi ne, %convert_element_type3A_349, %cond3A_350 : i32
      scf.if %cond3A_351 {
        %add3A_447 = arith.constant 4 : i32
        %add3A_448 = arith.addi %add3A_318, %add3A_447 : i32
        %mul3A_449 = arith.constant 128 : i32
        %mul3A_450 = arith.muli %add3A_448, %mul3A_449 : i32
        %add3A_451 = arith.addi %mul3A_4, %mul3A_450 : i32
        %dma_start3A_452 = arith.constant 0 : i32
        %dma_start3A_453 = arith.constant 1 : i32
        %dma_start3A_454 = arith.constant 1 : i32
        %dma_start3A_455 = arith.constant 0 : i32
        %dma_start3A_456 = tpu.memref_slice %arg6[%dma_start3A_453, %dma_start3A_455] : memref<4x128xi32, #tpu.memory_space<vmem>> -> memref<1x128xi32, #tpu.memory_space<vmem>>
        %dma_start3A_457 = tpu.memref_squeeze %dma_start3A_456 : memref<1x128xi32, #tpu.memory_space<vmem>> -> memref<128xi32, #tpu.memory_space<vmem>>
        %dma_start3A_458 = tpu.memref_slice %arg3[%dma_start3A_452, %add3A_451] : memref<2x320000xi32, #tpu.memory_space<hbm>> -> memref<1x128xi32, #tpu.memory_space<hbm>>
        %dma_start3A_459 = tpu.memref_squeeze %dma_start3A_458 : memref<1x128xi32, #tpu.memory_space<hbm>> -> memref<128xi32, #tpu.memory_space<hbm>>
        %dma_start3A_460 = tpu.memref_slice %arg12[%dma_start3A_454] : memref<4x!tpu.dma_semaphore, #tpu.memory_space<semaphore_mem>> -> memref<1x!tpu.dma_semaphore, #tpu.memory_space<semaphore_mem>>
        %dma_start3A_461 = tpu.memref_squeeze %dma_start3A_460 : memref<1x!tpu.dma_semaphore, #tpu.memory_space<semaphore_mem>> -> memref<!tpu.dma_semaphore, #tpu.memory_space<semaphore_mem>>
        %dma_start3A_462 = arith.constant 0 : i32
        %dma_start3A_463 = tpu.memref_slice %arg6[%dma_start3A_453, %dma_start3A_462] : memref<4x128xi32, #tpu.memory_space<vmem>> -> memref<1x128xi32, #tpu.memory_space<vmem>>
        %dma_start3A_464 = tpu.memref_squeeze %dma_start3A_463 : memref<1x128xi32, #tpu.memory_space<vmem>> -> memref<128xi32, #tpu.memory_space<vmem>>
        %dma_start3A_465 = tpu.memref_slice %arg3[%dma_start3A_452, %add3A_451] : memref<2x320000xi32, #tpu.memory_space<hbm>> -> memref<1x128xi32, #tpu.memory_space<hbm>>
        %dma_start3A_466 = tpu.memref_squeeze %dma_start3A_465 : memref<1x128xi32, #tpu.memory_space<hbm>> -> memref<128xi32, #tpu.memory_space<hbm>>
        tpu.enqueue_dma source(%dma_start3A_466 : memref<128xi32, #tpu.memory_space<hbm>>) target(%dma_start3A_464 : memref<128xi32, #tpu.memory_space<vmem>>) target_semaphore(%dma_start3A_461 : memref<!tpu.dma_semaphore, #tpu.memory_space<semaphore_mem>>)
        %add3A_467 = arith.constant 4 : i32
        %add3A_468 = arith.addi %add3A_318, %add3A_467 : i32
        %mul3A_469 = arith.constant 128 : i32
        %mul3A_470 = arith.muli %add3A_468, %mul3A_469 : i32
        %add3A_471 = arith.addi %mul3A_4, %mul3A_470 : i32
        %dma_start3A_472 = arith.constant 1 : i32
        %dma_start3A_473 = arith.constant 1 : i32
        %dma_start3A_474 = arith.constant 1 : i32
        %dma_start3A_475 = arith.constant 0 : i32
        %dma_start3A_476 = tpu.memref_slice %arg7[%dma_start3A_473, %dma_start3A_475] : memref<4x128xi32, #tpu.memory_space<vmem>> -> memref<1x128xi32, #tpu.memory_space<vmem>>
        %dma_start3A_477 = tpu.memref_squeeze %dma_start3A_476 : memref<1x128xi32, #tpu.memory_space<vmem>> -> memref<128xi32, #tpu.memory_space<vmem>>
        %dma_start3A_478 = tpu.memref_slice %arg3[%dma_start3A_472, %add3A_471] : memref<2x320000xi32, #tpu.memory_space<hbm>> -> memref<1x128xi32, #tpu.memory_space<hbm>>
        %dma_start3A_479 = tpu.memref_squeeze %dma_start3A_478 : memref<1x128xi32, #tpu.memory_space<hbm>> -> memref<128xi32, #tpu.memory_space<hbm>>
        %dma_start3A_480 = tpu.memref_slice %arg13[%dma_start3A_474] : memref<4x!tpu.dma_semaphore, #tpu.memory_space<semaphore_mem>> -> memref<1x!tpu.dma_semaphore, #tpu.memory_space<semaphore_mem>>
        %dma_start3A_481 = tpu.memref_squeeze %dma_start3A_480 : memref<1x!tpu.dma_semaphore, #tpu.memory_space<semaphore_mem>> -> memref<!tpu.dma_semaphore, #tpu.memory_space<semaphore_mem>>
        %dma_start3A_482 = arith.constant 0 : i32
        %dma_start3A_483 = tpu.memref_slice %arg7[%dma_start3A_473, %dma_start3A_482] : memref<4x128xi32, #tpu.memory_space<vmem>> -> memref<1x128xi32, #tpu.memory_space<vmem>>
        %dma_start3A_484 = tpu.memref_squeeze %dma_start3A_483 : memref<1x128xi32, #tpu.memory_space<vmem>> -> memref<128xi32, #tpu.memory_space<vmem>>
        %dma_start3A_485 = tpu.memref_slice %arg3[%dma_start3A_472, %add3A_471] : memref<2x320000xi32, #tpu.memory_space<hbm>> -> memref<1x128xi32, #tpu.memory_space<hbm>>
        %dma_start3A_486 = tpu.memref_squeeze %dma_start3A_485 : memref<1x128xi32, #tpu.memory_space<hbm>> -> memref<128xi32, #tpu.memory_space<hbm>>
        tpu.enqueue_dma source(%dma_start3A_486 : memref<128xi32, #tpu.memory_space<hbm>>) target(%dma_start3A_484 : memref<128xi32, #tpu.memory_space<vmem>>) target_semaphore(%dma_start3A_481 : memref<!tpu.dma_semaphore, #tpu.memory_space<semaphore_mem>>)
      } else {
      }
      %add3A_352 = arith.constant 2 : i32
      %add3A_353 = arith.addi %add3A_318, %add3A_352 : i32
      %lt3A_354 = arith.constant 78 : i32
      %lt3A_355 = arith.cmpi slt, %add3A_353, %lt3A_354 : i32
      %convert_element_type3A_356 = arith.extui %lt3A_355 : i1 to i32
      %cond3A_357 = arith.constant 0 : i32
      %cond3A_358 = arith.cmpi ne, %convert_element_type3A_356, %cond3A_357 : i32
      scf.if %cond3A_358 {
        %add3A_447 = arith.constant 2 : i32
        %add3A_448 = arith.addi %add3A_318, %add3A_447 : i32
        %mul3A_449 = arith.constant 128 : i32
        %mul3A_450 = arith.muli %add3A_448, %mul3A_449 : i32
        %add3A_451 = arith.addi %mul3A_4, %mul3A_450 : i32
        %dma_wait3A_452 = arith.constant 0 : i32
        %dma_wait3A_453 = arith.constant 3 : i32
        %dma_wait3A_454 = arith.constant 3 : i32
        %dma_wait3A_455 = arith.constant 0 : i32
        %dma_wait3A_456 = tpu.memref_slice %arg6[%dma_wait3A_453, %dma_wait3A_455] : memref<4x128xi32, #tpu.memory_space<vmem>> -> memref<1x128xi32, #tpu.memory_space<vmem>>
        %dma_wait3A_457 = tpu.memref_squeeze %dma_wait3A_456 : memref<1x128xi32, #tpu.memory_space<vmem>> -> memref<128xi32, #tpu.memory_space<vmem>>
        %dma_wait3A_458 = tpu.memref_slice %arg3[%dma_wait3A_452, %add3A_451] : memref<2x320000xi32, #tpu.memory_space<hbm>> -> memref<1x128xi32, #tpu.memory_space<hbm>>
        %dma_wait3A_459 = tpu.memref_squeeze %dma_wait3A_458 : memref<1x128xi32, #tpu.memory_space<hbm>> -> memref<128xi32, #tpu.memory_space<hbm>>
        %dma_wait3A_460 = tpu.memref_slice %arg12[%dma_wait3A_454] : memref<4x!tpu.dma_semaphore, #tpu.memory_space<semaphore_mem>> -> memref<1x!tpu.dma_semaphore, #tpu.memory_space<semaphore_mem>>
        %dma_wait3A_461 = tpu.memref_squeeze %dma_wait3A_460 : memref<1x!tpu.dma_semaphore, #tpu.memory_space<semaphore_mem>> -> memref<!tpu.dma_semaphore, #tpu.memory_space<semaphore_mem>>
        %dma_wait3A_462 = arith.constant 0 : i32
        %dma_wait3A_463 = tpu.memref_slice %arg6[%dma_wait3A_453, %dma_wait3A_462] : memref<4x128xi32, #tpu.memory_space<vmem>> -> memref<1x128xi32, #tpu.memory_space<vmem>>
        %dma_wait3A_464 = tpu.memref_squeeze %dma_wait3A_463 : memref<1x128xi32, #tpu.memory_space<vmem>> -> memref<128xi32, #tpu.memory_space<vmem>>
        %dma_wait3A_465 = tpu.memref_slice %arg3[%dma_wait3A_452, %add3A_451] : memref<2x320000xi32, #tpu.memory_space<hbm>> -> memref<1x128xi32, #tpu.memory_space<hbm>>
        %dma_wait3A_466 = tpu.memref_squeeze %dma_wait3A_465 : memref<1x128xi32, #tpu.memory_space<hbm>> -> memref<128xi32, #tpu.memory_space<hbm>>
        tpu.wait_dma2 semaphore(%dma_wait3A_461 : memref<!tpu.dma_semaphore, #tpu.memory_space<semaphore_mem>>) src(%dma_wait3A_466 : memref<128xi32, #tpu.memory_space<hbm>>) dst(%dma_wait3A_464 : memref<128xi32, #tpu.memory_space<vmem>>)
        %dma_start3A_467 = arith.constant 3 : i32
        %dma_start3A_468 = arith.constant 0 : i32
        %dma_start3A_469 = tpu.memref_slice %arg6[%dma_start3A_467, %dma_start3A_468] : memref<4x128xi32, #tpu.memory_space<vmem>> -> memref<1x128xi32, #tpu.memory_space<vmem>>
        %dma_start3A_470 = tpu.memref_squeeze %dma_start3A_469 : memref<1x128xi32, #tpu.memory_space<vmem>> -> memref<128xi32, #tpu.memory_space<vmem>>
        %dma_start3A_471 = arith.constant 0 : i32
        %dma_start3A_472 = arith.constant 0 : i32
        %dma_start3A_473 = tpu.memref_slice %arg2[%dma_start3A_471, %dma_start3A_472] : memref<10240x128xf32, #tpu.memory_space<hbm>> -> memref<10240x128xf32, #tpu.memory_space<hbm>>
        tpu.enqueue_indirect_dma source(%dma_start3A_473 : memref<10240x128xf32, #tpu.memory_space<hbm>>) target(%arg11 : memref<128x128xf32, #tpu.memory_space<vmem>>) offsets(%dma_start3A_470 : memref<128xi32, #tpu.memory_space<vmem>>) semaphore(%arg15 : memref<!tpu.dma_semaphore, #tpu.memory_space<semaphore_mem>>)
      } else {
      }
      %mul3A_359 = arith.constant 4 : i32
      %mul3A_360 = arith.muli %mul3A_359, %scan3A_273 : i32
      %add3A_361 = arith.constant 2 : i32
      %add3A_362 = arith.addi %mul3A_360, %add3A_361 : i32
      %dma_wait3A_363 = arith.constant 2 : i32
      %dma_wait3A_364 = arith.constant 0 : i32
      %dma_wait3A_365 = tpu.memref_slice %arg6[%dma_wait3A_363, %dma_wait3A_364] : memref<4x128xi32, #tpu.memory_space<vmem>> -> memref<1x128xi32, #tpu.memory_space<vmem>>
      %dma_wait3A_366 = tpu.memref_squeeze %dma_wait3A_365 : memref<1x128xi32, #tpu.memory_space<vmem>> -> memref<128xi32, #tpu.memory_space<vmem>>
      %dma_wait3A_367 = arith.constant 0 : i32
      %dma_wait3A_368 = arith.constant 0 : i32
      %dma_wait3A_369 = tpu.memref_slice %arg2[%dma_wait3A_367, %dma_wait3A_368] : memref<10240x128xf32, #tpu.memory_space<hbm>> -> memref<10240x128xf32, #tpu.memory_space<hbm>>
      tpu.wait_indirect_dma semaphore(%arg14 : memref<!tpu.dma_semaphore, #tpu.memory_space<semaphore_mem>>) src(%dma_wait3A_369 : memref<10240x128xf32, #tpu.memory_space<hbm>>) dst(%arg10 : memref<128x128xf32, #tpu.memory_space<vmem>>)
      %mul3A_370 = arith.constant 128 : i32
      %mul3A_371 = arith.muli %add3A_362, %mul3A_370 : i32
      %add3A_372 = arith.addi %mul3A_4, %mul3A_371 : i32
      %dma_wait3A_373 = arith.constant 1 : i32
      %dma_wait3A_374 = arith.constant 2 : i32
      %dma_wait3A_375 = arith.constant 2 : i32
      %dma_wait3A_376 = arith.constant 0 : i32
      %dma_wait3A_377 = tpu.memref_slice %arg7[%dma_wait3A_374, %dma_wait3A_376] : memref<4x128xi32, #tpu.memory_space<vmem>> -> memref<1x128xi32, #tpu.memory_space<vmem>>
      %dma_wait3A_378 = tpu.memref_squeeze %dma_wait3A_377 : memref<1x128xi32, #tpu.memory_space<vmem>> -> memref<128xi32, #tpu.memory_space<vmem>>
      %dma_wait3A_379 = tpu.memref_slice %arg3[%dma_wait3A_373, %add3A_372] : memref<2x320000xi32, #tpu.memory_space<hbm>> -> memref<1x128xi32, #tpu.memory_space<hbm>>
      %dma_wait3A_380 = tpu.memref_squeeze %dma_wait3A_379 : memref<1x128xi32, #tpu.memory_space<hbm>> -> memref<128xi32, #tpu.memory_space<hbm>>
      %dma_wait3A_381 = tpu.memref_slice %arg13[%dma_wait3A_375] : memref<4x!tpu.dma_semaphore, #tpu.memory_space<semaphore_mem>> -> memref<1x!tpu.dma_semaphore, #tpu.memory_space<semaphore_mem>>
      %dma_wait3A_382 = tpu.memref_squeeze %dma_wait3A_381 : memref<1x!tpu.dma_semaphore, #tpu.memory_space<semaphore_mem>> -> memref<!tpu.dma_semaphore, #tpu.memory_space<semaphore_mem>>
      %dma_wait3A_383 = arith.constant 0 : i32
      %dma_wait3A_384 = tpu.memref_slice %arg7[%dma_wait3A_374, %dma_wait3A_383] : memref<4x128xi32, #tpu.memory_space<vmem>> -> memref<1x128xi32, #tpu.memory_space<vmem>>
      %dma_wait3A_385 = tpu.memref_squeeze %dma_wait3A_384 : memref<1x128xi32, #tpu.memory_space<vmem>> -> memref<128xi32, #tpu.memory_space<vmem>>
      %dma_wait3A_386 = tpu.memref_slice %arg3[%dma_wait3A_373, %add3A_372] : memref<2x320000xi32, #tpu.memory_space<hbm>> -> memref<1x128xi32, #tpu.memory_space<hbm>>
      %dma_wait3A_387 = tpu.memref_squeeze %dma_wait3A_386 : memref<1x128xi32, #tpu.memory_space<hbm>> -> memref<128xi32, #tpu.memory_space<hbm>>
      tpu.wait_dma2 semaphore(%dma_wait3A_382 : memref<!tpu.dma_semaphore, #tpu.memory_space<semaphore_mem>>) src(%dma_wait3A_387 : memref<128xi32, #tpu.memory_space<hbm>>) dst(%dma_wait3A_385 : memref<128xi32, #tpu.memory_space<vmem>>)
      %run_scoped3A_388 = arith.constant 2 : i32
      "tpu.region"() ({
        %run_scoped3A_447 = tpu.sem_alloc : memref<!tpu.dma_semaphore, #tpu.memory_space<semaphore_mem>>
        %dma_start3A_448 = arith.constant 0 : i32
        %dma_start3A_449 = tpu.memref_slice %arg7[%run_scoped3A_388, %dma_start3A_448] : memref<4x128xi32, #tpu.memory_space<vmem>> -> memref<1x128xi32, #tpu.memory_space<vmem>>
        %dma_start3A_450 = tpu.memref_squeeze %dma_start3A_449 : memref<1x128xi32, #tpu.memory_space<vmem>> -> memref<128xi32, #tpu.memory_space<vmem>>
        %dma_start3A_451 = arith.constant 0 : i32
        %dma_start3A_452 = arith.constant 0 : i32
        %dma_start3A_453 = tpu.memref_slice %arg5[%dma_start3A_451, %dma_start3A_452] : memref<10240x128xf32, #tpu.memory_space<vmem_shared>> -> memref<10240x128xf32, #tpu.memory_space<vmem_shared>>
        tpu.enqueue_indirect_dma source(%arg10 : memref<128x128xf32, #tpu.memory_space<vmem>>) target(%dma_start3A_453 : memref<10240x128xf32, #tpu.memory_space<vmem_shared>>) offsets(%dma_start3A_450 : memref<128xi32, #tpu.memory_space<vmem>>) semaphore(%run_scoped3A_447 : memref<!tpu.dma_semaphore, #tpu.memory_space<semaphore_mem>>) {add = true}
        %dma_wait3A_454 = arith.constant 0 : i32
        %dma_wait3A_455 = tpu.memref_slice %arg7[%run_scoped3A_388, %dma_wait3A_454] : memref<4x128xi32, #tpu.memory_space<vmem>> -> memref<1x128xi32, #tpu.memory_space<vmem>>
        %dma_wait3A_456 = tpu.memref_squeeze %dma_wait3A_455 : memref<1x128xi32, #tpu.memory_space<vmem>> -> memref<128xi32, #tpu.memory_space<vmem>>
        %dma_wait3A_457 = arith.constant 0 : i32
        %dma_wait3A_458 = arith.constant 0 : i32
        %dma_wait3A_459 = tpu.memref_slice %arg5[%dma_wait3A_457, %dma_wait3A_458] : memref<10240x128xf32, #tpu.memory_space<vmem_shared>> -> memref<10240x128xf32, #tpu.memory_space<vmem_shared>>
        tpu.wait_indirect_dma semaphore(%run_scoped3A_447 : memref<!tpu.dma_semaphore, #tpu.memory_space<semaphore_mem>>) src(%arg10 : memref<128x128xf32, #tpu.memory_space<vmem>>) dst(%dma_wait3A_459 : memref<10240x128xf32, #tpu.memory_space<vmem_shared>>)
        tpu.yield
      }) : () -> ()
      %add3A_389 = arith.constant 4 : i32
      %add3A_390 = arith.addi %add3A_362, %add3A_389 : i32
      %lt3A_391 = arith.constant 78 : i32
      %lt3A_392 = arith.cmpi slt, %add3A_390, %lt3A_391 : i32
      %convert_element_type3A_393 = arith.extui %lt3A_392 : i1 to i32
      %cond3A_394 = arith.constant 0 : i32
      %cond3A_395 = arith.cmpi ne, %convert_element_type3A_393, %cond3A_394 : i32
      scf.if %cond3A_395 {
        %add3A_447 = arith.constant 4 : i32
        %add3A_448 = arith.addi %add3A_362, %add3A_447 : i32
        %mul3A_449 = arith.constant 128 : i32
        %mul3A_450 = arith.muli %add3A_448, %mul3A_449 : i32
        %add3A_451 = arith.addi %mul3A_4, %mul3A_450 : i32
        %dma_start3A_452 = arith.constant 0 : i32
        %dma_start3A_453 = arith.constant 2 : i32
        %dma_start3A_454 = arith.constant 2 : i32
        %dma_start3A_455 = arith.constant 0 : i32
        %dma_start3A_456 = tpu.memref_slice %arg6[%dma_start3A_453, %dma_start3A_455] : memref<4x128xi32, #tpu.memory_space<vmem>> -> memref<1x128xi32, #tpu.memory_space<vmem>>
        %dma_start3A_457 = tpu.memref_squeeze %dma_start3A_456 : memref<1x128xi32, #tpu.memory_space<vmem>> -> memref<128xi32, #tpu.memory_space<vmem>>
        %dma_start3A_458 = tpu.memref_slice %arg3[%dma_start3A_452, %add3A_451] : memref<2x320000xi32, #tpu.memory_space<hbm>> -> memref<1x128xi32, #tpu.memory_space<hbm>>
        %dma_start3A_459 = tpu.memref_squeeze %dma_start3A_458 : memref<1x128xi32, #tpu.memory_space<hbm>> -> memref<128xi32, #tpu.memory_space<hbm>>
        %dma_start3A_460 = tpu.memref_slice %arg12[%dma_start3A_454] : memref<4x!tpu.dma_semaphore, #tpu.memory_space<semaphore_mem>> -> memref<1x!tpu.dma_semaphore, #tpu.memory_space<semaphore_mem>>
        %dma_start3A_461 = tpu.memref_squeeze %dma_start3A_460 : memref<1x!tpu.dma_semaphore, #tpu.memory_space<semaphore_mem>> -> memref<!tpu.dma_semaphore, #tpu.memory_space<semaphore_mem>>
        %dma_start3A_462 = arith.constant 0 : i32
        %dma_start3A_463 = tpu.memref_slice %arg6[%dma_start3A_453, %dma_start3A_462] : memref<4x128xi32, #tpu.memory_space<vmem>> -> memref<1x128xi32, #tpu.memory_space<vmem>>
        %dma_start3A_464 = tpu.memref_squeeze %dma_start3A_463 : memref<1x128xi32, #tpu.memory_space<vmem>> -> memref<128xi32, #tpu.memory_space<vmem>>
        %dma_start3A_465 = tpu.memref_slice %arg3[%dma_start3A_452, %add3A_451] : memref<2x320000xi32, #tpu.memory_space<hbm>> -> memref<1x128xi32, #tpu.memory_space<hbm>>
        %dma_start3A_466 = tpu.memref_squeeze %dma_start3A_465 : memref<1x128xi32, #tpu.memory_space<hbm>> -> memref<128xi32, #tpu.memory_space<hbm>>
        tpu.enqueue_dma source(%dma_start3A_466 : memref<128xi32, #tpu.memory_space<hbm>>) target(%dma_start3A_464 : memref<128xi32, #tpu.memory_space<vmem>>) target_semaphore(%dma_start3A_461 : memref<!tpu.dma_semaphore, #tpu.memory_space<semaphore_mem>>)
        %add3A_467 = arith.constant 4 : i32
        %add3A_468 = arith.addi %add3A_362, %add3A_467 : i32
        %mul3A_469 = arith.constant 128 : i32
        %mul3A_470 = arith.muli %add3A_468, %mul3A_469 : i32
        %add3A_471 = arith.addi %mul3A_4, %mul3A_470 : i32
        %dma_start3A_472 = arith.constant 1 : i32
        %dma_start3A_473 = arith.constant 2 : i32
        %dma_start3A_474 = arith.constant 2 : i32
        %dma_start3A_475 = arith.constant 0 : i32
        %dma_start3A_476 = tpu.memref_slice %arg7[%dma_start3A_473, %dma_start3A_475] : memref<4x128xi32, #tpu.memory_space<vmem>> -> memref<1x128xi32, #tpu.memory_space<vmem>>
        %dma_start3A_477 = tpu.memref_squeeze %dma_start3A_476 : memref<1x128xi32, #tpu.memory_space<vmem>> -> memref<128xi32, #tpu.memory_space<vmem>>
        %dma_start3A_478 = tpu.memref_slice %arg3[%dma_start3A_472, %add3A_471] : memref<2x320000xi32, #tpu.memory_space<hbm>> -> memref<1x128xi32, #tpu.memory_space<hbm>>
        %dma_start3A_479 = tpu.memref_squeeze %dma_start3A_478 : memref<1x128xi32, #tpu.memory_space<hbm>> -> memref<128xi32, #tpu.memory_space<hbm>>
        %dma_start3A_480 = tpu.memref_slice %arg13[%dma_start3A_474] : memref<4x!tpu.dma_semaphore, #tpu.memory_space<semaphore_mem>> -> memref<1x!tpu.dma_semaphore, #tpu.memory_space<semaphore_mem>>
        %dma_start3A_481 = tpu.memref_squeeze %dma_start3A_480 : memref<1x!tpu.dma_semaphore, #tpu.memory_space<semaphore_mem>> -> memref<!tpu.dma_semaphore, #tpu.memory_space<semaphore_mem>>
        %dma_start3A_482 = arith.constant 0 : i32
        %dma_start3A_483 = tpu.memref_slice %arg7[%dma_start3A_473, %dma_start3A_482] : memref<4x128xi32, #tpu.memory_space<vmem>> -> memref<1x128xi32, #tpu.memory_space<vmem>>
        %dma_start3A_484 = tpu.memref_squeeze %dma_start3A_483 : memref<1x128xi32, #tpu.memory_space<vmem>> -> memref<128xi32, #tpu.memory_space<vmem>>
        %dma_start3A_485 = tpu.memref_slice %arg3[%dma_start3A_472, %add3A_471] : memref<2x320000xi32, #tpu.memory_space<hbm>> -> memref<1x128xi32, #tpu.memory_space<hbm>>
        %dma_start3A_486 = tpu.memref_squeeze %dma_start3A_485 : memref<1x128xi32, #tpu.memory_space<hbm>> -> memref<128xi32, #tpu.memory_space<hbm>>
        tpu.enqueue_dma source(%dma_start3A_486 : memref<128xi32, #tpu.memory_space<hbm>>) target(%dma_start3A_484 : memref<128xi32, #tpu.memory_space<vmem>>) target_semaphore(%dma_start3A_481 : memref<!tpu.dma_semaphore, #tpu.memory_space<semaphore_mem>>)
      } else {
      }
      %add3A_396 = arith.constant 2 : i32
      %add3A_397 = arith.addi %add3A_362, %add3A_396 : i32
      %lt3A_398 = arith.constant 78 : i32
      %lt3A_399 = arith.cmpi slt, %add3A_397, %lt3A_398 : i32
      %convert_element_type3A_400 = arith.extui %lt3A_399 : i1 to i32
      %cond3A_401 = arith.constant 0 : i32
      %cond3A_402 = arith.cmpi ne, %convert_element_type3A_400, %cond3A_401 : i32
      scf.if %cond3A_402 {
        %add3A_447 = arith.constant 2 : i32
        %add3A_448 = arith.addi %add3A_362, %add3A_447 : i32
        %mul3A_449 = arith.constant 128 : i32
        %mul3A_450 = arith.muli %add3A_448, %mul3A_449 : i32
        %add3A_451 = arith.addi %mul3A_4, %mul3A_450 : i32
        %dma_wait3A_452 = arith.constant 0 : i32
        %dma_wait3A_453 = arith.constant 0 : i32
        %dma_wait3A_454 = arith.constant 0 : i32
        %dma_wait3A_455 = arith.constant 0 : i32
        %dma_wait3A_456 = tpu.memref_slice %arg6[%dma_wait3A_453, %dma_wait3A_455] : memref<4x128xi32, #tpu.memory_space<vmem>> -> memref<1x128xi32, #tpu.memory_space<vmem>>
        %dma_wait3A_457 = tpu.memref_squeeze %dma_wait3A_456 : memref<1x128xi32, #tpu.memory_space<vmem>> -> memref<128xi32, #tpu.memory_space<vmem>>
        %dma_wait3A_458 = tpu.memref_slice %arg3[%dma_wait3A_452, %add3A_451] : memref<2x320000xi32, #tpu.memory_space<hbm>> -> memref<1x128xi32, #tpu.memory_space<hbm>>
        %dma_wait3A_459 = tpu.memref_squeeze %dma_wait3A_458 : memref<1x128xi32, #tpu.memory_space<hbm>> -> memref<128xi32, #tpu.memory_space<hbm>>
        %dma_wait3A_460 = tpu.memref_slice %arg12[%dma_wait3A_454] : memref<4x!tpu.dma_semaphore, #tpu.memory_space<semaphore_mem>> -> memref<1x!tpu.dma_semaphore, #tpu.memory_space<semaphore_mem>>
        %dma_wait3A_461 = tpu.memref_squeeze %dma_wait3A_460 : memref<1x!tpu.dma_semaphore, #tpu.memory_space<semaphore_mem>> -> memref<!tpu.dma_semaphore, #tpu.memory_space<semaphore_mem>>
        %dma_wait3A_462 = arith.constant 0 : i32
        %dma_wait3A_463 = tpu.memref_slice %arg6[%dma_wait3A_453, %dma_wait3A_462] : memref<4x128xi32, #tpu.memory_space<vmem>> -> memref<1x128xi32, #tpu.memory_space<vmem>>
        %dma_wait3A_464 = tpu.memref_squeeze %dma_wait3A_463 : memref<1x128xi32, #tpu.memory_space<vmem>> -> memref<128xi32, #tpu.memory_space<vmem>>
        %dma_wait3A_465 = tpu.memref_slice %arg3[%dma_wait3A_452, %add3A_451] : memref<2x320000xi32, #tpu.memory_space<hbm>> -> memref<1x128xi32, #tpu.memory_space<hbm>>
        %dma_wait3A_466 = tpu.memref_squeeze %dma_wait3A_465 : memref<1x128xi32, #tpu.memory_space<hbm>> -> memref<128xi32, #tpu.memory_space<hbm>>
        tpu.wait_dma2 semaphore(%dma_wait3A_461 : memref<!tpu.dma_semaphore, #tpu.memory_space<semaphore_mem>>) src(%dma_wait3A_466 : memref<128xi32, #tpu.memory_space<hbm>>) dst(%dma_wait3A_464 : memref<128xi32, #tpu.memory_space<vmem>>)
        %dma_start3A_467 = arith.constant 0 : i32
        %dma_start3A_468 = arith.constant 0 : i32
        %dma_start3A_469 = tpu.memref_slice %arg6[%dma_start3A_467, %dma_start3A_468] : memref<4x128xi32, #tpu.memory_space<vmem>> -> memref<1x128xi32, #tpu.memory_space<vmem>>
        %dma_start3A_470 = tpu.memref_squeeze %dma_start3A_469 : memref<1x128xi32, #tpu.memory_space<vmem>> -> memref<128xi32, #tpu.memory_space<vmem>>
        %dma_start3A_471 = arith.constant 0 : i32
        %dma_start3A_472 = arith.constant 0 : i32
        %dma_start3A_473 = tpu.memref_slice %arg2[%dma_start3A_471, %dma_start3A_472] : memref<10240x128xf32, #tpu.memory_space<hbm>> -> memref<10240x128xf32, #tpu.memory_space<hbm>>
        tpu.enqueue_indirect_dma source(%dma_start3A_473 : memref<10240x128xf32, #tpu.memory_space<hbm>>) target(%arg10 : memref<128x128xf32, #tpu.memory_space<vmem>>) offsets(%dma_start3A_470 : memref<128xi32, #tpu.memory_space<vmem>>) semaphore(%arg14 : memref<!tpu.dma_semaphore, #tpu.memory_space<semaphore_mem>>)
      } else {
      }
      %mul3A_403 = arith.constant 4 : i32
      %mul3A_404 = arith.muli %mul3A_403, %scan3A_273 : i32
      %add3A_405 = arith.constant 3 : i32
      %add3A_406 = arith.addi %mul3A_404, %add3A_405 : i32
      %dma_wait3A_407 = arith.constant 3 : i32
      %dma_wait3A_408 = arith.constant 0 : i32
      %dma_wait3A_409 = tpu.memref_slice %arg6[%dma_wait3A_407, %dma_wait3A_408] : memref<4x128xi32, #tpu.memory_space<vmem>> -> memref<1x128xi32, #tpu.memory_space<vmem>>
      %dma_wait3A_410 = tpu.memref_squeeze %dma_wait3A_409 : memref<1x128xi32, #tpu.memory_space<vmem>> -> memref<128xi32, #tpu.memory_space<vmem>>
      %dma_wait3A_411 = arith.constant 0 : i32
      %dma_wait3A_412 = arith.constant 0 : i32
      %dma_wait3A_413 = tpu.memref_slice %arg2[%dma_wait3A_411, %dma_wait3A_412] : memref<10240x128xf32, #tpu.memory_space<hbm>> -> memref<10240x128xf32, #tpu.memory_space<hbm>>
      tpu.wait_indirect_dma semaphore(%arg15 : memref<!tpu.dma_semaphore, #tpu.memory_space<semaphore_mem>>) src(%dma_wait3A_413 : memref<10240x128xf32, #tpu.memory_space<hbm>>) dst(%arg11 : memref<128x128xf32, #tpu.memory_space<vmem>>)
      %mul3A_414 = arith.constant 128 : i32
      %mul3A_415 = arith.muli %add3A_406, %mul3A_414 : i32
      %add3A_416 = arith.addi %mul3A_4, %mul3A_415 : i32
      %dma_wait3A_417 = arith.constant 1 : i32
      %dma_wait3A_418 = arith.constant 3 : i32
      %dma_wait3A_419 = arith.constant 3 : i32
      %dma_wait3A_420 = arith.constant 0 : i32
      %dma_wait3A_421 = tpu.memref_slice %arg7[%dma_wait3A_418, %dma_wait3A_420] : memref<4x128xi32, #tpu.memory_space<vmem>> -> memref<1x128xi32, #tpu.memory_space<vmem>>
      %dma_wait3A_422 = tpu.memref_squeeze %dma_wait3A_421 : memref<1x128xi32, #tpu.memory_space<vmem>> -> memref<128xi32, #tpu.memory_space<vmem>>
      %dma_wait3A_423 = tpu.memref_slice %arg3[%dma_wait3A_417, %add3A_416] : memref<2x320000xi32, #tpu.memory_space<hbm>> -> memref<1x128xi32, #tpu.memory_space<hbm>>
      %dma_wait3A_424 = tpu.memref_squeeze %dma_wait3A_423 : memref<1x128xi32, #tpu.memory_space<hbm>> -> memref<128xi32, #tpu.memory_space<hbm>>
      %dma_wait3A_425 = tpu.memref_slice %arg13[%dma_wait3A_419] : memref<4x!tpu.dma_semaphore, #tpu.memory_space<semaphore_mem>> -> memref<1x!tpu.dma_semaphore, #tpu.memory_space<semaphore_mem>>
      %dma_wait3A_426 = tpu.memref_squeeze %dma_wait3A_425 : memref<1x!tpu.dma_semaphore, #tpu.memory_space<semaphore_mem>> -> memref<!tpu.dma_semaphore, #tpu.memory_space<semaphore_mem>>
      %dma_wait3A_427 = arith.constant 0 : i32
      %dma_wait3A_428 = tpu.memref_slice %arg7[%dma_wait3A_418, %dma_wait3A_427] : memref<4x128xi32, #tpu.memory_space<vmem>> -> memref<1x128xi32, #tpu.memory_space<vmem>>
      %dma_wait3A_429 = tpu.memref_squeeze %dma_wait3A_428 : memref<1x128xi32, #tpu.memory_space<vmem>> -> memref<128xi32, #tpu.memory_space<vmem>>
      %dma_wait3A_430 = tpu.memref_slice %arg3[%dma_wait3A_417, %add3A_416] : memref<2x320000xi32, #tpu.memory_space<hbm>> -> memref<1x128xi32, #tpu.memory_space<hbm>>
      %dma_wait3A_431 = tpu.memref_squeeze %dma_wait3A_430 : memref<1x128xi32, #tpu.memory_space<hbm>> -> memref<128xi32, #tpu.memory_space<hbm>>
      tpu.wait_dma2 semaphore(%dma_wait3A_426 : memref<!tpu.dma_semaphore, #tpu.memory_space<semaphore_mem>>) src(%dma_wait3A_431 : memref<128xi32, #tpu.memory_space<hbm>>) dst(%dma_wait3A_429 : memref<128xi32, #tpu.memory_space<vmem>>)
      %run_scoped3A_432 = arith.constant 3 : i32
      "tpu.region"() ({
        %run_scoped3A_447 = tpu.sem_alloc : memref<!tpu.dma_semaphore, #tpu.memory_space<semaphore_mem>>
        %dma_start3A_448 = arith.constant 0 : i32
        %dma_start3A_449 = tpu.memref_slice %arg7[%run_scoped3A_432, %dma_start3A_448] : memref<4x128xi32, #tpu.memory_space<vmem>> -> memref<1x128xi32, #tpu.memory_space<vmem>>
        %dma_start3A_450 = tpu.memref_squeeze %dma_start3A_449 : memref<1x128xi32, #tpu.memory_space<vmem>> -> memref<128xi32, #tpu.memory_space<vmem>>
        %dma_start3A_451 = arith.constant 0 : i32
        %dma_start3A_452 = arith.constant 0 : i32
        %dma_start3A_453 = tpu.memref_slice %arg5[%dma_start3A_451, %dma_start3A_452] : memref<10240x128xf32, #tpu.memory_space<vmem_shared>> -> memref<10240x128xf32, #tpu.memory_space<vmem_shared>>
        tpu.enqueue_indirect_dma source(%arg11 : memref<128x128xf32, #tpu.memory_space<vmem>>) target(%dma_start3A_453 : memref<10240x128xf32, #tpu.memory_space<vmem_shared>>) offsets(%dma_start3A_450 : memref<128xi32, #tpu.memory_space<vmem>>) semaphore(%run_scoped3A_447 : memref<!tpu.dma_semaphore, #tpu.memory_space<semaphore_mem>>) {add = true}
        %dma_wait3A_454 = arith.constant 0 : i32
        %dma_wait3A_455 = tpu.memref_slice %arg7[%run_scoped3A_432, %dma_wait3A_454] : memref<4x128xi32, #tpu.memory_space<vmem>> -> memref<1x128xi32, #tpu.memory_space<vmem>>
        %dma_wait3A_456 = tpu.memref_squeeze %dma_wait3A_455 : memref<1x128xi32, #tpu.memory_space<vmem>> -> memref<128xi32, #tpu.memory_space<vmem>>
        %dma_wait3A_457 = arith.constant 0 : i32
        %dma_wait3A_458 = arith.constant 0 : i32
        %dma_wait3A_459 = tpu.memref_slice %arg5[%dma_wait3A_457, %dma_wait3A_458] : memref<10240x128xf32, #tpu.memory_space<vmem_shared>> -> memref<10240x128xf32, #tpu.memory_space<vmem_shared>>
        tpu.wait_indirect_dma semaphore(%run_scoped3A_447 : memref<!tpu.dma_semaphore, #tpu.memory_space<semaphore_mem>>) src(%arg11 : memref<128x128xf32, #tpu.memory_space<vmem>>) dst(%dma_wait3A_459 : memref<10240x128xf32, #tpu.memory_space<vmem_shared>>)
        tpu.yield
      }) : () -> ()
      %add3A_433 = arith.constant 4 : i32
      %add3A_434 = arith.addi %add3A_406, %add3A_433 : i32
      %lt3A_435 = arith.constant 78 : i32
      %lt3A_436 = arith.cmpi slt, %add3A_434, %lt3A_435 : i32
      %convert_element_type3A_437 = arith.extui %lt3A_436 : i1 to i32
      %cond3A_438 = arith.constant 0 : i32
      %cond3A_439 = arith.cmpi ne, %convert_element_type3A_437, %cond3A_438 : i32
      scf.if %cond3A_439 {
        %add3A_447 = arith.constant 4 : i32
        %add3A_448 = arith.addi %add3A_406, %add3A_447 : i32
        %mul3A_449 = arith.constant 128 : i32
        %mul3A_450 = arith.muli %add3A_448, %mul3A_449 : i32
        %add3A_451 = arith.addi %mul3A_4, %mul3A_450 : i32
        %dma_start3A_452 = arith.constant 0 : i32
        %dma_start3A_453 = arith.constant 3 : i32
        %dma_start3A_454 = arith.constant 3 : i32
        %dma_start3A_455 = arith.constant 0 : i32
        %dma_start3A_456 = tpu.memref_slice %arg6[%dma_start3A_453, %dma_start3A_455] : memref<4x128xi32, #tpu.memory_space<vmem>> -> memref<1x128xi32, #tpu.memory_space<vmem>>
        %dma_start3A_457 = tpu.memref_squeeze %dma_start3A_456 : memref<1x128xi32, #tpu.memory_space<vmem>> -> memref<128xi32, #tpu.memory_space<vmem>>
        %dma_start3A_458 = tpu.memref_slice %arg3[%dma_start3A_452, %add3A_451] : memref<2x320000xi32, #tpu.memory_space<hbm>> -> memref<1x128xi32, #tpu.memory_space<hbm>>
        %dma_start3A_459 = tpu.memref_squeeze %dma_start3A_458 : memref<1x128xi32, #tpu.memory_space<hbm>> -> memref<128xi32, #tpu.memory_space<hbm>>
        %dma_start3A_460 = tpu.memref_slice %arg12[%dma_start3A_454] : memref<4x!tpu.dma_semaphore, #tpu.memory_space<semaphore_mem>> -> memref<1x!tpu.dma_semaphore, #tpu.memory_space<semaphore_mem>>
        %dma_start3A_461 = tpu.memref_squeeze %dma_start3A_460 : memref<1x!tpu.dma_semaphore, #tpu.memory_space<semaphore_mem>> -> memref<!tpu.dma_semaphore, #tpu.memory_space<semaphore_mem>>
        %dma_start3A_462 = arith.constant 0 : i32
        %dma_start3A_463 = tpu.memref_slice %arg6[%dma_start3A_453, %dma_start3A_462] : memref<4x128xi32, #tpu.memory_space<vmem>> -> memref<1x128xi32, #tpu.memory_space<vmem>>
        %dma_start3A_464 = tpu.memref_squeeze %dma_start3A_463 : memref<1x128xi32, #tpu.memory_space<vmem>> -> memref<128xi32, #tpu.memory_space<vmem>>
        %dma_start3A_465 = tpu.memref_slice %arg3[%dma_start3A_452, %add3A_451] : memref<2x320000xi32, #tpu.memory_space<hbm>> -> memref<1x128xi32, #tpu.memory_space<hbm>>
        %dma_start3A_466 = tpu.memref_squeeze %dma_start3A_465 : memref<1x128xi32, #tpu.memory_space<hbm>> -> memref<128xi32, #tpu.memory_space<hbm>>
        tpu.enqueue_dma source(%dma_start3A_466 : memref<128xi32, #tpu.memory_space<hbm>>) target(%dma_start3A_464 : memref<128xi32, #tpu.memory_space<vmem>>) target_semaphore(%dma_start3A_461 : memref<!tpu.dma_semaphore, #tpu.memory_space<semaphore_mem>>)
        %add3A_467 = arith.constant 4 : i32
        %add3A_468 = arith.addi %add3A_406, %add3A_467 : i32
        %mul3A_469 = arith.constant 128 : i32
        %mul3A_470 = arith.muli %add3A_468, %mul3A_469 : i32
        %add3A_471 = arith.addi %mul3A_4, %mul3A_470 : i32
        %dma_start3A_472 = arith.constant 1 : i32
        %dma_start3A_473 = arith.constant 3 : i32
        %dma_start3A_474 = arith.constant 3 : i32
        %dma_start3A_475 = arith.constant 0 : i32
        %dma_start3A_476 = tpu.memref_slice %arg7[%dma_start3A_473, %dma_start3A_475] : memref<4x128xi32, #tpu.memory_space<vmem>> -> memref<1x128xi32, #tpu.memory_space<vmem>>
        %dma_start3A_477 = tpu.memref_squeeze %dma_start3A_476 : memref<1x128xi32, #tpu.memory_space<vmem>> -> memref<128xi32, #tpu.memory_space<vmem>>
        %dma_start3A_478 = tpu.memref_slice %arg3[%dma_start3A_472, %add3A_471] : memref<2x320000xi32, #tpu.memory_space<hbm>> -> memref<1x128xi32, #tpu.memory_space<hbm>>
        %dma_start3A_479 = tpu.memref_squeeze %dma_start3A_478 : memref<1x128xi32, #tpu.memory_space<hbm>> -> memref<128xi32, #tpu.memory_space<hbm>>
        %dma_start3A_480 = tpu.memref_slice %arg13[%dma_start3A_474] : memref<4x!tpu.dma_semaphore, #tpu.memory_space<semaphore_mem>> -> memref<1x!tpu.dma_semaphore, #tpu.memory_space<semaphore_mem>>
        %dma_start3A_481 = tpu.memref_squeeze %dma_start3A_480 : memref<1x!tpu.dma_semaphore, #tpu.memory_space<semaphore_mem>> -> memref<!tpu.dma_semaphore, #tpu.memory_space<semaphore_mem>>
        %dma_start3A_482 = arith.constant 0 : i32
        %dma_start3A_483 = tpu.memref_slice %arg7[%dma_start3A_473, %dma_start3A_482] : memref<4x128xi32, #tpu.memory_space<vmem>> -> memref<1x128xi32, #tpu.memory_space<vmem>>
        %dma_start3A_484 = tpu.memref_squeeze %dma_start3A_483 : memref<1x128xi32, #tpu.memory_space<vmem>> -> memref<128xi32, #tpu.memory_space<vmem>>
        %dma_start3A_485 = tpu.memref_slice %arg3[%dma_start3A_472, %add3A_471] : memref<2x320000xi32, #tpu.memory_space<hbm>> -> memref<1x128xi32, #tpu.memory_space<hbm>>
        %dma_start3A_486 = tpu.memref_squeeze %dma_start3A_485 : memref<1x128xi32, #tpu.memory_space<hbm>> -> memref<128xi32, #tpu.memory_space<hbm>>
        tpu.enqueue_dma source(%dma_start3A_486 : memref<128xi32, #tpu.memory_space<hbm>>) target(%dma_start3A_484 : memref<128xi32, #tpu.memory_space<vmem>>) target_semaphore(%dma_start3A_481 : memref<!tpu.dma_semaphore, #tpu.memory_space<semaphore_mem>>)
      } else {
      }
      %add3A_440 = arith.constant 2 : i32
      %add3A_441 = arith.addi %add3A_406, %add3A_440 : i32
      %lt3A_442 = arith.constant 78 : i32
      %lt3A_443 = arith.cmpi slt, %add3A_441, %lt3A_442 : i32
      %convert_element_type3A_444 = arith.extui %lt3A_443 : i1 to i32
      %cond3A_445 = arith.constant 0 : i32
      %cond3A_446 = arith.cmpi ne, %convert_element_type3A_444, %cond3A_445 : i32
      scf.if %cond3A_446 {
        %add3A_447 = arith.constant 2 : i32
        %add3A_448 = arith.addi %add3A_406, %add3A_447 : i32
        %mul3A_449 = arith.constant 128 : i32
        %mul3A_450 = arith.muli %add3A_448, %mul3A_449 : i32
        %add3A_451 = arith.addi %mul3A_4, %mul3A_450 : i32
        %dma_wait3A_452 = arith.constant 0 : i32
        %dma_wait3A_453 = arith.constant 1 : i32
        %dma_wait3A_454 = arith.constant 1 : i32
        %dma_wait3A_455 = arith.constant 0 : i32
        %dma_wait3A_456 = tpu.memref_slice %arg6[%dma_wait3A_453, %dma_wait3A_455] : memref<4x128xi32, #tpu.memory_space<vmem>> -> memref<1x128xi32, #tpu.memory_space<vmem>>
        %dma_wait3A_457 = tpu.memref_squeeze %dma_wait3A_456 : memref<1x128xi32, #tpu.memory_space<vmem>> -> memref<128xi32, #tpu.memory_space<vmem>>
        %dma_wait3A_458 = tpu.memref_slice %arg3[%dma_wait3A_452, %add3A_451] : memref<2x320000xi32, #tpu.memory_space<hbm>> -> memref<1x128xi32, #tpu.memory_space<hbm>>
        %dma_wait3A_459 = tpu.memref_squeeze %dma_wait3A_458 : memref<1x128xi32, #tpu.memory_space<hbm>> -> memref<128xi32, #tpu.memory_space<hbm>>
        %dma_wait3A_460 = tpu.memref_slice %arg12[%dma_wait3A_454] : memref<4x!tpu.dma_semaphore, #tpu.memory_space<semaphore_mem>> -> memref<1x!tpu.dma_semaphore, #tpu.memory_space<semaphore_mem>>
        %dma_wait3A_461 = tpu.memref_squeeze %dma_wait3A_460 : memref<1x!tpu.dma_semaphore, #tpu.memory_space<semaphore_mem>> -> memref<!tpu.dma_semaphore, #tpu.memory_space<semaphore_mem>>
        %dma_wait3A_462 = arith.constant 0 : i32
        %dma_wait3A_463 = tpu.memref_slice %arg6[%dma_wait3A_453, %dma_wait3A_462] : memref<4x128xi32, #tpu.memory_space<vmem>> -> memref<1x128xi32, #tpu.memory_space<vmem>>
        %dma_wait3A_464 = tpu.memref_squeeze %dma_wait3A_463 : memref<1x128xi32, #tpu.memory_space<vmem>> -> memref<128xi32, #tpu.memory_space<vmem>>
        %dma_wait3A_465 = tpu.memref_slice %arg3[%dma_wait3A_452, %add3A_451] : memref<2x320000xi32, #tpu.memory_space<hbm>> -> memref<1x128xi32, #tpu.memory_space<hbm>>
        %dma_wait3A_466 = tpu.memref_squeeze %dma_wait3A_465 : memref<1x128xi32, #tpu.memory_space<hbm>> -> memref<128xi32, #tpu.memory_space<hbm>>
        tpu.wait_dma2 semaphore(%dma_wait3A_461 : memref<!tpu.dma_semaphore, #tpu.memory_space<semaphore_mem>>) src(%dma_wait3A_466 : memref<128xi32, #tpu.memory_space<hbm>>) dst(%dma_wait3A_464 : memref<128xi32, #tpu.memory_space<vmem>>)
        %dma_start3A_467 = arith.constant 1 : i32
        %dma_start3A_468 = arith.constant 0 : i32
        %dma_start3A_469 = tpu.memref_slice %arg6[%dma_start3A_467, %dma_start3A_468] : memref<4x128xi32, #tpu.memory_space<vmem>> -> memref<1x128xi32, #tpu.memory_space<vmem>>
        %dma_start3A_470 = tpu.memref_squeeze %dma_start3A_469 : memref<1x128xi32, #tpu.memory_space<vmem>> -> memref<128xi32, #tpu.memory_space<vmem>>
        %dma_start3A_471 = arith.constant 0 : i32
        %dma_start3A_472 = arith.constant 0 : i32
        %dma_start3A_473 = tpu.memref_slice %arg2[%dma_start3A_471, %dma_start3A_472] : memref<10240x128xf32, #tpu.memory_space<hbm>> -> memref<10240x128xf32, #tpu.memory_space<hbm>>
        tpu.enqueue_indirect_dma source(%dma_start3A_473 : memref<10240x128xf32, #tpu.memory_space<hbm>>) target(%arg11 : memref<128x128xf32, #tpu.memory_space<vmem>>) offsets(%dma_start3A_470 : memref<128xi32, #tpu.memory_space<vmem>>) semaphore(%arg15 : memref<!tpu.dma_semaphore, #tpu.memory_space<semaphore_mem>>)
      } else {
      }
    }
    %scan3A_209 = arith.constant 19 : i32
    %dma_wait3A_210 = arith.constant 0 : i32
    %dma_wait3A_211 = arith.constant 0 : i32
    %dma_wait3A_212 = tpu.memref_slice %arg6[%dma_wait3A_210, %dma_wait3A_211] : memref<4x128xi32, #tpu.memory_space<vmem>> -> memref<1x128xi32, #tpu.memory_space<vmem>>
    %dma_wait3A_213 = tpu.memref_squeeze %dma_wait3A_212 : memref<1x128xi32, #tpu.memory_space<vmem>> -> memref<128xi32, #tpu.memory_space<vmem>>
    %dma_wait3A_214 = arith.constant 0 : i32
    %dma_wait3A_215 = arith.constant 0 : i32
    %dma_wait3A_216 = tpu.memref_slice %arg2[%dma_wait3A_214, %dma_wait3A_215] : memref<10240x128xf32, #tpu.memory_space<hbm>> -> memref<10240x128xf32, #tpu.memory_space<hbm>>
    tpu.wait_indirect_dma semaphore(%arg14 : memref<!tpu.dma_semaphore, #tpu.memory_space<semaphore_mem>>) src(%dma_wait3A_216 : memref<10240x128xf32, #tpu.memory_space<hbm>>) dst(%arg10 : memref<128x128xf32, #tpu.memory_space<vmem>>)
    %add3A_217 = arith.constant 9728 : i32
    %add3A_218 = arith.addi %mul3A_4, %add3A_217 : i32
    %dma_wait3A_219 = arith.constant 1 : i32
    %dma_wait3A_220 = arith.constant 0 : i32
    %dma_wait3A_221 = arith.constant 0 : i32
    %dma_wait3A_222 = arith.constant 0 : i32
    %dma_wait3A_223 = tpu.memref_slice %arg7[%dma_wait3A_220, %dma_wait3A_222] : memref<4x128xi32, #tpu.memory_space<vmem>> -> memref<1x128xi32, #tpu.memory_space<vmem>>
    %dma_wait3A_224 = tpu.memref_squeeze %dma_wait3A_223 : memref<1x128xi32, #tpu.memory_space<vmem>> -> memref<128xi32, #tpu.memory_space<vmem>>
    %dma_wait3A_225 = tpu.memref_slice %arg3[%dma_wait3A_219, %add3A_218] : memref<2x320000xi32, #tpu.memory_space<hbm>> -> memref<1x128xi32, #tpu.memory_space<hbm>>
    %dma_wait3A_226 = tpu.memref_squeeze %dma_wait3A_225 : memref<1x128xi32, #tpu.memory_space<hbm>> -> memref<128xi32, #tpu.memory_space<hbm>>
    %dma_wait3A_227 = tpu.memref_slice %arg13[%dma_wait3A_221] : memref<4x!tpu.dma_semaphore, #tpu.memory_space<semaphore_mem>> -> memref<1x!tpu.dma_semaphore, #tpu.memory_space<semaphore_mem>>
    %dma_wait3A_228 = tpu.memref_squeeze %dma_wait3A_227 : memref<1x!tpu.dma_semaphore, #tpu.memory_space<semaphore_mem>> -> memref<!tpu.dma_semaphore, #tpu.memory_space<semaphore_mem>>
    %dma_wait3A_229 = arith.constant 0 : i32
    %dma_wait3A_230 = tpu.memref_slice %arg7[%dma_wait3A_220, %dma_wait3A_229] : memref<4x128xi32, #tpu.memory_space<vmem>> -> memref<1x128xi32, #tpu.memory_space<vmem>>
    %dma_wait3A_231 = tpu.memref_squeeze %dma_wait3A_230 : memref<1x128xi32, #tpu.memory_space<vmem>> -> memref<128xi32, #tpu.memory_space<vmem>>
    %dma_wait3A_232 = tpu.memref_slice %arg3[%dma_wait3A_219, %add3A_218] : memref<2x320000xi32, #tpu.memory_space<hbm>> -> memref<1x128xi32, #tpu.memory_space<hbm>>
    %dma_wait3A_233 = tpu.memref_squeeze %dma_wait3A_232 : memref<1x128xi32, #tpu.memory_space<hbm>> -> memref<128xi32, #tpu.memory_space<hbm>>
    tpu.wait_dma2 semaphore(%dma_wait3A_228 : memref<!tpu.dma_semaphore, #tpu.memory_space<semaphore_mem>>) src(%dma_wait3A_233 : memref<128xi32, #tpu.memory_space<hbm>>) dst(%dma_wait3A_231 : memref<128xi32, #tpu.memory_space<vmem>>)
    %run_scoped3A_234 = arith.constant 0 : i32
    "tpu.region"() ({
      %run_scoped3A_273 = tpu.sem_alloc : memref<!tpu.dma_semaphore, #tpu.memory_space<semaphore_mem>>
      %dma_start3A_274 = arith.constant 0 : i32
      %dma_start3A_275 = tpu.memref_slice %arg7[%run_scoped3A_234, %dma_start3A_274] : memref<4x128xi32, #tpu.memory_space<vmem>> -> memref<1x128xi32, #tpu.memory_space<vmem>>
      %dma_start3A_276 = tpu.memref_squeeze %dma_start3A_275 : memref<1x128xi32, #tpu.memory_space<vmem>> -> memref<128xi32, #tpu.memory_space<vmem>>
      %dma_start3A_277 = arith.constant 0 : i32
      %dma_start3A_278 = arith.constant 0 : i32
      %dma_start3A_279 = tpu.memref_slice %arg5[%dma_start3A_277, %dma_start3A_278] : memref<10240x128xf32, #tpu.memory_space<vmem_shared>> -> memref<10240x128xf32, #tpu.memory_space<vmem_shared>>
      tpu.enqueue_indirect_dma source(%arg10 : memref<128x128xf32, #tpu.memory_space<vmem>>) target(%dma_start3A_279 : memref<10240x128xf32, #tpu.memory_space<vmem_shared>>) offsets(%dma_start3A_276 : memref<128xi32, #tpu.memory_space<vmem>>) semaphore(%run_scoped3A_273 : memref<!tpu.dma_semaphore, #tpu.memory_space<semaphore_mem>>) {add = true}
      %dma_wait3A_280 = arith.constant 0 : i32
      %dma_wait3A_281 = tpu.memref_slice %arg7[%run_scoped3A_234, %dma_wait3A_280] : memref<4x128xi32, #tpu.memory_space<vmem>> -> memref<1x128xi32, #tpu.memory_space<vmem>>
      %dma_wait3A_282 = tpu.memref_squeeze %dma_wait3A_281 : memref<1x128xi32, #tpu.memory_space<vmem>> -> memref<128xi32, #tpu.memory_space<vmem>>
      %dma_wait3A_283 = arith.constant 0 : i32
      %dma_wait3A_284 = arith.constant 0 : i32
      %dma_wait3A_285 = tpu.memref_slice %arg5[%dma_wait3A_283, %dma_wait3A_284] : memref<10240x128xf32, #tpu.memory_space<vmem_shared>> -> memref<10240x128xf32, #tpu.memory_space<vmem_shared>>
      tpu.wait_indirect_dma semaphore(%run_scoped3A_273 : memref<!tpu.dma_semaphore, #tpu.memory_space<semaphore_mem>>) src(%arg10 : memref<128x128xf32, #tpu.memory_space<vmem>>) dst(%dma_wait3A_285 : memref<10240x128xf32, #tpu.memory_space<vmem_shared>>)
      tpu.yield
    }) : () -> ()
    %dma_wait3A_235 = arith.constant 1 : i32
    %dma_wait3A_236 = arith.constant 0 : i32
    %dma_wait3A_237 = tpu.memref_slice %arg6[%dma_wait3A_235, %dma_wait3A_236] : memref<4x128xi32, #tpu.memory_space<vmem>> -> memref<1x128xi32, #tpu.memory_space<vmem>>
    %dma_wait3A_238 = tpu.memref_squeeze %dma_wait3A_237 : memref<1x128xi32, #tpu.memory_space<vmem>> -> memref<128xi32, #tpu.memory_space<vmem>>
    %dma_wait3A_239 = arith.constant 0 : i32
    %dma_wait3A_240 = arith.constant 0 : i32
    %dma_wait3A_241 = tpu.memref_slice %arg2[%dma_wait3A_239, %dma_wait3A_240] : memref<10240x128xf32, #tpu.memory_space<hbm>> -> memref<10240x128xf32, #tpu.memory_space<hbm>>
    tpu.wait_indirect_dma semaphore(%arg15 : memref<!tpu.dma_semaphore, #tpu.memory_space<semaphore_mem>>) src(%dma_wait3A_241 : memref<10240x128xf32, #tpu.memory_space<hbm>>) dst(%arg11 : memref<128x128xf32, #tpu.memory_space<vmem>>)
    %add3A_242 = arith.constant 9856 : i32
    %add3A_243 = arith.addi %mul3A_4, %add3A_242 : i32
    %dma_wait3A_244 = arith.constant 1 : i32
    %dma_wait3A_245 = arith.constant 1 : i32
    %dma_wait3A_246 = arith.constant 1 : i32
    %dma_wait3A_247 = arith.constant 0 : i32
    %dma_wait3A_248 = tpu.memref_slice %arg7[%dma_wait3A_245, %dma_wait3A_247] : memref<4x128xi32, #tpu.memory_space<vmem>> -> memref<1x128xi32, #tpu.memory_space<vmem>>
    %dma_wait3A_249 = tpu.memref_squeeze %dma_wait3A_248 : memref<1x128xi32, #tpu.memory_space<vmem>> -> memref<128xi32, #tpu.memory_space<vmem>>
    %dma_wait3A_250 = tpu.memref_slice %arg3[%dma_wait3A_244, %add3A_243] : memref<2x320000xi32, #tpu.memory_space<hbm>> -> memref<1x128xi32, #tpu.memory_space<hbm>>
    %dma_wait3A_251 = tpu.memref_squeeze %dma_wait3A_250 : memref<1x128xi32, #tpu.memory_space<hbm>> -> memref<128xi32, #tpu.memory_space<hbm>>
    %dma_wait3A_252 = tpu.memref_slice %arg13[%dma_wait3A_246] : memref<4x!tpu.dma_semaphore, #tpu.memory_space<semaphore_mem>> -> memref<1x!tpu.dma_semaphore, #tpu.memory_space<semaphore_mem>>
    %dma_wait3A_253 = tpu.memref_squeeze %dma_wait3A_252 : memref<1x!tpu.dma_semaphore, #tpu.memory_space<semaphore_mem>> -> memref<!tpu.dma_semaphore, #tpu.memory_space<semaphore_mem>>
    %dma_wait3A_254 = arith.constant 0 : i32
    %dma_wait3A_255 = tpu.memref_slice %arg7[%dma_wait3A_245, %dma_wait3A_254] : memref<4x128xi32, #tpu.memory_space<vmem>> -> memref<1x128xi32, #tpu.memory_space<vmem>>
    %dma_wait3A_256 = tpu.memref_squeeze %dma_wait3A_255 : memref<1x128xi32, #tpu.memory_space<vmem>> -> memref<128xi32, #tpu.memory_space<vmem>>
    %dma_wait3A_257 = tpu.memref_slice %arg3[%dma_wait3A_244, %add3A_243] : memref<2x320000xi32, #tpu.memory_space<hbm>> -> memref<1x128xi32, #tpu.memory_space<hbm>>
    %dma_wait3A_258 = tpu.memref_squeeze %dma_wait3A_257 : memref<1x128xi32, #tpu.memory_space<hbm>> -> memref<128xi32, #tpu.memory_space<hbm>>
    tpu.wait_dma2 semaphore(%dma_wait3A_253 : memref<!tpu.dma_semaphore, #tpu.memory_space<semaphore_mem>>) src(%dma_wait3A_258 : memref<128xi32, #tpu.memory_space<hbm>>) dst(%dma_wait3A_256 : memref<128xi32, #tpu.memory_space<vmem>>)
    %run_scoped3A_259 = arith.constant 1 : i32
    "tpu.region"() ({
      %run_scoped3A_273 = tpu.sem_alloc : memref<!tpu.dma_semaphore, #tpu.memory_space<semaphore_mem>>
      %dma_start3A_274 = arith.constant 0 : i32
      %dma_start3A_275 = tpu.memref_slice %arg7[%run_scoped3A_259, %dma_start3A_274] : memref<4x128xi32, #tpu.memory_space<vmem>> -> memref<1x128xi32, #tpu.memory_space<vmem>>
      %dma_start3A_276 = tpu.memref_squeeze %dma_start3A_275 : memref<1x128xi32, #tpu.memory_space<vmem>> -> memref<128xi32, #tpu.memory_space<vmem>>
      %dma_start3A_277 = arith.constant 0 : i32
      %dma_start3A_278 = arith.constant 0 : i32
      %dma_start3A_279 = tpu.memref_slice %arg5[%dma_start3A_277, %dma_start3A_278] : memref<10240x128xf32, #tpu.memory_space<vmem_shared>> -> memref<10240x128xf32, #tpu.memory_space<vmem_shared>>
      tpu.enqueue_indirect_dma source(%arg11 : memref<128x128xf32, #tpu.memory_space<vmem>>) target(%dma_start3A_279 : memref<10240x128xf32, #tpu.memory_space<vmem_shared>>) offsets(%dma_start3A_276 : memref<128xi32, #tpu.memory_space<vmem>>) semaphore(%run_scoped3A_273 : memref<!tpu.dma_semaphore, #tpu.memory_space<semaphore_mem>>) {add = true}
      %dma_wait3A_280 = arith.constant 0 : i32
      %dma_wait3A_281 = tpu.memref_slice %arg7[%run_scoped3A_259, %dma_wait3A_280] : memref<4x128xi32, #tpu.memory_space<vmem>> -> memref<1x128xi32, #tpu.memory_space<vmem>>
      %dma_wait3A_282 = tpu.memref_squeeze %dma_wait3A_281 : memref<1x128xi32, #tpu.memory_space<vmem>> -> memref<128xi32, #tpu.memory_space<vmem>>
      %dma_wait3A_283 = arith.constant 0 : i32
      %dma_wait3A_284 = arith.constant 0 : i32
      %dma_wait3A_285 = tpu.memref_slice %arg5[%dma_wait3A_283, %dma_wait3A_284] : memref<10240x128xf32, #tpu.memory_space<vmem_shared>> -> memref<10240x128xf32, #tpu.memory_space<vmem_shared>>
      tpu.wait_indirect_dma semaphore(%run_scoped3A_273 : memref<!tpu.dma_semaphore, #tpu.memory_space<semaphore_mem>>) src(%arg11 : memref<128x128xf32, #tpu.memory_space<vmem>>) dst(%dma_wait3A_285 : memref<10240x128xf32, #tpu.memory_space<vmem_shared>>)
      tpu.yield
    }) : () -> ()
    %dma_start3A_260 = arith.constant 0 : i32
    %dma_start3A_261 = arith.constant 0 : i32
    %dma_start3A_262 = tpu.memref_slice %arg10[%dma_start3A_260, %dma_start3A_261] : memref<128x128xf32, #tpu.memory_space<vmem>> -> memref<16x128xf32, #tpu.memory_space<vmem>>
    %dma_start3A_263 = arith.constant 0 : i32
    %dma_start3A_264 = arith.constant 0 : i32
    %dma_start3A_265 = tpu.memref_slice %arg2[%dma_start3A_263, %dma_start3A_264] : memref<10240x128xf32, #tpu.memory_space<hbm>> -> memref<10240x128xf32, #tpu.memory_space<hbm>>
    tpu.enqueue_indirect_dma source(%dma_start3A_265 : memref<10240x128xf32, #tpu.memory_space<hbm>>) target(%dma_start3A_262 : memref<16x128xf32, #tpu.memory_space<vmem>>) offsets(%arg8 : memref<16xi32, #tpu.memory_space<vmem>>) semaphore(%arg14 : memref<!tpu.dma_semaphore, #tpu.memory_space<semaphore_mem>>)
    %dma_wait3A_266 = arith.constant 0 : i32
    %dma_wait3A_267 = arith.constant 0 : i32
    %dma_wait3A_268 = tpu.memref_slice %arg10[%dma_wait3A_266, %dma_wait3A_267] : memref<128x128xf32, #tpu.memory_space<vmem>> -> memref<16x128xf32, #tpu.memory_space<vmem>>
    %dma_wait3A_269 = arith.constant 0 : i32
    %dma_wait3A_270 = arith.constant 0 : i32
    %dma_wait3A_271 = tpu.memref_slice %arg2[%dma_wait3A_269, %dma_wait3A_270] : memref<10240x128xf32, #tpu.memory_space<hbm>> -> memref<10240x128xf32, #tpu.memory_space<hbm>>
    tpu.wait_indirect_dma semaphore(%arg14 : memref<!tpu.dma_semaphore, #tpu.memory_space<semaphore_mem>>) src(%dma_wait3A_271 : memref<10240x128xf32, #tpu.memory_space<hbm>>) dst(%dma_wait3A_268 : memref<16x128xf32, #tpu.memory_space<vmem>>)
    "tpu.region"() ({
      %run_scoped3A_273 = tpu.sem_alloc : memref<!tpu.dma_semaphore, #tpu.memory_space<semaphore_mem>>
      %dma_start3A_274 = arith.constant 0 : i32
      %dma_start3A_275 = arith.constant 0 : i32
      %dma_start3A_276 = tpu.memref_slice %arg10[%dma_start3A_274, %dma_start3A_275] : memref<128x128xf32, #tpu.memory_space<vmem>> -> memref<16x128xf32, #tpu.memory_space<vmem>>
      %dma_start3A_277 = arith.constant 0 : i32
      %dma_start3A_278 = arith.constant 0 : i32
      %dma_start3A_279 = tpu.memref_slice %arg5[%dma_start3A_277, %dma_start3A_278] : memref<10240x128xf32, #tpu.memory_space<vmem_shared>> -> memref<10240x128xf32, #tpu.memory_space<vmem_shared>>
      tpu.enqueue_indirect_dma source(%dma_start3A_276 : memref<16x128xf32, #tpu.memory_space<vmem>>) target(%dma_start3A_279 : memref<10240x128xf32, #tpu.memory_space<vmem_shared>>) offsets(%arg9 : memref<16xi32, #tpu.memory_space<vmem>>) semaphore(%run_scoped3A_273 : memref<!tpu.dma_semaphore, #tpu.memory_space<semaphore_mem>>) {add = true}
      %dma_wait3A_280 = arith.constant 0 : i32
      %dma_wait3A_281 = arith.constant 0 : i32
      %dma_wait3A_282 = tpu.memref_slice %arg10[%dma_wait3A_280, %dma_wait3A_281] : memref<128x128xf32, #tpu.memory_space<vmem>> -> memref<16x128xf32, #tpu.memory_space<vmem>>
      %dma_wait3A_283 = arith.constant 0 : i32
      %dma_wait3A_284 = arith.constant 0 : i32
      %dma_wait3A_285 = tpu.memref_slice %arg5[%dma_wait3A_283, %dma_wait3A_284] : memref<10240x128xf32, #tpu.memory_space<vmem_shared>> -> memref<10240x128xf32, #tpu.memory_space<vmem_shared>>
      tpu.wait_indirect_dma semaphore(%run_scoped3A_273 : memref<!tpu.dma_semaphore, #tpu.memory_space<semaphore_mem>>) src(%dma_wait3A_282 : memref<16x128xf32, #tpu.memory_space<vmem>>) dst(%dma_wait3A_285 : memref<10240x128xf32, #tpu.memory_space<vmem_shared>>)
      tpu.yield
    }) : () -> ()
    %barrier3A_272 = arith.constant 0 : index
    tpu.barrier barrier_id(%barrier3A_272)
    "tpu.region"() ({
      %run_scoped3A_273 = tpu.sem_alloc : memref<!tpu.dma_semaphore, #tpu.memory_space<semaphore_mem>>
      %dma_start3A_274 = arith.constant 0 : i32
      %dma_start3A_275 = tpu.memref_slice %arg4[%arg0, %mul3A_2, %dma_start3A_274] : memref<2x10240x128xf32, #tpu.memory_space<hbm>> -> memref<1x640x128xf32, #tpu.memory_space<hbm>>
      %dma_start3A_276 = tpu.memref_squeeze %dma_start3A_275 : memref<1x640x128xf32, #tpu.memory_space<hbm>> -> memref<640x128xf32, #tpu.memory_space<hbm>>
      %dma_start3A_277 = arith.constant 0 : i32
      %dma_start3A_278 = tpu.memref_slice %arg5[%mul3A_2, %dma_start3A_277] : memref<10240x128xf32, #tpu.memory_space<vmem_shared>> -> memref<640x128xf32, #tpu.memory_space<vmem_shared>>
      tpu.enqueue_dma source(%dma_start3A_278 : memref<640x128xf32, #tpu.memory_space<vmem_shared>>) target(%dma_start3A_276 : memref<640x128xf32, #tpu.memory_space<hbm>>) target_semaphore(%run_scoped3A_273 : memref<!tpu.dma_semaphore, #tpu.memory_space<semaphore_mem>>)
      %dma_wait3A_279 = arith.constant 0 : i32
      %dma_wait3A_280 = tpu.memref_slice %arg4[%arg0, %mul3A_2, %dma_wait3A_279] : memref<2x10240x128xf32, #tpu.memory_space<hbm>> -> memref<1x640x128xf32, #tpu.memory_space<hbm>>
      %dma_wait3A_281 = tpu.memref_squeeze %dma_wait3A_280 : memref<1x640x128xf32, #tpu.memory_space<hbm>> -> memref<640x128xf32, #tpu.memory_space<hbm>>
      %dma_wait3A_282 = arith.constant 0 : i32
      %dma_wait3A_283 = tpu.memref_slice %arg5[%mul3A_2, %dma_wait3A_282] : memref<10240x128xf32, #tpu.memory_space<vmem_shared>> -> memref<640x128xf32, #tpu.memory_space<vmem_shared>>
      tpu.wait_dma2 semaphore(%run_scoped3A_273 : memref<!tpu.dma_semaphore, #tpu.memory_space<semaphore_mem>>) src(%dma_wait3A_283 : memref<640x128xf32, #tpu.memory_space<vmem_shared>>) dst(%dma_wait3A_281 : memref<640x128xf32, #tpu.memory_space<hbm>>)
      tpu.yield
    }) : () -> ()
    return
  }
}

module attributes {stable_mosaic.version = 14 : i64} {
  func.func @_prescale_body(%arg0: i32, %arg1: memref<2x2048x16xf32, #tpu.memory_space<vmem>>, %arg2: memref<2048x128xf32, #tpu.memory_space<vmem>>, %arg3: memref<2048x1xf32, #tpu.memory_space<vmem>>, %arg4: memref<2048x128xf32, #tpu.memory_space<vmem>>) attributes {dimension_semantics = [#tpu.dimension_semantics<arbitrary>], iteration_bounds = array<i64: 5>, scalar_prefetch = 0 : i64, scratch_operands = 0 : i64, tpu.core_type = #tpu.core_type<tc>, window_params = [{transform_indices = @transform_0, window_bounds = array<i64: 2, 2048, 16>}, {transform_indices = @transform_1, window_bounds = array<i64: 2048, 128>}, {transform_indices = @transform_2, window_bounds = array<i64: 2048, 1>}, {transform_indices = @transform_3, window_bounds = array<i64: 2048, 128>}]} {
    %get3A = arith.constant 0 : index
    %get3A_0 = arith.constant 0 : index
    %get3A_1 = arith.constant 0 : index
    %get3A_2 = vector.load %arg1[%get3A, %get3A_0, %get3A_1] : memref<2x2048x16xf32, #tpu.memory_space<vmem>>, vector<1x2048x1xf32>
    %get3A_3 = vector.shape_cast %get3A_2 : vector<1x2048x1xf32> to vector<2048x1xf32>
    %add3A = arith.constant 1.000000e+00 : f32
    %add3A_4 = vector.broadcast %add3A : f32 to vector<2048x1xf32>
    %add3A_5 = arith.addf %add3A_4, %get3A_3 : vector<2048x1xf32>
    %get3A_6 = arith.constant 1 : index
    %get3A_7 = arith.constant 0 : index
    %get3A_8 = arith.constant 0 : index
    %get3A_9 = vector.load %arg1[%get3A_6, %get3A_7, %get3A_8] : memref<2x2048x16xf32, #tpu.memory_space<vmem>>, vector<1x2048x1xf32>
    %get3A_10 = vector.shape_cast %get3A_9 : vector<1x2048x1xf32> to vector<2048x1xf32>
    %add3A_11 = arith.addf %add3A_5, %get3A_10 : vector<2048x1xf32>
    %rsqrt3A = math.rsqrt %add3A_11 : vector<2048x1xf32>
    %swap3A = arith.constant 0 : index
    %swap3A_12 = arith.constant 0 : index
    %swap3A_13 = vector.load %arg3[%swap3A, %swap3A_12] : memref<2048x1xf32, #tpu.memory_space<vmem>>, vector<2048x1xf32>
    tpu.vector_store %arg3[%swap3A, %swap3A_12], %rsqrt3A {strides = array<i32>} : memref<2048x1xf32, #tpu.memory_space<vmem>>, vector<2048x1xf32>,
    %get3A_14 = arith.constant 0 : index
    %get3A_15 = arith.constant 0 : index
    %get3A_16 = vector.load %arg2[%get3A_14, %get3A_15] : memref<2048x128xf32, #tpu.memory_space<vmem>>, vector<2048x128xf32>
    %mul3A = vector.broadcast %rsqrt3A : vector<2048x1xf32> to vector<2048x128xf32>
    %mul3A_17 = arith.mulf %get3A_16, %mul3A : vector<2048x128xf32>
    %swap3A_18 = arith.constant 0 : index
    %swap3A_19 = arith.constant 0 : index
    %swap3A_20 = vector.load %arg4[%swap3A_18, %swap3A_19] : memref<2048x128xf32, #tpu.memory_space<vmem>>, vector<2048x128xf32>
    tpu.vector_store %arg4[%swap3A_18, %swap3A_19], %mul3A_17 {strides = array<i32>} : memref<2048x128xf32, #tpu.memory_space<vmem>>, vector<2048x128xf32>,
    return
  }
  func.func @transform_0(%arg0: i32) -> (i32, i32, i32) {
    %c0_i32 = arith.constant 0 : i32
    %c0_i32_0 = arith.constant 0 : i32
    %c0_i32_1 = arith.constant 0 : i32
    return %c0_i32, %arg0, %c0_i32_0 : i32, i32, i32
  }
  func.func @transform_1(%arg0: i32) -> (i32, i32) {
    %c0_i32 = arith.constant 0 : i32
    %c0_i32_0 = arith.constant 0 : i32
    return %arg0, %c0_i32 : i32, i32
  }
  func.func @transform_2(%arg0: i32) -> (i32, i32) {
    %c0_i32 = arith.constant 0 : i32
    %c0_i32_0 = arith.constant 0 : i32
    return %arg0, %c0_i32 : i32, i32
  }
  func.func @transform_3(%arg0: i32) -> (i32, i32) {
    %c0_i32 = arith.constant 0 : i32
    %c0_i32_0 = arith.constant 0 : i32
    return %arg0, %c0_i32 : i32, i32
  }
}

module attributes {stable_mosaic.version = 14 : i64} {
  func.func @_dense1_body(%arg0: i32, %arg1: memref<2x1024x256xf32, #tpu.memory_space<vmem>>, %arg2: memref<1024x256xf32, #tpu.memory_space<vmem>>, %arg3: memref<1024x2xf32, #tpu.memory_space<vmem>>, %arg4: memref<128x256xf32, #tpu.memory_space<vmem>>, %arg5: memref<1x256xf32, #tpu.memory_space<vmem>>, %arg6: memref<256x64xf32, #tpu.memory_space<vmem>>, %arg7: memref<1024x128xf32, #tpu.memory_space<vmem>>) attributes {dimension_semantics = [#tpu.dimension_semantics<arbitrary>], iteration_bounds = array<i64: 5>, scalar_prefetch = 0 : i64, scratch_operands = 0 : i64, tpu.core_type = #tpu.core_type<tc>, window_params = [{transform_indices = @transform_0, window_bounds = array<i64: 2, 1024, 256>}, {transform_indices = @transform_1, window_bounds = array<i64: 1024, 256>}, {transform_indices = @transform_2, window_bounds = array<i64: 1024, 2>}, {pipeline_mode = #tpu.pipeline_mode<synchronous>, transform_indices = @transform_3, window_bounds = array<i64: 128, 256>}, {pipeline_mode = #tpu.pipeline_mode<synchronous>, transform_indices = @transform_4, window_bounds = array<i64: 1, 256>}, {pipeline_mode = #tpu.pipeline_mode<synchronous>, transform_indices = @transform_5, window_bounds = array<i64: 256, 64>}, {transform_indices = @transform_6, window_bounds = array<i64: 1024, 128>}]} {
    %get3A = arith.constant 0 : index
    %get3A_0 = arith.constant 0 : index
    %get3A_1 = vector.load %arg3[%get3A, %get3A_0] : memref<1024x2xf32, #tpu.memory_space<vmem>>, vector<1024x1xf32>
    %get3A_2 = arith.constant 0 : index
    %get3A_3 = arith.constant 0 : index
    %get3A_4 = arith.constant 0 : index
    %get3A_5 = vector.load %arg1[%get3A_2, %get3A_3, %get3A_4] : memref<2x1024x256xf32, #tpu.memory_space<vmem>>, vector<1x1024x256xf32>
    %get3A_6 = vector.shape_cast %get3A_5 : vector<1x1024x256xf32> to vector<1024x256xf32>
    %slice3A = vector.extract_strided_slice %get3A_6 {offsets = [0, 0], sizes = [1024, 128], strides = [1, 1]} : vector<1024x256xf32> to vector<1024x128xf32>
    %get3A_7 = arith.constant 1 : index
    %get3A_8 = arith.constant 0 : index
    %get3A_9 = arith.constant 0 : index
    %get3A_10 = vector.load %arg1[%get3A_7, %get3A_8, %get3A_9] : memref<2x1024x256xf32, #tpu.memory_space<vmem>>, vector<1x1024x256xf32>
    %get3A_11 = vector.shape_cast %get3A_10 : vector<1x1024x256xf32> to vector<1024x256xf32>
    %slice3A_12 = vector.extract_strided_slice %get3A_11 {offsets = [0, 0], sizes = [1024, 128], strides = [1, 1]} : vector<1024x256xf32> to vector<1024x128xf32>
    %add3A = arith.addf %slice3A, %slice3A_12 : vector<1024x128xf32>
    %get3A_13 = arith.constant 0 : index
    %get3A_14 = arith.constant 0 : index
    %get3A_15 = vector.load %arg2[%get3A_13, %get3A_14] : memref<1024x256xf32, #tpu.memory_space<vmem>>, vector<1024x128xf32>
    %add3A_16 = arith.addf %add3A, %get3A_15 : vector<1024x128xf32>
    %mul3A = vector.broadcast %get3A_1 : vector<1024x1xf32> to vector<1024x128xf32>
    %mul3A_17 = arith.mulf %mul3A, %add3A_16 : vector<1024x128xf32>
    %get3A_18 = arith.constant 0 : index
    %get3A_19 = arith.constant 0 : index
    %get3A_20 = vector.load %arg4[%get3A_18, %get3A_19] : memref<128x256xf32, #tpu.memory_space<vmem>>, vector<128x256xf32>
    %dot_general3A = arith.constant dense<0.000000e+00> : vector<1024x256xf32>
    %dot_general3A_21 = tpu.matmul %mul3A_17, %get3A_20, %dot_general3A {dimension_numbers = #tpu.dot_dimension_numbers<[1], [0], [0], [1], [0, 0, 1, 1], [], []>, transpose_lhs_hint = false} : vector<1024x128xf32>, vector<128x256xf32>, vector<1024x256xf32> -> vector<1024x256xf32>
    %get3A_22 = arith.constant 0 : index
    %get3A_23 = arith.constant 0 : index
    %get3A_24 = vector.load %arg5[%get3A_22, %get3A_23] : memref<1x256xf32, #tpu.memory_space<vmem>>, vector<1x256xf32>
    %add3A_25 = vector.broadcast %get3A_24 : vector<1x256xf32> to vector<1024x256xf32>
    %add3A_26 = arith.addf %dot_general3A_21, %add3A_25 : vector<1024x256xf32>
    %max3A = arith.constant 0.000000e+00 : f32
    %max3A_27 = vector.broadcast %max3A : f32 to vector<1024x256xf32>
    %max3A_28 = arith.maximumf %add3A_26, %max3A_27 : vector<1024x256xf32>
    %get3A_29 = arith.constant 0 : index
    %get3A_30 = arith.constant 0 : index
    %get3A_31 = vector.load %arg6[%get3A_29, %get3A_30] : memref<256x64xf32, #tpu.memory_space<vmem>>, vector<256x64xf32>
    %dot_general3A_32 = arith.constant dense<0.000000e+00> : vector<1024x64xf32>
    %dot_general3A_33 = tpu.matmul %max3A_28, %get3A_31, %dot_general3A_32 {dimension_numbers = #tpu.dot_dimension_numbers<[1], [0], [0], [1], [0, 0, 1, 1], [], []>, transpose_lhs_hint = false} : vector<1024x256xf32>, vector<256x64xf32>, vector<1024x64xf32> -> vector<1024x64xf32>
    %mul3A_34 = vector.broadcast %get3A_1 : vector<1024x1xf32> to vector<1024x64xf32>
    %mul3A_35 = arith.mulf %mul3A_34, %dot_general3A_33 : vector<1024x64xf32>
    %get3A_36 = arith.constant 0 : index
    %get3A_37 = arith.constant 1 : index
    %get3A_38 = vector.load %arg3[%get3A_36, %get3A_37] : memref<1024x2xf32, #tpu.memory_space<vmem>>, vector<1024x1xf32>
    %get3A_39 = arith.constant 0 : index
    %get3A_40 = arith.constant 0 : index
    %get3A_41 = arith.constant 0 : index
    %get3A_42 = vector.load %arg1[%get3A_39, %get3A_40, %get3A_41] : memref<2x1024x256xf32, #tpu.memory_space<vmem>>, vector<1x1024x256xf32>
    %get3A_43 = vector.shape_cast %get3A_42 : vector<1x1024x256xf32> to vector<1024x256xf32>
    %slice3A_44 = vector.extract_strided_slice %get3A_43 {offsets = [0, 128], sizes = [1024, 128], strides = [1, 1]} : vector<1024x256xf32> to vector<1024x128xf32>
    %get3A_45 = arith.constant 1 : index
    %get3A_46 = arith.constant 0 : index
    %get3A_47 = arith.constant 0 : index
    %get3A_48 = vector.load %arg1[%get3A_45, %get3A_46, %get3A_47] : memref<2x1024x256xf32, #tpu.memory_space<vmem>>, vector<1x1024x256xf32>
    %get3A_49 = vector.shape_cast %get3A_48 : vector<1x1024x256xf32> to vector<1024x256xf32>
    %slice3A_50 = vector.extract_strided_slice %get3A_49 {offsets = [0, 128], sizes = [1024, 128], strides = [1, 1]} : vector<1024x256xf32> to vector<1024x128xf32>
    %add3A_51 = arith.addf %slice3A_44, %slice3A_50 : vector<1024x128xf32>
    %get3A_52 = arith.constant 0 : index
    %get3A_53 = arith.constant 128 : index
    %get3A_54 = vector.load %arg2[%get3A_52, %get3A_53] : memref<1024x256xf32, #tpu.memory_space<vmem>>, vector<1024x128xf32>
    %add3A_55 = arith.addf %add3A_51, %get3A_54 : vector<1024x128xf32>
    %mul3A_56 = vector.broadcast %get3A_38 : vector<1024x1xf32> to vector<1024x128xf32>
    %mul3A_57 = arith.mulf %mul3A_56, %add3A_55 : vector<1024x128xf32>
    %get3A_58 = arith.constant 0 : index
    %get3A_59 = arith.constant 0 : index
    %get3A_60 = vector.load %arg4[%get3A_58, %get3A_59] : memref<128x256xf32, #tpu.memory_space<vmem>>, vector<128x256xf32>
    %dot_general3A_61 = arith.constant dense<0.000000e+00> : vector<1024x256xf32>
    %dot_general3A_62 = tpu.matmul %mul3A_57, %get3A_60, %dot_general3A_61 {dimension_numbers = #tpu.dot_dimension_numbers<[1], [0], [0], [1], [0, 0, 1, 1], [], []>, transpose_lhs_hint = false} : vector<1024x128xf32>, vector<128x256xf32>, vector<1024x256xf32> -> vector<1024x256xf32>
    %get3A_63 = arith.constant 0 : index
    %get3A_64 = arith.constant 0 : index
    %get3A_65 = vector.load %arg5[%get3A_63, %get3A_64] : memref<1x256xf32, #tpu.memory_space<vmem>>, vector<1x256xf32>
    %add3A_66 = vector.broadcast %get3A_65 : vector<1x256xf32> to vector<1024x256xf32>
    %add3A_67 = arith.addf %dot_general3A_62, %add3A_66 : vector<1024x256xf32>
    %max3A_68 = arith.constant 0.000000e+00 : f32
    %max3A_69 = vector.broadcast %max3A_68 : f32 to vector<1024x256xf32>
    %max3A_70 = arith.maximumf %add3A_67, %max3A_69 : vector<1024x256xf32>
    %get3A_71 = arith.constant 0 : index
    %get3A_72 = arith.constant 0 : index
    %get3A_73 = vector.load %arg6[%get3A_71, %get3A_72] : memref<256x64xf32, #tpu.memory_space<vmem>>, vector<256x64xf32>
    %dot_general3A_74 = arith.constant dense<0.000000e+00> : vector<1024x64xf32>
    %dot_general3A_75 = tpu.matmul %max3A_70, %get3A_73, %dot_general3A_74 {dimension_numbers = #tpu.dot_dimension_numbers<[1], [0], [0], [1], [0, 0, 1, 1], [], []>, transpose_lhs_hint = false} : vector<1024x256xf32>, vector<256x64xf32>, vector<1024x64xf32> -> vector<1024x64xf32>
    %mul3A_76 = vector.broadcast %get3A_38 : vector<1024x1xf32> to vector<1024x64xf32>
    %mul3A_77 = arith.mulf %mul3A_76, %dot_general3A_75 : vector<1024x64xf32>
    %concatenate3A = tpu.concatenate %mul3A_35, %mul3A_77 in 1 : vector<1024x64xf32>, vector<1024x64xf32> -> vector<1024x128xf32>
    %swap3A = arith.constant 0 : index
    %swap3A_78 = arith.constant 0 : index
    %swap3A_79 = vector.load %arg7[%swap3A, %swap3A_78] : memref<1024x128xf32, #tpu.memory_space<vmem>>, vector<1024x128xf32>
    tpu.vector_store %arg7[%swap3A, %swap3A_78], %concatenate3A {strides = array<i32>} : memref<1024x128xf32, #tpu.memory_space<vmem>>, vector<1024x128xf32>,
    return
  }
  func.func @transform_0(%arg0: i32) -> (i32, i32, i32) {
    %c0_i32 = arith.constant 0 : i32
    %c0_i32_0 = arith.constant 0 : i32
    %c0_i32_1 = arith.constant 0 : i32
    return %c0_i32, %arg0, %c0_i32_0 : i32, i32, i32
  }
  func.func @transform_1(%arg0: i32) -> (i32, i32) {
    %c0_i32 = arith.constant 0 : i32
    %c0_i32_0 = arith.constant 0 : i32
    return %arg0, %c0_i32 : i32, i32
  }
  func.func @transform_2(%arg0: i32) -> (i32, i32) {
    %c0_i32 = arith.constant 0 : i32
    %c0_i32_0 = arith.constant 0 : i32
    return %arg0, %c0_i32 : i32, i32
  }
  func.func @transform_3(%arg0: i32) -> (i32, i32) {
    %c0_i32 = arith.constant 0 : i32
    %c0_i32_0 = arith.constant 0 : i32
    %c0_i32_1 = arith.constant 0 : i32
    return %c0_i32, %c0_i32_0 : i32, i32
  }
  func.func @transform_4(%arg0: i32) -> (i32, i32) {
    %c0_i32 = arith.constant 0 : i32
    %c0_i32_0 = arith.constant 0 : i32
    %c0_i32_1 = arith.constant 0 : i32
    return %c0_i32, %c0_i32_0 : i32, i32
  }
  func.func @transform_5(%arg0: i32) -> (i32, i32) {
    %c0_i32 = arith.constant 0 : i32
    %c0_i32_0 = arith.constant 0 : i32
    %c0_i32_1 = arith.constant 0 : i32
    return %c0_i32, %c0_i32_0 : i32, i32
  }
  func.func @transform_6(%arg0: i32) -> (i32, i32) {
    %c0_i32 = arith.constant 0 : i32
    %c0_i32_0 = arith.constant 0 : i32
    return %arg0, %c0_i32 : i32, i32
  }
}

module attributes {stable_mosaic.version = 14 : i64} {
  func.func @_dense2_body(%arg0: i32, %arg1: memref<2x512x128xf32, #tpu.memory_space<vmem>>, %arg2: memref<512x128xf32, #tpu.memory_space<vmem>>, %arg3: memref<512x2xf32, #tpu.memory_space<vmem>>, %arg4: memref<1x64xf32, #tpu.memory_space<vmem>>, %arg5: memref<64x40xf32, #tpu.memory_space<vmem>>, %arg6: memref<1x40xf32, #tpu.memory_space<vmem>>, %arg7: memref<512x80xf32, #tpu.memory_space<vmem>>) attributes {dimension_semantics = [#tpu.dimension_semantics<arbitrary>], iteration_bounds = array<i64: 10>, scalar_prefetch = 0 : i64, scratch_operands = 0 : i64, tpu.core_type = #tpu.core_type<tc>, window_params = [{transform_indices = @transform_0, window_bounds = array<i64: 2, 512, 128>}, {transform_indices = @transform_1, window_bounds = array<i64: 512, 128>}, {transform_indices = @transform_2, window_bounds = array<i64: 512, 2>}, {pipeline_mode = #tpu.pipeline_mode<synchronous>, transform_indices = @transform_3, window_bounds = array<i64: 1, 64>}, {pipeline_mode = #tpu.pipeline_mode<synchronous>, transform_indices = @transform_4, window_bounds = array<i64: 64, 40>}, {pipeline_mode = #tpu.pipeline_mode<synchronous>, transform_indices = @transform_5, window_bounds = array<i64: 1, 40>}, {transform_indices = @transform_6, window_bounds = array<i64: 512, 80>}]} {
    %get3A = arith.constant 0 : index
    %get3A_0 = arith.constant 0 : index
    %get3A_1 = vector.load %arg3[%get3A, %get3A_0] : memref<512x2xf32, #tpu.memory_space<vmem>>, vector<512x1xf32>
    %get3A_2 = arith.constant 0 : index
    %get3A_3 = arith.constant 0 : index
    %get3A_4 = arith.constant 0 : index
    %get3A_5 = vector.load %arg1[%get3A_2, %get3A_3, %get3A_4] : memref<2x512x128xf32, #tpu.memory_space<vmem>>, vector<1x512x128xf32>
    %get3A_6 = vector.shape_cast %get3A_5 : vector<1x512x128xf32> to vector<512x128xf32>
    %slice3A = vector.extract_strided_slice %get3A_6 {offsets = [0, 0], sizes = [512, 64], strides = [1, 1]} : vector<512x128xf32> to vector<512x64xf32>
    %get3A_7 = arith.constant 1 : index
    %get3A_8 = arith.constant 0 : index
    %get3A_9 = arith.constant 0 : index
    %get3A_10 = vector.load %arg1[%get3A_7, %get3A_8, %get3A_9] : memref<2x512x128xf32, #tpu.memory_space<vmem>>, vector<1x512x128xf32>
    %get3A_11 = vector.shape_cast %get3A_10 : vector<1x512x128xf32> to vector<512x128xf32>
    %slice3A_12 = vector.extract_strided_slice %get3A_11 {offsets = [0, 0], sizes = [512, 64], strides = [1, 1]} : vector<512x128xf32> to vector<512x64xf32>
    %add3A = arith.addf %slice3A, %slice3A_12 : vector<512x64xf32>
    %get3A_13 = arith.constant 0 : index
    %get3A_14 = arith.constant 0 : index
    %get3A_15 = vector.load %arg2[%get3A_13, %get3A_14] : memref<512x128xf32, #tpu.memory_space<vmem>>, vector<512x64xf32>
    %add3A_16 = arith.addf %add3A, %get3A_15 : vector<512x64xf32>
    %mul3A = vector.broadcast %get3A_1 : vector<512x1xf32> to vector<512x64xf32>
    %mul3A_17 = arith.mulf %mul3A, %add3A_16 : vector<512x64xf32>
    %get3A_18 = arith.constant 0 : index
    %get3A_19 = arith.constant 0 : index
    %get3A_20 = vector.load %arg4[%get3A_18, %get3A_19] : memref<1x64xf32, #tpu.memory_space<vmem>>, vector<1x64xf32>
    %add3A_21 = vector.broadcast %get3A_20 : vector<1x64xf32> to vector<512x64xf32>
    %add3A_22 = arith.addf %mul3A_17, %add3A_21 : vector<512x64xf32>
    %get3A_23 = arith.constant 0 : index
    %get3A_24 = arith.constant 0 : index
    %get3A_25 = vector.load %arg5[%get3A_23, %get3A_24] : memref<64x40xf32, #tpu.memory_space<vmem>>, vector<64x40xf32>
    %dot_general3A = arith.constant dense<0.000000e+00> : vector<512x40xf32>
    %dot_general3A_26 = tpu.matmul %add3A_22, %get3A_25, %dot_general3A {dimension_numbers = #tpu.dot_dimension_numbers<[1], [0], [0], [1], [0, 0, 1, 1], [], []>, transpose_lhs_hint = false} : vector<512x64xf32>, vector<64x40xf32>, vector<512x40xf32> -> vector<512x40xf32>
    %get3A_27 = arith.constant 0 : index
    %get3A_28 = arith.constant 0 : index
    %get3A_29 = vector.load %arg6[%get3A_27, %get3A_28] : memref<1x40xf32, #tpu.memory_space<vmem>>, vector<1x40xf32>
    %add3A_30 = vector.broadcast %get3A_29 : vector<1x40xf32> to vector<512x40xf32>
    %add3A_31 = arith.addf %dot_general3A_26, %add3A_30 : vector<512x40xf32>
    %get3A_32 = arith.constant 0 : index
    %get3A_33 = arith.constant 1 : index
    %get3A_34 = vector.load %arg3[%get3A_32, %get3A_33] : memref<512x2xf32, #tpu.memory_space<vmem>>, vector<512x1xf32>
    %get3A_35 = arith.constant 0 : index
    %get3A_36 = arith.constant 0 : index
    %get3A_37 = arith.constant 0 : index
    %get3A_38 = vector.load %arg1[%get3A_35, %get3A_36, %get3A_37] : memref<2x512x128xf32, #tpu.memory_space<vmem>>, vector<1x512x128xf32>
    %get3A_39 = vector.shape_cast %get3A_38 : vector<1x512x128xf32> to vector<512x128xf32>
    %slice3A_40 = vector.extract_strided_slice %get3A_39 {offsets = [0, 64], sizes = [512, 64], strides = [1, 1]} : vector<512x128xf32> to vector<512x64xf32>
    %get3A_41 = arith.constant 1 : index
    %get3A_42 = arith.constant 0 : index
    %get3A_43 = arith.constant 0 : index
    %get3A_44 = vector.load %arg1[%get3A_41, %get3A_42, %get3A_43] : memref<2x512x128xf32, #tpu.memory_space<vmem>>, vector<1x512x128xf32>
    %get3A_45 = vector.shape_cast %get3A_44 : vector<1x512x128xf32> to vector<512x128xf32>
    %slice3A_46 = vector.extract_strided_slice %get3A_45 {offsets = [0, 64], sizes = [512, 64], strides = [1, 1]} : vector<512x128xf32> to vector<512x64xf32>
    %add3A_47 = arith.addf %slice3A_40, %slice3A_46 : vector<512x64xf32>
    %get3A_48 = arith.constant 0 : index
    %get3A_49 = arith.constant 64 : index
    %get3A_50 = vector.load %arg2[%get3A_48, %get3A_49] : memref<512x128xf32, #tpu.memory_space<vmem>>, vector<512x64xf32>
    %add3A_51 = arith.addf %add3A_47, %get3A_50 : vector<512x64xf32>
    %mul3A_52 = vector.broadcast %get3A_34 : vector<512x1xf32> to vector<512x64xf32>
    %mul3A_53 = arith.mulf %mul3A_52, %add3A_51 : vector<512x64xf32>
    %get3A_54 = arith.constant 0 : index
    %get3A_55 = arith.constant 0 : index
    %get3A_56 = vector.load %arg4[%get3A_54, %get3A_55] : memref<1x64xf32, #tpu.memory_space<vmem>>, vector<1x64xf32>
    %add3A_57 = vector.broadcast %get3A_56 : vector<1x64xf32> to vector<512x64xf32>
    %add3A_58 = arith.addf %mul3A_53, %add3A_57 : vector<512x64xf32>
    %get3A_59 = arith.constant 0 : index
    %get3A_60 = arith.constant 0 : index
    %get3A_61 = vector.load %arg5[%get3A_59, %get3A_60] : memref<64x40xf32, #tpu.memory_space<vmem>>, vector<64x40xf32>
    %dot_general3A_62 = arith.constant dense<0.000000e+00> : vector<512x40xf32>
    %dot_general3A_63 = tpu.matmul %add3A_58, %get3A_61, %dot_general3A_62 {dimension_numbers = #tpu.dot_dimension_numbers<[1], [0], [0], [1], [0, 0, 1, 1], [], []>, transpose_lhs_hint = false} : vector<512x64xf32>, vector<64x40xf32>, vector<512x40xf32> -> vector<512x40xf32>
    %get3A_64 = arith.constant 0 : index
    %get3A_65 = arith.constant 0 : index
    %get3A_66 = vector.load %arg6[%get3A_64, %get3A_65] : memref<1x40xf32, #tpu.memory_space<vmem>>, vector<1x40xf32>
    %add3A_67 = vector.broadcast %get3A_66 : vector<1x40xf32> to vector<512x40xf32>
    %add3A_68 = arith.addf %dot_general3A_63, %add3A_67 : vector<512x40xf32>
    %concatenate3A = tpu.concatenate %add3A_31, %add3A_68 in 1 : vector<512x40xf32>, vector<512x40xf32> -> vector<512x80xf32>
    %swap3A = arith.constant 0 : index
    %swap3A_69 = arith.constant 0 : index
    %swap3A_70 = vector.load %arg7[%swap3A, %swap3A_69] : memref<512x80xf32, #tpu.memory_space<vmem>>, vector<512x80xf32>
    tpu.vector_store %arg7[%swap3A, %swap3A_69], %concatenate3A {strides = array<i32>} : memref<512x80xf32, #tpu.memory_space<vmem>>, vector<512x80xf32>,
    return
  }
  func.func @transform_0(%arg0: i32) -> (i32, i32, i32) {
    %c0_i32 = arith.constant 0 : i32
    %c0_i32_0 = arith.constant 0 : i32
    %c0_i32_1 = arith.constant 0 : i32
    return %c0_i32, %arg0, %c0_i32_0 : i32, i32, i32
  }
  func.func @transform_1(%arg0: i32) -> (i32, i32) {
    %c0_i32 = arith.constant 0 : i32
    %c0_i32_0 = arith.constant 0 : i32
    return %arg0, %c0_i32 : i32, i32
  }
  func.func @transform_2(%arg0: i32) -> (i32, i32) {
    %c0_i32 = arith.constant 0 : i32
    %c0_i32_0 = arith.constant 0 : i32
    return %arg0, %c0_i32 : i32, i32
  }
  func.func @transform_3(%arg0: i32) -> (i32, i32) {
    %c0_i32 = arith.constant 0 : i32
    %c0_i32_0 = arith.constant 0 : i32
    %c0_i32_1 = arith.constant 0 : i32
    return %c0_i32, %c0_i32_0 : i32, i32
  }
  func.func @transform_4(%arg0: i32) -> (i32, i32) {
    %c0_i32 = arith.constant 0 : i32
    %c0_i32_0 = arith.constant 0 : i32
    %c0_i32_1 = arith.constant 0 : i32
    return %c0_i32, %c0_i32_0 : i32, i32
  }
  func.func @transform_5(%arg0: i32) -> (i32, i32) {
    %c0_i32 = arith.constant 0 : i32
    %c0_i32_0 = arith.constant 0 : i32
    %c0_i32_1 = arith.constant 0 : i32
    return %c0_i32, %c0_i32_0 : i32, i32
  }
  func.func @transform_6(%arg0: i32) -> (i32, i32) {
    %c0_i32 = arith.constant 0 : i32
    %c0_i32_0 = arith.constant 0 : i32
    return %arg0, %c0_i32 : i32, i32
  }
}

</mosaic_0001>

<sc_bundles>
// kernel: kernel.11.cloned.1.call-start
scs
__scs_entry_jumppad:
0x0: {  	(pc) =	sbr.rel $0x88, $3  }
0x1: {  	(tag) =	ssettag $0x0;
	lr =	simm.s32 $0x1  }
0x2: {  	[smem:$0x3F99] =	sst lr;
	_ =	strace $0xD0000000  }
0x3: {  	_ = 	snop  }
0x4: {  	_ = 	snop  }
0x5: {  	_ = 	snop  }
0x6: {  	_ = 	snop  }
0x7: {  	_ = 	snop  }
__scs_overlays_trampoline_lowered:
0x8: {  	[smem:$0x3FA8] =	sst s0  }
0x9: {  	[smem:$0x3FA9] =	sst s1  }
0xa: {  	[smem:$0x3FAA] =	sst s2  }
0xb: {  	[smem:$0x3FAB] =	sst s3  }
0xc: {  	[smem:$0x3FAC] =	sst s4  }
0xd: {  	[smem:$0x3FAD] =	sst s5  }
0xe: {  	[smem:$0x3FAE] =	sst s6  }
0xf: {  	[smem:$0x3FAF] =	sst s7  }
0x10: {  	[smem:$0x3FB0] =	sst s8  }
0x11: {  	[smem:$0x3FB1] =	sst s9;
	s0 =	simm.s32 @!p0 $0x0  }
0x12: {  	s1 =	sld [smem:$0x3F97];
	s0 =	simm.s32 @p0 $0x1  }
0x13: {  	[smem:$0x3FB2] =	sst s0;
	s0 =	simm.s32 @!p1 $0x0  }
0x14: {  	s2 =	sld [smem:$0x3F96];
	s0 =	simm.s32 @p1 $0x1  }
0x15: {  	[smem:$0x3FB3] =	sst s0;
	s0 =	simm.s32 @!p2 $0x0  }
0x16: {  	s3 =	sld [smem:$0x3FDB];
	s0 =	simm.s32 @p2 $0x1  }
0x17: {  	s4 =	simm.s32 $0x1BF5;
	[smem:$0x3FB5] =	sst s0  }
0x18: {  	s0 =	sld [smem:$0x3F98];
	_ =	swait.ge [sflag:s4], $0x0  }
0x19: {  	s7 =	sld [smem:$0x3F99]  }
0x1a: {  	s8 =	sadd.s32 $0xFFFFE003, lr  }
0x1b: {  	s9 =	sadd.s32 $0xFFFFFEF7, lr;
	s5 =	simm.s32 $0xFFFFFFFF;
	p2 =	slt.u32 s8, $0xFFFFF086  }
0x1c: {  	p1 =	slt.u32 s9, $0xF7A;
	s5 =	simm.s32 @!p2 $0x0  }
0x1d: {  	s5 =	simm.s32 @p1 $0x1;
	p0 =	seq.s32 s7, s2  }
0x1e: {  	s7 =	smul.u32 @!p0 $0xF7A, s2;
	p2 =	seq.s32 @!p0 s5, $0x0  }
0x1f: {  	s9 =	smul.u32 $0xF7A, s1;
	s8 =	simm.s32 @!p0 $0x1BF5;
	p2 =	por !p2, p0  }
0x20: {  	[sflag:s8] =	ssyncset.s32 @!p0 $0xFFFFF086;
	s6 =	sadd.s32 @!p0 s3, s7;
	s7 =	simm.s32 @!p0 $0x108  }
0x21: {  	s3 =	sadd.s32 s3, s9;
	s6 =	sadd.s32 @!p0 $0x88, s6;
	s7 =	simm.s32 @p2 $0x1082  }
0x22: {  	[simem:s7], [sflag:s8] =	dma.local @!p0 [hbm:s6], $0xF7A  }
0x23: {  	s9 =	sor.u32 $0xD0000000, s2;
	s6 =	simm.s32 $0x108;
	_ =	swait.ge @!p0 [sflag:s8], $0x0  }
0x24: {  	s3 =	sadd.s32 $0x88, s3;
	s6 =	simm.s32 @!p1 $0x1082;
	[sflag:s4] =	ssyncset.s32 $0xFFFFF086  }
0x25: {  	[simem:s6], [sflag:s4] =	dma.local [hbm:s3], $0xF7A  }
0x26: {  	[smem:$0x3F99] =	sst s1;
	(tag) =	ssettag s2;
	_ =	strace s9  }
0x27: {  	s1 =	sld [smem:$0x3FA9]  }
0x28: {  	s2 =	sld [smem:$0x3FAA]  }
0x29: {  	s4 =	sld [smem:$0x3FAC]  }
0x2a: {  	p0 =	seq.s32 s5, $0x0;
	s5 =	sld [smem:$0x3FAD]  }
0x2b: {  	s6 =	sld [smem:$0x3FAE]  }
0x2c: {  	s7 =	sld [smem:$0x3FAF]  }
0x2d: {  	s3 =	simm.s32 $0x108;
	s8 =	sld [smem:$0x3FB0]  }
0x2e: {  	s3 =	simm.s32 @!p0 $0x1082;
	s9 =	sld [smem:$0x3FB1]  }
0x2f: {  	lr =	sadd.s32 s0, s3;
	s0 =	sld [smem:$0x3FA8]  }
0x30: {  	s3 =	sld [smem:$0x3FAB]  }
0x31: {  	[smem:$0x3FB4] =	sst s10  }
0x32: {  	s10 =	sld [smem:$0x3FB2];
	_ =	sdelay $0x3  }
0x33: {  	p0 =	seq.s32 s10, $0x1;
	s10 =	sld [smem:$0x3FB4];
	_ =	sdelay $0x3  }
0x34: {  	[smem:$0x3FB4] =	sst s10  }
0x35: {  	s10 =	sld [smem:$0x3FB3];
	_ =	sdelay $0x3  }
0x36: {  	p1 =	seq.s32 s10, $0x1;
	s10 =	sld [smem:$0x3FB4];
	_ =	sdelay $0x3  }
0x37: {  	[smem:$0x3FB4] =	sst s10  }
0x38: {  	s10 =	sld [smem:$0x3FB5]  }
0x39: {  	_ = 	snop;
	(pc) =	sbr.ind lr, $3  }
0x3a: {  	_ = 	snop  }
0x3b: {  	_ = 	snop  }
0x3c: {  	p2 =	seq.s32 s10, $0x1;
	s10 =	sld [smem:$0x3FB4]  }
0x3d: {  	_ =	shalt  }
0x3e: {  	_ =	shalt  }
0x3f: {  	_ =	shalt  }
0x40: {  	_ =	shalt  }
0x41: {  	_ =	shalt  }
0x42: {  	_ =	shalt  }
0x43: {  	_ =	shalt  }
0x44: {  	_ =	shalt  }
0x45: {  	_ =	shalt  }
0x46: {  	_ =	shalt  }
0x47: {  	_ =	shalt  }
0x48: {  	_ =	shalt  }
0x49: {  	_ =	shalt  }
0x4a: {  	_ =	shalt  }
0x4b: {  	_ =	shalt  }
0x4c: {  	_ =	shalt  }
0x4d: {  	_ =	shalt  }
0x4e: {  	_ =	shalt  }
0x4f: {  	_ =	shalt  }
0x50: {  	_ =	shalt  }
0x51: {  	_ =	shalt  }
0x52: {  	_ =	shalt  }
0x53: {  	_ =	shalt  }
0x54: {  	_ =	shalt  }
0x55: {  	_ =	shalt  }
0x56: {  	_ =	shalt  }
0x57: {  	_ =	shalt  }
0x58: {  	_ =	shalt  }
0x59: {  	_ =	shalt  }
0x5a: {  	_ =	shalt  }
0x5b: {  	_ =	shalt  }
0x5c: {  	_ =	shalt  }
0x5d: {  	_ =	shalt  }
0x5e: {  	_ =	shalt  }
0x5f: {  	_ =	shalt  }
0x60: {  	_ =	shalt  }
0x61: {  	_ =	shalt  }
0x62: {  	_ =	shalt  }
0x63: {  	_ =	shalt  }
0x64: {  	_ =	shalt  }
0x65: {  	_ =	shalt  }
0x66: {  	_ =	shalt  }
0x67: {  	_ =	shalt  }
0x68: {  	_ =	shalt  }
0x69: {  	_ =	shalt  }
0x6a: {  	_ =	shalt  }
0x6b: {  	_ =	shalt  }
0x6c: {  	_ =	shalt  }
0x6d: {  	_ =	shalt  }
0x6e: {  	_ =	shalt  }
0x6f: {  	_ =	shalt  }
0x70: {  	_ =	shalt  }
0x71: {  	_ =	shalt  }
0x72: {  	_ =	shalt  }
0x73: {  	_ =	shalt  }
0x74: {  	_ =	shalt  }
0x75: {  	_ =	shalt  }
0x76: {  	_ =	shalt  }
0x77: {  	_ =	shalt  }
0x78: {  	_ =	shalt  }
0x79: {  	_ =	shalt  }
0x7a: {  	_ =	shalt  }
0x7b: {  	_ =	shalt  }
0x7c: {  	_ =	shalt  }
0x7d: {  	_ =	shalt  }
0x7e: {  	_ =	shalt  }
0x7f: {  	_ =	shalt  }
0x80: {  	_ =	shalt  }
0x81: {  	_ =	shalt  }
0x82: {  	_ =	shalt  }
0x83: {  	_ =	shalt  }
0x84: {  	_ =	shalt  }
0x85: {  	_ =	shalt  }
0x86: {  	_ =	shalt  }
0x87: {  	_ =	shalt  }
.Lfunc_end0:
.L_simem_size_0:
called_computation.1_lowered:
.L_overlay_start_0:
0x88: {  	s2 =	sld [smem:$0x3FD9]  }
0x89: {  	s3 =	sld [smem:$0x3FFE];
	_ =	sdelay $0x1  }
0x8a: {  	s1 =	srdreg.scid  }
0x8b: {  	s0 =	sand.u32 $0x1, s1  }
0x8c: {  	s16 =	sshll.u32 s0, $0xA;
	s2 =	sadd.s32 s3, s2  }
0x8d: {  	s2 =	sadd.s32 s2, s16  }
0x8e: {  	[smem:$0x3FC0] =	sst s2  }
0x8f: {  	_ = 	snop  }
0x90: {  	(tm) =	ssettm $0x1  }
0x91: {  	s17 =	sld [smem:$0x3FFB];
	_ =	sdelay $0x3  }
0x92: {  	_ =	strace s17  }
0x93: {  	s2 =	sld [smem:$0x3FFC];
	_ =	sdelay $0x3  }
0x94: {  	_ =	strace s2  }
0x95: {  	s2 =	sld [smem:$0x3FFD];
	_ =	sdelay $0x3  }
0x96: {  	_ =	strace s2  }
0x97: {  	_ =	strace $0x8FFFFFFF  }
0x98: {  	s18 =	sld [smem:$0x3FDB];
	_ =	sdelay $0x1  }
0x99: {  	s19 =	simm.s32 $_scs_section_size  }
0x9a: {  	s4 =	simm.s32 $_size__tile_overlayer_lowered;
	s5 =	simm.s32 $_tile_overlayer_lowered  }
0x9b: {  	s22 =	simm.s32 $0x1BFF;
	s21 =	sshll.u32 s5, $0x1;
	s2 =	sadd.s32 s19, s18  }
0x9c: {  	s6 =	simm.s32 $0x0;
	s20 =	sshll.u32 s4, $0x1;
	s4 =	sadd.s32 s21, s2  }
0x9d: {  	[timem:s6], [sflag:s22] =	dma.local [hbm:s4], s20  }
0x9e: {  	_ =	swait.ge [sflag:s22], s20  }
0x9f: {  	s3 =	ssub.s32 $0x0, s20;
	[sflag:s22] =	ssyncset.done $0x0  }
0xa0: {  	[sflag:s22] =	ssyncadd.s32 s3;
	_ =	sdelay $0x1  }
0xa1: {  	s23 =	simm.s32 $0x1B8B  }
0xa2: {  	_ =	swait.ge [sflag:s23], $0x1  }
0xa3: {  	[sflag:s23] =	ssyncset.done $0x0  }
0xa4: {  	s25 =	simm.s32 $0x1B8E;
	s24 =	sld [smem:$0x3FFE];
	[sflag:s23] =	ssyncadd.s32 $0xFFFFFFFF  }
0xa5: {  	s26 =	simm.s32 $execute0_lowered;
	[smem:$0x3FD2] =	sst s25  }
0xa6: {  	s4 =	sshll.u32 s26, $0x1;
	_ =	strace $0x80000049;
	[dreg:$0x1] =	wrdreg $0xFFFFFFFF  }
0xa7: {  	s28 =	simm.s32 $_size_execute0_lowered;
	s2 =	sadd.s32 s2, s4;
	[dreg:$0x0] =	wrdreg $0x0  }
0xa8: {  	s4 =	sshll.u32 s28, $0x1;
	[dreg:$0x2] =	wrdreg s2  }
0xa9: {  	[dreg:$0x3] =	wrdreg s4  }
0xaa: {  	[dreg:$0x4] =	wrdreg $0xC0  }
0xab: {  	_ =	task [dreg:s6], $0x5FFFF  }
0xac: {  	[dreg:$0x1] =	wrdreg $0xFFFFFFFF  }
0xad: {  	[dreg:$0x0] =	wrdreg $0x60  }
0xae: {  	[dreg:$0x2] =	wrdreg s24  }
0xaf: {  	[dreg:$0x3] =	wrdreg $0x0  }
0xb0: {  	[dreg:$0x4] =	wrdreg $0x9  }
0xb1: {  	_ =	task.clear_ibuf [dreg:s6], $0x5FFFF;
	_ =	strace $0x90000049  }
0xb2: {  	s29 =	simm.s32 $0x9;
	_ =	strace $0x8000004B  }
0xb3: {  	_ =	swait.ge [sflag:s29], $0x1  }
0xb4: {  	[sflag:s29] =	ssyncadd.s32 $0xFFFFFFFF  }
0xb5: {  	_ =	strace $0x9000004B  }
0xb6: {  	_ =	sfence  }
0xb7: {  	s30 =	sld [smem:$0x0];
	_ =	sdelay $0x2  }
0xb8: {  	s31 =	sshll.u32 s1, $0xD;
	s1 =	sshrl.u32 s1, $0x2  }
0xb9: {  	s3 =	sand.u32 $0x4000, s31;
	s1 =	sadd.s32 s1, s30  }
0xba: {  	s0 =	sor.u32 s3, s0;
	s1 =	sshll.u32 s1, $0x11  }
0xbb: {  	s0 =	sor.u32 s1, s0  }
0xbc: {  	s0 =	sadd.s32 $0x8F2B, s0  }
0xbd: {  	[sflag:s0] =	ssyncadd.remote.s32 $0x1  }
0xbe: {  	_ =	sfence.sel $0xFFFF  }
0xbf: {  	[dreg:$0x0] =	wrdreg $0xFFFFFFFF;
	(pc) =	sbr.abs _section_cstart, $3  }
0xc0: {  	[dreg:$0x1] =	wrdreg $0xFFFFFFFF  }
0xc1: {  	_ =	task.clear_ibuf [dreg:s6], $0x2FFFF;
	_ =	strace $0x9FFFFFFF  }
0xc2: {  	(tm) =	ssettm $0x7FFFFFFF  }
0xc3: {  	_ =	shalt  }
tec
execute0_lowered:
.L_overlay_start_1:
0x0: {  	(tag) =	ssettag $0x1  }
0x1: {  	s0 =	rddreg [dreg:$0x0]  }
0x2: {  	s2 =	rddreg [dreg:$0x1]  }
0x3: {  	s1 =	srdreg.scid;
	s11 =	stileid.u32  }
0x4: {  	s3 =	simm.s32 $0x0;
	s28 =	simm.s32 $0x14200;
	s6 =	smul.u32 $0x14000, s11  }
0x5: {  	s29 =	simm.s32 $0x14080;
	s30 =	simm.s32 $0x14280;
	s9 =	smul.u32 $0x50000, s11  }
0x6: {  	s1 =	sand.u32 $0x1, s1;
	[smem:$0x7FF] =	sst s3;
	s22 =	smul.u32 $0x2710, s11  }
0x7: {  	s4 =	smul.u32 $0x140000, s1;
	s5 =	sshll.u32 s1, $0x4;
	s17 =	ssub.s32 $0x2, s1  }
0x8: {  	_ =	strace $0x8000004A;
	s5 =	sor.u32 s11, s5;
	s10 =	sshrl.u32 s17, $0x1  }
0x9: {  	s9 =	sshrl.u32 s9, $0x2;
	s7 =	sadd.s32 s6, s4;
	s8 =	smul.u32 $0x2710, s5  }
0xa: {  	s4 =	sadd.s32 $0x16200, s0;
	s5 =	sadd.s32 $0x2800, s0;
	s9 =	sadd.s32 s9, s2  }
0xb: {  	s7 =	sshrl.u32 s7, $0x3;
	s11 =	sadd.s32 $0x4000, s9;
	[dreg:$0xa] =	wrdreg s9  }
0xc: {  	s12 =	sadd.s32 $0x8000, s9;
	s8 =	sshrl.u32 s8, $0x3;
	[dreg:$0x17] =	wrdreg s11  }
0xd: {  	s0 =	sadd.s32 s7, s0;
	[dreg:$0x18] =	wrdreg s12;
	s18 =	sadd.s32 s5, s8  }
0xe: {  	s7 =	ssub.s32 s17, s10;
	s0 =	sadd.s32 $0x3E200, s0;
	[dreg:$0xb] =	wrdreg s18  }
0xf: {  	s1 =	smul.u32 $0x27100, s1;
	s7 =	smax.u32 s7, $0x1;
	[dreg:$0x15] =	wrdreg s0  }
0x10: {  	s31 =	simm.s32 $0x14380;
	s8 =	sadd.s32 $0x9C40, s18;
	[dreg:$0x16] =	wrdreg s7  }
0x11: {  	s1 =	sadd.s32 s22, s1;
	s19 =	sadd.s32 $0x10, s18;
	[dreg:$0xc] =	wrdreg s8  }
0x12: {  	s13 =	sadd.s32 $0x4E580, s1;
	s20 =	sadd.s32 $0x9C50, s18;
	[dreg:$0xd] =	wrdreg s19  }
0x13: {  	s15 =	sadd.s32 $0x300, s1;
	s21 =	sadd.s32 $0x20, s18;
	[dreg:$0xe] =	wrdreg s20  }
0x14: {  	s22 =	sadd.s32 $0x4E400, s1;
	s23 =	sadd.s32 $0x9C60, s18;
	[dreg:$0xf] =	wrdreg s21  }
0x15: {  	s14 =	sshrl.u32 s13, $0x3;
	s24 =	sadd.s32 $0x30, s18;
	[dreg:$0x10] =	wrdreg s23  }
0x16: {  	s12 =	simm.s32 $0x1;
	s25 =	sadd.s32 $0x9C70, s18;
	[dreg:$0x11] =	wrdreg s24  }
0x17: {  	s13 =	simm.s32 $0x80;
	s26 =	sadd.s32 $0x4E0, s18;
	[dreg:$0x12] =	wrdreg s25  }
0x18: {  	s10 =	sadd.s32 $0xA120, s18;
	s0 =	sadd.s32 s6, s2;
	[dreg:$0x13] =	wrdreg s26  }
0x19: {  	s7 =	sshrl.u32 s15, $0x3;
	s15 =	simm.s32 $0x18420;
	[dreg:$0x14] =	wrdreg s10  }
0x1a: {  	s10 =	smov.u32 s5;
	s8 =	sadd.s32 $0x380, s1;
	s16 =	sadd.s32 s7, s5  }
0x1b: {  	s19 =	sadd.s32 $0x280, s1;
	s21 =	sadd.s32 $0x4E480, s1;
	s24 =	sshrl.u32 s22, $0x3  }
0x1c: {  	s25 =	sadd.s32 $0xC000, s9;
	s26 =	sadd.s32 $0x10000, s9;
	s0 =	sshrl.u32 s0, $0x3  }
0x1d: {  	s9 =	simm.s32 $0x14000;
	s22 =	simm.s32 $0x7;
	[dreg:$0x5] =	wrdreg s16  }
0x1e: {  	s6 =	sshrl.u32 s8, $0x3;
	s8 =	sadd.s32 $0x4E500, s1;
	[dreg:$0x19] =	wrdreg s25  }
0x1f: {  	s20 =	sshrl.u32 s19, $0x3;
	s7 =	sshrl.u32 s21, $0x3;
	[dreg:$0x1a] =	wrdreg s26  }
0x20: {  	s1 =	sadd.s32 $0x200, s1;
	[dreg:$0x1c] =	wrdreg s0;
	s26 =	simm.s32 $0xB  }
0x21: {  	s16 =	simm.s32 $0x9;
	s19 =	simm.s32 $0xA;
	s21 =	simm.s32 $0x4  }
0x22: {  	s25 =	simm.s32 $0x8;
	s6 =	sadd.s32 s6, s5;
	[dreg:$0x1b] =	wrdreg s1  }
0x23: {  	s17 =	sshrl.u32 s8, $0x3;
	s23 =	sadd.s32 s7, s5;
	[dreg:$0x3] =	wrdreg s6  }
0x24: {  	s7 =	sadd.s32 s24, s5;
	s24 =	simm.s32 $0x14420;
	[dreg:$0x8] =	wrdreg s23  }
0x25: {  	s8 =	simm.s32 $0x14100;
	s6 =	sadd.s32 s14, s5;
	[dreg:$0x9] =	wrdreg s7  }
0x26: {  	s1 =	simm.s32 $0x14300;
	s18 =	sadd.s32 s17, s5;
	[dreg:$0x4] =	wrdreg s6  }
0x27: {  	s14 =	simm.s32 $0x2;
	s17 =	simm.s32 $0x5;
	[dreg:$0x6] =	wrdreg s18  }
0x28: {  	s6 =	sadd.s32 s20, s5;
	s5 =	simm.s32 $0x14180;
	s18 =	simm.s32 $0x3  }
0x29: {  	v0 =	vimm.f32 $0.0e+00;
	s20 =	simm.s32 $0x6;
	[dreg:$0x7] =	wrdreg s6;
	s6 =	simm.s32 $0x0  }
.LBB2_1:
0x2a: {  	s7 =	sand.u32 $0xFE00, s3  }
0x2b: {  	[dreg:$0x1d] =	wrdreg s6;
	s11 =	sand.u32 $0x70, s3;
	s23 =	sshrl.u32 s7, $0x2  }
0x2c: {  	s7 =	simm.s32 $0x40;
	s23 =	sor.u32 s11, s23;
	s11 =	simm.s32 $0x0  }
.LBB2_2:
0x2d: {  	p0 =	sne.s32 s7, $0xFFC0  }
0x2e: {  	[tilespmem:s23+$0x14420] =	vst v0;
	s11 =	sadd.s32 $0x10, s11;
	s23 =	smov.u32 s7;
	s7 =	sadd.s32 $0x40, s7  }
.Ltmp0:
0x2f: {  	(pc) =	sbr.rel @p0 .LBB2_2-.Ltmp0, $4  }
0x30: {  	_ = 	snop  }
0x31: {  	s23 =	sand.u32 $0xFE00, s23  }
0x32: {  	s6 =	sand.u32 $0x70, s11;
	s23 =	sshrl.u32 s23, $0x2  }
0x33: {  	s23 =	sor.u32 s6, s23  }
0x34: {  	[tilespmem:s23+$0x14420] =	vst v0;
	s0 =	rddreg [dreg:$0xa]  }
0x35: {  	[spmem:s0] =	stream.linear.scatter [tilespmem:s24], [sflag:$0xB], $0x4000, $0x38;
	[tilespmem:$0x1C420] =	vst v63  }
0x36: {  	_ =	swait.ge [sflag:s26], $0x4000  }
0x37: {  	[sflag:s26] =	ssyncset.done $0x0  }
0x38: {  	s7 =	rddreg [dreg:$0x17];
	[sflag:s26] =	ssyncadd.s32 $0xFFFFC000  }
0x39: {  	[spmem:s7] =	stream.linear.scatter [tilespmem:s24], [sflag:$0xB], $0x4000, $0x38;
	[tilespmem:$0x1C420] =	vst v63  }
0x3a: {  	_ =	swait.ge [sflag:s26], $0x4000  }
0x3b: {  	[sflag:s26] =	ssyncset.done $0x0  }
0x3c: {  	s11 =	rddreg [dreg:$0x18];
	[sflag:s26] =	ssyncadd.s32 $0xFFFFC000  }
0x3d: {  	[spmem:s11] =	stream.linear.scatter [tilespmem:s24], [sflag:$0xB], $0x4000, $0x38;
	[tilespmem:$0x1C420] =	vst v63  }
0x3e: {  	_ =	swait.ge [sflag:s26], $0x4000  }
0x3f: {  	[sflag:s26] =	ssyncset.done $0x0  }
0x40: {  	s23 =	rddreg [dreg:$0x19];
	[sflag:s26] =	ssyncadd.s32 $0xFFFFC000  }
0x41: {  	[spmem:s23] =	stream.linear.scatter [tilespmem:s24], [sflag:$0xB], $0x4000, $0x38;
	[tilespmem:$0x1C420] =	vst v63  }
0x42: {  	_ =	swait.ge [sflag:s26], $0x4000  }
0x43: {  	[sflag:s26] =	ssyncset.done $0x0  }
0x44: {  	s6 =	rddreg [dreg:$0x1a];
	[sflag:s26] =	ssyncadd.s32 $0xFFFFC000  }
0x45: {  	[spmem:s6] =	stream.linear.scatter [tilespmem:s24], [sflag:$0xB], $0x4000, $0x38;
	[tilespmem:$0x1C420] =	vst v63  }
0x46: {  	_ =	swait.ge [sflag:s26], $0x4000  }
0x47: {  	[sflag:s26] =	ssyncset.done $0x0  }
0x48: {  	s6 =	simm.s32 $0x0;
	s7 =	rddreg [dreg:$0xb];
	[sflag:s26] =	ssyncadd.s32 $0xFFFFC000  }
0x49: {  	[tilespmem:s9], [sflag:$0x1] =	stream.linear.gather [hbm4b:s7+s6], $0x80, $0x38;
	[tilespmem:$0x1C420] =	vst v63  }
0x4a: {  	s11 =	rddreg [dreg:$0xc]  }
0x4b: {  	[tilespmem:s28], [sflag:$0x5] =	stream.linear.gather [hbm4b:s11+s6], $0x80, $0x38;
	[tilespmem:$0x1C420] =	vst v63  }
0x4c: {  	s23 =	rddreg [dreg:$0xd]  }
0x4d: {  	[tilespmem:s29], [sflag:$0x2] =	stream.linear.gather [hbm4b:s23+s6], $0x80, $0x38;
	[tilespmem:$0x1C420] =	vst v63  }
0x4e: {  	s7 =	rddreg [dreg:$0xe]  }
0x4f: {  	[tilespmem:s30], [sflag:$0x6] =	stream.linear.gather [hbm4b:s7+s6], $0x80, $0x38;
	[tilespmem:$0x1C420] =	vst v63  }
0x50: {  	s11 =	rddreg [dreg:$0xf]  }
0x51: {  	[tilespmem:s8], [sflag:$0x3] =	stream.linear.gather [hbm4b:s11+s6], $0x80, $0x38;
	[tilespmem:$0x1C420] =	vst v63  }
0x52: {  	s23 =	rddreg [dreg:$0x10]  }
0x53: {  	[tilespmem:s1], [sflag:$0x7] =	stream.linear.gather [hbm4b:s23+s6], $0x80, $0x38;
	[tilespmem:$0x1C420] =	vst v63  }
0x54: {  	s7 =	rddreg [dreg:$0x11]  }
0x55: {  	[tilespmem:s5], [sflag:$0x4] =	stream.linear.gather [hbm4b:s7+s6], $0x80, $0x38;
	[tilespmem:$0x1C420] =	vst v63  }
0x56: {  	s11 =	rddreg [dreg:$0x12]  }
0x57: {  	[tilespmem:s31], [sflag:$0x8] =	stream.linear.gather [hbm4b:s11+s6], $0x80, $0x38;
	[tilespmem:$0x1C420] =	vst v63  }
0x58: {  	s23 =	rddreg [dreg:$0x13];
	s7 =	simm.s32 $0x14400  }
0x59: {  	[tilespmem:s7], [sflag:$0xB] =	stream.linear.gather [hbm4b:s23+s6], $0x10, $0x38;
	[tilespmem:$0x1C420] =	vst v63  }
0x5a: {  	_ =	swait.ge [sflag:s26], $0x10  }
0x5b: {  	[sflag:s26] =	ssyncset.done $0x0  }
0x5c: {  	s23 =	simm.s32 $0x14410;
	s11 =	rddreg [dreg:$0x14];
	[sflag:s26] =	ssyncadd.s32 $0xFFFFFFF0  }
0x5d: {  	[tilespmem:s23], [sflag:$0xB] =	stream.linear.gather [hbm4b:s11+s6], $0x10, $0x38;
	[tilespmem:$0x1C420] =	vst v63  }
0x5e: {  	_ =	swait.ge [sflag:s26], $0x10  }
0x5f: {  	[sflag:s26] =	ssyncset.done $0x0  }
0x60: {  	[sflag:s26] =	ssyncadd.s32 $0xFFFFFFF0  }
0x61: {  	[bflag:$0x0] =	sbarrier.arrive $0xFFFF  }
0x62: {  	_ =	swait.ge [sflag:s12], $0x80  }
0x63: {  	[sflag:s12] =	ssyncset.done $0x0  }
0x64: {  	[sflag:s12] =	ssyncadd.s32 $0xFFFFFF80  }
0x65: {  	[tilespmem:s24], [sflag:$0x9] =	stream.indirect.gather [hbm4b:s4+s13], $0x80, s9, s13, $0xb8;
	[tilespmem:$0x1C420] =	vst v63  }
0x66: {  	_ =	swait.ge [sflag:s14], $0x80  }
0x67: {  	[sflag:s14] =	ssyncset.done $0x0  }
0x68: {  	[sflag:s14] =	ssyncadd.s32 $0xFFFFFF80  }
0x69: {  	[tilespmem:s15], [sflag:$0xA] =	stream.indirect.gather [hbm4b:s4+s13], $0x80, s29, s13, $0xb8;
	[tilespmem:$0x1C420] =	vst v63  }
0x6a: {  	_ =	swait.ge [sflag:s16], $0x4000  }
0x6b: {  	[sflag:s16] =	ssyncset.done $0x0  }
0x6c: {  	[sflag:s16] =	ssyncadd.s32 $0xFFFFC000  }
0x6d: {  	_ =	swait.ge [sflag:s17], $0x80  }
0x6e: {  	[sflag:s17] =	ssyncset.done $0x0  }
0x6f: {  	[sflag:s17] =	ssyncadd.s32 $0xFFFFFF80  }
0x70: {  	[spmem:s2] =	stream.indirect.scatter.add.f32 [tilespmem:s24], [sflag:$0xB], $0x80, s28, s13, $0xb8;
	[tilespmem:$0x1C420] =	vst v63  }
0x71: {  	_ =	swait.ge [sflag:s26], $0x4000  }
0x72: {  	s0 =	rddreg [dreg:$0x1b]  }
0x73: {  	[sflag:s26] =	ssyncset.done $0x0;
	s7 =	sshrl.u32 s0, $0x3  }
0x74: {  	s11 =	rddreg [dreg:$0x9];
	[sflag:s26] =	ssyncadd.s32 $0xFFFFC000;
	s6 =	sadd.s32 s10, s7  }
0x75: {  	[tilespmem:s9], [sflag:$0x1] =	stream.linear.gather [hbm4b:s6+s3], $0x80, $0x38;
	[tilespmem:$0x1C420] =	vst v63  }
0x76: {  	s23 =	sadd.s32 $0x0, s11  }
0x77: {  	[tilespmem:s28], [sflag:$0x5] =	stream.linear.gather [hbm4b:s23+s3], $0x80, $0x38;
	[tilespmem:$0x1C420] =	vst v63  }
0x78: {  	_ =	swait.ge [sflag:s18], $0x80  }
0x79: {  	[sflag:s18] =	ssyncset.done $0x0  }
0x7a: {  	[sflag:s18] =	ssyncadd.s32 $0xFFFFFF80  }
0x7b: {  	[tilespmem:s24], [sflag:$0x9] =	stream.indirect.gather [hbm4b:s4+s13], $0x80, s8, s13, $0xb8;
	[tilespmem:$0x1C420] =	vst v63  }
0x7c: {  	_ =	swait.ge [sflag:s19], $0x4000  }
0x7d: {  	[sflag:s19] =	ssyncset.done $0x0  }
0x7e: {  	[sflag:s19] =	ssyncadd.s32 $0xFFFFC000  }
0x7f: {  	_ =	swait.ge [sflag:s20], $0x80  }
0x80: {  	[sflag:s20] =	ssyncset.done $0x0  }
0x81: {  	[sflag:s20] =	ssyncadd.s32 $0xFFFFFF80  }
0x82: {  	[spmem:s2] =	stream.indirect.scatter.add.f32 [tilespmem:s15], [sflag:$0xB], $0x80, s30, s13, $0xb8;
	[tilespmem:$0x1C420] =	vst v63  }
0x83: {  	_ =	swait.ge [sflag:s26], $0x4000  }
0x84: {  	s7 =	rddreg [dreg:$0x7];
	[sflag:s26] =	ssyncset.done $0x0  }
0x85: {  	s11 =	rddreg [dreg:$0x8];
	[sflag:s26] =	ssyncadd.s32 $0xFFFFC000;
	s6 =	sadd.s32 $0x0, s7  }
0x86: {  	[tilespmem:s29], [sflag:$0x2] =	stream.linear.gather [hbm4b:s6+s3], $0x80, $0x38;
	[tilespmem:$0x1C420] =	vst v63  }
0x87: {  	s23 =	sadd.s32 $0x0, s11  }
0x88: {  	[tilespmem:s30], [sflag:$0x6] =	stream.linear.gather [hbm4b:s23+s3], $0x80, $0x38;
	[tilespmem:$0x1C420] =	vst v63  }
0x89: {  	_ =	swait.ge [sflag:s21], $0x80  }
0x8a: {  	[sflag:s21] =	ssyncset.done $0x0  }
0x8b: {  	[sflag:s21] =	ssyncadd.s32 $0xFFFFFF80  }
0x8c: {  	[tilespmem:s15], [sflag:$0xA] =	stream.indirect.gather [hbm4b:s4+s13], $0x80, s5, s13, $0xb8;
	[tilespmem:$0x1C420] =	vst v63  }
0x8d: {  	_ =	swait.ge [sflag:s16], $0x4000  }
0x8e: {  	[sflag:s16] =	ssyncset.done $0x0  }
0x8f: {  	[sflag:s16] =	ssyncadd.s32 $0xFFFFC000  }
0x90: {  	_ =	swait.ge [sflag:s22], $0x80  }
0x91: {  	[sflag:s22] =	ssyncset.done $0x0  }
0x92: {  	p0 =	por $0x0, $0x0;
	[sflag:s22] =	ssyncadd.s32 $0xFFFFFF80  }
0x93: {  	[spmem:s2] =	stream.indirect.scatter.add.f32 [tilespmem:s24], [sflag:$0xB], $0x80, s1, s13, $0xb8;
	[tilespmem:$0x1C420] =	vst v63  }
0x94: {  	s11 =	simm.s32 @!p0 $0x0;
	_ =	swait.ge [sflag:s26], $0x4000  }
0x95: {  	s23 =	simm.s32 @!p0 $0x14100;
	s6 =	rddreg [dreg:$0x5];
	[sflag:s26] =	ssyncset.done $0x0  }
0x96: {  	s7 =	rddreg [dreg:$0x6];
	[sflag:s26] =	ssyncadd.s32 $0xFFFFC000;
	s6 =	sadd.s32 @!p0 $0x0, s6  }
0x97: {  	[tilespmem:s23], [sflag:$0x3] =	stream.linear.gather @!p0 [hbm4b:s6+s11], $0x80, $0x38;
	[tilespmem:$0x1C420] =	vst v63  }
0x98: {  	s7 =	sadd.s32 @!p0 $0x0, s7;
	s6 =	simm.s32 @!p0 $0x14300  }
0x99: {  	[tilespmem:s6], [sflag:$0x7] =	stream.linear.gather @!p0 [hbm4b:s7+s11], $0x80, $0x38;
	[tilespmem:$0x1C420] =	vst v63  }
0x9a: {  	_ =	swait.ge [sflag:s12], $0x80  }
0x9b: {  	[sflag:s12] =	ssyncset.done $0x0  }
0x9c: {  	[sflag:s12] =	ssyncadd.s32 $0xFFFFFF80  }
0x9d: {  	[tilespmem:s24], [sflag:$0x9] =	stream.indirect.gather [hbm4b:s4+s13], $0x80, s9, s13, $0xb8;
	[tilespmem:$0x1C420] =	vst v63  }
0x9e: {  	_ =	swait.ge [sflag:s19], $0x4000  }
0x9f: {  	[sflag:s19] =	ssyncset.done $0x0  }
0xa0: {  	[sflag:s19] =	ssyncadd.s32 $0xFFFFC000  }
0xa1: {  	_ =	swait.ge [sflag:s25], $0x80  }
0xa2: {  	[sflag:s25] =	ssyncset.done $0x0  }
0xa3: {  	s28 =	smov.u32 s10;
	[sflag:s25] =	ssyncadd.s32 $0xFFFFFF80  }
0xa4: {  	[spmem:s2] =	stream.indirect.scatter.add.f32 [tilespmem:s15], [sflag:$0xB], $0x80, s31, s13, $0xb8;
	[tilespmem:$0x1C420] =	vst v63  }
0xa5: {  	s29 =	simm.s32 $0x14000;
	s30 =	simm.s32 $0x14200;
	_ =	swait.ge [sflag:s26], $0x4000  }
0xa6: {  	s23 =	simm.s32 @!p0 $0x14180;
	s6 =	rddreg [dreg:$0x3];
	[sflag:s26] =	ssyncset.done $0x0  }
0xa7: {  	s7 =	rddreg [dreg:$0x4];
	[sflag:s26] =	ssyncadd.s32 $0xFFFFC000;
	s6 =	sadd.s32 @!p0 $0x0, s6  }
0xa8: {  	[tilespmem:s23], [sflag:$0x4] =	stream.linear.gather @!p0 [hbm4b:s6+s11], $0x80, $0x38;
	[tilespmem:$0x1C420] =	vst v63  }
0xa9: {  	s5 =	simm.s32 $0x14280;
	s7 =	sadd.s32 @!p0 $0x0, s7;
	s6 =	simm.s32 @!p0 $0x14380  }
0xaa: {  	[tilespmem:s6], [sflag:$0x8] =	stream.linear.gather @!p0 [hbm4b:s7+s11], $0x80, $0x38;
	[tilespmem:$0x1C420] =	vst v63  }
0xab: {  	s9 =	simm.s32 $0x14380;
	s31 =	simm.s32 $0x14080;
	_ =	swait.ge [sflag:s14], $0x80  }
0xac: {  	s23 =	smov.u32 s0;
	s11 =	simm.s32 $0x40;
	[sflag:s14] =	ssyncset.done $0x0  }
.LBB2_4:
0xad: {  	[sflag:s14] =	ssyncadd.s32 $0xFFFFFF80  }
0xae: {  	[tilespmem:s15], [sflag:$0xA] =	stream.indirect.gather [hbm4b:s4+s13], $0x80, s31, s13, $0xb8;
	[tilespmem:$0x1C420] =	vst v63  }
0xaf: {  	_ =	swait.ge [sflag:s16], $0x4000  }
0xb0: {  	[sflag:s16] =	ssyncset.done $0x0  }
0xb1: {  	[sflag:s16] =	ssyncadd.s32 $0xFFFFC000  }
0xb2: {  	_ =	swait.ge [sflag:s17], $0x80  }
0xb3: {  	[sflag:s17] =	ssyncset.done $0x0  }
0xb4: {  	[sflag:s17] =	ssyncadd.s32 $0xFFFFFF80  }
0xb5: {  	[spmem:s2] =	stream.indirect.scatter.add.f32 [tilespmem:s24], [sflag:$0xB], $0x80, s30, s13, $0xb8;
	[tilespmem:$0x1C420] =	vst v63  }
0xb6: {  	s23 =	sadd.s32 $0x200, s23;
	_ =	swait.ge [sflag:s26], $0x4000  }
0xb7: {  	s7 =	smov.u32 s11;
	s6 =	sshrl.u32 s23, $0x3;
	[sflag:s26] =	ssyncset.done $0x0  }
0xb8: {  	s6 =	sadd.s32 s28, s6;
	s10 =	rddreg [dreg:$0x9];
	[sflag:s26] =	ssyncadd.s32 $0xFFFFC000  }
0xb9: {  	[tilespmem:s29], [sflag:$0x1] =	stream.linear.gather [hbm4b:s6+s3], $0x80, $0x38;
	[tilespmem:$0x1C420] =	vst v63  }
0xba: {  	s10 =	sadd.s32 s7, s10  }
0xbb: {  	[tilespmem:s30], [sflag:$0x5] =	stream.linear.gather [hbm4b:s10+s3], $0x80, $0x38;
	[tilespmem:$0x1C420] =	vst v63  }
0xbc: {  	_ =	swait.ge [sflag:s18], $0x80  }
0xbd: {  	[sflag:s18] =	ssyncset.done $0x0  }
0xbe: {  	[sflag:s18] =	ssyncadd.s32 $0xFFFFFF80  }
0xbf: {  	[tilespmem:s24], [sflag:$0x9] =	stream.indirect.gather [hbm4b:s4+s13], $0x80, s8, s13, $0xb8;
	[tilespmem:$0x1C420] =	vst v63  }
0xc0: {  	_ =	swait.ge [sflag:s19], $0x4000  }
0xc1: {  	[sflag:s19] =	ssyncset.done $0x0  }
0xc2: {  	[sflag:s19] =	ssyncadd.s32 $0xFFFFC000  }
0xc3: {  	_ =	swait.ge [sflag:s20], $0x80  }
0xc4: {  	[sflag:s20] =	ssyncset.done $0x0  }
0xc5: {  	[sflag:s20] =	ssyncadd.s32 $0xFFFFFF80  }
0xc6: {  	[spmem:s2] =	stream.indirect.scatter.add.f32 [tilespmem:s15], [sflag:$0xB], $0x80, s5, s13, $0xb8;
	[tilespmem:$0x1C420] =	vst v63  }
0xc7: {  	_ =	swait.ge [sflag:s26], $0x4000  }
0xc8: {  	s0 =	rddreg [dreg:$0x7];
	[sflag:s26] =	ssyncset.done $0x0  }
0xc9: {  	s1 =	rddreg [dreg:$0x8];
	[sflag:s26] =	ssyncadd.s32 $0xFFFFC000;
	s6 =	sadd.s32 s7, s0  }
0xca: {  	[tilespmem:s31], [sflag:$0x2] =	stream.linear.gather [hbm4b:s6+s3], $0x80, $0x38;
	[tilespmem:$0x1C420] =	vst v63  }
0xcb: {  	s8 =	sadd.s32 s7, s1  }
0xcc: {  	[tilespmem:s5], [sflag:$0x6] =	stream.linear.gather [hbm4b:s8+s3], $0x80, $0x38;
	[tilespmem:$0x1C420] =	vst v63  }
0xcd: {  	_ =	swait.ge [sflag:s21], $0x80  }
0xce: {  	[sflag:s21] =	ssyncset.done $0x0  }
0xcf: {  	s0 =	simm.s32 $0x14180;
	[sflag:s21] =	ssyncadd.s32 $0xFFFFFF80  }
0xd0: {  	[tilespmem:s15], [sflag:$0xA] =	stream.indirect.gather [hbm4b:s4+s13], $0x80, s0, s13, $0xb8;
	[tilespmem:$0x1C420] =	vst v63  }
0xd1: {  	_ =	swait.ge [sflag:s16], $0x4000  }
0xd2: {  	[sflag:s16] =	ssyncset.done $0x0  }
0xd3: {  	[sflag:s16] =	ssyncadd.s32 $0xFFFFC000  }
0xd4: {  	_ =	swait.ge [sflag:s22], $0x80  }
0xd5: {  	[sflag:s22] =	ssyncset.done $0x0  }
0xd6: {  	p1 =	seq.s32 s7, $0x480;
	s10 =	simm.s32 $0x14300;
	[sflag:s22] =	ssyncadd.s32 $0xFFFFFF80  }
0xd7: {  	[spmem:s2] =	stream.indirect.scatter.add.f32 [tilespmem:s24], [sflag:$0xB], $0x80, s10, s13, $0xb8;
	[tilespmem:$0x1C420] =	vst v63  }
0xd8: {  	s1 =	simm.s32 @!p1 $0x14100;
	_ =	swait.ge [sflag:s26], $0x4000  }
0xd9: {  	s0 =	simm.s32 @!p1 $0x0;
	s6 =	rddreg [dreg:$0x5];
	[sflag:s26] =	ssyncset.done $0x0  }
0xda: {  	s10 =	rddreg [dreg:$0x6];
	[sflag:s26] =	ssyncadd.s32 $0xFFFFC000;
	s6 =	sadd.s32 @!p1 s7, s6  }
0xdb: {  	[tilespmem:s1], [sflag:$0x3] =	stream.linear.gather @!p1 [hbm4b:s6+s0], $0x80, $0x38;
	[tilespmem:$0x1C420] =	vst v63  }
0xdc: {  	s8 =	simm.s32 @!p1 $0x14300;
	s1 =	sadd.s32 @!p1 s7, s10  }
0xdd: {  	[tilespmem:s8], [sflag:$0x7] =	stream.linear.gather @!p1 [hbm4b:s1+s0], $0x80, $0x38;
	[tilespmem:$0x1C420] =	vst v63  }
0xde: {  	_ =	swait.ge [sflag:s12], $0x80  }
0xdf: {  	[sflag:s12] =	ssyncset.done $0x0  }
0xe0: {  	[sflag:s12] =	ssyncadd.s32 $0xFFFFFF80  }
0xe1: {  	[tilespmem:s24], [sflag:$0x9] =	stream.indirect.gather [hbm4b:s4+s13], $0x80, s29, s13, $0xb8;
	[tilespmem:$0x1C420] =	vst v63  }
0xe2: {  	_ =	swait.ge [sflag:s19], $0x4000  }
0xe3: {  	[sflag:s19] =	ssyncset.done $0x0  }
0xe4: {  	[sflag:s19] =	ssyncadd.s32 $0xFFFFC000  }
0xe5: {  	_ =	swait.ge [sflag:s25], $0x80  }
0xe6: {  	[sflag:s25] =	ssyncset.done $0x0  }
0xe7: {  	[sflag:s25] =	ssyncadd.s32 $0xFFFFFF80  }
0xe8: {  	[spmem:s2] =	stream.indirect.scatter.add.f32 [tilespmem:s15], [sflag:$0xB], $0x80, s9, s13, $0xb8;
	[tilespmem:$0x1C420] =	vst v63  }
0xe9: {  	s11 =	sadd.s32 $0x40, s11;
	_ =	swait.ge [sflag:s26], $0x4000  }
0xea: {  	p0 =	sne.s32 s11, $0x4C0;
	s1 =	rddreg [dreg:$0x3];
	[sflag:s26] =	ssyncset.done $0x0  }
0xeb: {  	s8 =	simm.s32 @!p1 $0x14180;
	[sflag:s26] =	ssyncadd.s32 $0xFFFFC000;
	s1 =	sadd.s32 @!p1 s7, s1  }
0xec: {  	[tilespmem:s8], [sflag:$0x4] =	stream.linear.gather @!p1 [hbm4b:s1+s0], $0x80, $0x38;
	[tilespmem:$0x1C420] =	vst v63  }
.Ltmp1:
0xed: {  	s6 =	rddreg [dreg:$0x4];
	(pc) =	sbr.rel @p0 .LBB2_4-.Ltmp1, $4  }
0xee: {  	s10 =	simm.s32 @!p1 $0x14380;
	s1 =	sadd.s32 @!p1 s7, s6  }
0xef: {  	[tilespmem:s10], [sflag:$0x8] =	stream.linear.gather @!p1 [hbm4b:s1+s0], $0x80, $0x38;
	[tilespmem:$0x1C420] =	vst v63  }
0xf0: {  	_ =	swait.ge [sflag:s14], $0x80  }
0xf1: {  	s8 =	simm.s32 $0x14100;
	[sflag:s14] =	ssyncset.done $0x0  }
0xf2: {  	[sflag:s14] =	ssyncadd.s32 $0xFFFFFF80  }
0xf3: {  	[tilespmem:s15], [sflag:$0xA] =	stream.indirect.gather [hbm4b:s4+s13], $0x80, s31, s13, $0xb8;
	[tilespmem:$0x1C420] =	vst v63  }
0xf4: {  	_ =	swait.ge [sflag:s16], $0x4000  }
0xf5: {  	[sflag:s16] =	ssyncset.done $0x0  }
0xf6: {  	[sflag:s16] =	ssyncadd.s32 $0xFFFFC000  }
0xf7: {  	_ =	swait.ge [sflag:s17], $0x80  }
0xf8: {  	[sflag:s17] =	ssyncset.done $0x0  }
0xf9: {  	[sflag:s17] =	ssyncadd.s32 $0xFFFFFF80  }
0xfa: {  	[spmem:s2] =	stream.indirect.scatter.add.f32 [tilespmem:s24], [sflag:$0xB], $0x80, s30, s13, $0xb8;
	[tilespmem:$0x1C420] =	vst v63  }
0xfb: {  	_ =	swait.ge [sflag:s26], $0x4000  }
0xfc: {  	[sflag:s26] =	ssyncset.done $0x0  }
0xfd: {  	[sflag:s26] =	ssyncadd.s32 $0xFFFFC000  }
0xfe: {  	_ =	swait.ge [sflag:s19], $0x4000  }
0xff: {  	[sflag:s19] =	ssyncset.done $0x0  }
0x100: {  	[sflag:s19] =	ssyncadd.s32 $0xFFFFC000  }
0x101: {  	_ =	swait.ge [sflag:s20], $0x80  }
0x102: {  	[sflag:s20] =	ssyncset.done $0x0  }
0x103: {  	[sflag:s20] =	ssyncadd.s32 $0xFFFFFF80  }
0x104: {  	[spmem:s2] =	stream.indirect.scatter.add.f32 [tilespmem:s15], [sflag:$0xB], $0x80, s5, s13, $0xb8;
	[tilespmem:$0x1C420] =	vst v63  }
0x105: {  	_ =	swait.ge [sflag:s26], $0x4000  }
0x106: {  	[sflag:s26] =	ssyncset.done $0x0  }
0x107: {  	s0 =	simm.s32 $0x14400;
	s1 =	simm.s32 $0x10;
	[sflag:s26] =	ssyncadd.s32 $0xFFFFC000  }
0x108: {  	[tilespmem:s24], [sflag:$0x9] =	stream.indirect.gather [hbm4b:s4+s1], $0x80, s0, s1, $0xb8;
	[tilespmem:$0x1C420] =	vst v63  }
0x109: {  	_ =	swait.ge [sflag:s16], $0x800  }
0x10a: {  	[sflag:s16] =	ssyncset.done $0x0  }
0x10b: {  	s7 =	simm.s32 $0x14410;
	[sflag:s16] =	ssyncadd.s32 $0xFFFFF800  }
0x10c: {  	[spmem:s2] =	stream.indirect.scatter.add.f32 [tilespmem:s24], [sflag:$0xB], $0x80, s7, s1, $0xb8;
	[tilespmem:$0x1C420] =	vst v63  }
0x10d: {  	_ =	swait.ge [sflag:s26], $0x800  }
0x10e: {  	[sflag:s26] =	ssyncset.done $0x0  }
0x10f: {  	[sflag:s26] =	ssyncadd.s32 $0xFFFFF800  }
0x110: {  	s9 =	stileid.u32;
	[bflag:$0x0] =	sbarrier.arrive $0xFFFF  }
0x111: {  	s0 =	sshll.u32 s9, $0x6;
	s10 =	rddreg [dreg:$0x15]  }
0x112: {  	s0 =	sor.u32 $0x1C0B, s0;
	s6 =	rddreg [dreg:$0x1c]  }
0x113: {  	[hbm:s10], [sflag:s0] =	dma.local [spmem:s6], $0x2800  }
0x114: {  	_ =	swait.ge [sflag:s26], $0x2800  }
0x115: {  	s11 =	rddreg [dreg:$0x1d]  }
0x116: {  	s23 =	rddreg [dreg:$0x16];
	s6 =	sadd.s32 $0x1, s11  }
0x117: {  	p0 =	sne.s32 s6, s23  }
.Ltmp2:
0x118: {  	_ = 	snop;
	(pc) =	sbr.rel @p0 .LBB2_1-.Ltmp2, $4  }
0x119: {  	s29 =	simm.s32 $0x14080  }
0x11a: {  	s31 =	simm.s32 $0x14380;
	s30 =	simm.s32 $0x14280;
	s5 =	simm.s32 $0x14180  }
0x11b: {  	s9 =	simm.s32 $0x14000;
	s1 =	simm.s32 $0x14300;
	[sflag:s26] =	ssyncset.done $0x0  }
0x11c: {  	s10 =	smov.u32 s28;
	s28 =	simm.s32 $0x14200;
	[sflag:s26] =	ssyncadd.s32 $0xFFFFD800  }
0x11d: {  	_ =	sfence.sel $0x180000  }
0x11e: {  	[bflag:$0x0] =	sbarrier.arrive $0xFFFF  }
0x11f: {  	_ =	strace $0x9000004A  }
0x120: {  	s0 =	stileid.u32;
	[bflag:$0x2] =	sbarrier.arrive $0xFFFF  }
0x121: {  	p0 =	sne.s32 s0, $0x0;
	s0 =	rddreg [dreg:$0x2]  }
0x122: {  	s0 =	sadd.s32 @!p0 $0x100000, s0  }
0x123: {  	[sflag:s0] =	ssyncadd.tile.s32 @!p0 $0x1;
	_ =	shalt  }
.Lfunc_end2:
_tile_overlayer_lowered:
.L_overlay_start_2:
0x124: {  	(tag) =	ssettag $0x2  }
0x125: {  	s0 =	rddreg [dreg:$0x0];
	s2 =	stileid.u32  }
0x126: {  	s1 =	rddreg [dreg:$0x1];
	p0 =	sne.s32 s2, $0x0  }
0x127: {  	s3 =	rddreg [dreg:$0x2];
	[bflag:$0x3] =	sbarrier.arrive $0xFFFF;
	s2 =	simm.s32 @!p0 $0x1C0B  }
0x128: {  	[timem:s3], [sflag:s2] =	dma.local @!p0 [hbm:s0], s1  }
0x129: {  	s0 =	simm.s32 @!p0 $0xB  }
0x12a: {  	_ =	swait.ge @!p0 [sflag:s0], s1  }
0x12b: {  	s1 =	ssub.s32 @!p0 $0x0, s1;
	[sflag:s0] =	ssyncset.done @!p0 $0x0  }
0x12c: {  	[sflag:s0] =	ssyncadd.s32 @!p0 s1  }
0x12d: {  	[bflag:$0x3] =	sbarrier.arrive $0xFFFF  }
0x12e: {  	_ =	shalt  }

// kernel: kernel.14.cloned.1.call-start
scs
__scs_entry_jumppad:
0x0: {  	(pc) =	sbr.rel $0x88, $3  }
0x1: {  	(tag) =	ssettag $0x0;
	lr =	simm.s32 $0x1  }
0x2: {  	[smem:$0x3F99] =	sst lr;
	_ =	strace $0xD0000000  }
0x3: {  	_ = 	snop  }
0x4: {  	_ = 	snop  }
0x5: {  	_ = 	snop  }
0x6: {  	_ = 	snop  }
0x7: {  	_ = 	snop  }
__scs_overlays_trampoline_lowered:
0x8: {  	[smem:$0x3FA8] =	sst s0  }
0x9: {  	[smem:$0x3FA9] =	sst s1  }
0xa: {  	[smem:$0x3FAA] =	sst s2  }
0xb: {  	[smem:$0x3FAB] =	sst s3  }
0xc: {  	[smem:$0x3FAC] =	sst s4  }
0xd: {  	[smem:$0x3FAD] =	sst s5  }
0xe: {  	[smem:$0x3FAE] =	sst s6  }
0xf: {  	[smem:$0x3FAF] =	sst s7  }
0x10: {  	[smem:$0x3FB0] =	sst s8  }
0x11: {  	[smem:$0x3FB1] =	sst s9;
	s0 =	simm.s32 @!p0 $0x0  }
0x12: {  	s1 =	sld [smem:$0x3F97];
	s0 =	simm.s32 @p0 $0x1  }
0x13: {  	[smem:$0x3FB2] =	sst s0;
	s0 =	simm.s32 @!p1 $0x0  }
0x14: {  	s2 =	sld [smem:$0x3F96];
	s0 =	simm.s32 @p1 $0x1  }
0x15: {  	[smem:$0x3FB3] =	sst s0;
	s0 =	simm.s32 @!p2 $0x0  }
0x16: {  	s3 =	sld [smem:$0x3FDB];
	s0 =	simm.s32 @p2 $0x1  }
0x17: {  	s4 =	simm.s32 $0x1BF5;
	[smem:$0x3FB5] =	sst s0  }
0x18: {  	s0 =	sld [smem:$0x3F98];
	_ =	swait.ge [sflag:s4], $0x0  }
0x19: {  	s7 =	sld [smem:$0x3F99]  }
0x1a: {  	s8 =	sadd.s32 $0xFFFFE003, lr  }
0x1b: {  	s9 =	sadd.s32 $0xFFFFFEF7, lr;
	s5 =	simm.s32 $0xFFFFFFFF;
	p2 =	slt.u32 s8, $0xFFFFF086  }
0x1c: {  	p1 =	slt.u32 s9, $0xF7A;
	s5 =	simm.s32 @!p2 $0x0  }
0x1d: {  	s5 =	simm.s32 @p1 $0x1;
	p0 =	seq.s32 s7, s2  }
0x1e: {  	s7 =	smul.u32 @!p0 $0xF7A, s2;
	p2 =	seq.s32 @!p0 s5, $0x0  }
0x1f: {  	s9 =	smul.u32 $0xF7A, s1;
	s8 =	simm.s32 @!p0 $0x1BF5;
	p2 =	por !p2, p0  }
0x20: {  	[sflag:s8] =	ssyncset.s32 @!p0 $0xFFFFF086;
	s6 =	sadd.s32 @!p0 s3, s7;
	s7 =	simm.s32 @!p0 $0x108  }
0x21: {  	s3 =	sadd.s32 s3, s9;
	s6 =	sadd.s32 @!p0 $0x88, s6;
	s7 =	simm.s32 @p2 $0x1082  }
0x22: {  	[simem:s7], [sflag:s8] =	dma.local @!p0 [hbm:s6], $0xF7A  }
0x23: {  	s9 =	sor.u32 $0xD0000000, s2;
	s6 =	simm.s32 $0x108;
	_ =	swait.ge @!p0 [sflag:s8], $0x0  }
0x24: {  	s3 =	sadd.s32 $0x88, s3;
	s6 =	simm.s32 @!p1 $0x1082;
	[sflag:s4] =	ssyncset.s32 $0xFFFFF086  }
0x25: {  	[simem:s6], [sflag:s4] =	dma.local [hbm:s3], $0xF7A  }
0x26: {  	[smem:$0x3F99] =	sst s1;
	(tag) =	ssettag s2;
	_ =	strace s9  }
0x27: {  	s1 =	sld [smem:$0x3FA9]  }
0x28: {  	s2 =	sld [smem:$0x3FAA]  }
0x29: {  	s4 =	sld [smem:$0x3FAC]  }
0x2a: {  	p0 =	seq.s32 s5, $0x0;
	s5 =	sld [smem:$0x3FAD]  }
0x2b: {  	s6 =	sld [smem:$0x3FAE]  }
0x2c: {  	s7 =	sld [smem:$0x3FAF]  }
0x2d: {  	s3 =	simm.s32 $0x108;
	s8 =	sld [smem:$0x3FB0]  }
0x2e: {  	s3 =	simm.s32 @!p0 $0x1082;
	s9 =	sld [smem:$0x3FB1]  }
0x2f: {  	lr =	sadd.s32 s0, s3;
	s0 =	sld [smem:$0x3FA8]  }
0x30: {  	s3 =	sld [smem:$0x3FAB]  }
0x31: {  	[smem:$0x3FB4] =	sst s10  }
0x32: {  	s10 =	sld [smem:$0x3FB2];
	_ =	sdelay $0x3  }
0x33: {  	p0 =	seq.s32 s10, $0x1;
	s10 =	sld [smem:$0x3FB4];
	_ =	sdelay $0x3  }
0x34: {  	[smem:$0x3FB4] =	sst s10  }
0x35: {  	s10 =	sld [smem:$0x3FB3];
	_ =	sdelay $0x3  }
0x36: {  	p1 =	seq.s32 s10, $0x1;
	s10 =	sld [smem:$0x3FB4];
	_ =	sdelay $0x3  }
0x37: {  	[smem:$0x3FB4] =	sst s10  }
0x38: {  	s10 =	sld [smem:$0x3FB5]  }
0x39: {  	_ = 	snop;
	(pc) =	sbr.ind lr, $3  }
0x3a: {  	_ = 	snop  }
0x3b: {  	_ = 	snop  }
0x3c: {  	p2 =	seq.s32 s10, $0x1;
	s10 =	sld [smem:$0x3FB4]  }
0x3d: {  	_ =	shalt  }
0x3e: {  	_ =	shalt  }
0x3f: {  	_ =	shalt  }
0x40: {  	_ =	shalt  }
0x41: {  	_ =	shalt  }
0x42: {  	_ =	shalt  }
0x43: {  	_ =	shalt  }
0x44: {  	_ =	shalt  }
0x45: {  	_ =	shalt  }
0x46: {  	_ =	shalt  }
0x47: {  	_ =	shalt  }
0x48: {  	_ =	shalt  }
0x49: {  	_ =	shalt  }
0x4a: {  	_ =	shalt  }
0x4b: {  	_ =	shalt  }
0x4c: {  	_ =	shalt  }
0x4d: {  	_ =	shalt  }
0x4e: {  	_ =	shalt  }
0x4f: {  	_ =	shalt  }
0x50: {  	_ =	shalt  }
0x51: {  	_ =	shalt  }
0x52: {  	_ =	shalt  }
0x53: {  	_ =	shalt  }
0x54: {  	_ =	shalt  }
0x55: {  	_ =	shalt  }
0x56: {  	_ =	shalt  }
0x57: {  	_ =	shalt  }
0x58: {  	_ =	shalt  }
0x59: {  	_ =	shalt  }
0x5a: {  	_ =	shalt  }
0x5b: {  	_ =	shalt  }
0x5c: {  	_ =	shalt  }
0x5d: {  	_ =	shalt  }
0x5e: {  	_ =	shalt  }
0x5f: {  	_ =	shalt  }
0x60: {  	_ =	shalt  }
0x61: {  	_ =	shalt  }
0x62: {  	_ =	shalt  }
0x63: {  	_ =	shalt  }
0x64: {  	_ =	shalt  }
0x65: {  	_ =	shalt  }
0x66: {  	_ =	shalt  }
0x67: {  	_ =	shalt  }
0x68: {  	_ =	shalt  }
0x69: {  	_ =	shalt  }
0x6a: {  	_ =	shalt  }
0x6b: {  	_ =	shalt  }
0x6c: {  	_ =	shalt  }
0x6d: {  	_ =	shalt  }
0x6e: {  	_ =	shalt  }
0x6f: {  	_ =	shalt  }
0x70: {  	_ =	shalt  }
0x71: {  	_ =	shalt  }
0x72: {  	_ =	shalt  }
0x73: {  	_ =	shalt  }
0x74: {  	_ =	shalt  }
0x75: {  	_ =	shalt  }
0x76: {  	_ =	shalt  }
0x77: {  	_ =	shalt  }
0x78: {  	_ =	shalt  }
0x79: {  	_ =	shalt  }
0x7a: {  	_ =	shalt  }
0x7b: {  	_ =	shalt  }
0x7c: {  	_ =	shalt  }
0x7d: {  	_ =	shalt  }
0x7e: {  	_ =	shalt  }
0x7f: {  	_ =	shalt  }
0x80: {  	_ =	shalt  }
0x81: {  	_ =	shalt  }
0x82: {  	_ =	shalt  }
0x83: {  	_ =	shalt  }
0x84: {  	_ =	shalt  }
0x85: {  	_ =	shalt  }
0x86: {  	_ =	shalt  }
0x87: {  	_ =	shalt  }
.Lfunc_end0:
.L_simem_size_0:
called_computation.2_lowered:
.L_overlay_start_0:
0x88: {  	s2 =	sld [smem:$0x3FD9]  }
0x89: {  	s3 =	sld [smem:$0x3FFE];
	_ =	sdelay $0x1  }
0x8a: {  	s1 =	srdreg.scid  }
0x8b: {  	s0 =	sand.u32 $0x1, s1  }
0x8c: {  	s16 =	sshll.u32 s0, $0xA;
	s2 =	sadd.s32 s3, s2  }
0x8d: {  	s2 =	sadd.s32 s2, s16  }
0x8e: {  	[smem:$0x3FC0] =	sst s2  }
0x8f: {  	_ = 	snop  }
0x90: {  	(tm) =	ssettm $0x1  }
0x91: {  	s17 =	sld [smem:$0x3FFB];
	_ =	sdelay $0x3  }
0x92: {  	_ =	strace s17  }
0x93: {  	s2 =	sld [smem:$0x3FFC];
	_ =	sdelay $0x3  }
0x94: {  	_ =	strace s2  }
0x95: {  	s2 =	sld [smem:$0x3FFD];
	_ =	sdelay $0x3  }
0x96: {  	_ =	strace s2  }
0x97: {  	_ =	strace $0x8FFFFFFF  }
0x98: {  	s18 =	sld [smem:$0x3FDB];
	_ =	sdelay $0x1  }
0x99: {  	s19 =	simm.s32 $_scs_section_size  }
0x9a: {  	s4 =	simm.s32 $_size__tile_overlayer_lowered;
	s5 =	simm.s32 $_tile_overlayer_lowered  }
0x9b: {  	s22 =	simm.s32 $0x1BFF;
	s21 =	sshll.u32 s5, $0x1;
	s2 =	sadd.s32 s19, s18  }
0x9c: {  	s6 =	simm.s32 $0x0;
	s20 =	sshll.u32 s4, $0x1;
	s4 =	sadd.s32 s21, s2  }
0x9d: {  	[timem:s6], [sflag:s22] =	dma.local [hbm:s4], s20  }
0x9e: {  	_ =	swait.ge [sflag:s22], s20  }
0x9f: {  	s3 =	ssub.s32 $0x0, s20;
	[sflag:s22] =	ssyncset.done $0x0  }
0xa0: {  	[sflag:s22] =	ssyncadd.s32 s3;
	_ =	sdelay $0x1  }
0xa1: {  	s23 =	simm.s32 $0x1B8B  }
0xa2: {  	_ =	swait.ge [sflag:s23], $0x1  }
0xa3: {  	[sflag:s23] =	ssyncset.done $0x0  }
0xa4: {  	s25 =	simm.s32 $0x1B8E;
	s24 =	sld [smem:$0x3FFE];
	[sflag:s23] =	ssyncadd.s32 $0xFFFFFFFF  }
0xa5: {  	s26 =	simm.s32 $execute0_lowered;
	[smem:$0x3FD2] =	sst s25  }
0xa6: {  	s4 =	sshll.u32 s26, $0x1;
	_ =	strace $0x8000004C;
	[dreg:$0x1] =	wrdreg $0xFFFFFFFF  }
0xa7: {  	s28 =	simm.s32 $_size_execute0_lowered;
	s2 =	sadd.s32 s2, s4;
	[dreg:$0x0] =	wrdreg $0x0  }
0xa8: {  	s4 =	sshll.u32 s28, $0x1;
	[dreg:$0x2] =	wrdreg s2  }
0xa9: {  	[dreg:$0x3] =	wrdreg s4  }
0xaa: {  	[dreg:$0x4] =	wrdreg $0xC0  }
0xab: {  	_ =	task [dreg:s6], $0x5FFFF  }
0xac: {  	[dreg:$0x1] =	wrdreg $0xFFFFFFFF  }
0xad: {  	[dreg:$0x0] =	wrdreg $0x60  }
0xae: {  	[dreg:$0x2] =	wrdreg s24  }
0xaf: {  	[dreg:$0x3] =	wrdreg $0x0  }
0xb0: {  	[dreg:$0x4] =	wrdreg $0x9  }
0xb1: {  	_ =	task.clear_ibuf [dreg:s6], $0x5FFFF;
	_ =	strace $0x9000004C  }
0xb2: {  	s29 =	simm.s32 $0x9;
	_ =	strace $0x8000004E  }
0xb3: {  	_ =	swait.ge [sflag:s29], $0x1  }
0xb4: {  	[sflag:s29] =	ssyncadd.s32 $0xFFFFFFFF  }
0xb5: {  	_ =	strace $0x9000004E  }
0xb6: {  	_ =	sfence  }
0xb7: {  	s30 =	sld [smem:$0x0];
	_ =	sdelay $0x2  }
0xb8: {  	s31 =	sshll.u32 s1, $0xD;
	s1 =	sshrl.u32 s1, $0x2  }
0xb9: {  	s3 =	sand.u32 $0x4000, s31;
	s1 =	sadd.s32 s1, s30  }
0xba: {  	s0 =	sor.u32 s3, s0;
	s1 =	sshll.u32 s1, $0x11  }
0xbb: {  	s0 =	sor.u32 s1, s0  }
0xbc: {  	s0 =	sadd.s32 $0x8F2B, s0  }
0xbd: {  	[sflag:s0] =	ssyncadd.remote.s32 $0x1  }
0xbe: {  	_ =	sfence.sel $0xFFFF  }
0xbf: {  	[dreg:$0x0] =	wrdreg $0xFFFFFFFF;
	(pc) =	sbr.abs _section_cstart, $3  }
0xc0: {  	[dreg:$0x1] =	wrdreg $0xFFFFFFFF  }
0xc1: {  	_ =	task.clear_ibuf [dreg:s6], $0x2FFFF;
	_ =	strace $0x9FFFFFFF  }
0xc2: {  	(tm) =	ssettm $0x7FFFFFFF  }
0xc3: {  	_ =	shalt  }
tec
execute0_lowered:
.L_overlay_start_1:
0x0: {  	(tag) =	ssettag $0x1  }
0x1: {  	s0 =	rddreg [dreg:$0x0]  }
0x2: {  	s2 =	rddreg [dreg:$0x1]  }
0x3: {  	s1 =	srdreg.scid;
	s11 =	stileid.u32  }
0x4: {  	s3 =	simm.s32 $0x0;
	s28 =	simm.s32 $0xA200;
	s6 =	smul.u32 $0xA000, s11  }
0x5: {  	s29 =	simm.s32 $0xA080;
	s30 =	simm.s32 $0xA280;
	s9 =	smul.u32 $0x28000, s11  }
0x6: {  	s1 =	sand.u32 $0x1, s1;
	[smem:$0x7FF] =	sst s3;
	s22 =	smul.u32 $0x2710, s11  }
0x7: {  	s4 =	smul.u32 $0xA0000, s1;
	s5 =	sshll.u32 s1, $0x4;
	s17 =	ssub.s32 $0x2, s1  }
0x8: {  	_ =	strace $0x8000004D;
	s5 =	sor.u32 s11, s5;
	s10 =	sshrl.u32 s17, $0x1  }
0x9: {  	s9 =	sshrl.u32 s9, $0x2;
	s7 =	sadd.s32 s6, s4;
	s8 =	smul.u32 $0x2710, s5  }
0xa: {  	s4 =	sadd.s32 $0x16200, s0;
	s5 =	sadd.s32 $0x2800, s0;
	s9 =	sadd.s32 s9, s2  }
0xb: {  	s7 =	sshrl.u32 s7, $0x3;
	s11 =	sadd.s32 $0x2000, s9;
	[dreg:$0xa] =	wrdreg s9  }
0xc: {  	s12 =	sadd.s32 $0x4000, s9;
	s8 =	sshrl.u32 s8, $0x3;
	[dreg:$0x17] =	wrdreg s11  }
0xd: {  	s0 =	sadd.s32 s7, s0;
	[dreg:$0x18] =	wrdreg s12;
	s18 =	sadd.s32 s5, s8  }
0xe: {  	s7 =	ssub.s32 s17, s10;
	s0 =	sadd.s32 $0x2A200, s0;
	[dreg:$0xb] =	wrdreg s18  }
0xf: {  	s1 =	smul.u32 $0x27100, s1;
	s7 =	smax.u32 s7, $0x1;
	[dreg:$0x15] =	wrdreg s0  }
0x10: {  	s31 =	simm.s32 $0xA380;
	s8 =	sadd.s32 $0x9C40, s18;
	[dreg:$0x16] =	wrdreg s7  }
0x11: {  	s1 =	sadd.s32 s22, s1;
	s19 =	sadd.s32 $0x10, s18;
	[dreg:$0xc] =	wrdreg s8  }
0x12: {  	s13 =	sadd.s32 $0x4E580, s1;
	s20 =	sadd.s32 $0x9C50, s18;
	[dreg:$0xd] =	wrdreg s19  }
0x13: {  	s15 =	sadd.s32 $0x300, s1;
	s21 =	sadd.s32 $0x20, s18;
	[dreg:$0xe] =	wrdreg s20  }
0x14: {  	s22 =	sadd.s32 $0x4E400, s1;
	s23 =	sadd.s32 $0x9C60, s18;
	[dreg:$0xf] =	wrdreg s21  }
0x15: {  	s14 =	sshrl.u32 s13, $0x3;
	s24 =	sadd.s32 $0x30, s18;
	[dreg:$0x10] =	wrdreg s23  }
0x16: {  	s12 =	simm.s32 $0x1;
	s25 =	sadd.s32 $0x9C70, s18;
	[dreg:$0x11] =	wrdreg s24  }
0x17: {  	s13 =	simm.s32 $0x80;
	s26 =	sadd.s32 $0x4E0, s18;
	[dreg:$0x12] =	wrdreg s25  }
0x18: {  	s10 =	sadd.s32 $0xA120, s18;
	s0 =	sadd.s32 s6, s2;
	[dreg:$0x13] =	wrdreg s26  }
0x19: {  	s7 =	sshrl.u32 s15, $0x3;
	s15 =	simm.s32 $0xC420;
	[dreg:$0x14] =	wrdreg s10  }
0x1a: {  	s10 =	smov.u32 s5;
	s8 =	sadd.s32 $0x380, s1;
	s16 =	sadd.s32 s7, s5  }
0x1b: {  	s19 =	sadd.s32 $0x280, s1;
	s21 =	sadd.s32 $0x4E480, s1;
	s24 =	sshrl.u32 s22, $0x3  }
0x1c: {  	s25 =	sadd.s32 $0x6000, s9;
	s26 =	sadd.s32 $0x8000, s9;
	s0 =	sshrl.u32 s0, $0x3  }
0x1d: {  	s9 =	simm.s32 $0xA000;
	s22 =	simm.s32 $0x7;
	[dreg:$0x5] =	wrdreg s16  }
0x1e: {  	s6 =	sshrl.u32 s8, $0x3;
	s8 =	sadd.s32 $0x4E500, s1;
	[dreg:$0x19] =	wrdreg s25  }
0x1f: {  	s20 =	sshrl.u32 s19, $0x3;
	s7 =	sshrl.u32 s21, $0x3;
	[dreg:$0x1a] =	wrdreg s26  }
0x20: {  	s1 =	sadd.s32 $0x200, s1;
	[dreg:$0x1c] =	wrdreg s0;
	s26 =	simm.s32 $0xB  }
0x21: {  	s16 =	simm.s32 $0x9;
	s19 =	simm.s32 $0xA;
	s21 =	simm.s32 $0x4  }
0x22: {  	s25 =	simm.s32 $0x8;
	s6 =	sadd.s32 s6, s5;
	[dreg:$0x1b] =	wrdreg s1  }
0x23: {  	s17 =	sshrl.u32 s8, $0x3;
	s23 =	sadd.s32 s7, s5;
	[dreg:$0x3] =	wrdreg s6  }
0x24: {  	s7 =	sadd.s32 s24, s5;
	s24 =	simm.s32 $0xA420;
	[dreg:$0x8] =	wrdreg s23  }
0x25: {  	s8 =	simm.s32 $0xA100;
	s6 =	sadd.s32 s14, s5;
	[dreg:$0x9] =	wrdreg s7  }
0x26: {  	s1 =	simm.s32 $0xA300;
	s18 =	sadd.s32 s17, s5;
	[dreg:$0x4] =	wrdreg s6  }
0x27: {  	s14 =	simm.s32 $0x2;
	s17 =	simm.s32 $0x5;
	[dreg:$0x6] =	wrdreg s18  }
0x28: {  	s6 =	sadd.s32 s20, s5;
	s5 =	simm.s32 $0xA180;
	s18 =	simm.s32 $0x3  }
0x29: {  	v0 =	vimm.f32 $0.0e+00;
	s20 =	simm.s32 $0x6;
	[dreg:$0x7] =	wrdreg s6;
	s6 =	simm.s32 $0x0  }
.LBB2_1:
0x2a: {  	s7 =	sand.u32 $0x7F00, s3  }
0x2b: {  	[dreg:$0x1d] =	wrdreg s6;
	s11 =	sand.u32 $0x30, s3;
	s23 =	sshrl.u32 s7, $0x2  }
0x2c: {  	s7 =	simm.s32 $0x40;
	s23 =	sor.u32 s11, s23;
	s11 =	simm.s32 $0x0  }
.LBB2_2:
0x2d: {  	p0 =	sne.s32 s7, $0x7FC0  }
0x2e: {  	[tilespmem:s23+$0xA420] =	vst v0;
	s11 =	sadd.s32 $0x10, s11;
	s23 =	smov.u32 s7;
	s7 =	sadd.s32 $0x40, s7  }
.Ltmp0:
0x2f: {  	(pc) =	sbr.rel @p0 .LBB2_2-.Ltmp0, $4  }
0x30: {  	_ = 	snop  }
0x31: {  	s23 =	sand.u32 $0x7F00, s23  }
0x32: {  	s6 =	sand.u32 $0x30, s11;
	s23 =	sshrl.u32 s23, $0x2  }
0x33: {  	s23 =	sor.u32 s6, s23  }
0x34: {  	[tilespmem:s23+$0xA420] =	vst v0;
	s0 =	rddreg [dreg:$0xa]  }
0x35: {  	[spmem:s0] =	stream.linear.scatter [tilespmem:s24], [sflag:$0xB], $0x2000, $0x38;
	[tilespmem:$0xE420] =	vst v63  }
0x36: {  	_ =	swait.ge [sflag:s26], $0x2000  }
0x37: {  	[sflag:s26] =	ssyncset.done $0x0  }
0x38: {  	s7 =	rddreg [dreg:$0x17];
	[sflag:s26] =	ssyncadd.s32 $0xFFFFE000  }
0x39: {  	[spmem:s7] =	stream.linear.scatter [tilespmem:s24], [sflag:$0xB], $0x2000, $0x38;
	[tilespmem:$0xE420] =	vst v63  }
0x3a: {  	_ =	swait.ge [sflag:s26], $0x2000  }
0x3b: {  	[sflag:s26] =	ssyncset.done $0x0  }
0x3c: {  	s11 =	rddreg [dreg:$0x18];
	[sflag:s26] =	ssyncadd.s32 $0xFFFFE000  }
0x3d: {  	[spmem:s11] =	stream.linear.scatter [tilespmem:s24], [sflag:$0xB], $0x2000, $0x38;
	[tilespmem:$0xE420] =	vst v63  }
0x3e: {  	_ =	swait.ge [sflag:s26], $0x2000  }
0x3f: {  	[sflag:s26] =	ssyncset.done $0x0  }
0x40: {  	s23 =	rddreg [dreg:$0x19];
	[sflag:s26] =	ssyncadd.s32 $0xFFFFE000  }
0x41: {  	[spmem:s23] =	stream.linear.scatter [tilespmem:s24], [sflag:$0xB], $0x2000, $0x38;
	[tilespmem:$0xE420] =	vst v63  }
0x42: {  	_ =	swait.ge [sflag:s26], $0x2000  }
0x43: {  	[sflag:s26] =	ssyncset.done $0x0  }
0x44: {  	s6 =	rddreg [dreg:$0x1a];
	[sflag:s26] =	ssyncadd.s32 $0xFFFFE000  }
0x45: {  	[spmem:s6] =	stream.linear.scatter [tilespmem:s24], [sflag:$0xB], $0x2000, $0x38;
	[tilespmem:$0xE420] =	vst v63  }
0x46: {  	_ =	swait.ge [sflag:s26], $0x2000  }
0x47: {  	[sflag:s26] =	ssyncset.done $0x0  }
0x48: {  	s6 =	simm.s32 $0x0;
	s7 =	rddreg [dreg:$0xb];
	[sflag:s26] =	ssyncadd.s32 $0xFFFFE000  }
0x49: {  	[tilespmem:s9], [sflag:$0x1] =	stream.linear.gather [hbm4b:s7+s6], $0x80, $0x38;
	[tilespmem:$0xE420] =	vst v63  }
0x4a: {  	s11 =	rddreg [dreg:$0xc]  }
0x4b: {  	[tilespmem:s28], [sflag:$0x5] =	stream.linear.gather [hbm4b:s11+s6], $0x80, $0x38;
	[tilespmem:$0xE420] =	vst v63  }
0x4c: {  	s23 =	rddreg [dreg:$0xd]  }
0x4d: {  	[tilespmem:s29], [sflag:$0x2] =	stream.linear.gather [hbm4b:s23+s6], $0x80, $0x38;
	[tilespmem:$0xE420] =	vst v63  }
0x4e: {  	s7 =	rddreg [dreg:$0xe]  }
0x4f: {  	[tilespmem:s30], [sflag:$0x6] =	stream.linear.gather [hbm4b:s7+s6], $0x80, $0x38;
	[tilespmem:$0xE420] =	vst v63  }
0x50: {  	s11 =	rddreg [dreg:$0xf]  }
0x51: {  	[tilespmem:s8], [sflag:$0x3] =	stream.linear.gather [hbm4b:s11+s6], $0x80, $0x38;
	[tilespmem:$0xE420] =	vst v63  }
0x52: {  	s23 =	rddreg [dreg:$0x10]  }
0x53: {  	[tilespmem:s1], [sflag:$0x7] =	stream.linear.gather [hbm4b:s23+s6], $0x80, $0x38;
	[tilespmem:$0xE420] =	vst v63  }
0x54: {  	s7 =	rddreg [dreg:$0x11]  }
0x55: {  	[tilespmem:s5], [sflag:$0x4] =	stream.linear.gather [hbm4b:s7+s6], $0x80, $0x38;
	[tilespmem:$0xE420] =	vst v63  }
0x56: {  	s11 =	rddreg [dreg:$0x12]  }
0x57: {  	[tilespmem:s31], [sflag:$0x8] =	stream.linear.gather [hbm4b:s11+s6], $0x80, $0x38;
	[tilespmem:$0xE420] =	vst v63  }
0x58: {  	s23 =	rddreg [dreg:$0x13];
	s7 =	simm.s32 $0xA400  }
0x59: {  	[tilespmem:s7], [sflag:$0xB] =	stream.linear.gather [hbm4b:s23+s6], $0x10, $0x38;
	[tilespmem:$0xE420] =	vst v63  }
0x5a: {  	_ =	swait.ge [sflag:s26], $0x10  }
0x5b: {  	[sflag:s26] =	ssyncset.done $0x0  }
0x5c: {  	s23 =	simm.s32 $0xA410;
	s11 =	rddreg [dreg:$0x14];
	[sflag:s26] =	ssyncadd.s32 $0xFFFFFFF0  }
0x5d: {  	[tilespmem:s23], [sflag:$0xB] =	stream.linear.gather [hbm4b:s11+s6], $0x10, $0x38;
	[tilespmem:$0xE420] =	vst v63  }
0x5e: {  	_ =	swait.ge [sflag:s26], $0x10  }
0x5f: {  	[sflag:s26] =	ssyncset.done $0x0  }
0x60: {  	[sflag:s26] =	ssyncadd.s32 $0xFFFFFFF0  }
0x61: {  	[bflag:$0x0] =	sbarrier.arrive $0xFFFF  }
0x62: {  	_ =	swait.ge [sflag:s12], $0x80  }
0x63: {  	[sflag:s12] =	ssyncset.done $0x0  }
0x64: {  	[sflag:s12] =	ssyncadd.s32 $0xFFFFFF80  }
0x65: {  	[tilespmem:s24], [sflag:$0x9] =	stream.indirect.gather [hbm4b:s4+s13], $0x40, s9, s13, $0xb8;
	[tilespmem:$0xE420] =	vst v63  }
0x66: {  	_ =	swait.ge [sflag:s14], $0x80  }
0x67: {  	[sflag:s14] =	ssyncset.done $0x0  }
0x68: {  	[sflag:s14] =	ssyncadd.s32 $0xFFFFFF80  }
0x69: {  	[tilespmem:s15], [sflag:$0xA] =	stream.indirect.gather [hbm4b:s4+s13], $0x40, s29, s13, $0xb8;
	[tilespmem:$0xE420] =	vst v63  }
0x6a: {  	_ =	swait.ge [sflag:s16], $0x2000  }
0x6b: {  	[sflag:s16] =	ssyncset.done $0x0  }
0x6c: {  	[sflag:s16] =	ssyncadd.s32 $0xFFFFE000  }
0x6d: {  	_ =	swait.ge [sflag:s17], $0x80  }
0x6e: {  	[sflag:s17] =	ssyncset.done $0x0  }
0x6f: {  	[sflag:s17] =	ssyncadd.s32 $0xFFFFFF80  }
0x70: {  	[spmem:s2] =	stream.indirect.scatter.add.f32 [tilespmem:s24], [sflag:$0xB], $0x40, s28, s13, $0xb8;
	[tilespmem:$0xE420] =	vst v63  }
0x71: {  	_ =	swait.ge [sflag:s26], $0x2000  }
0x72: {  	s0 =	rddreg [dreg:$0x1b]  }
0x73: {  	[sflag:s26] =	ssyncset.done $0x0;
	s7 =	sshrl.u32 s0, $0x3  }
0x74: {  	s11 =	rddreg [dreg:$0x9];
	[sflag:s26] =	ssyncadd.s32 $0xFFFFE000;
	s6 =	sadd.s32 s10, s7  }
0x75: {  	[tilespmem:s9], [sflag:$0x1] =	stream.linear.gather [hbm4b:s6+s3], $0x80, $0x38;
	[tilespmem:$0xE420] =	vst v63  }
0x76: {  	s23 =	sadd.s32 $0x0, s11  }
0x77: {  	[tilespmem:s28], [sflag:$0x5] =	stream.linear.gather [hbm4b:s23+s3], $0x80, $0x38;
	[tilespmem:$0xE420] =	vst v63  }
0x78: {  	_ =	swait.ge [sflag:s18], $0x80  }
0x79: {  	[sflag:s18] =	ssyncset.done $0x0  }
0x7a: {  	[sflag:s18] =	ssyncadd.s32 $0xFFFFFF80  }
0x7b: {  	[tilespmem:s24], [sflag:$0x9] =	stream.indirect.gather [hbm4b:s4+s13], $0x40, s8, s13, $0xb8;
	[tilespmem:$0xE420] =	vst v63  }
0x7c: {  	_ =	swait.ge [sflag:s19], $0x2000  }
0x7d: {  	[sflag:s19] =	ssyncset.done $0x0  }
0x7e: {  	[sflag:s19] =	ssyncadd.s32 $0xFFFFE000  }
0x7f: {  	_ =	swait.ge [sflag:s20], $0x80  }
0x80: {  	[sflag:s20] =	ssyncset.done $0x0  }
0x81: {  	[sflag:s20] =	ssyncadd.s32 $0xFFFFFF80  }
0x82: {  	[spmem:s2] =	stream.indirect.scatter.add.f32 [tilespmem:s15], [sflag:$0xB], $0x40, s30, s13, $0xb8;
	[tilespmem:$0xE420] =	vst v63  }
0x83: {  	_ =	swait.ge [sflag:s26], $0x2000  }
0x84: {  	s7 =	rddreg [dreg:$0x7];
	[sflag:s26] =	ssyncset.done $0x0  }
0x85: {  	s11 =	rddreg [dreg:$0x8];
	[sflag:s26] =	ssyncadd.s32 $0xFFFFE000;
	s6 =	sadd.s32 $0x0, s7  }
0x86: {  	[tilespmem:s29], [sflag:$0x2] =	stream.linear.gather [hbm4b:s6+s3], $0x80, $0x38;
	[tilespmem:$0xE420] =	vst v63  }
0x87: {  	s23 =	sadd.s32 $0x0, s11  }
0x88: {  	[tilespmem:s30], [sflag:$0x6] =	stream.linear.gather [hbm4b:s23+s3], $0x80, $0x38;
	[tilespmem:$0xE420] =	vst v63  }
0x89: {  	_ =	swait.ge [sflag:s21], $0x80  }
0x8a: {  	[sflag:s21] =	ssyncset.done $0x0  }
0x8b: {  	[sflag:s21] =	ssyncadd.s32 $0xFFFFFF80  }
0x8c: {  	[tilespmem:s15], [sflag:$0xA] =	stream.indirect.gather [hbm4b:s4+s13], $0x40, s5, s13, $0xb8;
	[tilespmem:$0xE420] =	vst v63  }
0x8d: {  	_ =	swait.ge [sflag:s16], $0x2000  }
0x8e: {  	[sflag:s16] =	ssyncset.done $0x0  }
0x8f: {  	[sflag:s16] =	ssyncadd.s32 $0xFFFFE000  }
0x90: {  	_ =	swait.ge [sflag:s22], $0x80  }
0x91: {  	[sflag:s22] =	ssyncset.done $0x0  }
0x92: {  	p0 =	por $0x0, $0x0;
	[sflag:s22] =	ssyncadd.s32 $0xFFFFFF80  }
0x93: {  	[spmem:s2] =	stream.indirect.scatter.add.f32 [tilespmem:s24], [sflag:$0xB], $0x40, s1, s13, $0xb8;
	[tilespmem:$0xE420] =	vst v63  }
0x94: {  	s11 =	simm.s32 @!p0 $0x0;
	_ =	swait.ge [sflag:s26], $0x2000  }
0x95: {  	s23 =	simm.s32 @!p0 $0xA100;
	s6 =	rddreg [dreg:$0x5];
	[sflag:s26] =	ssyncset.done $0x0  }
0x96: {  	s7 =	rddreg [dreg:$0x6];
	[sflag:s26] =	ssyncadd.s32 $0xFFFFE000;
	s6 =	sadd.s32 @!p0 $0x0, s6  }
0x97: {  	[tilespmem:s23], [sflag:$0x3] =	stream.linear.gather @!p0 [hbm4b:s6+s11], $0x80, $0x38;
	[tilespmem:$0xE420] =	vst v63  }
0x98: {  	s7 =	sadd.s32 @!p0 $0x0, s7;
	s6 =	simm.s32 @!p0 $0xA300  }
0x99: {  	[tilespmem:s6], [sflag:$0x7] =	stream.linear.gather @!p0 [hbm4b:s7+s11], $0x80, $0x38;
	[tilespmem:$0xE420] =	vst v63  }
0x9a: {  	_ =	swait.ge [sflag:s12], $0x80  }
0x9b: {  	[sflag:s12] =	ssyncset.done $0x0  }
0x9c: {  	[sflag:s12] =	ssyncadd.s32 $0xFFFFFF80  }
0x9d: {  	[tilespmem:s24], [sflag:$0x9] =	stream.indirect.gather [hbm4b:s4+s13], $0x40, s9, s13, $0xb8;
	[tilespmem:$0xE420] =	vst v63  }
0x9e: {  	_ =	swait.ge [sflag:s19], $0x2000  }
0x9f: {  	[sflag:s19] =	ssyncset.done $0x0  }
0xa0: {  	[sflag:s19] =	ssyncadd.s32 $0xFFFFE000  }
0xa1: {  	_ =	swait.ge [sflag:s25], $0x80  }
0xa2: {  	[sflag:s25] =	ssyncset.done $0x0  }
0xa3: {  	s28 =	smov.u32 s10;
	[sflag:s25] =	ssyncadd.s32 $0xFFFFFF80  }
0xa4: {  	[spmem:s2] =	stream.indirect.scatter.add.f32 [tilespmem:s15], [sflag:$0xB], $0x40, s31, s13, $0xb8;
	[tilespmem:$0xE420] =	vst v63  }
0xa5: {  	s29 =	simm.s32 $0xA000;
	s30 =	simm.s32 $0xA200;
	_ =	swait.ge [sflag:s26], $0x2000  }
0xa6: {  	s23 =	simm.s32 @!p0 $0xA180;
	s6 =	rddreg [dreg:$0x3];
	[sflag:s26] =	ssyncset.done $0x0  }
0xa7: {  	s7 =	rddreg [dreg:$0x4];
	[sflag:s26] =	ssyncadd.s32 $0xFFFFE000;
	s6 =	sadd.s32 @!p0 $0x0, s6  }
0xa8: {  	[tilespmem:s23], [sflag:$0x4] =	stream.linear.gather @!p0 [hbm4b:s6+s11], $0x80, $0x38;
	[tilespmem:$0xE420] =	vst v63  }
0xa9: {  	s5 =	simm.s32 $0xA280;
	s7 =	sadd.s32 @!p0 $0x0, s7;
	s6 =	simm.s32 @!p0 $0xA380  }
0xaa: {  	[tilespmem:s6], [sflag:$0x8] =	stream.linear.gather @!p0 [hbm4b:s7+s11], $0x80, $0x38;
	[tilespmem:$0xE420] =	vst v63  }
0xab: {  	s9 =	simm.s32 $0xA380;
	s31 =	simm.s32 $0xA080;
	_ =	swait.ge [sflag:s14], $0x80  }
0xac: {  	s23 =	smov.u32 s0;
	s11 =	simm.s32 $0x40;
	[sflag:s14] =	ssyncset.done $0x0  }
.LBB2_4:
0xad: {  	[sflag:s14] =	ssyncadd.s32 $0xFFFFFF80  }
0xae: {  	[tilespmem:s15], [sflag:$0xA] =	stream.indirect.gather [hbm4b:s4+s13], $0x40, s31, s13, $0xb8;
	[tilespmem:$0xE420] =	vst v63  }
0xaf: {  	_ =	swait.ge [sflag:s16], $0x2000  }
0xb0: {  	[sflag:s16] =	ssyncset.done $0x0  }
0xb1: {  	[sflag:s16] =	ssyncadd.s32 $0xFFFFE000  }
0xb2: {  	_ =	swait.ge [sflag:s17], $0x80  }
0xb3: {  	[sflag:s17] =	ssyncset.done $0x0  }
0xb4: {  	[sflag:s17] =	ssyncadd.s32 $0xFFFFFF80  }
0xb5: {  	[spmem:s2] =	stream.indirect.scatter.add.f32 [tilespmem:s24], [sflag:$0xB], $0x40, s30, s13, $0xb8;
	[tilespmem:$0xE420] =	vst v63  }
0xb6: {  	s23 =	sadd.s32 $0x200, s23;
	_ =	swait.ge [sflag:s26], $0x2000  }
0xb7: {  	s7 =	smov.u32 s11;
	s6 =	sshrl.u32 s23, $0x3;
	[sflag:s26] =	ssyncset.done $0x0  }
0xb8: {  	s6 =	sadd.s32 s28, s6;
	s10 =	rddreg [dreg:$0x9];
	[sflag:s26] =	ssyncadd.s32 $0xFFFFE000  }
0xb9: {  	[tilespmem:s29], [sflag:$0x1] =	stream.linear.gather [hbm4b:s6+s3], $0x80, $0x38;
	[tilespmem:$0xE420] =	vst v63  }
0xba: {  	s10 =	sadd.s32 s7, s10  }
0xbb: {  	[tilespmem:s30], [sflag:$0x5] =	stream.linear.gather [hbm4b:s10+s3], $0x80, $0x38;
	[tilespmem:$0xE420] =	vst v63  }
0xbc: {  	_ =	swait.ge [sflag:s18], $0x80  }
0xbd: {  	[sflag:s18] =	ssyncset.done $0x0  }
0xbe: {  	[sflag:s18] =	ssyncadd.s32 $0xFFFFFF80  }
0xbf: {  	[tilespmem:s24], [sflag:$0x9] =	stream.indirect.gather [hbm4b:s4+s13], $0x40, s8, s13, $0xb8;
	[tilespmem:$0xE420] =	vst v63  }
0xc0: {  	_ =	swait.ge [sflag:s19], $0x2000  }
0xc1: {  	[sflag:s19] =	ssyncset.done $0x0  }
0xc2: {  	[sflag:s19] =	ssyncadd.s32 $0xFFFFE000  }
0xc3: {  	_ =	swait.ge [sflag:s20], $0x80  }
0xc4: {  	[sflag:s20] =	ssyncset.done $0x0  }
0xc5: {  	[sflag:s20] =	ssyncadd.s32 $0xFFFFFF80  }
0xc6: {  	[spmem:s2] =	stream.indirect.scatter.add.f32 [tilespmem:s15], [sflag:$0xB], $0x40, s5, s13, $0xb8;
	[tilespmem:$0xE420] =	vst v63  }
0xc7: {  	_ =	swait.ge [sflag:s26], $0x2000  }
0xc8: {  	s0 =	rddreg [dreg:$0x7];
	[sflag:s26] =	ssyncset.done $0x0  }
0xc9: {  	s1 =	rddreg [dreg:$0x8];
	[sflag:s26] =	ssyncadd.s32 $0xFFFFE000;
	s6 =	sadd.s32 s7, s0  }
0xca: {  	[tilespmem:s31], [sflag:$0x2] =	stream.linear.gather [hbm4b:s6+s3], $0x80, $0x38;
	[tilespmem:$0xE420] =	vst v63  }
0xcb: {  	s8 =	sadd.s32 s7, s1  }
0xcc: {  	[tilespmem:s5], [sflag:$0x6] =	stream.linear.gather [hbm4b:s8+s3], $0x80, $0x38;
	[tilespmem:$0xE420] =	vst v63  }
0xcd: {  	_ =	swait.ge [sflag:s21], $0x80  }
0xce: {  	[sflag:s21] =	ssyncset.done $0x0  }
0xcf: {  	s0 =	simm.s32 $0xA180;
	[sflag:s21] =	ssyncadd.s32 $0xFFFFFF80  }
0xd0: {  	[tilespmem:s15], [sflag:$0xA] =	stream.indirect.gather [hbm4b:s4+s13], $0x40, s0, s13, $0xb8;
	[tilespmem:$0xE420] =	vst v63  }
0xd1: {  	_ =	swait.ge [sflag:s16], $0x2000  }
0xd2: {  	[sflag:s16] =	ssyncset.done $0x0  }
0xd3: {  	[sflag:s16] =	ssyncadd.s32 $0xFFFFE000  }
0xd4: {  	_ =	swait.ge [sflag:s22], $0x80  }
0xd5: {  	[sflag:s22] =	ssyncset.done $0x0  }
0xd6: {  	p1 =	seq.s32 s7, $0x480;
	s10 =	simm.s32 $0xA300;
	[sflag:s22] =	ssyncadd.s32 $0xFFFFFF80  }
0xd7: {  	[spmem:s2] =	stream.indirect.scatter.add.f32 [tilespmem:s24], [sflag:$0xB], $0x40, s10, s13, $0xb8;
	[tilespmem:$0xE420] =	vst v63  }
0xd8: {  	s1 =	simm.s32 @!p1 $0xA100;
	_ =	swait.ge [sflag:s26], $0x2000  }
0xd9: {  	s0 =	simm.s32 @!p1 $0x0;
	s6 =	rddreg [dreg:$0x5];
	[sflag:s26] =	ssyncset.done $0x0  }
0xda: {  	s10 =	rddreg [dreg:$0x6];
	[sflag:s26] =	ssyncadd.s32 $0xFFFFE000;
	s6 =	sadd.s32 @!p1 s7, s6  }
0xdb: {  	[tilespmem:s1], [sflag:$0x3] =	stream.linear.gather @!p1 [hbm4b:s6+s0], $0x80, $0x38;
	[tilespmem:$0xE420] =	vst v63  }
0xdc: {  	s8 =	simm.s32 @!p1 $0xA300;
	s1 =	sadd.s32 @!p1 s7, s10  }
0xdd: {  	[tilespmem:s8], [sflag:$0x7] =	stream.linear.gather @!p1 [hbm4b:s1+s0], $0x80, $0x38;
	[tilespmem:$0xE420] =	vst v63  }
0xde: {  	_ =	swait.ge [sflag:s12], $0x80  }
0xdf: {  	[sflag:s12] =	ssyncset.done $0x0  }
0xe0: {  	[sflag:s12] =	ssyncadd.s32 $0xFFFFFF80  }
0xe1: {  	[tilespmem:s24], [sflag:$0x9] =	stream.indirect.gather [hbm4b:s4+s13], $0x40, s29, s13, $0xb8;
	[tilespmem:$0xE420] =	vst v63  }
0xe2: {  	_ =	swait.ge [sflag:s19], $0x2000  }
0xe3: {  	[sflag:s19] =	ssyncset.done $0x0  }
0xe4: {  	[sflag:s19] =	ssyncadd.s32 $0xFFFFE000  }
0xe5: {  	_ =	swait.ge [sflag:s25], $0x80  }
0xe6: {  	[sflag:s25] =	ssyncset.done $0x0  }
0xe7: {  	[sflag:s25] =	ssyncadd.s32 $0xFFFFFF80  }
0xe8: {  	[spmem:s2] =	stream.indirect.scatter.add.f32 [tilespmem:s15], [sflag:$0xB], $0x40, s9, s13, $0xb8;
	[tilespmem:$0xE420] =	vst v63  }
0xe9: {  	s11 =	sadd.s32 $0x40, s11;
	_ =	swait.ge [sflag:s26], $0x2000  }
0xea: {  	p0 =	sne.s32 s11, $0x4C0;
	s1 =	rddreg [dreg:$0x3];
	[sflag:s26] =	ssyncset.done $0x0  }
0xeb: {  	s8 =	simm.s32 @!p1 $0xA180;
	[sflag:s26] =	ssyncadd.s32 $0xFFFFE000;
	s1 =	sadd.s32 @!p1 s7, s1  }
0xec: {  	[tilespmem:s8], [sflag:$0x4] =	stream.linear.gather @!p1 [hbm4b:s1+s0], $0x80, $0x38;
	[tilespmem:$0xE420] =	vst v63  }
.Ltmp1:
0xed: {  	s6 =	rddreg [dreg:$0x4];
	(pc) =	sbr.rel @p0 .LBB2_4-.Ltmp1, $4  }
0xee: {  	s10 =	simm.s32 @!p1 $0xA380;
	s1 =	sadd.s32 @!p1 s7, s6  }
0xef: {  	[tilespmem:s10], [sflag:$0x8] =	stream.linear.gather @!p1 [hbm4b:s1+s0], $0x80, $0x38;
	[tilespmem:$0xE420] =	vst v63  }
0xf0: {  	_ =	swait.ge [sflag:s14], $0x80  }
0xf1: {  	s8 =	simm.s32 $0xA100;
	[sflag:s14] =	ssyncset.done $0x0  }
0xf2: {  	[sflag:s14] =	ssyncadd.s32 $0xFFFFFF80  }
0xf3: {  	[tilespmem:s15], [sflag:$0xA] =	stream.indirect.gather [hbm4b:s4+s13], $0x40, s31, s13, $0xb8;
	[tilespmem:$0xE420] =	vst v63  }
0xf4: {  	_ =	swait.ge [sflag:s16], $0x2000  }
0xf5: {  	[sflag:s16] =	ssyncset.done $0x0  }
0xf6: {  	[sflag:s16] =	ssyncadd.s32 $0xFFFFE000  }
0xf7: {  	_ =	swait.ge [sflag:s17], $0x80  }
0xf8: {  	[sflag:s17] =	ssyncset.done $0x0  }
0xf9: {  	[sflag:s17] =	ssyncadd.s32 $0xFFFFFF80  }
0xfa: {  	[spmem:s2] =	stream.indirect.scatter.add.f32 [tilespmem:s24], [sflag:$0xB], $0x40, s30, s13, $0xb8;
	[tilespmem:$0xE420] =	vst v63  }
0xfb: {  	_ =	swait.ge [sflag:s26], $0x2000  }
0xfc: {  	[sflag:s26] =	ssyncset.done $0x0  }
0xfd: {  	[sflag:s26] =	ssyncadd.s32 $0xFFFFE000  }
0xfe: {  	_ =	swait.ge [sflag:s19], $0x2000  }
0xff: {  	[sflag:s19] =	ssyncset.done $0x0  }
0x100: {  	[sflag:s19] =	ssyncadd.s32 $0xFFFFE000  }
0x101: {  	_ =	swait.ge [sflag:s20], $0x80  }
0x102: {  	[sflag:s20] =	ssyncset.done $0x0  }
0x103: {  	[sflag:s20] =	ssyncadd.s32 $0xFFFFFF80  }
0x104: {  	[spmem:s2] =	stream.indirect.scatter.add.f32 [tilespmem:s15], [sflag:$0xB], $0x40, s5, s13, $0xb8;
	[tilespmem:$0xE420] =	vst v63  }
0x105: {  	_ =	swait.ge [sflag:s26], $0x2000  }
0x106: {  	[sflag:s26] =	ssyncset.done $0x0  }
0x107: {  	s0 =	simm.s32 $0xA400;
	s1 =	simm.s32 $0x10;
	[sflag:s26] =	ssyncadd.s32 $0xFFFFE000  }
0x108: {  	[tilespmem:s24], [sflag:$0x9] =	stream.indirect.gather [hbm4b:s4+s1], $0x40, s0, s1, $0xb8;
	[tilespmem:$0xE420] =	vst v63  }
0x109: {  	_ =	swait.ge [sflag:s16], $0x400  }
0x10a: {  	[sflag:s16] =	ssyncset.done $0x0  }
0x10b: {  	s7 =	simm.s32 $0xA410;
	[sflag:s16] =	ssyncadd.s32 $0xFFFFFC00  }
0x10c: {  	[spmem:s2] =	stream.indirect.scatter.add.f32 [tilespmem:s24], [sflag:$0xB], $0x40, s7, s1, $0xb8;
	[tilespmem:$0xE420] =	vst v63  }
0x10d: {  	_ =	swait.ge [sflag:s26], $0x400  }
0x10e: {  	[sflag:s26] =	ssyncset.done $0x0  }
0x10f: {  	[sflag:s26] =	ssyncadd.s32 $0xFFFFFC00  }
0x110: {  	s9 =	stileid.u32;
	[bflag:$0x0] =	sbarrier.arrive $0xFFFF  }
0x111: {  	s0 =	sshll.u32 s9, $0x6;
	s10 =	rddreg [dreg:$0x15]  }
0x112: {  	s0 =	sor.u32 $0x1C0B, s0;
	s6 =	rddreg [dreg:$0x1c]  }
0x113: {  	[hbm:s10], [sflag:s0] =	dma.local [spmem:s6], $0x1400  }
0x114: {  	_ =	swait.ge [sflag:s26], $0x1400  }
0x115: {  	s11 =	rddreg [dreg:$0x1d]  }
0x116: {  	s23 =	rddreg [dreg:$0x16];
	s6 =	sadd.s32 $0x1, s11  }
0x117: {  	p0 =	sne.s32 s6, s23  }
.Ltmp2:
0x118: {  	_ = 	snop;
	(pc) =	sbr.rel @p0 .LBB2_1-.Ltmp2, $4  }
0x119: {  	s29 =	simm.s32 $0xA080  }
0x11a: {  	s31 =	simm.s32 $0xA380;
	s30 =	simm.s32 $0xA280;
	s5 =	simm.s32 $0xA180  }
0x11b: {  	s9 =	simm.s32 $0xA000;
	s1 =	simm.s32 $0xA300;
	[sflag:s26] =	ssyncset.done $0x0  }
0x11c: {  	s10 =	smov.u32 s28;
	s28 =	simm.s32 $0xA200;
	[sflag:s26] =	ssyncadd.s32 $0xFFFFEC00  }
0x11d: {  	_ =	sfence.sel $0x180000  }
0x11e: {  	[bflag:$0x0] =	sbarrier.arrive $0xFFFF  }
0x11f: {  	_ =	strace $0x9000004D  }
0x120: {  	s0 =	stileid.u32;
	[bflag:$0x2] =	sbarrier.arrive $0xFFFF  }
0x121: {  	p0 =	sne.s32 s0, $0x0;
	s0 =	rddreg [dreg:$0x2]  }
0x122: {  	s0 =	sadd.s32 @!p0 $0x100000, s0  }
0x123: {  	[sflag:s0] =	ssyncadd.tile.s32 @!p0 $0x1;
	_ =	shalt  }
.Lfunc_end2:
_tile_overlayer_lowered:
.L_overlay_start_2:
0x124: {  	(tag) =	ssettag $0x2  }
0x125: {  	s0 =	rddreg [dreg:$0x0];
	s2 =	stileid.u32  }
0x126: {  	s1 =	rddreg [dreg:$0x1];
	p0 =	sne.s32 s2, $0x0  }
0x127: {  	s3 =	rddreg [dreg:$0x2];
	[bflag:$0x3] =	sbarrier.arrive $0xFFFF;
	s2 =	simm.s32 @!p0 $0x1C0B  }
0x128: {  	[timem:s3], [sflag:s2] =	dma.local @!p0 [hbm:s0], s1  }
0x129: {  	s0 =	simm.s32 @!p0 $0xB  }
0x12a: {  	_ =	swait.ge @!p0 [sflag:s0], s1  }
0x12b: {  	s1 =	ssub.s32 @!p0 $0x0, s1;
	[sflag:s0] =	ssyncset.done @!p0 $0x0  }
0x12c: {  	[sflag:s0] =	ssyncadd.s32 @!p0 s1  }
0x12d: {  	[bflag:$0x3] =	sbarrier.arrive $0xFFFF  }
0x12e: {  	_ =	shalt  }

// kernel: kernel.8.cloned.1.call-start
scs
__scs_entry_jumppad:
0x0: {  	(pc) =	sbr.rel $0x88, $3  }
0x1: {  	(tag) =	ssettag $0x0;
	lr =	simm.s32 $0x1  }
0x2: {  	[smem:$0x3F99] =	sst lr;
	_ =	strace $0xD0000000  }
0x3: {  	_ = 	snop  }
0x4: {  	_ = 	snop  }
0x5: {  	_ = 	snop  }
0x6: {  	_ = 	snop  }
0x7: {  	_ = 	snop  }
__scs_overlays_trampoline_lowered:
0x8: {  	[smem:$0x3FA8] =	sst s0  }
0x9: {  	[smem:$0x3FA9] =	sst s1  }
0xa: {  	[smem:$0x3FAA] =	sst s2  }
0xb: {  	[smem:$0x3FAB] =	sst s3  }
0xc: {  	[smem:$0x3FAC] =	sst s4  }
0xd: {  	[smem:$0x3FAD] =	sst s5  }
0xe: {  	[smem:$0x3FAE] =	sst s6  }
0xf: {  	[smem:$0x3FAF] =	sst s7  }
0x10: {  	[smem:$0x3FB0] =	sst s8  }
0x11: {  	[smem:$0x3FB1] =	sst s9;
	s0 =	simm.s32 @!p0 $0x0  }
0x12: {  	s1 =	sld [smem:$0x3F97];
	s0 =	simm.s32 @p0 $0x1  }
0x13: {  	[smem:$0x3FB2] =	sst s0;
	s0 =	simm.s32 @!p1 $0x0  }
0x14: {  	s2 =	sld [smem:$0x3F96];
	s0 =	simm.s32 @p1 $0x1  }
0x15: {  	[smem:$0x3FB3] =	sst s0;
	s0 =	simm.s32 @!p2 $0x0  }
0x16: {  	s3 =	sld [smem:$0x3FDB];
	s0 =	simm.s32 @p2 $0x1  }
0x17: {  	s4 =	simm.s32 $0x1BF5;
	[smem:$0x3FB5] =	sst s0  }
0x18: {  	s0 =	sld [smem:$0x3F98];
	_ =	swait.ge [sflag:s4], $0x0  }
0x19: {  	s7 =	sld [smem:$0x3F99]  }
0x1a: {  	s8 =	sadd.s32 $0xFFFFE003, lr  }
0x1b: {  	s9 =	sadd.s32 $0xFFFFFEF7, lr;
	s5 =	simm.s32 $0xFFFFFFFF;
	p2 =	slt.u32 s8, $0xFFFFF086  }
0x1c: {  	p1 =	slt.u32 s9, $0xF7A;
	s5 =	simm.s32 @!p2 $0x0  }
0x1d: {  	s5 =	simm.s32 @p1 $0x1;
	p0 =	seq.s32 s7, s2  }
0x1e: {  	s7 =	smul.u32 @!p0 $0xF7A, s2;
	p2 =	seq.s32 @!p0 s5, $0x0  }
0x1f: {  	s9 =	smul.u32 $0xF7A, s1;
	s8 =	simm.s32 @!p0 $0x1BF5;
	p2 =	por !p2, p0  }
0x20: {  	[sflag:s8] =	ssyncset.s32 @!p0 $0xFFFFF086;
	s6 =	sadd.s32 @!p0 s3, s7;
	s7 =	simm.s32 @!p0 $0x108  }
0x21: {  	s3 =	sadd.s32 s3, s9;
	s6 =	sadd.s32 @!p0 $0x88, s6;
	s7 =	simm.s32 @p2 $0x1082  }
0x22: {  	[simem:s7], [sflag:s8] =	dma.local @!p0 [hbm:s6], $0xF7A  }
0x23: {  	s9 =	sor.u32 $0xD0000000, s2;
	s6 =	simm.s32 $0x108;
	_ =	swait.ge @!p0 [sflag:s8], $0x0  }
0x24: {  	s3 =	sadd.s32 $0x88, s3;
	s6 =	simm.s32 @!p1 $0x1082;
	[sflag:s4] =	ssyncset.s32 $0xFFFFF086  }
0x25: {  	[simem:s6], [sflag:s4] =	dma.local [hbm:s3], $0xF7A  }
0x26: {  	[smem:$0x3F99] =	sst s1;
	(tag) =	ssettag s2;
	_ =	strace s9  }
0x27: {  	s1 =	sld [smem:$0x3FA9]  }
0x28: {  	s2 =	sld [smem:$0x3FAA]  }
0x29: {  	s4 =	sld [smem:$0x3FAC]  }
0x2a: {  	p0 =	seq.s32 s5, $0x0;
	s5 =	sld [smem:$0x3FAD]  }
0x2b: {  	s6 =	sld [smem:$0x3FAE]  }
0x2c: {  	s7 =	sld [smem:$0x3FAF]  }
0x2d: {  	s3 =	simm.s32 $0x108;
	s8 =	sld [smem:$0x3FB0]  }
0x2e: {  	s3 =	simm.s32 @!p0 $0x1082;
	s9 =	sld [smem:$0x3FB1]  }
0x2f: {  	lr =	sadd.s32 s0, s3;
	s0 =	sld [smem:$0x3FA8]  }
0x30: {  	s3 =	sld [smem:$0x3FAB]  }
0x31: {  	[smem:$0x3FB4] =	sst s10  }
0x32: {  	s10 =	sld [smem:$0x3FB2];
	_ =	sdelay $0x3  }
0x33: {  	p0 =	seq.s32 s10, $0x1;
	s10 =	sld [smem:$0x3FB4];
	_ =	sdelay $0x3  }
0x34: {  	[smem:$0x3FB4] =	sst s10  }
0x35: {  	s10 =	sld [smem:$0x3FB3];
	_ =	sdelay $0x3  }
0x36: {  	p1 =	seq.s32 s10, $0x1;
	s10 =	sld [smem:$0x3FB4];
	_ =	sdelay $0x3  }
0x37: {  	[smem:$0x3FB4] =	sst s10  }
0x38: {  	s10 =	sld [smem:$0x3FB5]  }
0x39: {  	_ = 	snop;
	(pc) =	sbr.ind lr, $3  }
0x3a: {  	_ = 	snop  }
0x3b: {  	_ = 	snop  }
0x3c: {  	p2 =	seq.s32 s10, $0x1;
	s10 =	sld [smem:$0x3FB4]  }
0x3d: {  	_ =	shalt  }
0x3e: {  	_ =	shalt  }
0x3f: {  	_ =	shalt  }
0x40: {  	_ =	shalt  }
0x41: {  	_ =	shalt  }
0x42: {  	_ =	shalt  }
0x43: {  	_ =	shalt  }
0x44: {  	_ =	shalt  }
0x45: {  	_ =	shalt  }
0x46: {  	_ =	shalt  }
0x47: {  	_ =	shalt  }
0x48: {  	_ =	shalt  }
0x49: {  	_ =	shalt  }
0x4a: {  	_ =	shalt  }
0x4b: {  	_ =	shalt  }
0x4c: {  	_ =	shalt  }
0x4d: {  	_ =	shalt  }
0x4e: {  	_ =	shalt  }
0x4f: {  	_ =	shalt  }
0x50: {  	_ =	shalt  }
0x51: {  	_ =	shalt  }
0x52: {  	_ =	shalt  }
0x53: {  	_ =	shalt  }
0x54: {  	_ =	shalt  }
0x55: {  	_ =	shalt  }
0x56: {  	_ =	shalt  }
0x57: {  	_ =	shalt  }
0x58: {  	_ =	shalt  }
0x59: {  	_ =	shalt  }
0x5a: {  	_ =	shalt  }
0x5b: {  	_ =	shalt  }
0x5c: {  	_ =	shalt  }
0x5d: {  	_ =	shalt  }
0x5e: {  	_ =	shalt  }
0x5f: {  	_ =	shalt  }
0x60: {  	_ =	shalt  }
0x61: {  	_ =	shalt  }
0x62: {  	_ =	shalt  }
0x63: {  	_ =	shalt  }
0x64: {  	_ =	shalt  }
0x65: {  	_ =	shalt  }
0x66: {  	_ =	shalt  }
0x67: {  	_ =	shalt  }
0x68: {  	_ =	shalt  }
0x69: {  	_ =	shalt  }
0x6a: {  	_ =	shalt  }
0x6b: {  	_ =	shalt  }
0x6c: {  	_ =	shalt  }
0x6d: {  	_ =	shalt  }
0x6e: {  	_ =	shalt  }
0x6f: {  	_ =	shalt  }
0x70: {  	_ =	shalt  }
0x71: {  	_ =	shalt  }
0x72: {  	_ =	shalt  }
0x73: {  	_ =	shalt  }
0x74: {  	_ =	shalt  }
0x75: {  	_ =	shalt  }
0x76: {  	_ =	shalt  }
0x77: {  	_ =	shalt  }
0x78: {  	_ =	shalt  }
0x79: {  	_ =	shalt  }
0x7a: {  	_ =	shalt  }
0x7b: {  	_ =	shalt  }
0x7c: {  	_ =	shalt  }
0x7d: {  	_ =	shalt  }
0x7e: {  	_ =	shalt  }
0x7f: {  	_ =	shalt  }
0x80: {  	_ =	shalt  }
0x81: {  	_ =	shalt  }
0x82: {  	_ =	shalt  }
0x83: {  	_ =	shalt  }
0x84: {  	_ =	shalt  }
0x85: {  	_ =	shalt  }
0x86: {  	_ =	shalt  }
0x87: {  	_ =	shalt  }
.Lfunc_end0:
.L_simem_size_0:
called_computation_lowered:
.L_overlay_start_0:
0x88: {  	s2 =	sld [smem:$0x3FD9]  }
0x89: {  	s3 =	sld [smem:$0x3FFE];
	_ =	sdelay $0x1  }
0x8a: {  	s1 =	srdreg.scid  }
0x8b: {  	s0 =	sand.u32 $0x1, s1  }
0x8c: {  	s17 =	sshll.u32 s0, $0xA;
	s2 =	sadd.s32 s3, s2  }
0x8d: {  	s2 =	sadd.s32 s2, s17  }
0x8e: {  	[smem:$0x3FC0] =	sst s2  }
0x8f: {  	_ = 	snop  }
0x90: {  	s2 =	sld [smem:$0x3FD0];
	(tm) =	ssettm $0x1  }
0x91: {  	s18 =	sld [smem:$0x3FFB];
	_ =	sdelay $0x3  }
0x92: {  	_ =	strace s18  }
0x93: {  	s3 =	sld [smem:$0x3FFC];
	_ =	sdelay $0x3  }
0x94: {  	_ =	strace s3  }
0x95: {  	s3 =	sld [smem:$0x3FFD];
	_ =	sdelay $0x3  }
0x96: {  	_ =	strace s3  }
0x97: {  	_ =	strace $0x8FFFFFFF  }
0x98: {  	s19 =	sld [smem:$0x3FDB];
	_ =	sdelay $0x1  }
0x99: {  	s4 =	simm.s32 $_scs_section_size  }
0x9a: {  	s5 =	simm.s32 $_size__tile_overlayer_lowered;
	s6 =	simm.s32 $_tile_overlayer_lowered  }
0x9b: {  	s22 =	simm.s32 $0x1BFF;
	s21 =	sshll.u32 s6, $0x1;
	s3 =	sadd.s32 s4, s19  }
0x9c: {  	s7 =	simm.s32 $0x0;
	s20 =	sshll.u32 s5, $0x1;
	s5 =	sadd.s32 s21, s3  }
0x9d: {  	[timem:s7], [sflag:s22] =	dma.local [hbm:s5], s20  }
0x9e: {  	_ =	swait.ge [sflag:s22], s20  }
0x9f: {  	s4 =	ssub.s32 $0x0, s20;
	[sflag:s22] =	ssyncset.done $0x0  }
0xa0: {  	[sflag:s22] =	ssyncadd.s32 s4;
	_ =	sdelay $0x1  }
0xa1: {  	s23 =	simm.s32 $0x1B8B  }
0xa2: {  	_ =	swait.ge [sflag:s23], $0x1  }
0xa3: {  	[sflag:s23] =	ssyncset.done $0x0  }
0xa4: {  	s25 =	simm.s32 $0x1B8E;
	s24 =	sld [smem:$0x3FFE];
	[sflag:s23] =	ssyncadd.s32 $0xFFFFFFFF  }
0xa5: {  	s26 =	simm.s32 $execute0_lowered;
	[smem:$0x3FD2] =	sst s25  }
0xa6: {  	s5 =	sshll.u32 s26, $0x1;
	_ =	strace $0x80000046;
	[dreg:$0x1] =	wrdreg $0xFFFFFFFF  }
0xa7: {  	s28 =	simm.s32 $_size_execute0_lowered;
	s3 =	sadd.s32 s3, s5;
	[dreg:$0x0] =	wrdreg $0x0  }
0xa8: {  	s5 =	sshll.u32 s28, $0x1;
	[dreg:$0x2] =	wrdreg s3  }
0xa9: {  	[dreg:$0x3] =	wrdreg s5  }
0xaa: {  	[dreg:$0x4] =	wrdreg $0xC0  }
0xab: {  	_ =	task [dreg:s7], $0x5FFFF  }
0xac: {  	[dreg:$0x1] =	wrdreg $0xFFFFFFFF  }
0xad: {  	[dreg:$0x0] =	wrdreg $0x60  }
0xae: {  	[dreg:$0x2] =	wrdreg s24  }
0xaf: {  	[dreg:$0x3] =	wrdreg s2  }
0xb0: {  	[dreg:$0x4] =	wrdreg $0x0  }
0xb1: {  	[dreg:$0x5] =	wrdreg $0x9  }
0xb2: {  	_ =	task.clear_ibuf [dreg:s7], $0x6FFFF;
	_ =	strace $0x90000046  }
0xb3: {  	s29 =	simm.s32 $0x9;
	_ =	strace $0x80000048  }
0xb4: {  	_ =	swait.ge [sflag:s29], $0x1  }
0xb5: {  	[sflag:s29] =	ssyncadd.s32 $0xFFFFFFFF  }
0xb6: {  	_ =	strace $0x90000048  }
0xb7: {  	_ =	sfence  }
0xb8: {  	s30 =	sld [smem:$0x0];
	_ =	sdelay $0x2  }
0xb9: {  	s31 =	sshll.u32 s1, $0xD;
	s1 =	sshrl.u32 s1, $0x2  }
0xba: {  	s3 =	sand.u32 $0x4000, s31;
	s1 =	sadd.s32 s1, s30  }
0xbb: {  	s0 =	sor.u32 s3, s0;
	s1 =	sshll.u32 s1, $0x11  }
0xbc: {  	s0 =	sor.u32 s1, s0  }
0xbd: {  	s0 =	sadd.s32 $0x8F2B, s0  }
0xbe: {  	[sflag:s0] =	ssyncadd.remote.s32 $0x1  }
0xbf: {  	_ =	sfence.sel $0xFFFF  }
0xc0: {  	[dreg:$0x0] =	wrdreg $0xFFFFFFFF;
	(pc) =	sbr.abs _section_cstart, $3  }
0xc1: {  	[dreg:$0x1] =	wrdreg $0xFFFFFFFF  }
0xc2: {  	_ =	task.clear_ibuf [dreg:s7], $0x2FFFF;
	_ =	strace $0x9FFFFFFF  }
0xc3: {  	(tm) =	ssettm $0x7FFFFFFF  }
tec
execute0_lowered:
.L_overlay_start_1:
0x0: {  	(tag) =	ssettag $0x1  }
0x1: {  	s5 =	rddreg [dreg:$0x0]  }
0x2: {  	s6 =	rddreg [dreg:$0x1]  }
0x3: {  	s0 =	srdreg.scid;
	s2 =	rddreg [dreg:$0x2]  }
0x4: {  	s17 =	simm.s32 $0x5710;
	s18 =	simm.s32 $0x2;
	s19 =	simm.s32 $0x80  }
0x5: {  	s20 =	simm.s32 $0x4F10;
	s4 =	sand.u32 $0x1, s0;
	s0 =	stileid.u32  }
0x6: {  	s21 =	simm.s32 $0x10;
	s22 =	simm.s32 $0x4F00;
	s7 =	smul.u32 $0xA000, s0  }
0x7: {  	s1 =	sshll.u32 s4, $0x4;
	s9 =	ssub.s32 $0x2, s4;
	s4 =	smul.u32 $0x28000, s4  }
0x8: {  	s23 =	simm.s32 $0x1;
	s11 =	smul.u32 $0x2800, s0;
	s3 =	sor.u32 s0, s1  }
0x9: {  	s1 =	rddreg [dreg:$0x3];
	s10 =	sshrl.u32 s9, $0x1;
	s8 =	smul.u32 $0x2710, s3  }
0xa: {  	s3 =	simm.s32 $0x0;
	s9 =	ssub.s32 s9, s10;
	s7 =	sshrl.u32 s7, $0x2  }
0xb: {  	s30 =	sadd.s32 s11, s4;
	s24 =	sadd.s32 s11, s2;
	[smem:$0x7FF] =	sst s3  }
0xc: {  	s4 =	sadd.s32 s7, s2;
	s31 =	sshrl.u32 s30, $0x3;
	s7 =	smax.u32 s9, $0x1  }
0xd: {  	s24 =	sshrl.u32 s24, $0x3;
	_ =	strace $0x80000047;
	s8 =	sshrl.u32 s8, $0x3  }
0xe: {  	s6 =	sadd.s32 s6, s31;
	s9 =	sadd.s32 $0x800, s4;
	s10 =	sadd.s32 $0xC00, s4  }
0xf: {  	s11 =	sadd.s32 $0x1000, s4;
	s12 =	sadd.s32 $0x1400, s4;
	s13 =	sadd.s32 $0x1800, s4  }
0x10: {  	s14 =	sadd.s32 $0x1C00, s4;
	s15 =	sadd.s32 $0x2000, s4;
	s5 =	sadd.s32 s5, s8  }
0x11: {  	v0 =	vimm.f32 $1.000000000e+00;
	v1 =	vimm.f32 $0.0e+00;
	s16 =	sadd.s32 $0x2400, s4;
	s8 =	sadd.s32 $0x400, s4;
	s5 =	sadd.s32 $0xC440, s5  }
.LBB2_1:
0x12: {  	s25 =	simm.s32 $0x0  }
.LBB2_2:
0x13: {  	p0 =	sne.s32 s25, $0x1FC0  }
.Ltmp0:
0x14: {  	_ = 	snop;
	(pc) =	sbr.rel @p0 .LBB2_2-.Ltmp0, $3  }
0x15: {  	_ =	sdelay $0x1  }
0x16: {  	s26 =	sshra.s32 s25, $0x2  }
0x17: {  	s25 =	sadd.s32 $0x40, s25;
	[tilespmem:s26+$0x4F10] =	vst v0  }
0x18: {  	s25 =	simm.s32 $0x40;
	s26 =	simm.s32 $0x0  }
.LBB2_4:
0x19: {  	p0 =	sne.s32 s25, $0xFC0;
	[tilespmem:s26+$0x5710] =	vst v1;
	s26 =	smov.u32 s25;
	s25 =	sadd.s32 $0x40, s25  }
.Ltmp1:
0x1a: {  	(pc) =	sbr.rel @p0 .LBB2_4-.Ltmp1, $2  }
0x1b: {  	_ =	sdelay $0x2  }
0x1c: {  	s26 =	sshra.s32 s26, $0x2  }
0x1d: {  	[tilespmem:s26+$0x5710] =	vst v1  }
0x1e: {  	[spmem:s4] =	stream.linear.scatter [tilespmem:s17], [sflag:$0x2], $0x400, $0x38;
	[tilespmem:$0x5B10] =	vst v63  }
0x1f: {  	_ =	swait.ge [sflag:s18], $0x400  }
0x20: {  	[sflag:s18] =	ssyncset.done $0x0  }
0x21: {  	[sflag:s18] =	ssyncadd.s32 $0xFFFFFC00  }
0x22: {  	[spmem:s8] =	stream.linear.scatter [tilespmem:s17], [sflag:$0x2], $0x400, $0x38;
	[tilespmem:$0x5B10] =	vst v63  }
0x23: {  	_ =	swait.ge [sflag:s18], $0x400  }
0x24: {  	[sflag:s18] =	ssyncset.done $0x0  }
0x25: {  	[sflag:s18] =	ssyncadd.s32 $0xFFFFFC00  }
0x26: {  	[spmem:s9] =	stream.linear.scatter [tilespmem:s17], [sflag:$0x2], $0x400, $0x38;
	[tilespmem:$0x5B10] =	vst v63  }
0x27: {  	_ =	swait.ge [sflag:s18], $0x400  }
0x28: {  	[sflag:s18] =	ssyncset.done $0x0  }
0x29: {  	[sflag:s18] =	ssyncadd.s32 $0xFFFFFC00  }
0x2a: {  	[spmem:s10] =	stream.linear.scatter [tilespmem:s17], [sflag:$0x2], $0x400, $0x38;
	[tilespmem:$0x5B10] =	vst v63  }
0x2b: {  	_ =	swait.ge [sflag:s18], $0x400  }
0x2c: {  	[sflag:s18] =	ssyncset.done $0x0  }
0x2d: {  	[sflag:s18] =	ssyncadd.s32 $0xFFFFFC00  }
0x2e: {  	[spmem:s11] =	stream.linear.scatter [tilespmem:s17], [sflag:$0x2], $0x400, $0x38;
	[tilespmem:$0x5B10] =	vst v63  }
0x2f: {  	_ =	swait.ge [sflag:s18], $0x400  }
0x30: {  	[sflag:s18] =	ssyncset.done $0x0  }
0x31: {  	[sflag:s18] =	ssyncadd.s32 $0xFFFFFC00  }
0x32: {  	[spmem:s12] =	stream.linear.scatter [tilespmem:s17], [sflag:$0x2], $0x400, $0x38;
	[tilespmem:$0x5B10] =	vst v63  }
0x33: {  	_ =	swait.ge [sflag:s18], $0x400  }
0x34: {  	[sflag:s18] =	ssyncset.done $0x0  }
0x35: {  	[sflag:s18] =	ssyncadd.s32 $0xFFFFFC00  }
0x36: {  	[spmem:s13] =	stream.linear.scatter [tilespmem:s17], [sflag:$0x2], $0x400, $0x38;
	[tilespmem:$0x5B10] =	vst v63  }
0x37: {  	_ =	swait.ge [sflag:s18], $0x400  }
0x38: {  	[sflag:s18] =	ssyncset.done $0x0  }
0x39: {  	[sflag:s18] =	ssyncadd.s32 $0xFFFFFC00  }
0x3a: {  	[spmem:s14] =	stream.linear.scatter [tilespmem:s17], [sflag:$0x2], $0x400, $0x38;
	[tilespmem:$0x5B10] =	vst v63  }
0x3b: {  	_ =	swait.ge [sflag:s18], $0x400  }
0x3c: {  	[sflag:s18] =	ssyncset.done $0x0  }
0x3d: {  	[sflag:s18] =	ssyncadd.s32 $0xFFFFFC00  }
0x3e: {  	[spmem:s15] =	stream.linear.scatter [tilespmem:s17], [sflag:$0x2], $0x400, $0x38;
	[tilespmem:$0x5B10] =	vst v63  }
0x3f: {  	_ =	swait.ge [sflag:s18], $0x400  }
0x40: {  	[sflag:s18] =	ssyncset.done $0x0  }
0x41: {  	[sflag:s18] =	ssyncadd.s32 $0xFFFFFC00  }
0x42: {  	[spmem:s16] =	stream.linear.scatter [tilespmem:s17], [sflag:$0x2], $0x400, $0x38;
	[tilespmem:$0x5B10] =	vst v63  }
0x43: {  	_ =	swait.ge [sflag:s18], $0x400  }
0x44: {  	[sflag:s18] =	ssyncset.done $0x0  }
0x45: {  	s31 =	simm.s32 $0x0;
	s25 =	simm.s32 $0x2800;
	[sflag:s18] =	ssyncadd.s32 $0xFFFFFC00  }
0x46: {  	[tilespmem:s25], [sflag:$0x2] =	stream.linear.gather [hbm4b:s5+s31], $0x2710, $0x38;
	[tilespmem:$0x5B10] =	vst v63  }
0x47: {  	_ =	swait.ge [sflag:s18], $0x2710  }
0x48: {  	[sflag:s18] =	ssyncset.done $0x0  }
0x49: {  	p0 =	por $0x1, $0x1;
	[sflag:s18] =	ssyncadd.s32 $0xFFFFD8F0  }
0x4a: {  	s28 =	simm.s32 @!p0 $0x1;
	[bflag:$0x0] =	sbarrier.arrive $0xFFFF  }
0x4b: {  	[spmem:s2] =	stream.indirect.scatter.add.f32 [tilespmem:s20], [sflag:$0x1], $0x10, s25, s19, $0xb8;
	[tilespmem:$0x5B10] =	vst v63  }
0x4c: {  	_ =	swait.ge @!p0 [sflag:s28], $0x800  }
0x4d: {  	s26 =	simm.s32 $0x1;
	[sflag:s28] =	ssyncset.done @!p0 $0x0  }
.LBB2_6:
0x4e: {  	[sflag:s28] =	ssyncadd.s32 @!p0 $0xFFFFF800  }
0x4f: {  	s25 =	sadd.s32 $0x80, s25;
	s28 =	smov.u32 s26;
	s26 =	sadd.s32 $0x1, s26  }
0x50: {  	p1 =	sne.s32 s26, $0x4E  }
0x51: {  	[spmem:s2] =	stream.indirect.scatter.add.f32 [tilespmem:s20], [sflag:$0x1], $0x10, s25, s19, $0xb8;
	[tilespmem:$0x5B10] =	vst v63  }
.Ltmp2:
0x52: {  	_ = 	snop;
	(pc) =	sbr.rel @p1 .LBB2_6-.Ltmp2, $4  }
0x53: {  	p0 =	slt.u32 s28, $0x8  }
0x54: {  	s28 =	simm.s32 @!p0 $0x1  }
0x55: {  	_ =	swait.ge @!p0 [sflag:s28], $0x800  }
0x56: {  	[sflag:s28] =	ssyncset.done @!p0 $0x0  }
0x57: {  	[sflag:s28] =	ssyncadd.s32 @!p0 $0xFFFFF800  }
0x58: {  	[spmem:s2] =	stream.indirect.scatter.add.f32 [tilespmem:s20], [sflag:$0x1], $0x10, s22, s21, $0xb8;
	[tilespmem:$0x5B10] =	vst v63  }
0x59: {  	_ =	swait.ge [sflag:s23], $0x100  }
0x5a: {  	[sflag:s23] =	ssyncset.done $0x0  }
0x5b: {  	[sflag:s23] =	ssyncadd.s32 $0xFFFFFF00  }
0x5c: {  	_ =	swait.ge [sflag:s23], $0x800  }
0x5d: {  	[sflag:s23] =	ssyncset.done $0x0  }
0x5e: {  	[sflag:s23] =	ssyncadd.s32 $0xFFFFF800  }
0x5f: {  	_ =	swait.ge [sflag:s23], $0x800  }
0x60: {  	[sflag:s23] =	ssyncset.done $0x0  }
0x61: {  	[sflag:s23] =	ssyncadd.s32 $0xFFFFF800  }
0x62: {  	_ =	swait.ge [sflag:s23], $0x800  }
0x63: {  	[sflag:s23] =	ssyncset.done $0x0  }
0x64: {  	[sflag:s23] =	ssyncadd.s32 $0xFFFFF800  }
0x65: {  	_ =	swait.ge [sflag:s23], $0x800  }
0x66: {  	[sflag:s23] =	ssyncset.done $0x0  }
0x67: {  	[sflag:s23] =	ssyncadd.s32 $0xFFFFF800  }
0x68: {  	_ =	swait.ge [sflag:s23], $0x800  }
0x69: {  	[sflag:s23] =	ssyncset.done $0x0  }
0x6a: {  	[sflag:s23] =	ssyncadd.s32 $0xFFFFF800  }
0x6b: {  	_ =	swait.ge [sflag:s23], $0x800  }
0x6c: {  	[sflag:s23] =	ssyncset.done $0x0  }
0x6d: {  	[sflag:s23] =	ssyncadd.s32 $0xFFFFF800  }
0x6e: {  	_ =	swait.ge [sflag:s23], $0x800  }
0x6f: {  	[sflag:s23] =	ssyncset.done $0x0  }
0x70: {  	[sflag:s23] =	ssyncadd.s32 $0xFFFFF800  }
0x71: {  	_ =	swait.ge [sflag:s23], $0x800  }
0x72: {  	s3 =	sadd.s32 $0x1, s3;
	[sflag:s23] =	ssyncset.done $0x0  }
0x73: {  	s25 =	sshll.u32 s0, $0x6;
	p0 =	sne.s32 s3, s7;
	[sflag:s23] =	ssyncadd.s32 $0xFFFFF800  }
.Ltmp3:
0x74: {  	s25 =	sor.u32 $0x1C02, s25;
	[bflag:$0x0] =	sbarrier.arrive $0xFFFF;
	(pc) =	sbr.rel @p0 .LBB2_1-.Ltmp3, $4  }
0x75: {  	[hbm:s6], [sflag:s25] =	dma.local [spmem:s24], $0x500  }
0x76: {  	_ =	swait.ge [sflag:s18], $0x500  }
0x77: {  	[sflag:s18] =	ssyncset.done $0x0  }
0x78: {  	[sflag:s18] =	ssyncadd.s32 $0xFFFFFB00  }
0x79: {  	_ =	sfence.sel $0x180000  }
0x7a: {  	[bflag:$0x0] =	sbarrier.arrive $0xFFFF  }
0x7b: {  	p0 =	sne.s32 s0, $0x0;
	_ =	strace $0x90000047  }
0x7c: {  	s0 =	sadd.s32 @!p0 $0x100000, s1;
	[bflag:$0x2] =	sbarrier.arrive $0xFFFF  }
0x7d: {  	[sflag:s0] =	ssyncadd.tile.s32 @!p0 $0x1;
	_ =	shalt  }
.Lfunc_end2:
_tile_overlayer_lowered:
.L_overlay_start_2:
0x7e: {  	(tag) =	ssettag $0x2  }
0x7f: {  	s0 =	rddreg [dreg:$0x0];
	s2 =	stileid.u32  }
0x80: {  	s1 =	rddreg [dreg:$0x1];
	p0 =	sne.s32 s2, $0x0  }
0x81: {  	s3 =	rddreg [dreg:$0x2];
	[bflag:$0x3] =	sbarrier.arrive $0xFFFF;
	s2 =	simm.s32 @!p0 $0x1C02  }
0x82: {  	[timem:s3], [sflag:s2] =	dma.local @!p0 [hbm:s0], s1  }
0x83: {  	s0 =	simm.s32 @!p0 $0x2  }
0x84: {  	_ =	swait.ge @!p0 [sflag:s0], s1  }
0x85: {  	s1 =	ssub.s32 @!p0 $0x0, s1;
	[sflag:s0] =	ssyncset.done @!p0 $0x0  }
0x86: {  	[sflag:s0] =	ssyncadd.s32 @!p0 s1  }
0x87: {  	[bflag:$0x3] =	sbarrier.arrive $0xFFFF  }
0x88: {  	_ =	shalt  }

</sc_bundles>
